<compile_context>
chip_gen: v7x
topology: tpu7x:2x2x1
jax: 0.10.2.dev20260603
libtpu: 0.0.44.dev20260713+nightly
codegen_flags: <defaults>
</compile_context>

<pallas_src>
import functools

import jax
import jax.numpy as jnp
from jax import lax
from jax.experimental import pallas as pl
from jax.experimental.pallas import tpu as pltpu
from jax.experimental.pallas import tpu_sc as plsc

MEMORY_DIM = 32
TIME_DIM = 16
EDGE_FEAT_DIM = 16
HIDDEN = 128

_NC = 2
_NS = 16
_NW = _NC * _NS
_CHUNK = 128
_LANES = 16
_QSH = 18
_VP = 1 << _QSH
_RB = 8192


def _tc_relayout(memT):
    grid = (_VP // _RB,)
    last_blk = (memT.shape[1] + _RB - 1) // _RB - 1

    def body(q0, q1, q2, q3, outb):
        qcat = jnp.concatenate([q0[:], q1[:], q2[:], q3[:]], axis=0)
        eye = jnp.eye(128, dtype=jnp.float32)
        outb[:] = lax.dot_general(
            qcat, eye, (((0,), (0,)), ((), ())),
            preferred_element_type=jnp.float32)

    qspec = lambda k: pl.BlockSpec(
        (MEMORY_DIM, _RB),
        lambda i, k=k: (0, jnp.minimum(k * (_VP // _RB) + i, last_blk)))
    return pl.pallas_call(
        body,
        grid=grid,
        in_specs=[qspec(0), qspec(1), qspec(2), qspec(3)],
        out_specs=pl.BlockSpec((_RB, 128), lambda i: (i, 0)),
        out_shape=jax.ShapeDtypeStruct((_VP, 128), jnp.float32),
    )(memT, memT, memT, memT)


def _sc_gather_extract(mem128, src, dst, t, last_update):
    B = src.shape[0]
    b_per_w = B // _NW
    hb_rows = b_per_w // 2
    mesh = plsc.VectorSubcoreMesh(core_axis_name="c", subcore_axis_name="s")

    @functools.partial(
        pl.kernel,
        mesh=mesh,
        compiler_params=pltpu.CompilerParams(needs_layout_passes=False),
        out_type=jax.ShapeDtypeStruct((B, 128), jnp.float32),
        scratch_types=[
            pltpu.VMEM((b_per_w,), jnp.int32),
            pltpu.VMEM((b_per_w,), jnp.int32),
            pltpu.VMEM((b_per_w,), jnp.int32),
            pltpu.VMEM((b_per_w,), jnp.int32),
            pltpu.VMEM((b_per_w,), jnp.int32),
            pltpu.VMEM((b_per_w,), jnp.int32),
            pltpu.VMEM((hb_rows, 128), jnp.float32),
            pltpu.VMEM((hb_rows, 128), jnp.float32),
            pltpu.VMEM((hb_rows, 128), jnp.float32),
            pltpu.VMEM((b_per_w,), jnp.float32),
            pltpu.VMEM((b_per_w,), jnp.float32),
            pltpu.VMEM((b_per_w,), jnp.float32),
            pltpu.SemaphoreType.DMA,
        ],
    )
    def k(mem_hbm, src_hbm, dst_hbm, t_hbm, lu_hbm, feat,
          sidx, didx, sp, dp, scb, dcb, srows, drows, fbuf, slu, tv, dtv, sem):
        wid = lax.axis_index("s") * _NC + lax.axis_index("c")
        base = wid * b_per_w
        pltpu.sync_copy(src_hbm.at[pl.ds(base, b_per_w)], sidx)
        pltpu.sync_copy(dst_hbm.at[pl.ds(base, b_per_w)], didx)
        pltpu.sync_copy(t_hbm.at[pl.ds(base, b_per_w)], tv)
        for i in range(b_per_w // _LANES):
            s = pl.ds(i * _LANES, _LANES)
            r = sidx[s]
            sp[s] = jnp.bitwise_and(r, _VP - 1)
            scb[s] = lax.shift_right_logical(r, _QSH) * 32
            r2 = didx[s]
            dp[s] = jnp.bitwise_and(r2, _VP - 1)
            dcb[s] = lax.shift_right_logical(r2, _QSH) * 32
        lus = [pltpu.async_copy(lu_hbm.at[sidx.at[pl.ds(j * _CHUNK, _CHUNK)]],
                                slu.at[pl.ds(j * _CHUNK, _CHUNK)], sem)
               for j in range(b_per_w // _CHUNK)]
        for c in lus:
            c.wait()
        for i in range(b_per_w // _LANES):
            s = pl.ds(i * _LANES, _LANES)
            dtv[s] = tv[s] - slu[s]

        lane = lax.iota(jnp.int32, _LANES)
        for h in range(2):
            hb = h * hb_rows
            cs = []
            for j in range(hb_rows // _CHUNK):
                sl = pl.ds(hb + j * _CHUNK, _CHUNK)
                dsl = pl.ds(j * _CHUNK, _CHUNK)
                cs.append(pltpu.async_copy(mem_hbm.at[sp.at[sl]], srows.at[dsl], sem))
                cs.append(pltpu.async_copy(mem_hbm.at[dp.at[sl]], drows.at[dsl], sem))
            for c in cs:
                c.wait()

            def ebody(g, carry):
                rows = lane + g * _LANES
                scv = plsc.load_gather(scb, [rows + hb])
                dcv = plsc.load_gather(dcb, [rows + hb])
                dtl = plsc.load_gather(dtv, [rows + hb])
                for j in range(MEMORY_DIM):
                    v = plsc.load_gather(srows, [rows, scv + j])
                    plsc.store_scatter(fbuf, [rows, jnp.full((_LANES,), j, jnp.int32)], v)
                    v2 = plsc.load_gather(drows, [rows, dcv + j])
                    plsc.store_scatter(
                        fbuf, [rows, jnp.full((_LANES,), MEMORY_DIM + j, jnp.int32)], v2)
                plsc.store_scatter(
                    fbuf, [rows, jnp.full((_LANES,), 2 * MEMORY_DIM, jnp.int32)], dtl)
                return carry

            lax.fori_loop(0, hb_rows // _LANES, ebody, 0)
            pltpu.sync_copy(fbuf, feat.at[pl.ds(base + hb, hb_rows)])

    return k(mem128, src, dst, t, last_update)


def _mlp_body(fb, eat, wt, bt, w1a, w1b, w1c, w1d, b1r, w2t, b2r, outT):
    sm = fb[:, 0:MEMORY_DIM]
    dm = fb[:, MEMORY_DIM:2 * MEMORY_DIM]
    dtc = fb[:, 2 * MEMORY_DIM:2 * MEMORY_DIM + 1]
    enc = jnp.cos(dtc * wt[:] + bt[:])
    h = jnp.dot(sm, w1a[:], preferred_element_type=jnp.float32)
    h += jnp.dot(dm, w1b[:], preferred_element_type=jnp.float32)
    h += jnp.dot(enc, w1c[:], preferred_element_type=jnp.float32)
    h += lax.dot_general(eat[:], w1d[:], (((0,), (0,)), ((), ())),
                         preferred_element_type=jnp.float32)
    h = jnp.maximum(h + b1r[:], 0.0)
    outT[:] = lax.dot_general(w2t[:], h, (((1,), (1,)), ((), ())),
                              preferred_element_type=jnp.float32) + b2r[0, 0]


def _tc_mlp(feat, edge_attr_T, W_time, b_time, W1, b1, W2_T, b2):
    B = feat.shape[0]
    BLK = 2048
    grid = (B // BLK,)
    blk = lambda r, c: pl.BlockSpec((r, c), lambda i: (i, 0))
    full = lambda r, c: pl.BlockSpec((r, c), lambda i: (0, 0))
    outT = pl.pallas_call(
        _mlp_body,
        grid=grid,
        in_specs=[
            blk(BLK, 128),
            pl.BlockSpec((EDGE_FEAT_DIM, BLK), lambda i: (0, i)),
            full(1, TIME_DIM),
            full(1, TIME_DIM),
            full(MEMORY_DIM, HIDDEN),
            full(MEMORY_DIM, HIDDEN),
            full(TIME_DIM, HIDDEN),
            full(EDGE_FEAT_DIM, HIDDEN),
            full(1, HIDDEN),
            full(1, HIDDEN),
            full(1, 1),
        ],
        out_specs=pl.BlockSpec((1, BLK), lambda i: (0, i)),
        out_shape=jax.ShapeDtypeStruct((1, B), jnp.float32),
    )(feat, edge_attr_T, W_time, b_time,
      W1[0:MEMORY_DIM], W1[MEMORY_DIM:2 * MEMORY_DIM],
      W1[2 * MEMORY_DIM:2 * MEMORY_DIM + TIME_DIM],
      W1[2 * MEMORY_DIM + TIME_DIM:],
      b1.reshape(1, HIDDEN), W2_T, b2.reshape(1, 1))
    return outT.T


def kernel(src, dst, t, edge_attr, memory, last_update,
           W_time, b_time, W1, b1, W2, b2):
    mem128 = _tc_relayout(memory.T)
    feat = _sc_gather_extract(
        mem128, src.astype(jnp.int32), dst.astype(jnp.int32), t, last_update)
    return _tc_mlp(feat, edge_attr.astype(jnp.float32).T,
                   W_time, b_time.reshape(1, TIME_DIM), W1, b1, W2.T, b2)

# --- scband reference (transcript-rebuilt; emitter-appended) ---
"""Pipeline reference for scband-tgnmodel-6648609374720 (READ-ONLY COPY).

The authoritative reference and input builder live on the scoring server;
editing this copy changes nothing except your own understanding.
"""

import jax, jax.numpy as jnp
import numpy as np

NUM_NODES = 1000000
MEMORY_DIM = 32
TIME_DIM = 16
EDGE_FEAT_DIM = 16
HIDDEN = 128
BATCH = 16384
IN_DIM = MEMORY_DIM * 2 + TIME_DIM + EDGE_FEAT_DIM


def setup_inputs(seed: int = 0) -> dict:
    key = jax.random.key(seed)
    ks = jax.random.split(key, 12)
    src = jax.random.randint(ks[0], (BATCH,), 0, NUM_NODES, dtype=jnp.int64 if jax.config.jax_enable_x64 else jnp.int32)
    dst = jax.random.randint(ks[1], (BATCH,), 0, NUM_NODES, dtype=jnp.int64 if jax.config.jax_enable_x64 else jnp.int32)
    t = jax.random.uniform(ks[2], (BATCH,), dtype=jnp.float32)
    edge_attr = jax.random.normal(ks[3], (BATCH, EDGE_FEAT_DIM), dtype=jnp.float32)
    memory = jax.random.normal(ks[4], (NUM_NODES, MEMORY_DIM), dtype=jnp.float32) * 0.1
    last_update = jax.random.uniform(ks[5], (NUM_NODES,), dtype=jnp.float32)
    W_time = jax.random.normal(ks[6], (1, TIME_DIM), dtype=jnp.float32) * (1.0 / np.sqrt(1.0))
    b_time = jax.random.normal(ks[7], (TIME_DIM,), dtype=jnp.float32) * 0.01
    W1 = jax.random.normal(ks[8], (IN_DIM, HIDDEN), dtype=jnp.float32) * (1.0 / np.sqrt(IN_DIM))
    b1 = jnp.zeros((HIDDEN,), dtype=jnp.float32)
    W2 = jax.random.normal(ks[9], (HIDDEN, 1), dtype=jnp.float32) * (1.0 / np.sqrt(HIDDEN))
    b2 = jnp.zeros((1,), dtype=jnp.float32)
    return {"src": src, "dst": dst, "t": t, "edge_attr": edge_attr,
            "memory": memory, "last_update": last_update,
            "W_time": W_time, "b_time": b_time,
            "W1": W1, "b1": b1, "W2": W2, "b2": b2}


def reference(src, dst, t, edge_attr, memory, last_update, W_time, b_time, W1, b1, W2, b2):
    # src_last_update = self.memory.last_update[src]
    src_last_update = jnp.take(last_update, src, axis=0)
    delta_t = t - src_last_update
    # TimeEncoder: cos(Linear(1 -> time_dim)(delta_t))
    delta_t_enc = jnp.cos(delta_t[:, None] @ W_time + b_time)
    # memory gathers (embedding lookups)
    src_mem = jnp.take(memory, src, axis=0)
    dst_mem = jnp.take(memory, dst, axis=0)
    out = jnp.concatenate([src_mem, dst_mem, delta_t_enc, edge_attr.astype(jnp.float32)], axis=1)
    # growth_head: Linear -> ReLU -> Linear
    h = jax.nn.relu(out @ W1 + b1)
    growth_score = h @ W2 + b2
    return growth_score

if __name__ == "__main__":
    import jax
    _d = setup_inputs()
    print(jax.jit(kernel)(*tuple(_d.values())))

</pallas_src>

<mosaic_0001>
#map = affine_map<(d0, d1) -> (0, 0)>
#map1 = affine_map<(d0, d1) -> (0)>
module attributes {stable_mosaic.version = 14 : i64} {
  func.func @k(%arg0: i32, %arg1: i32, %arg2: memref<262144x128xf32, #tpu.memory_space<hbm>>, %arg3: memref<16384xi32, #tpu.memory_space<hbm>>, %arg4: memref<16384xi32, #tpu.memory_space<hbm>>, %arg5: memref<16384xf32, #tpu.memory_space<hbm>>, %arg6: memref<1000000xf32, #tpu.memory_space<hbm>>, %arg7: memref<16384x128xf32, #tpu.memory_space<hbm>>, %arg8: memref<512xi32, #tpu.memory_space<vmem>>, %arg9: memref<512xi32, #tpu.memory_space<vmem>>, %arg10: memref<512xi32, #tpu.memory_space<vmem>>, %arg11: memref<512xi32, #tpu.memory_space<vmem>>, %arg12: memref<512xi32, #tpu.memory_space<vmem>>, %arg13: memref<512xi32, #tpu.memory_space<vmem>>, %arg14: memref<256x128xf32, #tpu.memory_space<vmem>>, %arg15: memref<256x128xf32, #tpu.memory_space<vmem>>, %arg16: memref<256x128xf32, #tpu.memory_space<vmem>>, %arg17: memref<512xf32, #tpu.memory_space<vmem>>, %arg18: memref<512xf32, #tpu.memory_space<vmem>>, %arg19: memref<512xf32, #tpu.memory_space<vmem>>, %arg20: memref<!tpu.dma_semaphore, #tpu.memory_space<semaphore_mem>>) attributes {dimension_semantics = [#tpu.dimension_semantics<core_parallel>, #tpu.dimension_semantics<subcore_parallel>], iteration_bounds = array<i64: 2, 16>, scalar_prefetch = 0 : i64, scratch_operands = 13 : i64, tpu.core_type = #tpu.core_type<sc_vector_subcore>, window_params = [{transform_indices = #map}, {transform_indices = #map1}, {transform_indices = #map1}, {transform_indices = #map1}, {transform_indices = #map1}, {transform_indices = #map}]} {
    %mul3A = arith.constant 2 : i32
    %mul3A_0 = arith.muli %arg1, %mul3A : i32
    %add3A = arith.addi %mul3A_0, %arg0 : i32
    %mul3A_1 = arith.constant 512 : i32
    %mul3A_2 = arith.muli %add3A, %mul3A_1 : i32
    "tpu.region"() ({
      %run_scoped3A = tpu.sem_alloc : memref<!tpu.dma_semaphore, #tpu.memory_space<semaphore_mem>>
      %dma_start3A_1371 = tpu.memref_slice %arg3[%mul3A_2] : memref<16384xi32, #tpu.memory_space<hbm>> -> memref<512xi32, #tpu.memory_space<hbm>>
      %dma_start3A_1372 = tpu.memref_slice %arg3[%mul3A_2] : memref<16384xi32, #tpu.memory_space<hbm>> -> memref<512xi32, #tpu.memory_space<hbm>>
      tpu.enqueue_dma source(%dma_start3A_1372 : memref<512xi32, #tpu.memory_space<hbm>>) target(%arg8 : memref<512xi32, #tpu.memory_space<vmem>>) target_semaphore(%run_scoped3A : memref<!tpu.dma_semaphore, #tpu.memory_space<semaphore_mem>>)
      %dma_wait3A_1373 = tpu.memref_slice %arg3[%mul3A_2] : memref<16384xi32, #tpu.memory_space<hbm>> -> memref<512xi32, #tpu.memory_space<hbm>>
      %dma_wait3A_1374 = tpu.memref_slice %arg3[%mul3A_2] : memref<16384xi32, #tpu.memory_space<hbm>> -> memref<512xi32, #tpu.memory_space<hbm>>
      tpu.wait_dma2 semaphore(%run_scoped3A : memref<!tpu.dma_semaphore, #tpu.memory_space<semaphore_mem>>) src(%dma_wait3A_1374 : memref<512xi32, #tpu.memory_space<hbm>>) dst(%arg8 : memref<512xi32, #tpu.memory_space<vmem>>)
      tpu.yield
    }) : () -> ()
    "tpu.region"() ({
      %run_scoped3A = tpu.sem_alloc : memref<!tpu.dma_semaphore, #tpu.memory_space<semaphore_mem>>
      %dma_start3A_1371 = tpu.memref_slice %arg4[%mul3A_2] : memref<16384xi32, #tpu.memory_space<hbm>> -> memref<512xi32, #tpu.memory_space<hbm>>
      %dma_start3A_1372 = tpu.memref_slice %arg4[%mul3A_2] : memref<16384xi32, #tpu.memory_space<hbm>> -> memref<512xi32, #tpu.memory_space<hbm>>
      tpu.enqueue_dma source(%dma_start3A_1372 : memref<512xi32, #tpu.memory_space<hbm>>) target(%arg9 : memref<512xi32, #tpu.memory_space<vmem>>) target_semaphore(%run_scoped3A : memref<!tpu.dma_semaphore, #tpu.memory_space<semaphore_mem>>)
      %dma_wait3A_1373 = tpu.memref_slice %arg4[%mul3A_2] : memref<16384xi32, #tpu.memory_space<hbm>> -> memref<512xi32, #tpu.memory_space<hbm>>
      %dma_wait3A_1374 = tpu.memref_slice %arg4[%mul3A_2] : memref<16384xi32, #tpu.memory_space<hbm>> -> memref<512xi32, #tpu.memory_space<hbm>>
      tpu.wait_dma2 semaphore(%run_scoped3A : memref<!tpu.dma_semaphore, #tpu.memory_space<semaphore_mem>>) src(%dma_wait3A_1374 : memref<512xi32, #tpu.memory_space<hbm>>) dst(%arg9 : memref<512xi32, #tpu.memory_space<vmem>>)
      tpu.yield
    }) : () -> ()
    "tpu.region"() ({
      %run_scoped3A = tpu.sem_alloc : memref<!tpu.dma_semaphore, #tpu.memory_space<semaphore_mem>>
      %dma_start3A_1371 = tpu.memref_slice %arg5[%mul3A_2] : memref<16384xf32, #tpu.memory_space<hbm>> -> memref<512xf32, #tpu.memory_space<hbm>>
      %dma_start3A_1372 = tpu.memref_slice %arg5[%mul3A_2] : memref<16384xf32, #tpu.memory_space<hbm>> -> memref<512xf32, #tpu.memory_space<hbm>>
      tpu.enqueue_dma source(%dma_start3A_1372 : memref<512xf32, #tpu.memory_space<hbm>>) target(%arg18 : memref<512xf32, #tpu.memory_space<vmem>>) target_semaphore(%run_scoped3A : memref<!tpu.dma_semaphore, #tpu.memory_space<semaphore_mem>>)
      %dma_wait3A_1373 = tpu.memref_slice %arg5[%mul3A_2] : memref<16384xf32, #tpu.memory_space<hbm>> -> memref<512xf32, #tpu.memory_space<hbm>>
      %dma_wait3A_1374 = tpu.memref_slice %arg5[%mul3A_2] : memref<16384xf32, #tpu.memory_space<hbm>> -> memref<512xf32, #tpu.memory_space<hbm>>
      tpu.wait_dma2 semaphore(%run_scoped3A : memref<!tpu.dma_semaphore, #tpu.memory_space<semaphore_mem>>) src(%dma_wait3A_1374 : memref<512xf32, #tpu.memory_space<hbm>>) dst(%arg18 : memref<512xf32, #tpu.memory_space<vmem>>)
      tpu.yield
    }) : () -> ()
    %get3A = arith.constant 0 : index
    %get3A_3 = tpu.vector_load %arg8[%get3A] {strides = array<i32>} : memref<512xi32, #tpu.memory_space<vmem>>, vector<16xi32>,
    %and3A = arith.constant 262143 : i32
    %and3A_4 = vector.broadcast %and3A : i32 to vector<16xi32>
    %and3A_5 = arith.andi %get3A_3, %and3A_4 : vector<16xi32>
    %swap3A = arith.constant 0 : index
    %swap3A_6 = tpu.vector_load %arg10[%swap3A] {strides = array<i32>} : memref<512xi32, #tpu.memory_space<vmem>>, vector<16xi32>,
    tpu.vector_store %arg10[%swap3A], %and3A_5 {strides = array<i32>} : memref<512xi32, #tpu.memory_space<vmem>>, vector<16xi32>,
    %shift_right_logical3A = arith.constant 18 : i32
    %shift_right_logical3A_7 = vector.broadcast %shift_right_logical3A : i32 to vector<16xi32>
    %shift_right_logical3A_8 = arith.shrui %get3A_3, %shift_right_logical3A_7 : vector<16xi32>
    %mul3A_9 = arith.constant 32 : i32
    %mul3A_10 = vector.broadcast %mul3A_9 : i32 to vector<16xi32>
    %mul3A_11 = arith.muli %shift_right_logical3A_8, %mul3A_10 : vector<16xi32>
    %swap3A_12 = arith.constant 0 : index
    %swap3A_13 = tpu.vector_load %arg12[%swap3A_12] {strides = array<i32>} : memref<512xi32, #tpu.memory_space<vmem>>, vector<16xi32>,
    tpu.vector_store %arg12[%swap3A_12], %mul3A_11 {strides = array<i32>} : memref<512xi32, #tpu.memory_space<vmem>>, vector<16xi32>,
    %get3A_14 = arith.constant 0 : index
    %get3A_15 = tpu.vector_load %arg9[%get3A_14] {strides = array<i32>} : memref<512xi32, #tpu.memory_space<vmem>>, vector<16xi32>,
    %and3A_16 = arith.constant 262143 : i32
    %and3A_17 = vector.broadcast %and3A_16 : i32 to vector<16xi32>
    %and3A_18 = arith.andi %get3A_15, %and3A_17 : vector<16xi32>
    %swap3A_19 = arith.constant 0 : index
    %swap3A_20 = tpu.vector_load %arg11[%swap3A_19] {strides = array<i32>} : memref<512xi32, #tpu.memory_space<vmem>>, vector<16xi32>,
    tpu.vector_store %arg11[%swap3A_19], %and3A_18 {strides = array<i32>} : memref<512xi32, #tpu.memory_space<vmem>>, vector<16xi32>,
    %shift_right_logical3A_21 = arith.constant 18 : i32
    %shift_right_logical3A_22 = vector.broadcast %shift_right_logical3A_21 : i32 to vector<16xi32>
    %shift_right_logical3A_23 = arith.shrui %get3A_15, %shift_right_logical3A_22 : vector<16xi32>
    %mul3A_24 = arith.constant 32 : i32
    %mul3A_25 = vector.broadcast %mul3A_24 : i32 to vector<16xi32>
    %mul3A_26 = arith.muli %shift_right_logical3A_23, %mul3A_25 : vector<16xi32>
    %swap3A_27 = arith.constant 0 : index
    %swap3A_28 = tpu.vector_load %arg13[%swap3A_27] {strides = array<i32>} : memref<512xi32, #tpu.memory_space<vmem>>, vector<16xi32>,
    tpu.vector_store %arg13[%swap3A_27], %mul3A_26 {strides = array<i32>} : memref<512xi32, #tpu.memory_space<vmem>>, vector<16xi32>,
    %get3A_29 = arith.constant 16 : index
    %get3A_30 = tpu.vector_load %arg8[%get3A_29] {strides = array<i32>} : memref<512xi32, #tpu.memory_space<vmem>>, vector<16xi32>,
    %and3A_31 = arith.constant 262143 : i32
    %and3A_32 = vector.broadcast %and3A_31 : i32 to vector<16xi32>
    %and3A_33 = arith.andi %get3A_30, %and3A_32 : vector<16xi32>
    %swap3A_34 = arith.constant 16 : index
    %swap3A_35 = tpu.vector_load %arg10[%swap3A_34] {strides = array<i32>} : memref<512xi32, #tpu.memory_space<vmem>>, vector<16xi32>,
    tpu.vector_store %arg10[%swap3A_34], %and3A_33 {strides = array<i32>} : memref<512xi32, #tpu.memory_space<vmem>>, vector<16xi32>,
    %shift_right_logical3A_36 = arith.constant 18 : i32
    %shift_right_logical3A_37 = vector.broadcast %shift_right_logical3A_36 : i32 to vector<16xi32>
    %shift_right_logical3A_38 = arith.shrui %get3A_30, %shift_right_logical3A_37 : vector<16xi32>
    %mul3A_39 = arith.constant 32 : i32
    %mul3A_40 = vector.broadcast %mul3A_39 : i32 to vector<16xi32>
    %mul3A_41 = arith.muli %shift_right_logical3A_38, %mul3A_40 : vector<16xi32>
    %swap3A_42 = arith.constant 16 : index
    %swap3A_43 = tpu.vector_load %arg12[%swap3A_42] {strides = array<i32>} : memref<512xi32, #tpu.memory_space<vmem>>, vector<16xi32>,
    tpu.vector_store %arg12[%swap3A_42], %mul3A_41 {strides = array<i32>} : memref<512xi32, #tpu.memory_space<vmem>>, vector<16xi32>,
    %get3A_44 = arith.constant 16 : index
    %get3A_45 = tpu.vector_load %arg9[%get3A_44] {strides = array<i32>} : memref<512xi32, #tpu.memory_space<vmem>>, vector<16xi32>,
    %and3A_46 = arith.constant 262143 : i32
    %and3A_47 = vector.broadcast %and3A_46 : i32 to vector<16xi32>
    %and3A_48 = arith.andi %get3A_45, %and3A_47 : vector<16xi32>
    %swap3A_49 = arith.constant 16 : index
    %swap3A_50 = tpu.vector_load %arg11[%swap3A_49] {strides = array<i32>} : memref<512xi32, #tpu.memory_space<vmem>>, vector<16xi32>,
    tpu.vector_store %arg11[%swap3A_49], %and3A_48 {strides = array<i32>} : memref<512xi32, #tpu.memory_space<vmem>>, vector<16xi32>,
    %shift_right_logical3A_51 = arith.constant 18 : i32
    %shift_right_logical3A_52 = vector.broadcast %shift_right_logical3A_51 : i32 to vector<16xi32>
    %shift_right_logical3A_53 = arith.shrui %get3A_45, %shift_right_logical3A_52 : vector<16xi32>
    %mul3A_54 = arith.constant 32 : i32
    %mul3A_55 = vector.broadcast %mul3A_54 : i32 to vector<16xi32>
    %mul3A_56 = arith.muli %shift_right_logical3A_53, %mul3A_55 : vector<16xi32>
    %swap3A_57 = arith.constant 16 : index
    %swap3A_58 = tpu.vector_load %arg13[%swap3A_57] {strides = array<i32>} : memref<512xi32, #tpu.memory_space<vmem>>, vector<16xi32>,
    tpu.vector_store %arg13[%swap3A_57], %mul3A_56 {strides = array<i32>} : memref<512xi32, #tpu.memory_space<vmem>>, vector<16xi32>,
    %get3A_59 = arith.constant 32 : index
    %get3A_60 = tpu.vector_load %arg8[%get3A_59] {strides = array<i32>} : memref<512xi32, #tpu.memory_space<vmem>>, vector<16xi32>,
    %and3A_61 = arith.constant 262143 : i32
    %and3A_62 = vector.broadcast %and3A_61 : i32 to vector<16xi32>
    %and3A_63 = arith.andi %get3A_60, %and3A_62 : vector<16xi32>
    %swap3A_64 = arith.constant 32 : index
    %swap3A_65 = tpu.vector_load %arg10[%swap3A_64] {strides = array<i32>} : memref<512xi32, #tpu.memory_space<vmem>>, vector<16xi32>,
    tpu.vector_store %arg10[%swap3A_64], %and3A_63 {strides = array<i32>} : memref<512xi32, #tpu.memory_space<vmem>>, vector<16xi32>,
    %shift_right_logical3A_66 = arith.constant 18 : i32
    %shift_right_logical3A_67 = vector.broadcast %shift_right_logical3A_66 : i32 to vector<16xi32>
    %shift_right_logical3A_68 = arith.shrui %get3A_60, %shift_right_logical3A_67 : vector<16xi32>
    %mul3A_69 = arith.constant 32 : i32
    %mul3A_70 = vector.broadcast %mul3A_69 : i32 to vector<16xi32>
    %mul3A_71 = arith.muli %shift_right_logical3A_68, %mul3A_70 : vector<16xi32>
    %swap3A_72 = arith.constant 32 : index
    %swap3A_73 = tpu.vector_load %arg12[%swap3A_72] {strides = array<i32>} : memref<512xi32, #tpu.memory_space<vmem>>, vector<16xi32>,
    tpu.vector_store %arg12[%swap3A_72], %mul3A_71 {strides = array<i32>} : memref<512xi32, #tpu.memory_space<vmem>>, vector<16xi32>,
    %get3A_74 = arith.constant 32 : index
    %get3A_75 = tpu.vector_load %arg9[%get3A_74] {strides = array<i32>} : memref<512xi32, #tpu.memory_space<vmem>>, vector<16xi32>,
    %and3A_76 = arith.constant 262143 : i32
    %and3A_77 = vector.broadcast %and3A_76 : i32 to vector<16xi32>
    %and3A_78 = arith.andi %get3A_75, %and3A_77 : vector<16xi32>
    %swap3A_79 = arith.constant 32 : index
    %swap3A_80 = tpu.vector_load %arg11[%swap3A_79] {strides = array<i32>} : memref<512xi32, #tpu.memory_space<vmem>>, vector<16xi32>,
    tpu.vector_store %arg11[%swap3A_79], %and3A_78 {strides = array<i32>} : memref<512xi32, #tpu.memory_space<vmem>>, vector<16xi32>,
    %shift_right_logical3A_81 = arith.constant 18 : i32
    %shift_right_logical3A_82 = vector.broadcast %shift_right_logical3A_81 : i32 to vector<16xi32>
    %shift_right_logical3A_83 = arith.shrui %get3A_75, %shift_right_logical3A_82 : vector<16xi32>
    %mul3A_84 = arith.constant 32 : i32
    %mul3A_85 = vector.broadcast %mul3A_84 : i32 to vector<16xi32>
    %mul3A_86 = arith.muli %shift_right_logical3A_83, %mul3A_85 : vector<16xi32>
    %swap3A_87 = arith.constant 32 : index
    %swap3A_88 = tpu.vector_load %arg13[%swap3A_87] {strides = array<i32>} : memref<512xi32, #tpu.memory_space<vmem>>, vector<16xi32>,
    tpu.vector_store %arg13[%swap3A_87], %mul3A_86 {strides = array<i32>} : memref<512xi32, #tpu.memory_space<vmem>>, vector<16xi32>,
    %get3A_89 = arith.constant 48 : index
    %get3A_90 = tpu.vector_load %arg8[%get3A_89] {strides = array<i32>} : memref<512xi32, #tpu.memory_space<vmem>>, vector<16xi32>,
    %and3A_91 = arith.constant 262143 : i32
    %and3A_92 = vector.broadcast %and3A_91 : i32 to vector<16xi32>
    %and3A_93 = arith.andi %get3A_90, %and3A_92 : vector<16xi32>
    %swap3A_94 = arith.constant 48 : index
    %swap3A_95 = tpu.vector_load %arg10[%swap3A_94] {strides = array<i32>} : memref<512xi32, #tpu.memory_space<vmem>>, vector<16xi32>,
    tpu.vector_store %arg10[%swap3A_94], %and3A_93 {strides = array<i32>} : memref<512xi32, #tpu.memory_space<vmem>>, vector<16xi32>,
    %shift_right_logical3A_96 = arith.constant 18 : i32
    %shift_right_logical3A_97 = vector.broadcast %shift_right_logical3A_96 : i32 to vector<16xi32>
    %shift_right_logical3A_98 = arith.shrui %get3A_90, %shift_right_logical3A_97 : vector<16xi32>
    %mul3A_99 = arith.constant 32 : i32
    %mul3A_100 = vector.broadcast %mul3A_99 : i32 to vector<16xi32>
    %mul3A_101 = arith.muli %shift_right_logical3A_98, %mul3A_100 : vector<16xi32>
    %swap3A_102 = arith.constant 48 : index
    %swap3A_103 = tpu.vector_load %arg12[%swap3A_102] {strides = array<i32>} : memref<512xi32, #tpu.memory_space<vmem>>, vector<16xi32>,
    tpu.vector_store %arg12[%swap3A_102], %mul3A_101 {strides = array<i32>} : memref<512xi32, #tpu.memory_space<vmem>>, vector<16xi32>,
    %get3A_104 = arith.constant 48 : index
    %get3A_105 = tpu.vector_load %arg9[%get3A_104] {strides = array<i32>} : memref<512xi32, #tpu.memory_space<vmem>>, vector<16xi32>,
    %and3A_106 = arith.constant 262143 : i32
    %and3A_107 = vector.broadcast %and3A_106 : i32 to vector<16xi32>
    %and3A_108 = arith.andi %get3A_105, %and3A_107 : vector<16xi32>
    %swap3A_109 = arith.constant 48 : index
    %swap3A_110 = tpu.vector_load %arg11[%swap3A_109] {strides = array<i32>} : memref<512xi32, #tpu.memory_space<vmem>>, vector<16xi32>,
    tpu.vector_store %arg11[%swap3A_109], %and3A_108 {strides = array<i32>} : memref<512xi32, #tpu.memory_space<vmem>>, vector<16xi32>,
    %shift_right_logical3A_111 = arith.constant 18 : i32
    %shift_right_logical3A_112 = vector.broadcast %shift_right_logical3A_111 : i32 to vector<16xi32>
    %shift_right_logical3A_113 = arith.shrui %get3A_105, %shift_right_logical3A_112 : vector<16xi32>
    %mul3A_114 = arith.constant 32 : i32
    %mul3A_115 = vector.broadcast %mul3A_114 : i32 to vector<16xi32>
    %mul3A_116 = arith.muli %shift_right_logical3A_113, %mul3A_115 : vector<16xi32>
    %swap3A_117 = arith.constant 48 : index
    %swap3A_118 = tpu.vector_load %arg13[%swap3A_117] {strides = array<i32>} : memref<512xi32, #tpu.memory_space<vmem>>, vector<16xi32>,
    tpu.vector_store %arg13[%swap3A_117], %mul3A_116 {strides = array<i32>} : memref<512xi32, #tpu.memory_space<vmem>>, vector<16xi32>,
    %get3A_119 = arith.constant 64 : index
    %get3A_120 = tpu.vector_load %arg8[%get3A_119] {strides = array<i32>} : memref<512xi32, #tpu.memory_space<vmem>>, vector<16xi32>,
    %and3A_121 = arith.constant 262143 : i32
    %and3A_122 = vector.broadcast %and3A_121 : i32 to vector<16xi32>
    %and3A_123 = arith.andi %get3A_120, %and3A_122 : vector<16xi32>
    %swap3A_124 = arith.constant 64 : index
    %swap3A_125 = tpu.vector_load %arg10[%swap3A_124] {strides = array<i32>} : memref<512xi32, #tpu.memory_space<vmem>>, vector<16xi32>,
    tpu.vector_store %arg10[%swap3A_124], %and3A_123 {strides = array<i32>} : memref<512xi32, #tpu.memory_space<vmem>>, vector<16xi32>,
    %shift_right_logical3A_126 = arith.constant 18 : i32
    %shift_right_logical3A_127 = vector.broadcast %shift_right_logical3A_126 : i32 to vector<16xi32>
    %shift_right_logical3A_128 = arith.shrui %get3A_120, %shift_right_logical3A_127 : vector<16xi32>
    %mul3A_129 = arith.constant 32 : i32
    %mul3A_130 = vector.broadcast %mul3A_129 : i32 to vector<16xi32>
    %mul3A_131 = arith.muli %shift_right_logical3A_128, %mul3A_130 : vector<16xi32>
    %swap3A_132 = arith.constant 64 : index
    %swap3A_133 = tpu.vector_load %arg12[%swap3A_132] {strides = array<i32>} : memref<512xi32, #tpu.memory_space<vmem>>, vector<16xi32>,
    tpu.vector_store %arg12[%swap3A_132], %mul3A_131 {strides = array<i32>} : memref<512xi32, #tpu.memory_space<vmem>>, vector<16xi32>,
    %get3A_134 = arith.constant 64 : index
    %get3A_135 = tpu.vector_load %arg9[%get3A_134] {strides = array<i32>} : memref<512xi32, #tpu.memory_space<vmem>>, vector<16xi32>,
    %and3A_136 = arith.constant 262143 : i32
    %and3A_137 = vector.broadcast %and3A_136 : i32 to vector<16xi32>
    %and3A_138 = arith.andi %get3A_135, %and3A_137 : vector<16xi32>
    %swap3A_139 = arith.constant 64 : index
    %swap3A_140 = tpu.vector_load %arg11[%swap3A_139] {strides = array<i32>} : memref<512xi32, #tpu.memory_space<vmem>>, vector<16xi32>,
    tpu.vector_store %arg11[%swap3A_139], %and3A_138 {strides = array<i32>} : memref<512xi32, #tpu.memory_space<vmem>>, vector<16xi32>,
    %shift_right_logical3A_141 = arith.constant 18 : i32
    %shift_right_logical3A_142 = vector.broadcast %shift_right_logical3A_141 : i32 to vector<16xi32>
    %shift_right_logical3A_143 = arith.shrui %get3A_135, %shift_right_logical3A_142 : vector<16xi32>
    %mul3A_144 = arith.constant 32 : i32
    %mul3A_145 = vector.broadcast %mul3A_144 : i32 to vector<16xi32>
    %mul3A_146 = arith.muli %shift_right_logical3A_143, %mul3A_145 : vector<16xi32>
    %swap3A_147 = arith.constant 64 : index
    %swap3A_148 = tpu.vector_load %arg13[%swap3A_147] {strides = array<i32>} : memref<512xi32, #tpu.memory_space<vmem>>, vector<16xi32>,
    tpu.vector_store %arg13[%swap3A_147], %mul3A_146 {strides = array<i32>} : memref<512xi32, #tpu.memory_space<vmem>>, vector<16xi32>,
    %get3A_149 = arith.constant 80 : index
    %get3A_150 = tpu.vector_load %arg8[%get3A_149] {strides = array<i32>} : memref<512xi32, #tpu.memory_space<vmem>>, vector<16xi32>,
    %and3A_151 = arith.constant 262143 : i32
    %and3A_152 = vector.broadcast %and3A_151 : i32 to vector<16xi32>
    %and3A_153 = arith.andi %get3A_150, %and3A_152 : vector<16xi32>
    %swap3A_154 = arith.constant 80 : index
    %swap3A_155 = tpu.vector_load %arg10[%swap3A_154] {strides = array<i32>} : memref<512xi32, #tpu.memory_space<vmem>>, vector<16xi32>,
    tpu.vector_store %arg10[%swap3A_154], %and3A_153 {strides = array<i32>} : memref<512xi32, #tpu.memory_space<vmem>>, vector<16xi32>,
    %shift_right_logical3A_156 = arith.constant 18 : i32
    %shift_right_logical3A_157 = vector.broadcast %shift_right_logical3A_156 : i32 to vector<16xi32>
    %shift_right_logical3A_158 = arith.shrui %get3A_150, %shift_right_logical3A_157 : vector<16xi32>
    %mul3A_159 = arith.constant 32 : i32
    %mul3A_160 = vector.broadcast %mul3A_159 : i32 to vector<16xi32>
    %mul3A_161 = arith.muli %shift_right_logical3A_158, %mul3A_160 : vector<16xi32>
    %swap3A_162 = arith.constant 80 : index
    %swap3A_163 = tpu.vector_load %arg12[%swap3A_162] {strides = array<i32>} : memref<512xi32, #tpu.memory_space<vmem>>, vector<16xi32>,
    tpu.vector_store %arg12[%swap3A_162], %mul3A_161 {strides = array<i32>} : memref<512xi32, #tpu.memory_space<vmem>>, vector<16xi32>,
    %get3A_164 = arith.constant 80 : index
    %get3A_165 = tpu.vector_load %arg9[%get3A_164] {strides = array<i32>} : memref<512xi32, #tpu.memory_space<vmem>>, vector<16xi32>,
    %and3A_166 = arith.constant 262143 : i32
    %and3A_167 = vector.broadcast %and3A_166 : i32 to vector<16xi32>
    %and3A_168 = arith.andi %get3A_165, %and3A_167 : vector<16xi32>
    %swap3A_169 = arith.constant 80 : index
    %swap3A_170 = tpu.vector_load %arg11[%swap3A_169] {strides = array<i32>} : memref<512xi32, #tpu.memory_space<vmem>>, vector<16xi32>,
    tpu.vector_store %arg11[%swap3A_169], %and3A_168 {strides = array<i32>} : memref<512xi32, #tpu.memory_space<vmem>>, vector<16xi32>,
    %shift_right_logical3A_171 = arith.constant 18 : i32
    %shift_right_logical3A_172 = vector.broadcast %shift_right_logical3A_171 : i32 to vector<16xi32>
    %shift_right_logical3A_173 = arith.shrui %get3A_165, %shift_right_logical3A_172 : vector<16xi32>
    %mul3A_174 = arith.constant 32 : i32
    %mul3A_175 = vector.broadcast %mul3A_174 : i32 to vector<16xi32>
    %mul3A_176 = arith.muli %shift_right_logical3A_173, %mul3A_175 : vector<16xi32>
    %swap3A_177 = arith.constant 80 : index
    %swap3A_178 = tpu.vector_load %arg13[%swap3A_177] {strides = array<i32>} : memref<512xi32, #tpu.memory_space<vmem>>, vector<16xi32>,
    tpu.vector_store %arg13[%swap3A_177], %mul3A_176 {strides = array<i32>} : memref<512xi32, #tpu.memory_space<vmem>>, vector<16xi32>,
    %get3A_179 = arith.constant 96 : index
    %get3A_180 = tpu.vector_load %arg8[%get3A_179] {strides = array<i32>} : memref<512xi32, #tpu.memory_space<vmem>>, vector<16xi32>,
    %and3A_181 = arith.constant 262143 : i32
    %and3A_182 = vector.broadcast %and3A_181 : i32 to vector<16xi32>
    %and3A_183 = arith.andi %get3A_180, %and3A_182 : vector<16xi32>
    %swap3A_184 = arith.constant 96 : index
    %swap3A_185 = tpu.vector_load %arg10[%swap3A_184] {strides = array<i32>} : memref<512xi32, #tpu.memory_space<vmem>>, vector<16xi32>,
    tpu.vector_store %arg10[%swap3A_184], %and3A_183 {strides = array<i32>} : memref<512xi32, #tpu.memory_space<vmem>>, vector<16xi32>,
    %shift_right_logical3A_186 = arith.constant 18 : i32
    %shift_right_logical3A_187 = vector.broadcast %shift_right_logical3A_186 : i32 to vector<16xi32>
    %shift_right_logical3A_188 = arith.shrui %get3A_180, %shift_right_logical3A_187 : vector<16xi32>
    %mul3A_189 = arith.constant 32 : i32
    %mul3A_190 = vector.broadcast %mul3A_189 : i32 to vector<16xi32>
    %mul3A_191 = arith.muli %shift_right_logical3A_188, %mul3A_190 : vector<16xi32>
    %swap3A_192 = arith.constant 96 : index
    %swap3A_193 = tpu.vector_load %arg12[%swap3A_192] {strides = array<i32>} : memref<512xi32, #tpu.memory_space<vmem>>, vector<16xi32>,
    tpu.vector_store %arg12[%swap3A_192], %mul3A_191 {strides = array<i32>} : memref<512xi32, #tpu.memory_space<vmem>>, vector<16xi32>,
    %get3A_194 = arith.constant 96 : index
    %get3A_195 = tpu.vector_load %arg9[%get3A_194] {strides = array<i32>} : memref<512xi32, #tpu.memory_space<vmem>>, vector<16xi32>,
    %and3A_196 = arith.constant 262143 : i32
    %and3A_197 = vector.broadcast %and3A_196 : i32 to vector<16xi32>
    %and3A_198 = arith.andi %get3A_195, %and3A_197 : vector<16xi32>
    %swap3A_199 = arith.constant 96 : index
    %swap3A_200 = tpu.vector_load %arg11[%swap3A_199] {strides = array<i32>} : memref<512xi32, #tpu.memory_space<vmem>>, vector<16xi32>,
    tpu.vector_store %arg11[%swap3A_199], %and3A_198 {strides = array<i32>} : memref<512xi32, #tpu.memory_space<vmem>>, vector<16xi32>,
    %shift_right_logical3A_201 = arith.constant 18 : i32
    %shift_right_logical3A_202 = vector.broadcast %shift_right_logical3A_201 : i32 to vector<16xi32>
    %shift_right_logical3A_203 = arith.shrui %get3A_195, %shift_right_logical3A_202 : vector<16xi32>
    %mul3A_204 = arith.constant 32 : i32
    %mul3A_205 = vector.broadcast %mul3A_204 : i32 to vector<16xi32>
    %mul3A_206 = arith.muli %shift_right_logical3A_203, %mul3A_205 : vector<16xi32>
    %swap3A_207 = arith.constant 96 : index
    %swap3A_208 = tpu.vector_load %arg13[%swap3A_207] {strides = array<i32>} : memref<512xi32, #tpu.memory_space<vmem>>, vector<16xi32>,
    tpu.vector_store %arg13[%swap3A_207], %mul3A_206 {strides = array<i32>} : memref<512xi32, #tpu.memory_space<vmem>>, vector<16xi32>,
    %get3A_209 = arith.constant 112 : index
    %get3A_210 = tpu.vector_load %arg8[%get3A_209] {strides = array<i32>} : memref<512xi32, #tpu.memory_space<vmem>>, vector<16xi32>,
    %and3A_211 = arith.constant 262143 : i32
    %and3A_212 = vector.broadcast %and3A_211 : i32 to vector<16xi32>
    %and3A_213 = arith.andi %get3A_210, %and3A_212 : vector<16xi32>
    %swap3A_214 = arith.constant 112 : index
    %swap3A_215 = tpu.vector_load %arg10[%swap3A_214] {strides = array<i32>} : memref<512xi32, #tpu.memory_space<vmem>>, vector<16xi32>,
    tpu.vector_store %arg10[%swap3A_214], %and3A_213 {strides = array<i32>} : memref<512xi32, #tpu.memory_space<vmem>>, vector<16xi32>,
    %shift_right_logical3A_216 = arith.constant 18 : i32
    %shift_right_logical3A_217 = vector.broadcast %shift_right_logical3A_216 : i32 to vector<16xi32>
    %shift_right_logical3A_218 = arith.shrui %get3A_210, %shift_right_logical3A_217 : vector<16xi32>
    %mul3A_219 = arith.constant 32 : i32
    %mul3A_220 = vector.broadcast %mul3A_219 : i32 to vector<16xi32>
    %mul3A_221 = arith.muli %shift_right_logical3A_218, %mul3A_220 : vector<16xi32>
    %swap3A_222 = arith.constant 112 : index
    %swap3A_223 = tpu.vector_load %arg12[%swap3A_222] {strides = array<i32>} : memref<512xi32, #tpu.memory_space<vmem>>, vector<16xi32>,
    tpu.vector_store %arg12[%swap3A_222], %mul3A_221 {strides = array<i32>} : memref<512xi32, #tpu.memory_space<vmem>>, vector<16xi32>,
    %get3A_224 = arith.constant 112 : index
    %get3A_225 = tpu.vector_load %arg9[%get3A_224] {strides = array<i32>} : memref<512xi32, #tpu.memory_space<vmem>>, vector<16xi32>,
    %and3A_226 = arith.constant 262143 : i32
    %and3A_227 = vector.broadcast %and3A_226 : i32 to vector<16xi32>
    %and3A_228 = arith.andi %get3A_225, %and3A_227 : vector<16xi32>
    %swap3A_229 = arith.constant 112 : index
    %swap3A_230 = tpu.vector_load %arg11[%swap3A_229] {strides = array<i32>} : memref<512xi32, #tpu.memory_space<vmem>>, vector<16xi32>,
    tpu.vector_store %arg11[%swap3A_229], %and3A_228 {strides = array<i32>} : memref<512xi32, #tpu.memory_space<vmem>>, vector<16xi32>,
    %shift_right_logical3A_231 = arith.constant 18 : i32
    %shift_right_logical3A_232 = vector.broadcast %shift_right_logical3A_231 : i32 to vector<16xi32>
    %shift_right_logical3A_233 = arith.shrui %get3A_225, %shift_right_logical3A_232 : vector<16xi32>
    %mul3A_234 = arith.constant 32 : i32
    %mul3A_235 = vector.broadcast %mul3A_234 : i32 to vector<16xi32>
    %mul3A_236 = arith.muli %shift_right_logical3A_233, %mul3A_235 : vector<16xi32>
    %swap3A_237 = arith.constant 112 : index
    %swap3A_238 = tpu.vector_load %arg13[%swap3A_237] {strides = array<i32>} : memref<512xi32, #tpu.memory_space<vmem>>, vector<16xi32>,
    tpu.vector_store %arg13[%swap3A_237], %mul3A_236 {strides = array<i32>} : memref<512xi32, #tpu.memory_space<vmem>>, vector<16xi32>,
    %get3A_239 = arith.constant 128 : index
    %get3A_240 = tpu.vector_load %arg8[%get3A_239] {strides = array<i32>} : memref<512xi32, #tpu.memory_space<vmem>>, vector<16xi32>,
    %and3A_241 = arith.constant 262143 : i32
    %and3A_242 = vector.broadcast %and3A_241 : i32 to vector<16xi32>
    %and3A_243 = arith.andi %get3A_240, %and3A_242 : vector<16xi32>
    %swap3A_244 = arith.constant 128 : index
    %swap3A_245 = tpu.vector_load %arg10[%swap3A_244] {strides = array<i32>} : memref<512xi32, #tpu.memory_space<vmem>>, vector<16xi32>,
    tpu.vector_store %arg10[%swap3A_244], %and3A_243 {strides = array<i32>} : memref<512xi32, #tpu.memory_space<vmem>>, vector<16xi32>,
    %shift_right_logical3A_246 = arith.constant 18 : i32
    %shift_right_logical3A_247 = vector.broadcast %shift_right_logical3A_246 : i32 to vector<16xi32>
    %shift_right_logical3A_248 = arith.shrui %get3A_240, %shift_right_logical3A_247 : vector<16xi32>
    %mul3A_249 = arith.constant 32 : i32
    %mul3A_250 = vector.broadcast %mul3A_249 : i32 to vector<16xi32>
    %mul3A_251 = arith.muli %shift_right_logical3A_248, %mul3A_250 : vector<16xi32>
    %swap3A_252 = arith.constant 128 : index
    %swap3A_253 = tpu.vector_load %arg12[%swap3A_252] {strides = array<i32>} : memref<512xi32, #tpu.memory_space<vmem>>, vector<16xi32>,
    tpu.vector_store %arg12[%swap3A_252], %mul3A_251 {strides = array<i32>} : memref<512xi32, #tpu.memory_space<vmem>>, vector<16xi32>,
    %get3A_254 = arith.constant 128 : index
    %get3A_255 = tpu.vector_load %arg9[%get3A_254] {strides = array<i32>} : memref<512xi32, #tpu.memory_space<vmem>>, vector<16xi32>,
    %and3A_256 = arith.constant 262143 : i32
    %and3A_257 = vector.broadcast %and3A_256 : i32 to vector<16xi32>
    %and3A_258 = arith.andi %get3A_255, %and3A_257 : vector<16xi32>
    %swap3A_259 = arith.constant 128 : index
    %swap3A_260 = tpu.vector_load %arg11[%swap3A_259] {strides = array<i32>} : memref<512xi32, #tpu.memory_space<vmem>>, vector<16xi32>,
    tpu.vector_store %arg11[%swap3A_259], %and3A_258 {strides = array<i32>} : memref<512xi32, #tpu.memory_space<vmem>>, vector<16xi32>,
    %shift_right_logical3A_261 = arith.constant 18 : i32
    %shift_right_logical3A_262 = vector.broadcast %shift_right_logical3A_261 : i32 to vector<16xi32>
    %shift_right_logical3A_263 = arith.shrui %get3A_255, %shift_right_logical3A_262 : vector<16xi32>
    %mul3A_264 = arith.constant 32 : i32
    %mul3A_265 = vector.broadcast %mul3A_264 : i32 to vector<16xi32>
    %mul3A_266 = arith.muli %shift_right_logical3A_263, %mul3A_265 : vector<16xi32>
    %swap3A_267 = arith.constant 128 : index
    %swap3A_268 = tpu.vector_load %arg13[%swap3A_267] {strides = array<i32>} : memref<512xi32, #tpu.memory_space<vmem>>, vector<16xi32>,
    tpu.vector_store %arg13[%swap3A_267], %mul3A_266 {strides = array<i32>} : memref<512xi32, #tpu.memory_space<vmem>>, vector<16xi32>,
    %get3A_269 = arith.constant 144 : index
    %get3A_270 = tpu.vector_load %arg8[%get3A_269] {strides = array<i32>} : memref<512xi32, #tpu.memory_space<vmem>>, vector<16xi32>,
    %and3A_271 = arith.constant 262143 : i32
    %and3A_272 = vector.broadcast %and3A_271 : i32 to vector<16xi32>
    %and3A_273 = arith.andi %get3A_270, %and3A_272 : vector<16xi32>
    %swap3A_274 = arith.constant 144 : index
    %swap3A_275 = tpu.vector_load %arg10[%swap3A_274] {strides = array<i32>} : memref<512xi32, #tpu.memory_space<vmem>>, vector<16xi32>,
    tpu.vector_store %arg10[%swap3A_274], %and3A_273 {strides = array<i32>} : memref<512xi32, #tpu.memory_space<vmem>>, vector<16xi32>,
    %shift_right_logical3A_276 = arith.constant 18 : i32
    %shift_right_logical3A_277 = vector.broadcast %shift_right_logical3A_276 : i32 to vector<16xi32>
    %shift_right_logical3A_278 = arith.shrui %get3A_270, %shift_right_logical3A_277 : vector<16xi32>
    %mul3A_279 = arith.constant 32 : i32
    %mul3A_280 = vector.broadcast %mul3A_279 : i32 to vector<16xi32>
    %mul3A_281 = arith.muli %shift_right_logical3A_278, %mul3A_280 : vector<16xi32>
    %swap3A_282 = arith.constant 144 : index
    %swap3A_283 = tpu.vector_load %arg12[%swap3A_282] {strides = array<i32>} : memref<512xi32, #tpu.memory_space<vmem>>, vector<16xi32>,
    tpu.vector_store %arg12[%swap3A_282], %mul3A_281 {strides = array<i32>} : memref<512xi32, #tpu.memory_space<vmem>>, vector<16xi32>,
    %get3A_284 = arith.constant 144 : index
    %get3A_285 = tpu.vector_load %arg9[%get3A_284] {strides = array<i32>} : memref<512xi32, #tpu.memory_space<vmem>>, vector<16xi32>,
    %and3A_286 = arith.constant 262143 : i32
    %and3A_287 = vector.broadcast %and3A_286 : i32 to vector<16xi32>
    %and3A_288 = arith.andi %get3A_285, %and3A_287 : vector<16xi32>
    %swap3A_289 = arith.constant 144 : index
    %swap3A_290 = tpu.vector_load %arg11[%swap3A_289] {strides = array<i32>} : memref<512xi32, #tpu.memory_space<vmem>>, vector<16xi32>,
    tpu.vector_store %arg11[%swap3A_289], %and3A_288 {strides = array<i32>} : memref<512xi32, #tpu.memory_space<vmem>>, vector<16xi32>,
    %shift_right_logical3A_291 = arith.constant 18 : i32
    %shift_right_logical3A_292 = vector.broadcast %shift_right_logical3A_291 : i32 to vector<16xi32>
    %shift_right_logical3A_293 = arith.shrui %get3A_285, %shift_right_logical3A_292 : vector<16xi32>
    %mul3A_294 = arith.constant 32 : i32
    %mul3A_295 = vector.broadcast %mul3A_294 : i32 to vector<16xi32>
    %mul3A_296 = arith.muli %shift_right_logical3A_293, %mul3A_295 : vector<16xi32>
    %swap3A_297 = arith.constant 144 : index
    %swap3A_298 = tpu.vector_load %arg13[%swap3A_297] {strides = array<i32>} : memref<512xi32, #tpu.memory_space<vmem>>, vector<16xi32>,
    tpu.vector_store %arg13[%swap3A_297], %mul3A_296 {strides = array<i32>} : memref<512xi32, #tpu.memory_space<vmem>>, vector<16xi32>,
    %get3A_299 = arith.constant 160 : index
    %get3A_300 = tpu.vector_load %arg8[%get3A_299] {strides = array<i32>} : memref<512xi32, #tpu.memory_space<vmem>>, vector<16xi32>,
    %and3A_301 = arith.constant 262143 : i32
    %and3A_302 = vector.broadcast %and3A_301 : i32 to vector<16xi32>
    %and3A_303 = arith.andi %get3A_300, %and3A_302 : vector<16xi32>
    %swap3A_304 = arith.constant 160 : index
    %swap3A_305 = tpu.vector_load %arg10[%swap3A_304] {strides = array<i32>} : memref<512xi32, #tpu.memory_space<vmem>>, vector<16xi32>,
    tpu.vector_store %arg10[%swap3A_304], %and3A_303 {strides = array<i32>} : memref<512xi32, #tpu.memory_space<vmem>>, vector<16xi32>,
    %shift_right_logical3A_306 = arith.constant 18 : i32
    %shift_right_logical3A_307 = vector.broadcast %shift_right_logical3A_306 : i32 to vector<16xi32>
    %shift_right_logical3A_308 = arith.shrui %get3A_300, %shift_right_logical3A_307 : vector<16xi32>
    %mul3A_309 = arith.constant 32 : i32
    %mul3A_310 = vector.broadcast %mul3A_309 : i32 to vector<16xi32>
    %mul3A_311 = arith.muli %shift_right_logical3A_308, %mul3A_310 : vector<16xi32>
    %swap3A_312 = arith.constant 160 : index
    %swap3A_313 = tpu.vector_load %arg12[%swap3A_312] {strides = array<i32>} : memref<512xi32, #tpu.memory_space<vmem>>, vector<16xi32>,
    tpu.vector_store %arg12[%swap3A_312], %mul3A_311 {strides = array<i32>} : memref<512xi32, #tpu.memory_space<vmem>>, vector<16xi32>,
    %get3A_314 = arith.constant 160 : index
    %get3A_315 = tpu.vector_load %arg9[%get3A_314] {strides = array<i32>} : memref<512xi32, #tpu.memory_space<vmem>>, vector<16xi32>,
    %and3A_316 = arith.constant 262143 : i32
    %and3A_317 = vector.broadcast %and3A_316 : i32 to vector<16xi32>
    %and3A_318 = arith.andi %get3A_315, %and3A_317 : vector<16xi32>
    %swap3A_319 = arith.constant 160 : index
    %swap3A_320 = tpu.vector_load %arg11[%swap3A_319] {strides = array<i32>} : memref<512xi32, #tpu.memory_space<vmem>>, vector<16xi32>,
    tpu.vector_store %arg11[%swap3A_319], %and3A_318 {strides = array<i32>} : memref<512xi32, #tpu.memory_space<vmem>>, vector<16xi32>,
    %shift_right_logical3A_321 = arith.constant 18 : i32
    %shift_right_logical3A_322 = vector.broadcast %shift_right_logical3A_321 : i32 to vector<16xi32>
    %shift_right_logical3A_323 = arith.shrui %get3A_315, %shift_right_logical3A_322 : vector<16xi32>
    %mul3A_324 = arith.constant 32 : i32
    %mul3A_325 = vector.broadcast %mul3A_324 : i32 to vector<16xi32>
    %mul3A_326 = arith.muli %shift_right_logical3A_323, %mul3A_325 : vector<16xi32>
    %swap3A_327 = arith.constant 160 : index
    %swap3A_328 = tpu.vector_load %arg13[%swap3A_327] {strides = array<i32>} : memref<512xi32, #tpu.memory_space<vmem>>, vector<16xi32>,
    tpu.vector_store %arg13[%swap3A_327], %mul3A_326 {strides = array<i32>} : memref<512xi32, #tpu.memory_space<vmem>>, vector<16xi32>,
    %get3A_329 = arith.constant 176 : index
    %get3A_330 = tpu.vector_load %arg8[%get3A_329] {strides = array<i32>} : memref<512xi32, #tpu.memory_space<vmem>>, vector<16xi32>,
    %and3A_331 = arith.constant 262143 : i32
    %and3A_332 = vector.broadcast %and3A_331 : i32 to vector<16xi32>
    %and3A_333 = arith.andi %get3A_330, %and3A_332 : vector<16xi32>
    %swap3A_334 = arith.constant 176 : index
    %swap3A_335 = tpu.vector_load %arg10[%swap3A_334] {strides = array<i32>} : memref<512xi32, #tpu.memory_space<vmem>>, vector<16xi32>,
    tpu.vector_store %arg10[%swap3A_334], %and3A_333 {strides = array<i32>} : memref<512xi32, #tpu.memory_space<vmem>>, vector<16xi32>,
    %shift_right_logical3A_336 = arith.constant 18 : i32
    %shift_right_logical3A_337 = vector.broadcast %shift_right_logical3A_336 : i32 to vector<16xi32>
    %shift_right_logical3A_338 = arith.shrui %get3A_330, %shift_right_logical3A_337 : vector<16xi32>
    %mul3A_339 = arith.constant 32 : i32
    %mul3A_340 = vector.broadcast %mul3A_339 : i32 to vector<16xi32>
    %mul3A_341 = arith.muli %shift_right_logical3A_338, %mul3A_340 : vector<16xi32>
    %swap3A_342 = arith.constant 176 : index
    %swap3A_343 = tpu.vector_load %arg12[%swap3A_342] {strides = array<i32>} : memref<512xi32, #tpu.memory_space<vmem>>, vector<16xi32>,
    tpu.vector_store %arg12[%swap3A_342], %mul3A_341 {strides = array<i32>} : memref<512xi32, #tpu.memory_space<vmem>>, vector<16xi32>,
    %get3A_344 = arith.constant 176 : index
    %get3A_345 = tpu.vector_load %arg9[%get3A_344] {strides = array<i32>} : memref<512xi32, #tpu.memory_space<vmem>>, vector<16xi32>,
    %and3A_346 = arith.constant 262143 : i32
    %and3A_347 = vector.broadcast %and3A_346 : i32 to vector<16xi32>
    %and3A_348 = arith.andi %get3A_345, %and3A_347 : vector<16xi32>
    %swap3A_349 = arith.constant 176 : index
    %swap3A_350 = tpu.vector_load %arg11[%swap3A_349] {strides = array<i32>} : memref<512xi32, #tpu.memory_space<vmem>>, vector<16xi32>,
    tpu.vector_store %arg11[%swap3A_349], %and3A_348 {strides = array<i32>} : memref<512xi32, #tpu.memory_space<vmem>>, vector<16xi32>,
    %shift_right_logical3A_351 = arith.constant 18 : i32
    %shift_right_logical3A_352 = vector.broadcast %shift_right_logical3A_351 : i32 to vector<16xi32>
    %shift_right_logical3A_353 = arith.shrui %get3A_345, %shift_right_logical3A_352 : vector<16xi32>
    %mul3A_354 = arith.constant 32 : i32
    %mul3A_355 = vector.broadcast %mul3A_354 : i32 to vector<16xi32>
    %mul3A_356 = arith.muli %shift_right_logical3A_353, %mul3A_355 : vector<16xi32>
    %swap3A_357 = arith.constant 176 : index
    %swap3A_358 = tpu.vector_load %arg13[%swap3A_357] {strides = array<i32>} : memref<512xi32, #tpu.memory_space<vmem>>, vector<16xi32>,
    tpu.vector_store %arg13[%swap3A_357], %mul3A_356 {strides = array<i32>} : memref<512xi32, #tpu.memory_space<vmem>>, vector<16xi32>,
    %get3A_359 = arith.constant 192 : index
    %get3A_360 = tpu.vector_load %arg8[%get3A_359] {strides = array<i32>} : memref<512xi32, #tpu.memory_space<vmem>>, vector<16xi32>,
    %and3A_361 = arith.constant 262143 : i32
    %and3A_362 = vector.broadcast %and3A_361 : i32 to vector<16xi32>
    %and3A_363 = arith.andi %get3A_360, %and3A_362 : vector<16xi32>
    %swap3A_364 = arith.constant 192 : index
    %swap3A_365 = tpu.vector_load %arg10[%swap3A_364] {strides = array<i32>} : memref<512xi32, #tpu.memory_space<vmem>>, vector<16xi32>,
    tpu.vector_store %arg10[%swap3A_364], %and3A_363 {strides = array<i32>} : memref<512xi32, #tpu.memory_space<vmem>>, vector<16xi32>,
    %shift_right_logical3A_366 = arith.constant 18 : i32
    %shift_right_logical3A_367 = vector.broadcast %shift_right_logical3A_366 : i32 to vector<16xi32>
    %shift_right_logical3A_368 = arith.shrui %get3A_360, %shift_right_logical3A_367 : vector<16xi32>
    %mul3A_369 = arith.constant 32 : i32
    %mul3A_370 = vector.broadcast %mul3A_369 : i32 to vector<16xi32>
    %mul3A_371 = arith.muli %shift_right_logical3A_368, %mul3A_370 : vector<16xi32>
    %swap3A_372 = arith.constant 192 : index
    %swap3A_373 = tpu.vector_load %arg12[%swap3A_372] {strides = array<i32>} : memref<512xi32, #tpu.memory_space<vmem>>, vector<16xi32>,
    tpu.vector_store %arg12[%swap3A_372], %mul3A_371 {strides = array<i32>} : memref<512xi32, #tpu.memory_space<vmem>>, vector<16xi32>,
    %get3A_374 = arith.constant 192 : index
    %get3A_375 = tpu.vector_load %arg9[%get3A_374] {strides = array<i32>} : memref<512xi32, #tpu.memory_space<vmem>>, vector<16xi32>,
    %and3A_376 = arith.constant 262143 : i32
    %and3A_377 = vector.broadcast %and3A_376 : i32 to vector<16xi32>
    %and3A_378 = arith.andi %get3A_375, %and3A_377 : vector<16xi32>
    %swap3A_379 = arith.constant 192 : index
    %swap3A_380 = tpu.vector_load %arg11[%swap3A_379] {strides = array<i32>} : memref<512xi32, #tpu.memory_space<vmem>>, vector<16xi32>,
    tpu.vector_store %arg11[%swap3A_379], %and3A_378 {strides = array<i32>} : memref<512xi32, #tpu.memory_space<vmem>>, vector<16xi32>,
    %shift_right_logical3A_381 = arith.constant 18 : i32
    %shift_right_logical3A_382 = vector.broadcast %shift_right_logical3A_381 : i32 to vector<16xi32>
    %shift_right_logical3A_383 = arith.shrui %get3A_375, %shift_right_logical3A_382 : vector<16xi32>
    %mul3A_384 = arith.constant 32 : i32
    %mul3A_385 = vector.broadcast %mul3A_384 : i32 to vector<16xi32>
    %mul3A_386 = arith.muli %shift_right_logical3A_383, %mul3A_385 : vector<16xi32>
    %swap3A_387 = arith.constant 192 : index
    %swap3A_388 = tpu.vector_load %arg13[%swap3A_387] {strides = array<i32>} : memref<512xi32, #tpu.memory_space<vmem>>, vector<16xi32>,
    tpu.vector_store %arg13[%swap3A_387], %mul3A_386 {strides = array<i32>} : memref<512xi32, #tpu.memory_space<vmem>>, vector<16xi32>,
    %get3A_389 = arith.constant 208 : index
    %get3A_390 = tpu.vector_load %arg8[%get3A_389] {strides = array<i32>} : memref<512xi32, #tpu.memory_space<vmem>>, vector<16xi32>,
    %and3A_391 = arith.constant 262143 : i32
    %and3A_392 = vector.broadcast %and3A_391 : i32 to vector<16xi32>
    %and3A_393 = arith.andi %get3A_390, %and3A_392 : vector<16xi32>
    %swap3A_394 = arith.constant 208 : index
    %swap3A_395 = tpu.vector_load %arg10[%swap3A_394] {strides = array<i32>} : memref<512xi32, #tpu.memory_space<vmem>>, vector<16xi32>,
    tpu.vector_store %arg10[%swap3A_394], %and3A_393 {strides = array<i32>} : memref<512xi32, #tpu.memory_space<vmem>>, vector<16xi32>,
    %shift_right_logical3A_396 = arith.constant 18 : i32
    %shift_right_logical3A_397 = vector.broadcast %shift_right_logical3A_396 : i32 to vector<16xi32>
    %shift_right_logical3A_398 = arith.shrui %get3A_390, %shift_right_logical3A_397 : vector<16xi32>
    %mul3A_399 = arith.constant 32 : i32
    %mul3A_400 = vector.broadcast %mul3A_399 : i32 to vector<16xi32>
    %mul3A_401 = arith.muli %shift_right_logical3A_398, %mul3A_400 : vector<16xi32>
    %swap3A_402 = arith.constant 208 : index
    %swap3A_403 = tpu.vector_load %arg12[%swap3A_402] {strides = array<i32>} : memref<512xi32, #tpu.memory_space<vmem>>, vector<16xi32>,
    tpu.vector_store %arg12[%swap3A_402], %mul3A_401 {strides = array<i32>} : memref<512xi32, #tpu.memory_space<vmem>>, vector<16xi32>,
    %get3A_404 = arith.constant 208 : index
    %get3A_405 = tpu.vector_load %arg9[%get3A_404] {strides = array<i32>} : memref<512xi32, #tpu.memory_space<vmem>>, vector<16xi32>,
    %and3A_406 = arith.constant 262143 : i32
    %and3A_407 = vector.broadcast %and3A_406 : i32 to vector<16xi32>
    %and3A_408 = arith.andi %get3A_405, %and3A_407 : vector<16xi32>
    %swap3A_409 = arith.constant 208 : index
    %swap3A_410 = tpu.vector_load %arg11[%swap3A_409] {strides = array<i32>} : memref<512xi32, #tpu.memory_space<vmem>>, vector<16xi32>,
    tpu.vector_store %arg11[%swap3A_409], %and3A_408 {strides = array<i32>} : memref<512xi32, #tpu.memory_space<vmem>>, vector<16xi32>,
    %shift_right_logical3A_411 = arith.constant 18 : i32
    %shift_right_logical3A_412 = vector.broadcast %shift_right_logical3A_411 : i32 to vector<16xi32>
    %shift_right_logical3A_413 = arith.shrui %get3A_405, %shift_right_logical3A_412 : vector<16xi32>
    %mul3A_414 = arith.constant 32 : i32
    %mul3A_415 = vector.broadcast %mul3A_414 : i32 to vector<16xi32>
    %mul3A_416 = arith.muli %shift_right_logical3A_413, %mul3A_415 : vector<16xi32>
    %swap3A_417 = arith.constant 208 : index
    %swap3A_418 = tpu.vector_load %arg13[%swap3A_417] {strides = array<i32>} : memref<512xi32, #tpu.memory_space<vmem>>, vector<16xi32>,
    tpu.vector_store %arg13[%swap3A_417], %mul3A_416 {strides = array<i32>} : memref<512xi32, #tpu.memory_space<vmem>>, vector<16xi32>,
    %get3A_419 = arith.constant 224 : index
    %get3A_420 = tpu.vector_load %arg8[%get3A_419] {strides = array<i32>} : memref<512xi32, #tpu.memory_space<vmem>>, vector<16xi32>,
    %and3A_421 = arith.constant 262143 : i32
    %and3A_422 = vector.broadcast %and3A_421 : i32 to vector<16xi32>
    %and3A_423 = arith.andi %get3A_420, %and3A_422 : vector<16xi32>
    %swap3A_424 = arith.constant 224 : index
    %swap3A_425 = tpu.vector_load %arg10[%swap3A_424] {strides = array<i32>} : memref<512xi32, #tpu.memory_space<vmem>>, vector<16xi32>,
    tpu.vector_store %arg10[%swap3A_424], %and3A_423 {strides = array<i32>} : memref<512xi32, #tpu.memory_space<vmem>>, vector<16xi32>,
    %shift_right_logical3A_426 = arith.constant 18 : i32
    %shift_right_logical3A_427 = vector.broadcast %shift_right_logical3A_426 : i32 to vector<16xi32>
    %shift_right_logical3A_428 = arith.shrui %get3A_420, %shift_right_logical3A_427 : vector<16xi32>
    %mul3A_429 = arith.constant 32 : i32
    %mul3A_430 = vector.broadcast %mul3A_429 : i32 to vector<16xi32>
    %mul3A_431 = arith.muli %shift_right_logical3A_428, %mul3A_430 : vector<16xi32>
    %swap3A_432 = arith.constant 224 : index
    %swap3A_433 = tpu.vector_load %arg12[%swap3A_432] {strides = array<i32>} : memref<512xi32, #tpu.memory_space<vmem>>, vector<16xi32>,
    tpu.vector_store %arg12[%swap3A_432], %mul3A_431 {strides = array<i32>} : memref<512xi32, #tpu.memory_space<vmem>>, vector<16xi32>,
    %get3A_434 = arith.constant 224 : index
    %get3A_435 = tpu.vector_load %arg9[%get3A_434] {strides = array<i32>} : memref<512xi32, #tpu.memory_space<vmem>>, vector<16xi32>,
    %and3A_436 = arith.constant 262143 : i32
    %and3A_437 = vector.broadcast %and3A_436 : i32 to vector<16xi32>
    %and3A_438 = arith.andi %get3A_435, %and3A_437 : vector<16xi32>
    %swap3A_439 = arith.constant 224 : index
    %swap3A_440 = tpu.vector_load %arg11[%swap3A_439] {strides = array<i32>} : memref<512xi32, #tpu.memory_space<vmem>>, vector<16xi32>,
    tpu.vector_store %arg11[%swap3A_439], %and3A_438 {strides = array<i32>} : memref<512xi32, #tpu.memory_space<vmem>>, vector<16xi32>,
    %shift_right_logical3A_441 = arith.constant 18 : i32
    %shift_right_logical3A_442 = vector.broadcast %shift_right_logical3A_441 : i32 to vector<16xi32>
    %shift_right_logical3A_443 = arith.shrui %get3A_435, %shift_right_logical3A_442 : vector<16xi32>
    %mul3A_444 = arith.constant 32 : i32
    %mul3A_445 = vector.broadcast %mul3A_444 : i32 to vector<16xi32>
    %mul3A_446 = arith.muli %shift_right_logical3A_443, %mul3A_445 : vector<16xi32>
    %swap3A_447 = arith.constant 224 : index
    %swap3A_448 = tpu.vector_load %arg13[%swap3A_447] {strides = array<i32>} : memref<512xi32, #tpu.memory_space<vmem>>, vector<16xi32>,
    tpu.vector_store %arg13[%swap3A_447], %mul3A_446 {strides = array<i32>} : memref<512xi32, #tpu.memory_space<vmem>>, vector<16xi32>,
    %get3A_449 = arith.constant 240 : index
    %get3A_450 = tpu.vector_load %arg8[%get3A_449] {strides = array<i32>} : memref<512xi32, #tpu.memory_space<vmem>>, vector<16xi32>,
    %and3A_451 = arith.constant 262143 : i32
    %and3A_452 = vector.broadcast %and3A_451 : i32 to vector<16xi32>
    %and3A_453 = arith.andi %get3A_450, %and3A_452 : vector<16xi32>
    %swap3A_454 = arith.constant 240 : index
    %swap3A_455 = tpu.vector_load %arg10[%swap3A_454] {strides = array<i32>} : memref<512xi32, #tpu.memory_space<vmem>>, vector<16xi32>,
    tpu.vector_store %arg10[%swap3A_454], %and3A_453 {strides = array<i32>} : memref<512xi32, #tpu.memory_space<vmem>>, vector<16xi32>,
    %shift_right_logical3A_456 = arith.constant 18 : i32
    %shift_right_logical3A_457 = vector.broadcast %shift_right_logical3A_456 : i32 to vector<16xi32>
    %shift_right_logical3A_458 = arith.shrui %get3A_450, %shift_right_logical3A_457 : vector<16xi32>
    %mul3A_459 = arith.constant 32 : i32
    %mul3A_460 = vector.broadcast %mul3A_459 : i32 to vector<16xi32>
    %mul3A_461 = arith.muli %shift_right_logical3A_458, %mul3A_460 : vector<16xi32>
    %swap3A_462 = arith.constant 240 : index
    %swap3A_463 = tpu.vector_load %arg12[%swap3A_462] {strides = array<i32>} : memref<512xi32, #tpu.memory_space<vmem>>, vector<16xi32>,
    tpu.vector_store %arg12[%swap3A_462], %mul3A_461 {strides = array<i32>} : memref<512xi32, #tpu.memory_space<vmem>>, vector<16xi32>,
    %get3A_464 = arith.constant 240 : index
    %get3A_465 = tpu.vector_load %arg9[%get3A_464] {strides = array<i32>} : memref<512xi32, #tpu.memory_space<vmem>>, vector<16xi32>,
    %and3A_466 = arith.constant 262143 : i32
    %and3A_467 = vector.broadcast %and3A_466 : i32 to vector<16xi32>
    %and3A_468 = arith.andi %get3A_465, %and3A_467 : vector<16xi32>
    %swap3A_469 = arith.constant 240 : index
    %swap3A_470 = tpu.vector_load %arg11[%swap3A_469] {strides = array<i32>} : memref<512xi32, #tpu.memory_space<vmem>>, vector<16xi32>,
    tpu.vector_store %arg11[%swap3A_469], %and3A_468 {strides = array<i32>} : memref<512xi32, #tpu.memory_space<vmem>>, vector<16xi32>,
    %shift_right_logical3A_471 = arith.constant 18 : i32
    %shift_right_logical3A_472 = vector.broadcast %shift_right_logical3A_471 : i32 to vector<16xi32>
    %shift_right_logical3A_473 = arith.shrui %get3A_465, %shift_right_logical3A_472 : vector<16xi32>
    %mul3A_474 = arith.constant 32 : i32
    %mul3A_475 = vector.broadcast %mul3A_474 : i32 to vector<16xi32>
    %mul3A_476 = arith.muli %shift_right_logical3A_473, %mul3A_475 : vector<16xi32>
    %swap3A_477 = arith.constant 240 : index
    %swap3A_478 = tpu.vector_load %arg13[%swap3A_477] {strides = array<i32>} : memref<512xi32, #tpu.memory_space<vmem>>, vector<16xi32>,
    tpu.vector_store %arg13[%swap3A_477], %mul3A_476 {strides = array<i32>} : memref<512xi32, #tpu.memory_space<vmem>>, vector<16xi32>,
    %get3A_479 = arith.constant 256 : index
    %get3A_480 = tpu.vector_load %arg8[%get3A_479] {strides = array<i32>} : memref<512xi32, #tpu.memory_space<vmem>>, vector<16xi32>,
    %and3A_481 = arith.constant 262143 : i32
    %and3A_482 = vector.broadcast %and3A_481 : i32 to vector<16xi32>
    %and3A_483 = arith.andi %get3A_480, %and3A_482 : vector<16xi32>
    %swap3A_484 = arith.constant 256 : index
    %swap3A_485 = tpu.vector_load %arg10[%swap3A_484] {strides = array<i32>} : memref<512xi32, #tpu.memory_space<vmem>>, vector<16xi32>,
    tpu.vector_store %arg10[%swap3A_484], %and3A_483 {strides = array<i32>} : memref<512xi32, #tpu.memory_space<vmem>>, vector<16xi32>,
    %shift_right_logical3A_486 = arith.constant 18 : i32
    %shift_right_logical3A_487 = vector.broadcast %shift_right_logical3A_486 : i32 to vector<16xi32>
    %shift_right_logical3A_488 = arith.shrui %get3A_480, %shift_right_logical3A_487 : vector<16xi32>
    %mul3A_489 = arith.constant 32 : i32
    %mul3A_490 = vector.broadcast %mul3A_489 : i32 to vector<16xi32>
    %mul3A_491 = arith.muli %shift_right_logical3A_488, %mul3A_490 : vector<16xi32>
    %swap3A_492 = arith.constant 256 : index
    %swap3A_493 = tpu.vector_load %arg12[%swap3A_492] {strides = array<i32>} : memref<512xi32, #tpu.memory_space<vmem>>, vector<16xi32>,
    tpu.vector_store %arg12[%swap3A_492], %mul3A_491 {strides = array<i32>} : memref<512xi32, #tpu.memory_space<vmem>>, vector<16xi32>,
    %get3A_494 = arith.constant 256 : index
    %get3A_495 = tpu.vector_load %arg9[%get3A_494] {strides = array<i32>} : memref<512xi32, #tpu.memory_space<vmem>>, vector<16xi32>,
    %and3A_496 = arith.constant 262143 : i32
    %and3A_497 = vector.broadcast %and3A_496 : i32 to vector<16xi32>
    %and3A_498 = arith.andi %get3A_495, %and3A_497 : vector<16xi32>
    %swap3A_499 = arith.constant 256 : index
    %swap3A_500 = tpu.vector_load %arg11[%swap3A_499] {strides = array<i32>} : memref<512xi32, #tpu.memory_space<vmem>>, vector<16xi32>,
    tpu.vector_store %arg11[%swap3A_499], %and3A_498 {strides = array<i32>} : memref<512xi32, #tpu.memory_space<vmem>>, vector<16xi32>,
    %shift_right_logical3A_501 = arith.constant 18 : i32
    %shift_right_logical3A_502 = vector.broadcast %shift_right_logical3A_501 : i32 to vector<16xi32>
    %shift_right_logical3A_503 = arith.shrui %get3A_495, %shift_right_logical3A_502 : vector<16xi32>
    %mul3A_504 = arith.constant 32 : i32
    %mul3A_505 = vector.broadcast %mul3A_504 : i32 to vector<16xi32>
    %mul3A_506 = arith.muli %shift_right_logical3A_503, %mul3A_505 : vector<16xi32>
    %swap3A_507 = arith.constant 256 : index
    %swap3A_508 = tpu.vector_load %arg13[%swap3A_507] {strides = array<i32>} : memref<512xi32, #tpu.memory_space<vmem>>, vector<16xi32>,
    tpu.vector_store %arg13[%swap3A_507], %mul3A_506 {strides = array<i32>} : memref<512xi32, #tpu.memory_space<vmem>>, vector<16xi32>,
    %get3A_509 = arith.constant 272 : index
    %get3A_510 = tpu.vector_load %arg8[%get3A_509] {strides = array<i32>} : memref<512xi32, #tpu.memory_space<vmem>>, vector<16xi32>,
    %and3A_511 = arith.constant 262143 : i32
    %and3A_512 = vector.broadcast %and3A_511 : i32 to vector<16xi32>
    %and3A_513 = arith.andi %get3A_510, %and3A_512 : vector<16xi32>
    %swap3A_514 = arith.constant 272 : index
    %swap3A_515 = tpu.vector_load %arg10[%swap3A_514] {strides = array<i32>} : memref<512xi32, #tpu.memory_space<vmem>>, vector<16xi32>,
    tpu.vector_store %arg10[%swap3A_514], %and3A_513 {strides = array<i32>} : memref<512xi32, #tpu.memory_space<vmem>>, vector<16xi32>,
    %shift_right_logical3A_516 = arith.constant 18 : i32
    %shift_right_logical3A_517 = vector.broadcast %shift_right_logical3A_516 : i32 to vector<16xi32>
    %shift_right_logical3A_518 = arith.shrui %get3A_510, %shift_right_logical3A_517 : vector<16xi32>
    %mul3A_519 = arith.constant 32 : i32
    %mul3A_520 = vector.broadcast %mul3A_519 : i32 to vector<16xi32>
    %mul3A_521 = arith.muli %shift_right_logical3A_518, %mul3A_520 : vector<16xi32>
    %swap3A_522 = arith.constant 272 : index
    %swap3A_523 = tpu.vector_load %arg12[%swap3A_522] {strides = array<i32>} : memref<512xi32, #tpu.memory_space<vmem>>, vector<16xi32>,
    tpu.vector_store %arg12[%swap3A_522], %mul3A_521 {strides = array<i32>} : memref<512xi32, #tpu.memory_space<vmem>>, vector<16xi32>,
    %get3A_524 = arith.constant 272 : index
    %get3A_525 = tpu.vector_load %arg9[%get3A_524] {strides = array<i32>} : memref<512xi32, #tpu.memory_space<vmem>>, vector<16xi32>,
    %and3A_526 = arith.constant 262143 : i32
    %and3A_527 = vector.broadcast %and3A_526 : i32 to vector<16xi32>
    %and3A_528 = arith.andi %get3A_525, %and3A_527 : vector<16xi32>
    %swap3A_529 = arith.constant 272 : index
    %swap3A_530 = tpu.vector_load %arg11[%swap3A_529] {strides = array<i32>} : memref<512xi32, #tpu.memory_space<vmem>>, vector<16xi32>,
    tpu.vector_store %arg11[%swap3A_529], %and3A_528 {strides = array<i32>} : memref<512xi32, #tpu.memory_space<vmem>>, vector<16xi32>,
    %shift_right_logical3A_531 = arith.constant 18 : i32
    %shift_right_logical3A_532 = vector.broadcast %shift_right_logical3A_531 : i32 to vector<16xi32>
    %shift_right_logical3A_533 = arith.shrui %get3A_525, %shift_right_logical3A_532 : vector<16xi32>
    %mul3A_534 = arith.constant 32 : i32
    %mul3A_535 = vector.broadcast %mul3A_534 : i32 to vector<16xi32>
    %mul3A_536 = arith.muli %shift_right_logical3A_533, %mul3A_535 : vector<16xi32>
    %swap3A_537 = arith.constant 272 : index
    %swap3A_538 = tpu.vector_load %arg13[%swap3A_537] {strides = array<i32>} : memref<512xi32, #tpu.memory_space<vmem>>, vector<16xi32>,
    tpu.vector_store %arg13[%swap3A_537], %mul3A_536 {strides = array<i32>} : memref<512xi32, #tpu.memory_space<vmem>>, vector<16xi32>,
    %get3A_539 = arith.constant 288 : index
    %get3A_540 = tpu.vector_load %arg8[%get3A_539] {strides = array<i32>} : memref<512xi32, #tpu.memory_space<vmem>>, vector<16xi32>,
    %and3A_541 = arith.constant 262143 : i32
    %and3A_542 = vector.broadcast %and3A_541 : i32 to vector<16xi32>
    %and3A_543 = arith.andi %get3A_540, %and3A_542 : vector<16xi32>
    %swap3A_544 = arith.constant 288 : index
    %swap3A_545 = tpu.vector_load %arg10[%swap3A_544] {strides = array<i32>} : memref<512xi32, #tpu.memory_space<vmem>>, vector<16xi32>,
    tpu.vector_store %arg10[%swap3A_544], %and3A_543 {strides = array<i32>} : memref<512xi32, #tpu.memory_space<vmem>>, vector<16xi32>,
    %shift_right_logical3A_546 = arith.constant 18 : i32
    %shift_right_logical3A_547 = vector.broadcast %shift_right_logical3A_546 : i32 to vector<16xi32>
    %shift_right_logical3A_548 = arith.shrui %get3A_540, %shift_right_logical3A_547 : vector<16xi32>
    %mul3A_549 = arith.constant 32 : i32
    %mul3A_550 = vector.broadcast %mul3A_549 : i32 to vector<16xi32>
    %mul3A_551 = arith.muli %shift_right_logical3A_548, %mul3A_550 : vector<16xi32>
    %swap3A_552 = arith.constant 288 : index
    %swap3A_553 = tpu.vector_load %arg12[%swap3A_552] {strides = array<i32>} : memref<512xi32, #tpu.memory_space<vmem>>, vector<16xi32>,
    tpu.vector_store %arg12[%swap3A_552], %mul3A_551 {strides = array<i32>} : memref<512xi32, #tpu.memory_space<vmem>>, vector<16xi32>,
    %get3A_554 = arith.constant 288 : index
    %get3A_555 = tpu.vector_load %arg9[%get3A_554] {strides = array<i32>} : memref<512xi32, #tpu.memory_space<vmem>>, vector<16xi32>,
    %and3A_556 = arith.constant 262143 : i32
    %and3A_557 = vector.broadcast %and3A_556 : i32 to vector<16xi32>
    %and3A_558 = arith.andi %get3A_555, %and3A_557 : vector<16xi32>
    %swap3A_559 = arith.constant 288 : index
    %swap3A_560 = tpu.vector_load %arg11[%swap3A_559] {strides = array<i32>} : memref<512xi32, #tpu.memory_space<vmem>>, vector<16xi32>,
    tpu.vector_store %arg11[%swap3A_559], %and3A_558 {strides = array<i32>} : memref<512xi32, #tpu.memory_space<vmem>>, vector<16xi32>,
    %shift_right_logical3A_561 = arith.constant 18 : i32
    %shift_right_logical3A_562 = vector.broadcast %shift_right_logical3A_561 : i32 to vector<16xi32>
    %shift_right_logical3A_563 = arith.shrui %get3A_555, %shift_right_logical3A_562 : vector<16xi32>
    %mul3A_564 = arith.constant 32 : i32
    %mul3A_565 = vector.broadcast %mul3A_564 : i32 to vector<16xi32>
    %mul3A_566 = arith.muli %shift_right_logical3A_563, %mul3A_565 : vector<16xi32>
    %swap3A_567 = arith.constant 288 : index
    %swap3A_568 = tpu.vector_load %arg13[%swap3A_567] {strides = array<i32>} : memref<512xi32, #tpu.memory_space<vmem>>, vector<16xi32>,
    tpu.vector_store %arg13[%swap3A_567], %mul3A_566 {strides = array<i32>} : memref<512xi32, #tpu.memory_space<vmem>>, vector<16xi32>,
    %get3A_569 = arith.constant 304 : index
    %get3A_570 = tpu.vector_load %arg8[%get3A_569] {strides = array<i32>} : memref<512xi32, #tpu.memory_space<vmem>>, vector<16xi32>,
    %and3A_571 = arith.constant 262143 : i32
    %and3A_572 = vector.broadcast %and3A_571 : i32 to vector<16xi32>
    %and3A_573 = arith.andi %get3A_570, %and3A_572 : vector<16xi32>
    %swap3A_574 = arith.constant 304 : index
    %swap3A_575 = tpu.vector_load %arg10[%swap3A_574] {strides = array<i32>} : memref<512xi32, #tpu.memory_space<vmem>>, vector<16xi32>,
    tpu.vector_store %arg10[%swap3A_574], %and3A_573 {strides = array<i32>} : memref<512xi32, #tpu.memory_space<vmem>>, vector<16xi32>,
    %shift_right_logical3A_576 = arith.constant 18 : i32
    %shift_right_logical3A_577 = vector.broadcast %shift_right_logical3A_576 : i32 to vector<16xi32>
    %shift_right_logical3A_578 = arith.shrui %get3A_570, %shift_right_logical3A_577 : vector<16xi32>
    %mul3A_579 = arith.constant 32 : i32
    %mul3A_580 = vector.broadcast %mul3A_579 : i32 to vector<16xi32>
    %mul3A_581 = arith.muli %shift_right_logical3A_578, %mul3A_580 : vector<16xi32>
    %swap3A_582 = arith.constant 304 : index
    %swap3A_583 = tpu.vector_load %arg12[%swap3A_582] {strides = array<i32>} : memref<512xi32, #tpu.memory_space<vmem>>, vector<16xi32>,
    tpu.vector_store %arg12[%swap3A_582], %mul3A_581 {strides = array<i32>} : memref<512xi32, #tpu.memory_space<vmem>>, vector<16xi32>,
    %get3A_584 = arith.constant 304 : index
    %get3A_585 = tpu.vector_load %arg9[%get3A_584] {strides = array<i32>} : memref<512xi32, #tpu.memory_space<vmem>>, vector<16xi32>,
    %and3A_586 = arith.constant 262143 : i32
    %and3A_587 = vector.broadcast %and3A_586 : i32 to vector<16xi32>
    %and3A_588 = arith.andi %get3A_585, %and3A_587 : vector<16xi32>
    %swap3A_589 = arith.constant 304 : index
    %swap3A_590 = tpu.vector_load %arg11[%swap3A_589] {strides = array<i32>} : memref<512xi32, #tpu.memory_space<vmem>>, vector<16xi32>,
    tpu.vector_store %arg11[%swap3A_589], %and3A_588 {strides = array<i32>} : memref<512xi32, #tpu.memory_space<vmem>>, vector<16xi32>,
    %shift_right_logical3A_591 = arith.constant 18 : i32
    %shift_right_logical3A_592 = vector.broadcast %shift_right_logical3A_591 : i32 to vector<16xi32>
    %shift_right_logical3A_593 = arith.shrui %get3A_585, %shift_right_logical3A_592 : vector<16xi32>
    %mul3A_594 = arith.constant 32 : i32
    %mul3A_595 = vector.broadcast %mul3A_594 : i32 to vector<16xi32>
    %mul3A_596 = arith.muli %shift_right_logical3A_593, %mul3A_595 : vector<16xi32>
    %swap3A_597 = arith.constant 304 : index
    %swap3A_598 = tpu.vector_load %arg13[%swap3A_597] {strides = array<i32>} : memref<512xi32, #tpu.memory_space<vmem>>, vector<16xi32>,
    tpu.vector_store %arg13[%swap3A_597], %mul3A_596 {strides = array<i32>} : memref<512xi32, #tpu.memory_space<vmem>>, vector<16xi32>,
    %get3A_599 = arith.constant 320 : index
    %get3A_600 = tpu.vector_load %arg8[%get3A_599] {strides = array<i32>} : memref<512xi32, #tpu.memory_space<vmem>>, vector<16xi32>,
    %and3A_601 = arith.constant 262143 : i32
    %and3A_602 = vector.broadcast %and3A_601 : i32 to vector<16xi32>
    %and3A_603 = arith.andi %get3A_600, %and3A_602 : vector<16xi32>
    %swap3A_604 = arith.constant 320 : index
    %swap3A_605 = tpu.vector_load %arg10[%swap3A_604] {strides = array<i32>} : memref<512xi32, #tpu.memory_space<vmem>>, vector<16xi32>,
    tpu.vector_store %arg10[%swap3A_604], %and3A_603 {strides = array<i32>} : memref<512xi32, #tpu.memory_space<vmem>>, vector<16xi32>,
    %shift_right_logical3A_606 = arith.constant 18 : i32
    %shift_right_logical3A_607 = vector.broadcast %shift_right_logical3A_606 : i32 to vector<16xi32>
    %shift_right_logical3A_608 = arith.shrui %get3A_600, %shift_right_logical3A_607 : vector<16xi32>
    %mul3A_609 = arith.constant 32 : i32
    %mul3A_610 = vector.broadcast %mul3A_609 : i32 to vector<16xi32>
    %mul3A_611 = arith.muli %shift_right_logical3A_608, %mul3A_610 : vector<16xi32>
    %swap3A_612 = arith.constant 320 : index
    %swap3A_613 = tpu.vector_load %arg12[%swap3A_612] {strides = array<i32>} : memref<512xi32, #tpu.memory_space<vmem>>, vector<16xi32>,
    tpu.vector_store %arg12[%swap3A_612], %mul3A_611 {strides = array<i32>} : memref<512xi32, #tpu.memory_space<vmem>>, vector<16xi32>,
    %get3A_614 = arith.constant 320 : index
    %get3A_615 = tpu.vector_load %arg9[%get3A_614] {strides = array<i32>} : memref<512xi32, #tpu.memory_space<vmem>>, vector<16xi32>,
    %and3A_616 = arith.constant 262143 : i32
    %and3A_617 = vector.broadcast %and3A_616 : i32 to vector<16xi32>
    %and3A_618 = arith.andi %get3A_615, %and3A_617 : vector<16xi32>
    %swap3A_619 = arith.constant 320 : index
    %swap3A_620 = tpu.vector_load %arg11[%swap3A_619] {strides = array<i32>} : memref<512xi32, #tpu.memory_space<vmem>>, vector<16xi32>,
    tpu.vector_store %arg11[%swap3A_619], %and3A_618 {strides = array<i32>} : memref<512xi32, #tpu.memory_space<vmem>>, vector<16xi32>,
    %shift_right_logical3A_621 = arith.constant 18 : i32
    %shift_right_logical3A_622 = vector.broadcast %shift_right_logical3A_621 : i32 to vector<16xi32>
    %shift_right_logical3A_623 = arith.shrui %get3A_615, %shift_right_logical3A_622 : vector<16xi32>
    %mul3A_624 = arith.constant 32 : i32
    %mul3A_625 = vector.broadcast %mul3A_624 : i32 to vector<16xi32>
    %mul3A_626 = arith.muli %shift_right_logical3A_623, %mul3A_625 : vector<16xi32>
    %swap3A_627 = arith.constant 320 : index
    %swap3A_628 = tpu.vector_load %arg13[%swap3A_627] {strides = array<i32>} : memref<512xi32, #tpu.memory_space<vmem>>, vector<16xi32>,
    tpu.vector_store %arg13[%swap3A_627], %mul3A_626 {strides = array<i32>} : memref<512xi32, #tpu.memory_space<vmem>>, vector<16xi32>,
    %get3A_629 = arith.constant 336 : index
    %get3A_630 = tpu.vector_load %arg8[%get3A_629] {strides = array<i32>} : memref<512xi32, #tpu.memory_space<vmem>>, vector<16xi32>,
    %and3A_631 = arith.constant 262143 : i32
    %and3A_632 = vector.broadcast %and3A_631 : i32 to vector<16xi32>
    %and3A_633 = arith.andi %get3A_630, %and3A_632 : vector<16xi32>
    %swap3A_634 = arith.constant 336 : index
    %swap3A_635 = tpu.vector_load %arg10[%swap3A_634] {strides = array<i32>} : memref<512xi32, #tpu.memory_space<vmem>>, vector<16xi32>,
    tpu.vector_store %arg10[%swap3A_634], %and3A_633 {strides = array<i32>} : memref<512xi32, #tpu.memory_space<vmem>>, vector<16xi32>,
    %shift_right_logical3A_636 = arith.constant 18 : i32
    %shift_right_logical3A_637 = vector.broadcast %shift_right_logical3A_636 : i32 to vector<16xi32>
    %shift_right_logical3A_638 = arith.shrui %get3A_630, %shift_right_logical3A_637 : vector<16xi32>
    %mul3A_639 = arith.constant 32 : i32
    %mul3A_640 = vector.broadcast %mul3A_639 : i32 to vector<16xi32>
    %mul3A_641 = arith.muli %shift_right_logical3A_638, %mul3A_640 : vector<16xi32>
    %swap3A_642 = arith.constant 336 : index
    %swap3A_643 = tpu.vector_load %arg12[%swap3A_642] {strides = array<i32>} : memref<512xi32, #tpu.memory_space<vmem>>, vector<16xi32>,
    tpu.vector_store %arg12[%swap3A_642], %mul3A_641 {strides = array<i32>} : memref<512xi32, #tpu.memory_space<vmem>>, vector<16xi32>,
    %get3A_644 = arith.constant 336 : index
    %get3A_645 = tpu.vector_load %arg9[%get3A_644] {strides = array<i32>} : memref<512xi32, #tpu.memory_space<vmem>>, vector<16xi32>,
    %and3A_646 = arith.constant 262143 : i32
    %and3A_647 = vector.broadcast %and3A_646 : i32 to vector<16xi32>
    %and3A_648 = arith.andi %get3A_645, %and3A_647 : vector<16xi32>
    %swap3A_649 = arith.constant 336 : index
    %swap3A_650 = tpu.vector_load %arg11[%swap3A_649] {strides = array<i32>} : memref<512xi32, #tpu.memory_space<vmem>>, vector<16xi32>,
    tpu.vector_store %arg11[%swap3A_649], %and3A_648 {strides = array<i32>} : memref<512xi32, #tpu.memory_space<vmem>>, vector<16xi32>,
    %shift_right_logical3A_651 = arith.constant 18 : i32
    %shift_right_logical3A_652 = vector.broadcast %shift_right_logical3A_651 : i32 to vector<16xi32>
    %shift_right_logical3A_653 = arith.shrui %get3A_645, %shift_right_logical3A_652 : vector<16xi32>
    %mul3A_654 = arith.constant 32 : i32
    %mul3A_655 = vector.broadcast %mul3A_654 : i32 to vector<16xi32>
    %mul3A_656 = arith.muli %shift_right_logical3A_653, %mul3A_655 : vector<16xi32>
    %swap3A_657 = arith.constant 336 : index
    %swap3A_658 = tpu.vector_load %arg13[%swap3A_657] {strides = array<i32>} : memref<512xi32, #tpu.memory_space<vmem>>, vector<16xi32>,
    tpu.vector_store %arg13[%swap3A_657], %mul3A_656 {strides = array<i32>} : memref<512xi32, #tpu.memory_space<vmem>>, vector<16xi32>,
    %get3A_659 = arith.constant 352 : index
    %get3A_660 = tpu.vector_load %arg8[%get3A_659] {strides = array<i32>} : memref<512xi32, #tpu.memory_space<vmem>>, vector<16xi32>,
    %and3A_661 = arith.constant 262143 : i32
    %and3A_662 = vector.broadcast %and3A_661 : i32 to vector<16xi32>
    %and3A_663 = arith.andi %get3A_660, %and3A_662 : vector<16xi32>
    %swap3A_664 = arith.constant 352 : index
    %swap3A_665 = tpu.vector_load %arg10[%swap3A_664] {strides = array<i32>} : memref<512xi32, #tpu.memory_space<vmem>>, vector<16xi32>,
    tpu.vector_store %arg10[%swap3A_664], %and3A_663 {strides = array<i32>} : memref<512xi32, #tpu.memory_space<vmem>>, vector<16xi32>,
    %shift_right_logical3A_666 = arith.constant 18 : i32
    %shift_right_logical3A_667 = vector.broadcast %shift_right_logical3A_666 : i32 to vector<16xi32>
    %shift_right_logical3A_668 = arith.shrui %get3A_660, %shift_right_logical3A_667 : vector<16xi32>
    %mul3A_669 = arith.constant 32 : i32
    %mul3A_670 = vector.broadcast %mul3A_669 : i32 to vector<16xi32>
    %mul3A_671 = arith.muli %shift_right_logical3A_668, %mul3A_670 : vector<16xi32>
    %swap3A_672 = arith.constant 352 : index
    %swap3A_673 = tpu.vector_load %arg12[%swap3A_672] {strides = array<i32>} : memref<512xi32, #tpu.memory_space<vmem>>, vector<16xi32>,
    tpu.vector_store %arg12[%swap3A_672], %mul3A_671 {strides = array<i32>} : memref<512xi32, #tpu.memory_space<vmem>>, vector<16xi32>,
    %get3A_674 = arith.constant 352 : index
    %get3A_675 = tpu.vector_load %arg9[%get3A_674] {strides = array<i32>} : memref<512xi32, #tpu.memory_space<vmem>>, vector<16xi32>,
    %and3A_676 = arith.constant 262143 : i32
    %and3A_677 = vector.broadcast %and3A_676 : i32 to vector<16xi32>
    %and3A_678 = arith.andi %get3A_675, %and3A_677 : vector<16xi32>
    %swap3A_679 = arith.constant 352 : index
    %swap3A_680 = tpu.vector_load %arg11[%swap3A_679] {strides = array<i32>} : memref<512xi32, #tpu.memory_space<vmem>>, vector<16xi32>,
    tpu.vector_store %arg11[%swap3A_679], %and3A_678 {strides = array<i32>} : memref<512xi32, #tpu.memory_space<vmem>>, vector<16xi32>,
    %shift_right_logical3A_681 = arith.constant 18 : i32
    %shift_right_logical3A_682 = vector.broadcast %shift_right_logical3A_681 : i32 to vector<16xi32>
    %shift_right_logical3A_683 = arith.shrui %get3A_675, %shift_right_logical3A_682 : vector<16xi32>
    %mul3A_684 = arith.constant 32 : i32
    %mul3A_685 = vector.broadcast %mul3A_684 : i32 to vector<16xi32>
    %mul3A_686 = arith.muli %shift_right_logical3A_683, %mul3A_685 : vector<16xi32>
    %swap3A_687 = arith.constant 352 : index
    %swap3A_688 = tpu.vector_load %arg13[%swap3A_687] {strides = array<i32>} : memref<512xi32, #tpu.memory_space<vmem>>, vector<16xi32>,
    tpu.vector_store %arg13[%swap3A_687], %mul3A_686 {strides = array<i32>} : memref<512xi32, #tpu.memory_space<vmem>>, vector<16xi32>,
    %get3A_689 = arith.constant 368 : index
    %get3A_690 = tpu.vector_load %arg8[%get3A_689] {strides = array<i32>} : memref<512xi32, #tpu.memory_space<vmem>>, vector<16xi32>,
    %and3A_691 = arith.constant 262143 : i32
    %and3A_692 = vector.broadcast %and3A_691 : i32 to vector<16xi32>
    %and3A_693 = arith.andi %get3A_690, %and3A_692 : vector<16xi32>
    %swap3A_694 = arith.constant 368 : index
    %swap3A_695 = tpu.vector_load %arg10[%swap3A_694] {strides = array<i32>} : memref<512xi32, #tpu.memory_space<vmem>>, vector<16xi32>,
    tpu.vector_store %arg10[%swap3A_694], %and3A_693 {strides = array<i32>} : memref<512xi32, #tpu.memory_space<vmem>>, vector<16xi32>,
    %shift_right_logical3A_696 = arith.constant 18 : i32
    %shift_right_logical3A_697 = vector.broadcast %shift_right_logical3A_696 : i32 to vector<16xi32>
    %shift_right_logical3A_698 = arith.shrui %get3A_690, %shift_right_logical3A_697 : vector<16xi32>
    %mul3A_699 = arith.constant 32 : i32
    %mul3A_700 = vector.broadcast %mul3A_699 : i32 to vector<16xi32>
    %mul3A_701 = arith.muli %shift_right_logical3A_698, %mul3A_700 : vector<16xi32>
    %swap3A_702 = arith.constant 368 : index
    %swap3A_703 = tpu.vector_load %arg12[%swap3A_702] {strides = array<i32>} : memref<512xi32, #tpu.memory_space<vmem>>, vector<16xi32>,
    tpu.vector_store %arg12[%swap3A_702], %mul3A_701 {strides = array<i32>} : memref<512xi32, #tpu.memory_space<vmem>>, vector<16xi32>,
    %get3A_704 = arith.constant 368 : index
    %get3A_705 = tpu.vector_load %arg9[%get3A_704] {strides = array<i32>} : memref<512xi32, #tpu.memory_space<vmem>>, vector<16xi32>,
    %and3A_706 = arith.constant 262143 : i32
    %and3A_707 = vector.broadcast %and3A_706 : i32 to vector<16xi32>
    %and3A_708 = arith.andi %get3A_705, %and3A_707 : vector<16xi32>
    %swap3A_709 = arith.constant 368 : index
    %swap3A_710 = tpu.vector_load %arg11[%swap3A_709] {strides = array<i32>} : memref<512xi32, #tpu.memory_space<vmem>>, vector<16xi32>,
    tpu.vector_store %arg11[%swap3A_709], %and3A_708 {strides = array<i32>} : memref<512xi32, #tpu.memory_space<vmem>>, vector<16xi32>,
    %shift_right_logical3A_711 = arith.constant 18 : i32
    %shift_right_logical3A_712 = vector.broadcast %shift_right_logical3A_711 : i32 to vector<16xi32>
    %shift_right_logical3A_713 = arith.shrui %get3A_705, %shift_right_logical3A_712 : vector<16xi32>
    %mul3A_714 = arith.constant 32 : i32
    %mul3A_715 = vector.broadcast %mul3A_714 : i32 to vector<16xi32>
    %mul3A_716 = arith.muli %shift_right_logical3A_713, %mul3A_715 : vector<16xi32>
    %swap3A_717 = arith.constant 368 : index
    %swap3A_718 = tpu.vector_load %arg13[%swap3A_717] {strides = array<i32>} : memref<512xi32, #tpu.memory_space<vmem>>, vector<16xi32>,
    tpu.vector_store %arg13[%swap3A_717], %mul3A_716 {strides = array<i32>} : memref<512xi32, #tpu.memory_space<vmem>>, vector<16xi32>,
    %get3A_719 = arith.constant 384 : index
    %get3A_720 = tpu.vector_load %arg8[%get3A_719] {strides = array<i32>} : memref<512xi32, #tpu.memory_space<vmem>>, vector<16xi32>,
    %and3A_721 = arith.constant 262143 : i32
    %and3A_722 = vector.broadcast %and3A_721 : i32 to vector<16xi32>
    %and3A_723 = arith.andi %get3A_720, %and3A_722 : vector<16xi32>
    %swap3A_724 = arith.constant 384 : index
    %swap3A_725 = tpu.vector_load %arg10[%swap3A_724] {strides = array<i32>} : memref<512xi32, #tpu.memory_space<vmem>>, vector<16xi32>,
    tpu.vector_store %arg10[%swap3A_724], %and3A_723 {strides = array<i32>} : memref<512xi32, #tpu.memory_space<vmem>>, vector<16xi32>,
    %shift_right_logical3A_726 = arith.constant 18 : i32
    %shift_right_logical3A_727 = vector.broadcast %shift_right_logical3A_726 : i32 to vector<16xi32>
    %shift_right_logical3A_728 = arith.shrui %get3A_720, %shift_right_logical3A_727 : vector<16xi32>
    %mul3A_729 = arith.constant 32 : i32
    %mul3A_730 = vector.broadcast %mul3A_729 : i32 to vector<16xi32>
    %mul3A_731 = arith.muli %shift_right_logical3A_728, %mul3A_730 : vector<16xi32>
    %swap3A_732 = arith.constant 384 : index
    %swap3A_733 = tpu.vector_load %arg12[%swap3A_732] {strides = array<i32>} : memref<512xi32, #tpu.memory_space<vmem>>, vector<16xi32>,
    tpu.vector_store %arg12[%swap3A_732], %mul3A_731 {strides = array<i32>} : memref<512xi32, #tpu.memory_space<vmem>>, vector<16xi32>,
    %get3A_734 = arith.constant 384 : index
    %get3A_735 = tpu.vector_load %arg9[%get3A_734] {strides = array<i32>} : memref<512xi32, #tpu.memory_space<vmem>>, vector<16xi32>,
    %and3A_736 = arith.constant 262143 : i32
    %and3A_737 = vector.broadcast %and3A_736 : i32 to vector<16xi32>
    %and3A_738 = arith.andi %get3A_735, %and3A_737 : vector<16xi32>
    %swap3A_739 = arith.constant 384 : index
    %swap3A_740 = tpu.vector_load %arg11[%swap3A_739] {strides = array<i32>} : memref<512xi32, #tpu.memory_space<vmem>>, vector<16xi32>,
    tpu.vector_store %arg11[%swap3A_739], %and3A_738 {strides = array<i32>} : memref<512xi32, #tpu.memory_space<vmem>>, vector<16xi32>,
    %shift_right_logical3A_741 = arith.constant 18 : i32
    %shift_right_logical3A_742 = vector.broadcast %shift_right_logical3A_741 : i32 to vector<16xi32>
    %shift_right_logical3A_743 = arith.shrui %get3A_735, %shift_right_logical3A_742 : vector<16xi32>
    %mul3A_744 = arith.constant 32 : i32
    %mul3A_745 = vector.broadcast %mul3A_744 : i32 to vector<16xi32>
    %mul3A_746 = arith.muli %shift_right_logical3A_743, %mul3A_745 : vector<16xi32>
    %swap3A_747 = arith.constant 384 : index
    %swap3A_748 = tpu.vector_load %arg13[%swap3A_747] {strides = array<i32>} : memref<512xi32, #tpu.memory_space<vmem>>, vector<16xi32>,
    tpu.vector_store %arg13[%swap3A_747], %mul3A_746 {strides = array<i32>} : memref<512xi32, #tpu.memory_space<vmem>>, vector<16xi32>,
    %get3A_749 = arith.constant 400 : index
    %get3A_750 = tpu.vector_load %arg8[%get3A_749] {strides = array<i32>} : memref<512xi32, #tpu.memory_space<vmem>>, vector<16xi32>,
    %and3A_751 = arith.constant 262143 : i32
    %and3A_752 = vector.broadcast %and3A_751 : i32 to vector<16xi32>
    %and3A_753 = arith.andi %get3A_750, %and3A_752 : vector<16xi32>
    %swap3A_754 = arith.constant 400 : index
    %swap3A_755 = tpu.vector_load %arg10[%swap3A_754] {strides = array<i32>} : memref<512xi32, #tpu.memory_space<vmem>>, vector<16xi32>,
    tpu.vector_store %arg10[%swap3A_754], %and3A_753 {strides = array<i32>} : memref<512xi32, #tpu.memory_space<vmem>>, vector<16xi32>,
    %shift_right_logical3A_756 = arith.constant 18 : i32
    %shift_right_logical3A_757 = vector.broadcast %shift_right_logical3A_756 : i32 to vector<16xi32>
    %shift_right_logical3A_758 = arith.shrui %get3A_750, %shift_right_logical3A_757 : vector<16xi32>
    %mul3A_759 = arith.constant 32 : i32
    %mul3A_760 = vector.broadcast %mul3A_759 : i32 to vector<16xi32>
    %mul3A_761 = arith.muli %shift_right_logical3A_758, %mul3A_760 : vector<16xi32>
    %swap3A_762 = arith.constant 400 : index
    %swap3A_763 = tpu.vector_load %arg12[%swap3A_762] {strides = array<i32>} : memref<512xi32, #tpu.memory_space<vmem>>, vector<16xi32>,
    tpu.vector_store %arg12[%swap3A_762], %mul3A_761 {strides = array<i32>} : memref<512xi32, #tpu.memory_space<vmem>>, vector<16xi32>,
    %get3A_764 = arith.constant 400 : index
    %get3A_765 = tpu.vector_load %arg9[%get3A_764] {strides = array<i32>} : memref<512xi32, #tpu.memory_space<vmem>>, vector<16xi32>,
    %and3A_766 = arith.constant 262143 : i32
    %and3A_767 = vector.broadcast %and3A_766 : i32 to vector<16xi32>
    %and3A_768 = arith.andi %get3A_765, %and3A_767 : vector<16xi32>
    %swap3A_769 = arith.constant 400 : index
    %swap3A_770 = tpu.vector_load %arg11[%swap3A_769] {strides = array<i32>} : memref<512xi32, #tpu.memory_space<vmem>>, vector<16xi32>,
    tpu.vector_store %arg11[%swap3A_769], %and3A_768 {strides = array<i32>} : memref<512xi32, #tpu.memory_space<vmem>>, vector<16xi32>,
    %shift_right_logical3A_771 = arith.constant 18 : i32
    %shift_right_logical3A_772 = vector.broadcast %shift_right_logical3A_771 : i32 to vector<16xi32>
    %shift_right_logical3A_773 = arith.shrui %get3A_765, %shift_right_logical3A_772 : vector<16xi32>
    %mul3A_774 = arith.constant 32 : i32
    %mul3A_775 = vector.broadcast %mul3A_774 : i32 to vector<16xi32>
    %mul3A_776 = arith.muli %shift_right_logical3A_773, %mul3A_775 : vector<16xi32>
    %swap3A_777 = arith.constant 400 : index
    %swap3A_778 = tpu.vector_load %arg13[%swap3A_777] {strides = array<i32>} : memref<512xi32, #tpu.memory_space<vmem>>, vector<16xi32>,
    tpu.vector_store %arg13[%swap3A_777], %mul3A_776 {strides = array<i32>} : memref<512xi32, #tpu.memory_space<vmem>>, vector<16xi32>,
    %get3A_779 = arith.constant 416 : index
    %get3A_780 = tpu.vector_load %arg8[%get3A_779] {strides = array<i32>} : memref<512xi32, #tpu.memory_space<vmem>>, vector<16xi32>,
    %and3A_781 = arith.constant 262143 : i32
    %and3A_782 = vector.broadcast %and3A_781 : i32 to vector<16xi32>
    %and3A_783 = arith.andi %get3A_780, %and3A_782 : vector<16xi32>
    %swap3A_784 = arith.constant 416 : index
    %swap3A_785 = tpu.vector_load %arg10[%swap3A_784] {strides = array<i32>} : memref<512xi32, #tpu.memory_space<vmem>>, vector<16xi32>,
    tpu.vector_store %arg10[%swap3A_784], %and3A_783 {strides = array<i32>} : memref<512xi32, #tpu.memory_space<vmem>>, vector<16xi32>,
    %shift_right_logical3A_786 = arith.constant 18 : i32
    %shift_right_logical3A_787 = vector.broadcast %shift_right_logical3A_786 : i32 to vector<16xi32>
    %shift_right_logical3A_788 = arith.shrui %get3A_780, %shift_right_logical3A_787 : vector<16xi32>
    %mul3A_789 = arith.constant 32 : i32
    %mul3A_790 = vector.broadcast %mul3A_789 : i32 to vector<16xi32>
    %mul3A_791 = arith.muli %shift_right_logical3A_788, %mul3A_790 : vector<16xi32>
    %swap3A_792 = arith.constant 416 : index
    %swap3A_793 = tpu.vector_load %arg12[%swap3A_792] {strides = array<i32>} : memref<512xi32, #tpu.memory_space<vmem>>, vector<16xi32>,
    tpu.vector_store %arg12[%swap3A_792], %mul3A_791 {strides = array<i32>} : memref<512xi32, #tpu.memory_space<vmem>>, vector<16xi32>,
    %get3A_794 = arith.constant 416 : index
    %get3A_795 = tpu.vector_load %arg9[%get3A_794] {strides = array<i32>} : memref<512xi32, #tpu.memory_space<vmem>>, vector<16xi32>,
    %and3A_796 = arith.constant 262143 : i32
    %and3A_797 = vector.broadcast %and3A_796 : i32 to vector<16xi32>
    %and3A_798 = arith.andi %get3A_795, %and3A_797 : vector<16xi32>
    %swap3A_799 = arith.constant 416 : index
    %swap3A_800 = tpu.vector_load %arg11[%swap3A_799] {strides = array<i32>} : memref<512xi32, #tpu.memory_space<vmem>>, vector<16xi32>,
    tpu.vector_store %arg11[%swap3A_799], %and3A_798 {strides = array<i32>} : memref<512xi32, #tpu.memory_space<vmem>>, vector<16xi32>,
    %shift_right_logical3A_801 = arith.constant 18 : i32
    %shift_right_logical3A_802 = vector.broadcast %shift_right_logical3A_801 : i32 to vector<16xi32>
    %shift_right_logical3A_803 = arith.shrui %get3A_795, %shift_right_logical3A_802 : vector<16xi32>
    %mul3A_804 = arith.constant 32 : i32
    %mul3A_805 = vector.broadcast %mul3A_804 : i32 to vector<16xi32>
    %mul3A_806 = arith.muli %shift_right_logical3A_803, %mul3A_805 : vector<16xi32>
    %swap3A_807 = arith.constant 416 : index
    %swap3A_808 = tpu.vector_load %arg13[%swap3A_807] {strides = array<i32>} : memref<512xi32, #tpu.memory_space<vmem>>, vector<16xi32>,
    tpu.vector_store %arg13[%swap3A_807], %mul3A_806 {strides = array<i32>} : memref<512xi32, #tpu.memory_space<vmem>>, vector<16xi32>,
    %get3A_809 = arith.constant 432 : index
    %get3A_810 = tpu.vector_load %arg8[%get3A_809] {strides = array<i32>} : memref<512xi32, #tpu.memory_space<vmem>>, vector<16xi32>,
    %and3A_811 = arith.constant 262143 : i32
    %and3A_812 = vector.broadcast %and3A_811 : i32 to vector<16xi32>
    %and3A_813 = arith.andi %get3A_810, %and3A_812 : vector<16xi32>
    %swap3A_814 = arith.constant 432 : index
    %swap3A_815 = tpu.vector_load %arg10[%swap3A_814] {strides = array<i32>} : memref<512xi32, #tpu.memory_space<vmem>>, vector<16xi32>,
    tpu.vector_store %arg10[%swap3A_814], %and3A_813 {strides = array<i32>} : memref<512xi32, #tpu.memory_space<vmem>>, vector<16xi32>,
    %shift_right_logical3A_816 = arith.constant 18 : i32
    %shift_right_logical3A_817 = vector.broadcast %shift_right_logical3A_816 : i32 to vector<16xi32>
    %shift_right_logical3A_818 = arith.shrui %get3A_810, %shift_right_logical3A_817 : vector<16xi32>
    %mul3A_819 = arith.constant 32 : i32
    %mul3A_820 = vector.broadcast %mul3A_819 : i32 to vector<16xi32>
    %mul3A_821 = arith.muli %shift_right_logical3A_818, %mul3A_820 : vector<16xi32>
    %swap3A_822 = arith.constant 432 : index
    %swap3A_823 = tpu.vector_load %arg12[%swap3A_822] {strides = array<i32>} : memref<512xi32, #tpu.memory_space<vmem>>, vector<16xi32>,
    tpu.vector_store %arg12[%swap3A_822], %mul3A_821 {strides = array<i32>} : memref<512xi32, #tpu.memory_space<vmem>>, vector<16xi32>,
    %get3A_824 = arith.constant 432 : index
    %get3A_825 = tpu.vector_load %arg9[%get3A_824] {strides = array<i32>} : memref<512xi32, #tpu.memory_space<vmem>>, vector<16xi32>,
    %and3A_826 = arith.constant 262143 : i32
    %and3A_827 = vector.broadcast %and3A_826 : i32 to vector<16xi32>
    %and3A_828 = arith.andi %get3A_825, %and3A_827 : vector<16xi32>
    %swap3A_829 = arith.constant 432 : index
    %swap3A_830 = tpu.vector_load %arg11[%swap3A_829] {strides = array<i32>} : memref<512xi32, #tpu.memory_space<vmem>>, vector<16xi32>,
    tpu.vector_store %arg11[%swap3A_829], %and3A_828 {strides = array<i32>} : memref<512xi32, #tpu.memory_space<vmem>>, vector<16xi32>,
    %shift_right_logical3A_831 = arith.constant 18 : i32
    %shift_right_logical3A_832 = vector.broadcast %shift_right_logical3A_831 : i32 to vector<16xi32>
    %shift_right_logical3A_833 = arith.shrui %get3A_825, %shift_right_logical3A_832 : vector<16xi32>
    %mul3A_834 = arith.constant 32 : i32
    %mul3A_835 = vector.broadcast %mul3A_834 : i32 to vector<16xi32>
    %mul3A_836 = arith.muli %shift_right_logical3A_833, %mul3A_835 : vector<16xi32>
    %swap3A_837 = arith.constant 432 : index
    %swap3A_838 = tpu.vector_load %arg13[%swap3A_837] {strides = array<i32>} : memref<512xi32, #tpu.memory_space<vmem>>, vector<16xi32>,
    tpu.vector_store %arg13[%swap3A_837], %mul3A_836 {strides = array<i32>} : memref<512xi32, #tpu.memory_space<vmem>>, vector<16xi32>,
    %get3A_839 = arith.constant 448 : index
    %get3A_840 = tpu.vector_load %arg8[%get3A_839] {strides = array<i32>} : memref<512xi32, #tpu.memory_space<vmem>>, vector<16xi32>,
    %and3A_841 = arith.constant 262143 : i32
    %and3A_842 = vector.broadcast %and3A_841 : i32 to vector<16xi32>
    %and3A_843 = arith.andi %get3A_840, %and3A_842 : vector<16xi32>
    %swap3A_844 = arith.constant 448 : index
    %swap3A_845 = tpu.vector_load %arg10[%swap3A_844] {strides = array<i32>} : memref<512xi32, #tpu.memory_space<vmem>>, vector<16xi32>,
    tpu.vector_store %arg10[%swap3A_844], %and3A_843 {strides = array<i32>} : memref<512xi32, #tpu.memory_space<vmem>>, vector<16xi32>,
    %shift_right_logical3A_846 = arith.constant 18 : i32
    %shift_right_logical3A_847 = vector.broadcast %shift_right_logical3A_846 : i32 to vector<16xi32>
    %shift_right_logical3A_848 = arith.shrui %get3A_840, %shift_right_logical3A_847 : vector<16xi32>
    %mul3A_849 = arith.constant 32 : i32
    %mul3A_850 = vector.broadcast %mul3A_849 : i32 to vector<16xi32>
    %mul3A_851 = arith.muli %shift_right_logical3A_848, %mul3A_850 : vector<16xi32>
    %swap3A_852 = arith.constant 448 : index
    %swap3A_853 = tpu.vector_load %arg12[%swap3A_852] {strides = array<i32>} : memref<512xi32, #tpu.memory_space<vmem>>, vector<16xi32>,
    tpu.vector_store %arg12[%swap3A_852], %mul3A_851 {strides = array<i32>} : memref<512xi32, #tpu.memory_space<vmem>>, vector<16xi32>,
    %get3A_854 = arith.constant 448 : index
    %get3A_855 = tpu.vector_load %arg9[%get3A_854] {strides = array<i32>} : memref<512xi32, #tpu.memory_space<vmem>>, vector<16xi32>,
    %and3A_856 = arith.constant 262143 : i32
    %and3A_857 = vector.broadcast %and3A_856 : i32 to vector<16xi32>
    %and3A_858 = arith.andi %get3A_855, %and3A_857 : vector<16xi32>
    %swap3A_859 = arith.constant 448 : index
    %swap3A_860 = tpu.vector_load %arg11[%swap3A_859] {strides = array<i32>} : memref<512xi32, #tpu.memory_space<vmem>>, vector<16xi32>,
    tpu.vector_store %arg11[%swap3A_859], %and3A_858 {strides = array<i32>} : memref<512xi32, #tpu.memory_space<vmem>>, vector<16xi32>,
    %shift_right_logical3A_861 = arith.constant 18 : i32
    %shift_right_logical3A_862 = vector.broadcast %shift_right_logical3A_861 : i32 to vector<16xi32>
    %shift_right_logical3A_863 = arith.shrui %get3A_855, %shift_right_logical3A_862 : vector<16xi32>
    %mul3A_864 = arith.constant 32 : i32
    %mul3A_865 = vector.broadcast %mul3A_864 : i32 to vector<16xi32>
    %mul3A_866 = arith.muli %shift_right_logical3A_863, %mul3A_865 : vector<16xi32>
    %swap3A_867 = arith.constant 448 : index
    %swap3A_868 = tpu.vector_load %arg13[%swap3A_867] {strides = array<i32>} : memref<512xi32, #tpu.memory_space<vmem>>, vector<16xi32>,
    tpu.vector_store %arg13[%swap3A_867], %mul3A_866 {strides = array<i32>} : memref<512xi32, #tpu.memory_space<vmem>>, vector<16xi32>,
    %get3A_869 = arith.constant 464 : index
    %get3A_870 = tpu.vector_load %arg8[%get3A_869] {strides = array<i32>} : memref<512xi32, #tpu.memory_space<vmem>>, vector<16xi32>,
    %and3A_871 = arith.constant 262143 : i32
    %and3A_872 = vector.broadcast %and3A_871 : i32 to vector<16xi32>
    %and3A_873 = arith.andi %get3A_870, %and3A_872 : vector<16xi32>
    %swap3A_874 = arith.constant 464 : index
    %swap3A_875 = tpu.vector_load %arg10[%swap3A_874] {strides = array<i32>} : memref<512xi32, #tpu.memory_space<vmem>>, vector<16xi32>,
    tpu.vector_store %arg10[%swap3A_874], %and3A_873 {strides = array<i32>} : memref<512xi32, #tpu.memory_space<vmem>>, vector<16xi32>,
    %shift_right_logical3A_876 = arith.constant 18 : i32
    %shift_right_logical3A_877 = vector.broadcast %shift_right_logical3A_876 : i32 to vector<16xi32>
    %shift_right_logical3A_878 = arith.shrui %get3A_870, %shift_right_logical3A_877 : vector<16xi32>
    %mul3A_879 = arith.constant 32 : i32
    %mul3A_880 = vector.broadcast %mul3A_879 : i32 to vector<16xi32>
    %mul3A_881 = arith.muli %shift_right_logical3A_878, %mul3A_880 : vector<16xi32>
    %swap3A_882 = arith.constant 464 : index
    %swap3A_883 = tpu.vector_load %arg12[%swap3A_882] {strides = array<i32>} : memref<512xi32, #tpu.memory_space<vmem>>, vector<16xi32>,
    tpu.vector_store %arg12[%swap3A_882], %mul3A_881 {strides = array<i32>} : memref<512xi32, #tpu.memory_space<vmem>>, vector<16xi32>,
    %get3A_884 = arith.constant 464 : index
    %get3A_885 = tpu.vector_load %arg9[%get3A_884] {strides = array<i32>} : memref<512xi32, #tpu.memory_space<vmem>>, vector<16xi32>,
    %and3A_886 = arith.constant 262143 : i32
    %and3A_887 = vector.broadcast %and3A_886 : i32 to vector<16xi32>
    %and3A_888 = arith.andi %get3A_885, %and3A_887 : vector<16xi32>
    %swap3A_889 = arith.constant 464 : index
    %swap3A_890 = tpu.vector_load %arg11[%swap3A_889] {strides = array<i32>} : memref<512xi32, #tpu.memory_space<vmem>>, vector<16xi32>,
    tpu.vector_store %arg11[%swap3A_889], %and3A_888 {strides = array<i32>} : memref<512xi32, #tpu.memory_space<vmem>>, vector<16xi32>,
    %shift_right_logical3A_891 = arith.constant 18 : i32
    %shift_right_logical3A_892 = vector.broadcast %shift_right_logical3A_891 : i32 to vector<16xi32>
    %shift_right_logical3A_893 = arith.shrui %get3A_885, %shift_right_logical3A_892 : vector<16xi32>
    %mul3A_894 = arith.constant 32 : i32
    %mul3A_895 = vector.broadcast %mul3A_894 : i32 to vector<16xi32>
    %mul3A_896 = arith.muli %shift_right_logical3A_893, %mul3A_895 : vector<16xi32>
    %swap3A_897 = arith.constant 464 : index
    %swap3A_898 = tpu.vector_load %arg13[%swap3A_897] {strides = array<i32>} : memref<512xi32, #tpu.memory_space<vmem>>, vector<16xi32>,
    tpu.vector_store %arg13[%swap3A_897], %mul3A_896 {strides = array<i32>} : memref<512xi32, #tpu.memory_space<vmem>>, vector<16xi32>,
    %get3A_899 = arith.constant 480 : index
    %get3A_900 = tpu.vector_load %arg8[%get3A_899] {strides = array<i32>} : memref<512xi32, #tpu.memory_space<vmem>>, vector<16xi32>,
    %and3A_901 = arith.constant 262143 : i32
    %and3A_902 = vector.broadcast %and3A_901 : i32 to vector<16xi32>
    %and3A_903 = arith.andi %get3A_900, %and3A_902 : vector<16xi32>
    %swap3A_904 = arith.constant 480 : index
    %swap3A_905 = tpu.vector_load %arg10[%swap3A_904] {strides = array<i32>} : memref<512xi32, #tpu.memory_space<vmem>>, vector<16xi32>,
    tpu.vector_store %arg10[%swap3A_904], %and3A_903 {strides = array<i32>} : memref<512xi32, #tpu.memory_space<vmem>>, vector<16xi32>,
    %shift_right_logical3A_906 = arith.constant 18 : i32
    %shift_right_logical3A_907 = vector.broadcast %shift_right_logical3A_906 : i32 to vector<16xi32>
    %shift_right_logical3A_908 = arith.shrui %get3A_900, %shift_right_logical3A_907 : vector<16xi32>
    %mul3A_909 = arith.constant 32 : i32
    %mul3A_910 = vector.broadcast %mul3A_909 : i32 to vector<16xi32>
    %mul3A_911 = arith.muli %shift_right_logical3A_908, %mul3A_910 : vector<16xi32>
    %swap3A_912 = arith.constant 480 : index
    %swap3A_913 = tpu.vector_load %arg12[%swap3A_912] {strides = array<i32>} : memref<512xi32, #tpu.memory_space<vmem>>, vector<16xi32>,
    tpu.vector_store %arg12[%swap3A_912], %mul3A_911 {strides = array<i32>} : memref<512xi32, #tpu.memory_space<vmem>>, vector<16xi32>,
    %get3A_914 = arith.constant 480 : index
    %get3A_915 = tpu.vector_load %arg9[%get3A_914] {strides = array<i32>} : memref<512xi32, #tpu.memory_space<vmem>>, vector<16xi32>,
    %and3A_916 = arith.constant 262143 : i32
    %and3A_917 = vector.broadcast %and3A_916 : i32 to vector<16xi32>
    %and3A_918 = arith.andi %get3A_915, %and3A_917 : vector<16xi32>
    %swap3A_919 = arith.constant 480 : index
    %swap3A_920 = tpu.vector_load %arg11[%swap3A_919] {strides = array<i32>} : memref<512xi32, #tpu.memory_space<vmem>>, vector<16xi32>,
    tpu.vector_store %arg11[%swap3A_919], %and3A_918 {strides = array<i32>} : memref<512xi32, #tpu.memory_space<vmem>>, vector<16xi32>,
    %shift_right_logical3A_921 = arith.constant 18 : i32
    %shift_right_logical3A_922 = vector.broadcast %shift_right_logical3A_921 : i32 to vector<16xi32>
    %shift_right_logical3A_923 = arith.shrui %get3A_915, %shift_right_logical3A_922 : vector<16xi32>
    %mul3A_924 = arith.constant 32 : i32
    %mul3A_925 = vector.broadcast %mul3A_924 : i32 to vector<16xi32>
    %mul3A_926 = arith.muli %shift_right_logical3A_923, %mul3A_925 : vector<16xi32>
    %swap3A_927 = arith.constant 480 : index
    %swap3A_928 = tpu.vector_load %arg13[%swap3A_927] {strides = array<i32>} : memref<512xi32, #tpu.memory_space<vmem>>, vector<16xi32>,
    tpu.vector_store %arg13[%swap3A_927], %mul3A_926 {strides = array<i32>} : memref<512xi32, #tpu.memory_space<vmem>>, vector<16xi32>,
    %get3A_929 = arith.constant 496 : index
    %get3A_930 = tpu.vector_load %arg8[%get3A_929] {strides = array<i32>} : memref<512xi32, #tpu.memory_space<vmem>>, vector<16xi32>,
    %and3A_931 = arith.constant 262143 : i32
    %and3A_932 = vector.broadcast %and3A_931 : i32 to vector<16xi32>
    %and3A_933 = arith.andi %get3A_930, %and3A_932 : vector<16xi32>
    %swap3A_934 = arith.constant 496 : index
    %swap3A_935 = tpu.vector_load %arg10[%swap3A_934] {strides = array<i32>} : memref<512xi32, #tpu.memory_space<vmem>>, vector<16xi32>,
    tpu.vector_store %arg10[%swap3A_934], %and3A_933 {strides = array<i32>} : memref<512xi32, #tpu.memory_space<vmem>>, vector<16xi32>,
    %shift_right_logical3A_936 = arith.constant 18 : i32
    %shift_right_logical3A_937 = vector.broadcast %shift_right_logical3A_936 : i32 to vector<16xi32>
    %shift_right_logical3A_938 = arith.shrui %get3A_930, %shift_right_logical3A_937 : vector<16xi32>
    %mul3A_939 = arith.constant 32 : i32
    %mul3A_940 = vector.broadcast %mul3A_939 : i32 to vector<16xi32>
    %mul3A_941 = arith.muli %shift_right_logical3A_938, %mul3A_940 : vector<16xi32>
    %swap3A_942 = arith.constant 496 : index
    %swap3A_943 = tpu.vector_load %arg12[%swap3A_942] {strides = array<i32>} : memref<512xi32, #tpu.memory_space<vmem>>, vector<16xi32>,
    tpu.vector_store %arg12[%swap3A_942], %mul3A_941 {strides = array<i32>} : memref<512xi32, #tpu.memory_space<vmem>>, vector<16xi32>,
    %get3A_944 = arith.constant 496 : index
    %get3A_945 = tpu.vector_load %arg9[%get3A_944] {strides = array<i32>} : memref<512xi32, #tpu.memory_space<vmem>>, vector<16xi32>,
    %and3A_946 = arith.constant 262143 : i32
    %and3A_947 = vector.broadcast %and3A_946 : i32 to vector<16xi32>
    %and3A_948 = arith.andi %get3A_945, %and3A_947 : vector<16xi32>
    %swap3A_949 = arith.constant 496 : index
    %swap3A_950 = tpu.vector_load %arg11[%swap3A_949] {strides = array<i32>} : memref<512xi32, #tpu.memory_space<vmem>>, vector<16xi32>,
    tpu.vector_store %arg11[%swap3A_949], %and3A_948 {strides = array<i32>} : memref<512xi32, #tpu.memory_space<vmem>>, vector<16xi32>,
    %shift_right_logical3A_951 = arith.constant 18 : i32
    %shift_right_logical3A_952 = vector.broadcast %shift_right_logical3A_951 : i32 to vector<16xi32>
    %shift_right_logical3A_953 = arith.shrui %get3A_945, %shift_right_logical3A_952 : vector<16xi32>
    %mul3A_954 = arith.constant 32 : i32
    %mul3A_955 = vector.broadcast %mul3A_954 : i32 to vector<16xi32>
    %mul3A_956 = arith.muli %shift_right_logical3A_953, %mul3A_955 : vector<16xi32>
    %swap3A_957 = arith.constant 496 : index
    %swap3A_958 = tpu.vector_load %arg13[%swap3A_957] {strides = array<i32>} : memref<512xi32, #tpu.memory_space<vmem>>, vector<16xi32>,
    tpu.vector_store %arg13[%swap3A_957], %mul3A_956 {strides = array<i32>} : memref<512xi32, #tpu.memory_space<vmem>>, vector<16xi32>,
    %dma_start3A = arith.constant 0 : i32
    %dma_start3A_959 = tpu.memref_slice %arg17[%dma_start3A] : memref<512xf32, #tpu.memory_space<vmem>> -> memref<128xf32, #tpu.memory_space<vmem>>
    %dma_start3A_960 = arith.constant 0 : i32
    %dma_start3A_961 = tpu.memref_slice %arg8[%dma_start3A_960] : memref<512xi32, #tpu.memory_space<vmem>> -> memref<128xi32, #tpu.memory_space<vmem>>
    %dma_start3A_962 = arith.constant 0 : i32
    %dma_start3A_963 = tpu.memref_slice %arg6[%dma_start3A_962] : memref<1000000xf32, #tpu.memory_space<hbm>> -> memref<1000000xf32, #tpu.memory_space<hbm>>
    tpu.enqueue_indirect_dma source(%dma_start3A_963 : memref<1000000xf32, #tpu.memory_space<hbm>>) target(%dma_start3A_959 : memref<128xf32, #tpu.memory_space<vmem>>) offsets(%dma_start3A_961 : memref<128xi32, #tpu.memory_space<vmem>>) semaphore(%arg20 : memref<!tpu.dma_semaphore, #tpu.memory_space<semaphore_mem>>)
    %dma_start3A_964 = arith.constant 128 : i32
    %dma_start3A_965 = tpu.memref_slice %arg17[%dma_start3A_964] : memref<512xf32, #tpu.memory_space<vmem>> -> memref<128xf32, #tpu.memory_space<vmem>>
    %dma_start3A_966 = arith.constant 128 : i32
    %dma_start3A_967 = tpu.memref_slice %arg8[%dma_start3A_966] : memref<512xi32, #tpu.memory_space<vmem>> -> memref<128xi32, #tpu.memory_space<vmem>>
    %dma_start3A_968 = arith.constant 0 : i32
    %dma_start3A_969 = tpu.memref_slice %arg6[%dma_start3A_968] : memref<1000000xf32, #tpu.memory_space<hbm>> -> memref<1000000xf32, #tpu.memory_space<hbm>>
    tpu.enqueue_indirect_dma source(%dma_start3A_969 : memref<1000000xf32, #tpu.memory_space<hbm>>) target(%dma_start3A_965 : memref<128xf32, #tpu.memory_space<vmem>>) offsets(%dma_start3A_967 : memref<128xi32, #tpu.memory_space<vmem>>) semaphore(%arg20 : memref<!tpu.dma_semaphore, #tpu.memory_space<semaphore_mem>>)
    %dma_start3A_970 = arith.constant 256 : i32
    %dma_start3A_971 = tpu.memref_slice %arg17[%dma_start3A_970] : memref<512xf32, #tpu.memory_space<vmem>> -> memref<128xf32, #tpu.memory_space<vmem>>
    %dma_start3A_972 = arith.constant 256 : i32
    %dma_start3A_973 = tpu.memref_slice %arg8[%dma_start3A_972] : memref<512xi32, #tpu.memory_space<vmem>> -> memref<128xi32, #tpu.memory_space<vmem>>
    %dma_start3A_974 = arith.constant 0 : i32
    %dma_start3A_975 = tpu.memref_slice %arg6[%dma_start3A_974] : memref<1000000xf32, #tpu.memory_space<hbm>> -> memref<1000000xf32, #tpu.memory_space<hbm>>
    tpu.enqueue_indirect_dma source(%dma_start3A_975 : memref<1000000xf32, #tpu.memory_space<hbm>>) target(%dma_start3A_971 : memref<128xf32, #tpu.memory_space<vmem>>) offsets(%dma_start3A_973 : memref<128xi32, #tpu.memory_space<vmem>>) semaphore(%arg20 : memref<!tpu.dma_semaphore, #tpu.memory_space<semaphore_mem>>)
    %dma_start3A_976 = arith.constant 384 : i32
    %dma_start3A_977 = tpu.memref_slice %arg17[%dma_start3A_976] : memref<512xf32, #tpu.memory_space<vmem>> -> memref<128xf32, #tpu.memory_space<vmem>>
    %dma_start3A_978 = arith.constant 384 : i32
    %dma_start3A_979 = tpu.memref_slice %arg8[%dma_start3A_978] : memref<512xi32, #tpu.memory_space<vmem>> -> memref<128xi32, #tpu.memory_space<vmem>>
    %dma_start3A_980 = arith.constant 0 : i32
    %dma_start3A_981 = tpu.memref_slice %arg6[%dma_start3A_980] : memref<1000000xf32, #tpu.memory_space<hbm>> -> memref<1000000xf32, #tpu.memory_space<hbm>>
    tpu.enqueue_indirect_dma source(%dma_start3A_981 : memref<1000000xf32, #tpu.memory_space<hbm>>) target(%dma_start3A_977 : memref<128xf32, #tpu.memory_space<vmem>>) offsets(%dma_start3A_979 : memref<128xi32, #tpu.memory_space<vmem>>) semaphore(%arg20 : memref<!tpu.dma_semaphore, #tpu.memory_space<semaphore_mem>>)
    %dma_wait3A = arith.constant 0 : i32
    %dma_wait3A_982 = tpu.memref_slice %arg17[%dma_wait3A] : memref<512xf32, #tpu.memory_space<vmem>> -> memref<128xf32, #tpu.memory_space<vmem>>
    %dma_wait3A_983 = arith.constant 0 : i32
    %dma_wait3A_984 = tpu.memref_slice %arg8[%dma_wait3A_983] : memref<512xi32, #tpu.memory_space<vmem>> -> memref<128xi32, #tpu.memory_space<vmem>>
    %dma_wait3A_985 = arith.constant 0 : i32
    %dma_wait3A_986 = tpu.memref_slice %arg6[%dma_wait3A_985] : memref<1000000xf32, #tpu.memory_space<hbm>> -> memref<1000000xf32, #tpu.memory_space<hbm>>
    tpu.wait_indirect_dma semaphore(%arg20 : memref<!tpu.dma_semaphore, #tpu.memory_space<semaphore_mem>>) src(%dma_wait3A_986 : memref<1000000xf32, #tpu.memory_space<hbm>>) dst(%dma_wait3A_982 : memref<128xf32, #tpu.memory_space<vmem>>)
    %dma_wait3A_987 = arith.constant 128 : i32
    %dma_wait3A_988 = tpu.memref_slice %arg17[%dma_wait3A_987] : memref<512xf32, #tpu.memory_space<vmem>> -> memref<128xf32, #tpu.memory_space<vmem>>
    %dma_wait3A_989 = arith.constant 128 : i32
    %dma_wait3A_990 = tpu.memref_slice %arg8[%dma_wait3A_989] : memref<512xi32, #tpu.memory_space<vmem>> -> memref<128xi32, #tpu.memory_space<vmem>>
    %dma_wait3A_991 = arith.constant 0 : i32
    %dma_wait3A_992 = tpu.memref_slice %arg6[%dma_wait3A_991] : memref<1000000xf32, #tpu.memory_space<hbm>> -> memref<1000000xf32, #tpu.memory_space<hbm>>
    tpu.wait_indirect_dma semaphore(%arg20 : memref<!tpu.dma_semaphore, #tpu.memory_space<semaphore_mem>>) src(%dma_wait3A_992 : memref<1000000xf32, #tpu.memory_space<hbm>>) dst(%dma_wait3A_988 : memref<128xf32, #tpu.memory_space<vmem>>)
    %dma_wait3A_993 = arith.constant 256 : i32
    %dma_wait3A_994 = tpu.memref_slice %arg17[%dma_wait3A_993] : memref<512xf32, #tpu.memory_space<vmem>> -> memref<128xf32, #tpu.memory_space<vmem>>
    %dma_wait3A_995 = arith.constant 256 : i32
    %dma_wait3A_996 = tpu.memref_slice %arg8[%dma_wait3A_995] : memref<512xi32, #tpu.memory_space<vmem>> -> memref<128xi32, #tpu.memory_space<vmem>>
    %dma_wait3A_997 = arith.constant 0 : i32
    %dma_wait3A_998 = tpu.memref_slice %arg6[%dma_wait3A_997] : memref<1000000xf32, #tpu.memory_space<hbm>> -> memref<1000000xf32, #tpu.memory_space<hbm>>
    tpu.wait_indirect_dma semaphore(%arg20 : memref<!tpu.dma_semaphore, #tpu.memory_space<semaphore_mem>>) src(%dma_wait3A_998 : memref<1000000xf32, #tpu.memory_space<hbm>>) dst(%dma_wait3A_994 : memref<128xf32, #tpu.memory_space<vmem>>)
    %dma_wait3A_999 = arith.constant 384 : i32
    %dma_wait3A_1000 = tpu.memref_slice %arg17[%dma_wait3A_999] : memref<512xf32, #tpu.memory_space<vmem>> -> memref<128xf32, #tpu.memory_space<vmem>>
    %dma_wait3A_1001 = arith.constant 384 : i32
    %dma_wait3A_1002 = tpu.memref_slice %arg8[%dma_wait3A_1001] : memref<512xi32, #tpu.memory_space<vmem>> -> memref<128xi32, #tpu.memory_space<vmem>>
    %dma_wait3A_1003 = arith.constant 0 : i32
    %dma_wait3A_1004 = tpu.memref_slice %arg6[%dma_wait3A_1003] : memref<1000000xf32, #tpu.memory_space<hbm>> -> memref<1000000xf32, #tpu.memory_space<hbm>>
    tpu.wait_indirect_dma semaphore(%arg20 : memref<!tpu.dma_semaphore, #tpu.memory_space<semaphore_mem>>) src(%dma_wait3A_1004 : memref<1000000xf32, #tpu.memory_space<hbm>>) dst(%dma_wait3A_1000 : memref<128xf32, #tpu.memory_space<vmem>>)
    %get3A_1005 = arith.constant 0 : index
    %get3A_1006 = tpu.vector_load %arg18[%get3A_1005] {strides = array<i32>} : memref<512xf32, #tpu.memory_space<vmem>>, vector<16xf32>,
    %get3A_1007 = arith.constant 0 : index
    %get3A_1008 = tpu.vector_load %arg17[%get3A_1007] {strides = array<i32>} : memref<512xf32, #tpu.memory_space<vmem>>, vector<16xf32>,
    %sub3A = arith.subf %get3A_1006, %get3A_1008 : vector<16xf32>
    %swap3A_1009 = arith.constant 0 : index
    %swap3A_1010 = tpu.vector_load %arg19[%swap3A_1009] {strides = array<i32>} : memref<512xf32, #tpu.memory_space<vmem>>, vector<16xf32>,
    tpu.vector_store %arg19[%swap3A_1009], %sub3A {strides = array<i32>} : memref<512xf32, #tpu.memory_space<vmem>>, vector<16xf32>,
    %get3A_1011 = arith.constant 16 : index
    %get3A_1012 = tpu.vector_load %arg18[%get3A_1011] {strides = array<i32>} : memref<512xf32, #tpu.memory_space<vmem>>, vector<16xf32>,
    %get3A_1013 = arith.constant 16 : index
    %get3A_1014 = tpu.vector_load %arg17[%get3A_1013] {strides = array<i32>} : memref<512xf32, #tpu.memory_space<vmem>>, vector<16xf32>,
    %sub3A_1015 = arith.subf %get3A_1012, %get3A_1014 : vector<16xf32>
    %swap3A_1016 = arith.constant 16 : index
    %swap3A_1017 = tpu.vector_load %arg19[%swap3A_1016] {strides = array<i32>} : memref<512xf32, #tpu.memory_space<vmem>>, vector<16xf32>,
    tpu.vector_store %arg19[%swap3A_1016], %sub3A_1015 {strides = array<i32>} : memref<512xf32, #tpu.memory_space<vmem>>, vector<16xf32>,
    %get3A_1018 = arith.constant 32 : index
    %get3A_1019 = tpu.vector_load %arg18[%get3A_1018] {strides = array<i32>} : memref<512xf32, #tpu.memory_space<vmem>>, vector<16xf32>,
    %get3A_1020 = arith.constant 32 : index
    %get3A_1021 = tpu.vector_load %arg17[%get3A_1020] {strides = array<i32>} : memref<512xf32, #tpu.memory_space<vmem>>, vector<16xf32>,
    %sub3A_1022 = arith.subf %get3A_1019, %get3A_1021 : vector<16xf32>
    %swap3A_1023 = arith.constant 32 : index
    %swap3A_1024 = tpu.vector_load %arg19[%swap3A_1023] {strides = array<i32>} : memref<512xf32, #tpu.memory_space<vmem>>, vector<16xf32>,
    tpu.vector_store %arg19[%swap3A_1023], %sub3A_1022 {strides = array<i32>} : memref<512xf32, #tpu.memory_space<vmem>>, vector<16xf32>,
    %get3A_1025 = arith.constant 48 : index
    %get3A_1026 = tpu.vector_load %arg18[%get3A_1025] {strides = array<i32>} : memref<512xf32, #tpu.memory_space<vmem>>, vector<16xf32>,
    %get3A_1027 = arith.constant 48 : index
    %get3A_1028 = tpu.vector_load %arg17[%get3A_1027] {strides = array<i32>} : memref<512xf32, #tpu.memory_space<vmem>>, vector<16xf32>,
    %sub3A_1029 = arith.subf %get3A_1026, %get3A_1028 : vector<16xf32>
    %swap3A_1030 = arith.constant 48 : index
    %swap3A_1031 = tpu.vector_load %arg19[%swap3A_1030] {strides = array<i32>} : memref<512xf32, #tpu.memory_space<vmem>>, vector<16xf32>,
    tpu.vector_store %arg19[%swap3A_1030], %sub3A_1029 {strides = array<i32>} : memref<512xf32, #tpu.memory_space<vmem>>, vector<16xf32>,
    %get3A_1032 = arith.constant 64 : index
    %get3A_1033 = tpu.vector_load %arg18[%get3A_1032] {strides = array<i32>} : memref<512xf32, #tpu.memory_space<vmem>>, vector<16xf32>,
    %get3A_1034 = arith.constant 64 : index
    %get3A_1035 = tpu.vector_load %arg17[%get3A_1034] {strides = array<i32>} : memref<512xf32, #tpu.memory_space<vmem>>, vector<16xf32>,
    %sub3A_1036 = arith.subf %get3A_1033, %get3A_1035 : vector<16xf32>
    %swap3A_1037 = arith.constant 64 : index
    %swap3A_1038 = tpu.vector_load %arg19[%swap3A_1037] {strides = array<i32>} : memref<512xf32, #tpu.memory_space<vmem>>, vector<16xf32>,
    tpu.vector_store %arg19[%swap3A_1037], %sub3A_1036 {strides = array<i32>} : memref<512xf32, #tpu.memory_space<vmem>>, vector<16xf32>,
    %get3A_1039 = arith.constant 80 : index
    %get3A_1040 = tpu.vector_load %arg18[%get3A_1039] {strides = array<i32>} : memref<512xf32, #tpu.memory_space<vmem>>, vector<16xf32>,
    %get3A_1041 = arith.constant 80 : index
    %get3A_1042 = tpu.vector_load %arg17[%get3A_1041] {strides = array<i32>} : memref<512xf32, #tpu.memory_space<vmem>>, vector<16xf32>,
    %sub3A_1043 = arith.subf %get3A_1040, %get3A_1042 : vector<16xf32>
    %swap3A_1044 = arith.constant 80 : index
    %swap3A_1045 = tpu.vector_load %arg19[%swap3A_1044] {strides = array<i32>} : memref<512xf32, #tpu.memory_space<vmem>>, vector<16xf32>,
    tpu.vector_store %arg19[%swap3A_1044], %sub3A_1043 {strides = array<i32>} : memref<512xf32, #tpu.memory_space<vmem>>, vector<16xf32>,
    %get3A_1046 = arith.constant 96 : index
    %get3A_1047 = tpu.vector_load %arg18[%get3A_1046] {strides = array<i32>} : memref<512xf32, #tpu.memory_space<vmem>>, vector<16xf32>,
    %get3A_1048 = arith.constant 96 : index
    %get3A_1049 = tpu.vector_load %arg17[%get3A_1048] {strides = array<i32>} : memref<512xf32, #tpu.memory_space<vmem>>, vector<16xf32>,
    %sub3A_1050 = arith.subf %get3A_1047, %get3A_1049 : vector<16xf32>
    %swap3A_1051 = arith.constant 96 : index
    %swap3A_1052 = tpu.vector_load %arg19[%swap3A_1051] {strides = array<i32>} : memref<512xf32, #tpu.memory_space<vmem>>, vector<16xf32>,
    tpu.vector_store %arg19[%swap3A_1051], %sub3A_1050 {strides = array<i32>} : memref<512xf32, #tpu.memory_space<vmem>>, vector<16xf32>,
    %get3A_1053 = arith.constant 112 : index
    %get3A_1054 = tpu.vector_load %arg18[%get3A_1053] {strides = array<i32>} : memref<512xf32, #tpu.memory_space<vmem>>, vector<16xf32>,
    %get3A_1055 = arith.constant 112 : index
    %get3A_1056 = tpu.vector_load %arg17[%get3A_1055] {strides = array<i32>} : memref<512xf32, #tpu.memory_space<vmem>>, vector<16xf32>,
    %sub3A_1057 = arith.subf %get3A_1054, %get3A_1056 : vector<16xf32>
    %swap3A_1058 = arith.constant 112 : index
    %swap3A_1059 = tpu.vector_load %arg19[%swap3A_1058] {strides = array<i32>} : memref<512xf32, #tpu.memory_space<vmem>>, vector<16xf32>,
    tpu.vector_store %arg19[%swap3A_1058], %sub3A_1057 {strides = array<i32>} : memref<512xf32, #tpu.memory_space<vmem>>, vector<16xf32>,
    %get3A_1060 = arith.constant 128 : index
    %get3A_1061 = tpu.vector_load %arg18[%get3A_1060] {strides = array<i32>} : memref<512xf32, #tpu.memory_space<vmem>>, vector<16xf32>,
    %get3A_1062 = arith.constant 128 : index
    %get3A_1063 = tpu.vector_load %arg17[%get3A_1062] {strides = array<i32>} : memref<512xf32, #tpu.memory_space<vmem>>, vector<16xf32>,
    %sub3A_1064 = arith.subf %get3A_1061, %get3A_1063 : vector<16xf32>
    %swap3A_1065 = arith.constant 128 : index
    %swap3A_1066 = tpu.vector_load %arg19[%swap3A_1065] {strides = array<i32>} : memref<512xf32, #tpu.memory_space<vmem>>, vector<16xf32>,
    tpu.vector_store %arg19[%swap3A_1065], %sub3A_1064 {strides = array<i32>} : memref<512xf32, #tpu.memory_space<vmem>>, vector<16xf32>,
    %get3A_1067 = arith.constant 144 : index
    %get3A_1068 = tpu.vector_load %arg18[%get3A_1067] {strides = array<i32>} : memref<512xf32, #tpu.memory_space<vmem>>, vector<16xf32>,
    %get3A_1069 = arith.constant 144 : index
    %get3A_1070 = tpu.vector_load %arg17[%get3A_1069] {strides = array<i32>} : memref<512xf32, #tpu.memory_space<vmem>>, vector<16xf32>,
    %sub3A_1071 = arith.subf %get3A_1068, %get3A_1070 : vector<16xf32>
    %swap3A_1072 = arith.constant 144 : index
    %swap3A_1073 = tpu.vector_load %arg19[%swap3A_1072] {strides = array<i32>} : memref<512xf32, #tpu.memory_space<vmem>>, vector<16xf32>,
    tpu.vector_store %arg19[%swap3A_1072], %sub3A_1071 {strides = array<i32>} : memref<512xf32, #tpu.memory_space<vmem>>, vector<16xf32>,
    %get3A_1074 = arith.constant 160 : index
    %get3A_1075 = tpu.vector_load %arg18[%get3A_1074] {strides = array<i32>} : memref<512xf32, #tpu.memory_space<vmem>>, vector<16xf32>,
    %get3A_1076 = arith.constant 160 : index
    %get3A_1077 = tpu.vector_load %arg17[%get3A_1076] {strides = array<i32>} : memref<512xf32, #tpu.memory_space<vmem>>, vector<16xf32>,
    %sub3A_1078 = arith.subf %get3A_1075, %get3A_1077 : vector<16xf32>
    %swap3A_1079 = arith.constant 160 : index
    %swap3A_1080 = tpu.vector_load %arg19[%swap3A_1079] {strides = array<i32>} : memref<512xf32, #tpu.memory_space<vmem>>, vector<16xf32>,
    tpu.vector_store %arg19[%swap3A_1079], %sub3A_1078 {strides = array<i32>} : memref<512xf32, #tpu.memory_space<vmem>>, vector<16xf32>,
    %get3A_1081 = arith.constant 176 : index
    %get3A_1082 = tpu.vector_load %arg18[%get3A_1081] {strides = array<i32>} : memref<512xf32, #tpu.memory_space<vmem>>, vector<16xf32>,
    %get3A_1083 = arith.constant 176 : index
    %get3A_1084 = tpu.vector_load %arg17[%get3A_1083] {strides = array<i32>} : memref<512xf32, #tpu.memory_space<vmem>>, vector<16xf32>,
    %sub3A_1085 = arith.subf %get3A_1082, %get3A_1084 : vector<16xf32>
    %swap3A_1086 = arith.constant 176 : index
    %swap3A_1087 = tpu.vector_load %arg19[%swap3A_1086] {strides = array<i32>} : memref<512xf32, #tpu.memory_space<vmem>>, vector<16xf32>,
    tpu.vector_store %arg19[%swap3A_1086], %sub3A_1085 {strides = array<i32>} : memref<512xf32, #tpu.memory_space<vmem>>, vector<16xf32>,
    %get3A_1088 = arith.constant 192 : index
    %get3A_1089 = tpu.vector_load %arg18[%get3A_1088] {strides = array<i32>} : memref<512xf32, #tpu.memory_space<vmem>>, vector<16xf32>,
    %get3A_1090 = arith.constant 192 : index
    %get3A_1091 = tpu.vector_load %arg17[%get3A_1090] {strides = array<i32>} : memref<512xf32, #tpu.memory_space<vmem>>, vector<16xf32>,
    %sub3A_1092 = arith.subf %get3A_1089, %get3A_1091 : vector<16xf32>
    %swap3A_1093 = arith.constant 192 : index
    %swap3A_1094 = tpu.vector_load %arg19[%swap3A_1093] {strides = array<i32>} : memref<512xf32, #tpu.memory_space<vmem>>, vector<16xf32>,
    tpu.vector_store %arg19[%swap3A_1093], %sub3A_1092 {strides = array<i32>} : memref<512xf32, #tpu.memory_space<vmem>>, vector<16xf32>,
    %get3A_1095 = arith.constant 208 : index
    %get3A_1096 = tpu.vector_load %arg18[%get3A_1095] {strides = array<i32>} : memref<512xf32, #tpu.memory_space<vmem>>, vector<16xf32>,
    %get3A_1097 = arith.constant 208 : index
    %get3A_1098 = tpu.vector_load %arg17[%get3A_1097] {strides = array<i32>} : memref<512xf32, #tpu.memory_space<vmem>>, vector<16xf32>,
    %sub3A_1099 = arith.subf %get3A_1096, %get3A_1098 : vector<16xf32>
    %swap3A_1100 = arith.constant 208 : index
    %swap3A_1101 = tpu.vector_load %arg19[%swap3A_1100] {strides = array<i32>} : memref<512xf32, #tpu.memory_space<vmem>>, vector<16xf32>,
    tpu.vector_store %arg19[%swap3A_1100], %sub3A_1099 {strides = array<i32>} : memref<512xf32, #tpu.memory_space<vmem>>, vector<16xf32>,
    %get3A_1102 = arith.constant 224 : index
    %get3A_1103 = tpu.vector_load %arg18[%get3A_1102] {strides = array<i32>} : memref<512xf32, #tpu.memory_space<vmem>>, vector<16xf32>,
    %get3A_1104 = arith.constant 224 : index
    %get3A_1105 = tpu.vector_load %arg17[%get3A_1104] {strides = array<i32>} : memref<512xf32, #tpu.memory_space<vmem>>, vector<16xf32>,
    %sub3A_1106 = arith.subf %get3A_1103, %get3A_1105 : vector<16xf32>
    %swap3A_1107 = arith.constant 224 : index
    %swap3A_1108 = tpu.vector_load %arg19[%swap3A_1107] {strides = array<i32>} : memref<512xf32, #tpu.memory_space<vmem>>, vector<16xf32>,
    tpu.vector_store %arg19[%swap3A_1107], %sub3A_1106 {strides = array<i32>} : memref<512xf32, #tpu.memory_space<vmem>>, vector<16xf32>,
    %get3A_1109 = arith.constant 240 : index
    %get3A_1110 = tpu.vector_load %arg18[%get3A_1109] {strides = array<i32>} : memref<512xf32, #tpu.memory_space<vmem>>, vector<16xf32>,
    %get3A_1111 = arith.constant 240 : index
    %get3A_1112 = tpu.vector_load %arg17[%get3A_1111] {strides = array<i32>} : memref<512xf32, #tpu.memory_space<vmem>>, vector<16xf32>,
    %sub3A_1113 = arith.subf %get3A_1110, %get3A_1112 : vector<16xf32>
    %swap3A_1114 = arith.constant 240 : index
    %swap3A_1115 = tpu.vector_load %arg19[%swap3A_1114] {strides = array<i32>} : memref<512xf32, #tpu.memory_space<vmem>>, vector<16xf32>,
    tpu.vector_store %arg19[%swap3A_1114], %sub3A_1113 {strides = array<i32>} : memref<512xf32, #tpu.memory_space<vmem>>, vector<16xf32>,
    %get3A_1116 = arith.constant 256 : index
    %get3A_1117 = tpu.vector_load %arg18[%get3A_1116] {strides = array<i32>} : memref<512xf32, #tpu.memory_space<vmem>>, vector<16xf32>,
    %get3A_1118 = arith.constant 256 : index
    %get3A_1119 = tpu.vector_load %arg17[%get3A_1118] {strides = array<i32>} : memref<512xf32, #tpu.memory_space<vmem>>, vector<16xf32>,
    %sub3A_1120 = arith.subf %get3A_1117, %get3A_1119 : vector<16xf32>
    %swap3A_1121 = arith.constant 256 : index
    %swap3A_1122 = tpu.vector_load %arg19[%swap3A_1121] {strides = array<i32>} : memref<512xf32, #tpu.memory_space<vmem>>, vector<16xf32>,
    tpu.vector_store %arg19[%swap3A_1121], %sub3A_1120 {strides = array<i32>} : memref<512xf32, #tpu.memory_space<vmem>>, vector<16xf32>,
    %get3A_1123 = arith.constant 272 : index
    %get3A_1124 = tpu.vector_load %arg18[%get3A_1123] {strides = array<i32>} : memref<512xf32, #tpu.memory_space<vmem>>, vector<16xf32>,
    %get3A_1125 = arith.constant 272 : index
    %get3A_1126 = tpu.vector_load %arg17[%get3A_1125] {strides = array<i32>} : memref<512xf32, #tpu.memory_space<vmem>>, vector<16xf32>,
    %sub3A_1127 = arith.subf %get3A_1124, %get3A_1126 : vector<16xf32>
    %swap3A_1128 = arith.constant 272 : index
    %swap3A_1129 = tpu.vector_load %arg19[%swap3A_1128] {strides = array<i32>} : memref<512xf32, #tpu.memory_space<vmem>>, vector<16xf32>,
    tpu.vector_store %arg19[%swap3A_1128], %sub3A_1127 {strides = array<i32>} : memref<512xf32, #tpu.memory_space<vmem>>, vector<16xf32>,
    %get3A_1130 = arith.constant 288 : index
    %get3A_1131 = tpu.vector_load %arg18[%get3A_1130] {strides = array<i32>} : memref<512xf32, #tpu.memory_space<vmem>>, vector<16xf32>,
    %get3A_1132 = arith.constant 288 : index
    %get3A_1133 = tpu.vector_load %arg17[%get3A_1132] {strides = array<i32>} : memref<512xf32, #tpu.memory_space<vmem>>, vector<16xf32>,
    %sub3A_1134 = arith.subf %get3A_1131, %get3A_1133 : vector<16xf32>
    %swap3A_1135 = arith.constant 288 : index
    %swap3A_1136 = tpu.vector_load %arg19[%swap3A_1135] {strides = array<i32>} : memref<512xf32, #tpu.memory_space<vmem>>, vector<16xf32>,
    tpu.vector_store %arg19[%swap3A_1135], %sub3A_1134 {strides = array<i32>} : memref<512xf32, #tpu.memory_space<vmem>>, vector<16xf32>,
    %get3A_1137 = arith.constant 304 : index
    %get3A_1138 = tpu.vector_load %arg18[%get3A_1137] {strides = array<i32>} : memref<512xf32, #tpu.memory_space<vmem>>, vector<16xf32>,
    %get3A_1139 = arith.constant 304 : index
    %get3A_1140 = tpu.vector_load %arg17[%get3A_1139] {strides = array<i32>} : memref<512xf32, #tpu.memory_space<vmem>>, vector<16xf32>,
    %sub3A_1141 = arith.subf %get3A_1138, %get3A_1140 : vector<16xf32>
    %swap3A_1142 = arith.constant 304 : index
    %swap3A_1143 = tpu.vector_load %arg19[%swap3A_1142] {strides = array<i32>} : memref<512xf32, #tpu.memory_space<vmem>>, vector<16xf32>,
    tpu.vector_store %arg19[%swap3A_1142], %sub3A_1141 {strides = array<i32>} : memref<512xf32, #tpu.memory_space<vmem>>, vector<16xf32>,
    %get3A_1144 = arith.constant 320 : index
    %get3A_1145 = tpu.vector_load %arg18[%get3A_1144] {strides = array<i32>} : memref<512xf32, #tpu.memory_space<vmem>>, vector<16xf32>,
    %get3A_1146 = arith.constant 320 : index
    %get3A_1147 = tpu.vector_load %arg17[%get3A_1146] {strides = array<i32>} : memref<512xf32, #tpu.memory_space<vmem>>, vector<16xf32>,
    %sub3A_1148 = arith.subf %get3A_1145, %get3A_1147 : vector<16xf32>
    %swap3A_1149 = arith.constant 320 : index
    %swap3A_1150 = tpu.vector_load %arg19[%swap3A_1149] {strides = array<i32>} : memref<512xf32, #tpu.memory_space<vmem>>, vector<16xf32>,
    tpu.vector_store %arg19[%swap3A_1149], %sub3A_1148 {strides = array<i32>} : memref<512xf32, #tpu.memory_space<vmem>>, vector<16xf32>,
    %get3A_1151 = arith.constant 336 : index
    %get3A_1152 = tpu.vector_load %arg18[%get3A_1151] {strides = array<i32>} : memref<512xf32, #tpu.memory_space<vmem>>, vector<16xf32>,
    %get3A_1153 = arith.constant 336 : index
    %get3A_1154 = tpu.vector_load %arg17[%get3A_1153] {strides = array<i32>} : memref<512xf32, #tpu.memory_space<vmem>>, vector<16xf32>,
    %sub3A_1155 = arith.subf %get3A_1152, %get3A_1154 : vector<16xf32>
    %swap3A_1156 = arith.constant 336 : index
    %swap3A_1157 = tpu.vector_load %arg19[%swap3A_1156] {strides = array<i32>} : memref<512xf32, #tpu.memory_space<vmem>>, vector<16xf32>,
    tpu.vector_store %arg19[%swap3A_1156], %sub3A_1155 {strides = array<i32>} : memref<512xf32, #tpu.memory_space<vmem>>, vector<16xf32>,
    %get3A_1158 = arith.constant 352 : index
    %get3A_1159 = tpu.vector_load %arg18[%get3A_1158] {strides = array<i32>} : memref<512xf32, #tpu.memory_space<vmem>>, vector<16xf32>,
    %get3A_1160 = arith.constant 352 : index
    %get3A_1161 = tpu.vector_load %arg17[%get3A_1160] {strides = array<i32>} : memref<512xf32, #tpu.memory_space<vmem>>, vector<16xf32>,
    %sub3A_1162 = arith.subf %get3A_1159, %get3A_1161 : vector<16xf32>
    %swap3A_1163 = arith.constant 352 : index
    %swap3A_1164 = tpu.vector_load %arg19[%swap3A_1163] {strides = array<i32>} : memref<512xf32, #tpu.memory_space<vmem>>, vector<16xf32>,
    tpu.vector_store %arg19[%swap3A_1163], %sub3A_1162 {strides = array<i32>} : memref<512xf32, #tpu.memory_space<vmem>>, vector<16xf32>,
    %get3A_1165 = arith.constant 368 : index
    %get3A_1166 = tpu.vector_load %arg18[%get3A_1165] {strides = array<i32>} : memref<512xf32, #tpu.memory_space<vmem>>, vector<16xf32>,
    %get3A_1167 = arith.constant 368 : index
    %get3A_1168 = tpu.vector_load %arg17[%get3A_1167] {strides = array<i32>} : memref<512xf32, #tpu.memory_space<vmem>>, vector<16xf32>,
    %sub3A_1169 = arith.subf %get3A_1166, %get3A_1168 : vector<16xf32>
    %swap3A_1170 = arith.constant 368 : index
    %swap3A_1171 = tpu.vector_load %arg19[%swap3A_1170] {strides = array<i32>} : memref<512xf32, #tpu.memory_space<vmem>>, vector<16xf32>,
    tpu.vector_store %arg19[%swap3A_1170], %sub3A_1169 {strides = array<i32>} : memref<512xf32, #tpu.memory_space<vmem>>, vector<16xf32>,
    %get3A_1172 = arith.constant 384 : index
    %get3A_1173 = tpu.vector_load %arg18[%get3A_1172] {strides = array<i32>} : memref<512xf32, #tpu.memory_space<vmem>>, vector<16xf32>,
    %get3A_1174 = arith.constant 384 : index
    %get3A_1175 = tpu.vector_load %arg17[%get3A_1174] {strides = array<i32>} : memref<512xf32, #tpu.memory_space<vmem>>, vector<16xf32>,
    %sub3A_1176 = arith.subf %get3A_1173, %get3A_1175 : vector<16xf32>
    %swap3A_1177 = arith.constant 384 : index
    %swap3A_1178 = tpu.vector_load %arg19[%swap3A_1177] {strides = array<i32>} : memref<512xf32, #tpu.memory_space<vmem>>, vector<16xf32>,
    tpu.vector_store %arg19[%swap3A_1177], %sub3A_1176 {strides = array<i32>} : memref<512xf32, #tpu.memory_space<vmem>>, vector<16xf32>,
    %get3A_1179 = arith.constant 400 : index
    %get3A_1180 = tpu.vector_load %arg18[%get3A_1179] {strides = array<i32>} : memref<512xf32, #tpu.memory_space<vmem>>, vector<16xf32>,
    %get3A_1181 = arith.constant 400 : index
    %get3A_1182 = tpu.vector_load %arg17[%get3A_1181] {strides = array<i32>} : memref<512xf32, #tpu.memory_space<vmem>>, vector<16xf32>,
    %sub3A_1183 = arith.subf %get3A_1180, %get3A_1182 : vector<16xf32>
    %swap3A_1184 = arith.constant 400 : index
    %swap3A_1185 = tpu.vector_load %arg19[%swap3A_1184] {strides = array<i32>} : memref<512xf32, #tpu.memory_space<vmem>>, vector<16xf32>,
    tpu.vector_store %arg19[%swap3A_1184], %sub3A_1183 {strides = array<i32>} : memref<512xf32, #tpu.memory_space<vmem>>, vector<16xf32>,
    %get3A_1186 = arith.constant 416 : index
    %get3A_1187 = tpu.vector_load %arg18[%get3A_1186] {strides = array<i32>} : memref<512xf32, #tpu.memory_space<vmem>>, vector<16xf32>,
    %get3A_1188 = arith.constant 416 : index
    %get3A_1189 = tpu.vector_load %arg17[%get3A_1188] {strides = array<i32>} : memref<512xf32, #tpu.memory_space<vmem>>, vector<16xf32>,
    %sub3A_1190 = arith.subf %get3A_1187, %get3A_1189 : vector<16xf32>
    %swap3A_1191 = arith.constant 416 : index
    %swap3A_1192 = tpu.vector_load %arg19[%swap3A_1191] {strides = array<i32>} : memref<512xf32, #tpu.memory_space<vmem>>, vector<16xf32>,
    tpu.vector_store %arg19[%swap3A_1191], %sub3A_1190 {strides = array<i32>} : memref<512xf32, #tpu.memory_space<vmem>>, vector<16xf32>,
    %get3A_1193 = arith.constant 432 : index
    %get3A_1194 = tpu.vector_load %arg18[%get3A_1193] {strides = array<i32>} : memref<512xf32, #tpu.memory_space<vmem>>, vector<16xf32>,
    %get3A_1195 = arith.constant 432 : index
    %get3A_1196 = tpu.vector_load %arg17[%get3A_1195] {strides = array<i32>} : memref<512xf32, #tpu.memory_space<vmem>>, vector<16xf32>,
    %sub3A_1197 = arith.subf %get3A_1194, %get3A_1196 : vector<16xf32>
    %swap3A_1198 = arith.constant 432 : index
    %swap3A_1199 = tpu.vector_load %arg19[%swap3A_1198] {strides = array<i32>} : memref<512xf32, #tpu.memory_space<vmem>>, vector<16xf32>,
    tpu.vector_store %arg19[%swap3A_1198], %sub3A_1197 {strides = array<i32>} : memref<512xf32, #tpu.memory_space<vmem>>, vector<16xf32>,
    %get3A_1200 = arith.constant 448 : index
    %get3A_1201 = tpu.vector_load %arg18[%get3A_1200] {strides = array<i32>} : memref<512xf32, #tpu.memory_space<vmem>>, vector<16xf32>,
    %get3A_1202 = arith.constant 448 : index
    %get3A_1203 = tpu.vector_load %arg17[%get3A_1202] {strides = array<i32>} : memref<512xf32, #tpu.memory_space<vmem>>, vector<16xf32>,
    %sub3A_1204 = arith.subf %get3A_1201, %get3A_1203 : vector<16xf32>
    %swap3A_1205 = arith.constant 448 : index
    %swap3A_1206 = tpu.vector_load %arg19[%swap3A_1205] {strides = array<i32>} : memref<512xf32, #tpu.memory_space<vmem>>, vector<16xf32>,
    tpu.vector_store %arg19[%swap3A_1205], %sub3A_1204 {strides = array<i32>} : memref<512xf32, #tpu.memory_space<vmem>>, vector<16xf32>,
    %get3A_1207 = arith.constant 464 : index
    %get3A_1208 = tpu.vector_load %arg18[%get3A_1207] {strides = array<i32>} : memref<512xf32, #tpu.memory_space<vmem>>, vector<16xf32>,
    %get3A_1209 = arith.constant 464 : index
    %get3A_1210 = tpu.vector_load %arg17[%get3A_1209] {strides = array<i32>} : memref<512xf32, #tpu.memory_space<vmem>>, vector<16xf32>,
    %sub3A_1211 = arith.subf %get3A_1208, %get3A_1210 : vector<16xf32>
    %swap3A_1212 = arith.constant 464 : index
    %swap3A_1213 = tpu.vector_load %arg19[%swap3A_1212] {strides = array<i32>} : memref<512xf32, #tpu.memory_space<vmem>>, vector<16xf32>,
    tpu.vector_store %arg19[%swap3A_1212], %sub3A_1211 {strides = array<i32>} : memref<512xf32, #tpu.memory_space<vmem>>, vector<16xf32>,
    %get3A_1214 = arith.constant 480 : index
    %get3A_1215 = tpu.vector_load %arg18[%get3A_1214] {strides = array<i32>} : memref<512xf32, #tpu.memory_space<vmem>>, vector<16xf32>,
    %get3A_1216 = arith.constant 480 : index
    %get3A_1217 = tpu.vector_load %arg17[%get3A_1216] {strides = array<i32>} : memref<512xf32, #tpu.memory_space<vmem>>, vector<16xf32>,
    %sub3A_1218 = arith.subf %get3A_1215, %get3A_1217 : vector<16xf32>
    %swap3A_1219 = arith.constant 480 : index
    %swap3A_1220 = tpu.vector_load %arg19[%swap3A_1219] {strides = array<i32>} : memref<512xf32, #tpu.memory_space<vmem>>, vector<16xf32>,
    tpu.vector_store %arg19[%swap3A_1219], %sub3A_1218 {strides = array<i32>} : memref<512xf32, #tpu.memory_space<vmem>>, vector<16xf32>,
    %get3A_1221 = arith.constant 496 : index
    %get3A_1222 = tpu.vector_load %arg18[%get3A_1221] {strides = array<i32>} : memref<512xf32, #tpu.memory_space<vmem>>, vector<16xf32>,
    %get3A_1223 = arith.constant 496 : index
    %get3A_1224 = tpu.vector_load %arg17[%get3A_1223] {strides = array<i32>} : memref<512xf32, #tpu.memory_space<vmem>>, vector<16xf32>,
    %sub3A_1225 = arith.subf %get3A_1222, %get3A_1224 : vector<16xf32>
    %swap3A_1226 = arith.constant 496 : index
    %swap3A_1227 = tpu.vector_load %arg19[%swap3A_1226] {strides = array<i32>} : memref<512xf32, #tpu.memory_space<vmem>>, vector<16xf32>,
    tpu.vector_store %arg19[%swap3A_1226], %sub3A_1225 {strides = array<i32>} : memref<512xf32, #tpu.memory_space<vmem>>, vector<16xf32>,
    %iota3A = tpu.iota {dimensions = array<i32: 0>} : vector<16xi32>
    %dma_start3A_1228 = arith.constant 0 : i32
    %dma_start3A_1229 = arith.constant 0 : i32
    %dma_start3A_1230 = tpu.memref_slice %arg14[%dma_start3A_1228, %dma_start3A_1229] : memref<256x128xf32, #tpu.memory_space<vmem>> -> memref<128x128xf32, #tpu.memory_space<vmem>>
    %dma_start3A_1231 = arith.constant 0 : i32
    %dma_start3A_1232 = tpu.memref_slice %arg10[%dma_start3A_1231] : memref<512xi32, #tpu.memory_space<vmem>> -> memref<128xi32, #tpu.memory_space<vmem>>
    %dma_start3A_1233 = arith.constant 0 : i32
    %dma_start3A_1234 = arith.constant 0 : i32
    %dma_start3A_1235 = tpu.memref_slice %arg2[%dma_start3A_1233, %dma_start3A_1234] : memref<262144x128xf32, #tpu.memory_space<hbm>> -> memref<262144x128xf32, #tpu.memory_space<hbm>>
    tpu.enqueue_indirect_dma source(%dma_start3A_1235 : memref<262144x128xf32, #tpu.memory_space<hbm>>) target(%dma_start3A_1230 : memref<128x128xf32, #tpu.memory_space<vmem>>) offsets(%dma_start3A_1232 : memref<128xi32, #tpu.memory_space<vmem>>) semaphore(%arg20 : memref<!tpu.dma_semaphore, #tpu.memory_space<semaphore_mem>>)
    %dma_start3A_1236 = arith.constant 0 : i32
    %dma_start3A_1237 = arith.constant 0 : i32
    %dma_start3A_1238 = tpu.memref_slice %arg15[%dma_start3A_1236, %dma_start3A_1237] : memref<256x128xf32, #tpu.memory_space<vmem>> -> memref<128x128xf32, #tpu.memory_space<vmem>>
    %dma_start3A_1239 = arith.constant 0 : i32
    %dma_start3A_1240 = tpu.memref_slice %arg11[%dma_start3A_1239] : memref<512xi32, #tpu.memory_space<vmem>> -> memref<128xi32, #tpu.memory_space<vmem>>
    %dma_start3A_1241 = arith.constant 0 : i32
    %dma_start3A_1242 = arith.constant 0 : i32
    %dma_start3A_1243 = tpu.memref_slice %arg2[%dma_start3A_1241, %dma_start3A_1242] : memref<262144x128xf32, #tpu.memory_space<hbm>> -> memref<262144x128xf32, #tpu.memory_space<hbm>>
    tpu.enqueue_indirect_dma source(%dma_start3A_1243 : memref<262144x128xf32, #tpu.memory_space<hbm>>) target(%dma_start3A_1238 : memref<128x128xf32, #tpu.memory_space<vmem>>) offsets(%dma_start3A_1240 : memref<128xi32, #tpu.memory_space<vmem>>) semaphore(%arg20 : memref<!tpu.dma_semaphore, #tpu.memory_space<semaphore_mem>>)
    %dma_start3A_1244 = arith.constant 128 : i32
    %dma_start3A_1245 = arith.constant 0 : i32
    %dma_start3A_1246 = tpu.memref_slice %arg14[%dma_start3A_1244, %dma_start3A_1245] : memref<256x128xf32, #tpu.memory_space<vmem>> -> memref<128x128xf32, #tpu.memory_space<vmem>>
    %dma_start3A_1247 = arith.constant 128 : i32
    %dma_start3A_1248 = tpu.memref_slice %arg10[%dma_start3A_1247] : memref<512xi32, #tpu.memory_space<vmem>> -> memref<128xi32, #tpu.memory_space<vmem>>
    %dma_start3A_1249 = arith.constant 0 : i32
    %dma_start3A_1250 = arith.constant 0 : i32
    %dma_start3A_1251 = tpu.memref_slice %arg2[%dma_start3A_1249, %dma_start3A_1250] : memref<262144x128xf32, #tpu.memory_space<hbm>> -> memref<262144x128xf32, #tpu.memory_space<hbm>>
    tpu.enqueue_indirect_dma source(%dma_start3A_1251 : memref<262144x128xf32, #tpu.memory_space<hbm>>) target(%dma_start3A_1246 : memref<128x128xf32, #tpu.memory_space<vmem>>) offsets(%dma_start3A_1248 : memref<128xi32, #tpu.memory_space<vmem>>) semaphore(%arg20 : memref<!tpu.dma_semaphore, #tpu.memory_space<semaphore_mem>>)
    %dma_start3A_1252 = arith.constant 128 : i32
    %dma_start3A_1253 = arith.constant 0 : i32
    %dma_start3A_1254 = tpu.memref_slice %arg15[%dma_start3A_1252, %dma_start3A_1253] : memref<256x128xf32, #tpu.memory_space<vmem>> -> memref<128x128xf32, #tpu.memory_space<vmem>>
    %dma_start3A_1255 = arith.constant 128 : i32
    %dma_start3A_1256 = tpu.memref_slice %arg11[%dma_start3A_1255] : memref<512xi32, #tpu.memory_space<vmem>> -> memref<128xi32, #tpu.memory_space<vmem>>
    %dma_start3A_1257 = arith.constant 0 : i32
    %dma_start3A_1258 = arith.constant 0 : i32
    %dma_start3A_1259 = tpu.memref_slice %arg2[%dma_start3A_1257, %dma_start3A_1258] : memref<262144x128xf32, #tpu.memory_space<hbm>> -> memref<262144x128xf32, #tpu.memory_space<hbm>>
    tpu.enqueue_indirect_dma source(%dma_start3A_1259 : memref<262144x128xf32, #tpu.memory_space<hbm>>) target(%dma_start3A_1254 : memref<128x128xf32, #tpu.memory_space<vmem>>) offsets(%dma_start3A_1256 : memref<128xi32, #tpu.memory_space<vmem>>) semaphore(%arg20 : memref<!tpu.dma_semaphore, #tpu.memory_space<semaphore_mem>>)
    %dma_wait3A_1260 = arith.constant 0 : i32
    %dma_wait3A_1261 = arith.constant 0 : i32
    %dma_wait3A_1262 = tpu.memref_slice %arg14[%dma_wait3A_1260, %dma_wait3A_1261] : memref<256x128xf32, #tpu.memory_space<vmem>> -> memref<128x128xf32, #tpu.memory_space<vmem>>
    %dma_wait3A_1263 = arith.constant 0 : i32
    %dma_wait3A_1264 = tpu.memref_slice %arg10[%dma_wait3A_1263] : memref<512xi32, #tpu.memory_space<vmem>> -> memref<128xi32, #tpu.memory_space<vmem>>
    %dma_wait3A_1265 = arith.constant 0 : i32
    %dma_wait3A_1266 = arith.constant 0 : i32
    %dma_wait3A_1267 = tpu.memref_slice %arg2[%dma_wait3A_1265, %dma_wait3A_1266] : memref<262144x128xf32, #tpu.memory_space<hbm>> -> memref<262144x128xf32, #tpu.memory_space<hbm>>
    tpu.wait_indirect_dma semaphore(%arg20 : memref<!tpu.dma_semaphore, #tpu.memory_space<semaphore_mem>>) src(%dma_wait3A_1267 : memref<262144x128xf32, #tpu.memory_space<hbm>>) dst(%dma_wait3A_1262 : memref<128x128xf32, #tpu.memory_space<vmem>>)
    %dma_wait3A_1268 = arith.constant 0 : i32
    %dma_wait3A_1269 = arith.constant 0 : i32
    %dma_wait3A_1270 = tpu.memref_slice %arg15[%dma_wait3A_1268, %dma_wait3A_1269] : memref<256x128xf32, #tpu.memory_space<vmem>> -> memref<128x128xf32, #tpu.memory_space<vmem>>
    %dma_wait3A_1271 = arith.constant 0 : i32
    %dma_wait3A_1272 = tpu.memref_slice %arg11[%dma_wait3A_1271] : memref<512xi32, #tpu.memory_space<vmem>> -> memref<128xi32, #tpu.memory_space<vmem>>
    %dma_wait3A_1273 = arith.constant 0 : i32
    %dma_wait3A_1274 = arith.constant 0 : i32
    %dma_wait3A_1275 = tpu.memref_slice %arg2[%dma_wait3A_1273, %dma_wait3A_1274] : memref<262144x128xf32, #tpu.memory_space<hbm>> -> memref<262144x128xf32, #tpu.memory_space<hbm>>
    tpu.wait_indirect_dma semaphore(%arg20 : memref<!tpu.dma_semaphore, #tpu.memory_space<semaphore_mem>>) src(%dma_wait3A_1275 : memref<262144x128xf32, #tpu.memory_space<hbm>>) dst(%dma_wait3A_1270 : memref<128x128xf32, #tpu.memory_space<vmem>>)
    %dma_wait3A_1276 = arith.constant 128 : i32
    %dma_wait3A_1277 = arith.constant 0 : i32
    %dma_wait3A_1278 = tpu.memref_slice %arg14[%dma_wait3A_1276, %dma_wait3A_1277] : memref<256x128xf32, #tpu.memory_space<vmem>> -> memref<128x128xf32, #tpu.memory_space<vmem>>
    %dma_wait3A_1279 = arith.constant 128 : i32
    %dma_wait3A_1280 = tpu.memref_slice %arg10[%dma_wait3A_1279] : memref<512xi32, #tpu.memory_space<vmem>> -> memref<128xi32, #tpu.memory_space<vmem>>
    %dma_wait3A_1281 = arith.constant 0 : i32
    %dma_wait3A_1282 = arith.constant 0 : i32
    %dma_wait3A_1283 = tpu.memref_slice %arg2[%dma_wait3A_1281, %dma_wait3A_1282] : memref<262144x128xf32, #tpu.memory_space<hbm>> -> memref<262144x128xf32, #tpu.memory_space<hbm>>
    tpu.wait_indirect_dma semaphore(%arg20 : memref<!tpu.dma_semaphore, #tpu.memory_space<semaphore_mem>>) src(%dma_wait3A_1283 : memref<262144x128xf32, #tpu.memory_space<hbm>>) dst(%dma_wait3A_1278 : memref<128x128xf32, #tpu.memory_space<vmem>>)
    %dma_wait3A_1284 = arith.constant 128 : i32
    %dma_wait3A_1285 = arith.constant 0 : i32
    %dma_wait3A_1286 = tpu.memref_slice %arg15[%dma_wait3A_1284, %dma_wait3A_1285] : memref<256x128xf32, #tpu.memory_space<vmem>> -> memref<128x128xf32, #tpu.memory_space<vmem>>
    %dma_wait3A_1287 = arith.constant 128 : i32
    %dma_wait3A_1288 = tpu.memref_slice %arg11[%dma_wait3A_1287] : memref<512xi32, #tpu.memory_space<vmem>> -> memref<128xi32, #tpu.memory_space<vmem>>
    %dma_wait3A_1289 = arith.constant 0 : i32
    %dma_wait3A_1290 = arith.constant 0 : i32
    %dma_wait3A_1291 = tpu.memref_slice %arg2[%dma_wait3A_1289, %dma_wait3A_1290] : memref<262144x128xf32, #tpu.memory_space<hbm>> -> memref<262144x128xf32, #tpu.memory_space<hbm>>
    tpu.wait_indirect_dma semaphore(%arg20 : memref<!tpu.dma_semaphore, #tpu.memory_space<semaphore_mem>>) src(%dma_wait3A_1291 : memref<262144x128xf32, #tpu.memory_space<hbm>>) dst(%dma_wait3A_1286 : memref<128x128xf32, #tpu.memory_space<vmem>>)
    %scan3A = arith.constant 0 : i32
    %scan3A_1292 = arith.constant 0 : i32
    %scan3A_1293 = arith.constant 16 : i32
    %scan3A_1294 = arith.addi %scan3A_1292, %scan3A_1293 : i32
    %scan3A_1295 = arith.constant 1 : i32
    scf.for %scan3A_1371 = %scan3A_1292 to %scan3A_1294 step %scan3A_1295  : i32 {
      %mul3A_1372 = arith.constant 16 : i32
      %mul3A_1373 = arith.muli %scan3A_1371, %mul3A_1372 : i32
      %add3A_1374 = vector.broadcast %mul3A_1373 : i32 to vector<16xi32>
      %add3A_1375 = arith.addi %iota3A, %add3A_1374 : vector<16xi32>
      %add3A_1376 = arith.constant 0 : i32
      %add3A_1377 = vector.broadcast %add3A_1376 : i32 to vector<16xi32>
      %add3A_1378 = arith.addi %add3A_1375, %add3A_1377 : vector<16xi32>
      %gather3A = tpu.vector_load_idx %arg12[%add3A_1378] : memref<512xi32, #tpu.memory_space<vmem>>[vector<16xi32>], vector<16xi32>,
      %add3A_1379 = arith.constant 0 : i32
      %add3A_1380 = vector.broadcast %add3A_1379 : i32 to vector<16xi32>
      %add3A_1381 = arith.addi %add3A_1375, %add3A_1380 : vector<16xi32>
      %gather3A_1382 = tpu.vector_load_idx %arg13[%add3A_1381] : memref<512xi32, #tpu.memory_space<vmem>>[vector<16xi32>], vector<16xi32>,
      %add3A_1383 = arith.constant 0 : i32
      %add3A_1384 = vector.broadcast %add3A_1383 : i32 to vector<16xi32>
      %add3A_1385 = arith.addi %add3A_1375, %add3A_1384 : vector<16xi32>
      %gather3A_1386 = tpu.vector_load_idx %arg19[%add3A_1385] : memref<512xf32, #tpu.memory_space<vmem>>[vector<16xi32>], vector<16xf32>,
      %add3A_1387 = arith.constant 0 : i32
      %add3A_1388 = vector.broadcast %add3A_1387 : i32 to vector<16xi32>
      %add3A_1389 = arith.addi %gather3A, %add3A_1388 : vector<16xi32>
      %gather3A_1390 = tpu.vector_load_idx %arg14[%add3A_1375, %add3A_1389] : memref<256x128xf32, #tpu.memory_space<vmem>>[vector<16xi32>, vector<16xi32>], vector<16xf32>,
      %broadcast_in_dim3A = arith.constant 0 : i32
      %broadcast_in_dim3A_1391 = vector.broadcast %broadcast_in_dim3A : i32 to vector<16xi32>
      tpu.vector_store_idx %arg16[%add3A_1375, %broadcast_in_dim3A_1391], %gather3A_1390 : memref<256x128xf32, #tpu.memory_space<vmem>>[vector<16xi32>, vector<16xi32>], vector<16xf32>,
      %add3A_1392 = arith.constant 0 : i32
      %add3A_1393 = vector.broadcast %add3A_1392 : i32 to vector<16xi32>
      %add3A_1394 = arith.addi %gather3A_1382, %add3A_1393 : vector<16xi32>
      %gather3A_1395 = tpu.vector_load_idx %arg15[%add3A_1375, %add3A_1394] : memref<256x128xf32, #tpu.memory_space<vmem>>[vector<16xi32>, vector<16xi32>], vector<16xf32>,
      %broadcast_in_dim3A_1396 = arith.constant 32 : i32
      %broadcast_in_dim3A_1397 = vector.broadcast %broadcast_in_dim3A_1396 : i32 to vector<16xi32>
      tpu.vector_store_idx %arg16[%add3A_1375, %broadcast_in_dim3A_1397], %gather3A_1395 : memref<256x128xf32, #tpu.memory_space<vmem>>[vector<16xi32>, vector<16xi32>], vector<16xf32>,
      %add3A_1398 = arith.constant 1 : i32
      %add3A_1399 = vector.broadcast %add3A_1398 : i32 to vector<16xi32>
      %add3A_1400 = arith.addi %gather3A, %add3A_1399 : vector<16xi32>
      %gather3A_1401 = tpu.vector_load_idx %arg14[%add3A_1375, %add3A_1400] : memref<256x128xf32, #tpu.memory_space<vmem>>[vector<16xi32>, vector<16xi32>], vector<16xf32>,
      %broadcast_in_dim3A_1402 = arith.constant 1 : i32
      %broadcast_in_dim3A_1403 = vector.broadcast %broadcast_in_dim3A_1402 : i32 to vector<16xi32>
      tpu.vector_store_idx %arg16[%add3A_1375, %broadcast_in_dim3A_1403], %gather3A_1401 : memref<256x128xf32, #tpu.memory_space<vmem>>[vector<16xi32>, vector<16xi32>], vector<16xf32>,
      %add3A_1404 = arith.constant 1 : i32
      %add3A_1405 = vector.broadcast %add3A_1404 : i32 to vector<16xi32>
      %add3A_1406 = arith.addi %gather3A_1382, %add3A_1405 : vector<16xi32>
      %gather3A_1407 = tpu.vector_load_idx %arg15[%add3A_1375, %add3A_1406] : memref<256x128xf32, #tpu.memory_space<vmem>>[vector<16xi32>, vector<16xi32>], vector<16xf32>,
      %broadcast_in_dim3A_1408 = arith.constant 33 : i32
      %broadcast_in_dim3A_1409 = vector.broadcast %broadcast_in_dim3A_1408 : i32 to vector<16xi32>
      tpu.vector_store_idx %arg16[%add3A_1375, %broadcast_in_dim3A_1409], %gather3A_1407 : memref<256x128xf32, #tpu.memory_space<vmem>>[vector<16xi32>, vector<16xi32>], vector<16xf32>,
      %add3A_1410 = arith.constant 2 : i32
      %add3A_1411 = vector.broadcast %add3A_1410 : i32 to vector<16xi32>
      %add3A_1412 = arith.addi %gather3A, %add3A_1411 : vector<16xi32>
      %gather3A_1413 = tpu.vector_load_idx %arg14[%add3A_1375, %add3A_1412] : memref<256x128xf32, #tpu.memory_space<vmem>>[vector<16xi32>, vector<16xi32>], vector<16xf32>,
      %broadcast_in_dim3A_1414 = arith.constant 2 : i32
      %broadcast_in_dim3A_1415 = vector.broadcast %broadcast_in_dim3A_1414 : i32 to vector<16xi32>
      tpu.vector_store_idx %arg16[%add3A_1375, %broadcast_in_dim3A_1415], %gather3A_1413 : memref<256x128xf32, #tpu.memory_space<vmem>>[vector<16xi32>, vector<16xi32>], vector<16xf32>,
      %add3A_1416 = arith.constant 2 : i32
      %add3A_1417 = vector.broadcast %add3A_1416 : i32 to vector<16xi32>
      %add3A_1418 = arith.addi %gather3A_1382, %add3A_1417 : vector<16xi32>
      %gather3A_1419 = tpu.vector_load_idx %arg15[%add3A_1375, %add3A_1418] : memref<256x128xf32, #tpu.memory_space<vmem>>[vector<16xi32>, vector<16xi32>], vector<16xf32>,
      %broadcast_in_dim3A_1420 = arith.constant 34 : i32
      %broadcast_in_dim3A_1421 = vector.broadcast %broadcast_in_dim3A_1420 : i32 to vector<16xi32>
      tpu.vector_store_idx %arg16[%add3A_1375, %broadcast_in_dim3A_1421], %gather3A_1419 : memref<256x128xf32, #tpu.memory_space<vmem>>[vector<16xi32>, vector<16xi32>], vector<16xf32>,
      %add3A_1422 = arith.constant 3 : i32
      %add3A_1423 = vector.broadcast %add3A_1422 : i32 to vector<16xi32>
      %add3A_1424 = arith.addi %gather3A, %add3A_1423 : vector<16xi32>
      %gather3A_1425 = tpu.vector_load_idx %arg14[%add3A_1375, %add3A_1424] : memref<256x128xf32, #tpu.memory_space<vmem>>[vector<16xi32>, vector<16xi32>], vector<16xf32>,
      %broadcast_in_dim3A_1426 = arith.constant 3 : i32
      %broadcast_in_dim3A_1427 = vector.broadcast %broadcast_in_dim3A_1426 : i32 to vector<16xi32>
      tpu.vector_store_idx %arg16[%add3A_1375, %broadcast_in_dim3A_1427], %gather3A_1425 : memref<256x128xf32, #tpu.memory_space<vmem>>[vector<16xi32>, vector<16xi32>], vector<16xf32>,
      %add3A_1428 = arith.constant 3 : i32
      %add3A_1429 = vector.broadcast %add3A_1428 : i32 to vector<16xi32>
      %add3A_1430 = arith.addi %gather3A_1382, %add3A_1429 : vector<16xi32>
      %gather3A_1431 = tpu.vector_load_idx %arg15[%add3A_1375, %add3A_1430] : memref<256x128xf32, #tpu.memory_space<vmem>>[vector<16xi32>, vector<16xi32>], vector<16xf32>,
      %broadcast_in_dim3A_1432 = arith.constant 35 : i32
      %broadcast_in_dim3A_1433 = vector.broadcast %broadcast_in_dim3A_1432 : i32 to vector<16xi32>
      tpu.vector_store_idx %arg16[%add3A_1375, %broadcast_in_dim3A_1433], %gather3A_1431 : memref<256x128xf32, #tpu.memory_space<vmem>>[vector<16xi32>, vector<16xi32>], vector<16xf32>,
      %add3A_1434 = arith.constant 4 : i32
      %add3A_1435 = vector.broadcast %add3A_1434 : i32 to vector<16xi32>
      %add3A_1436 = arith.addi %gather3A, %add3A_1435 : vector<16xi32>
      %gather3A_1437 = tpu.vector_load_idx %arg14[%add3A_1375, %add3A_1436] : memref<256x128xf32, #tpu.memory_space<vmem>>[vector<16xi32>, vector<16xi32>], vector<16xf32>,
      %broadcast_in_dim3A_1438 = arith.constant 4 : i32
      %broadcast_in_dim3A_1439 = vector.broadcast %broadcast_in_dim3A_1438 : i32 to vector<16xi32>
      tpu.vector_store_idx %arg16[%add3A_1375, %broadcast_in_dim3A_1439], %gather3A_1437 : memref<256x128xf32, #tpu.memory_space<vmem>>[vector<16xi32>, vector<16xi32>], vector<16xf32>,
      %add3A_1440 = arith.constant 4 : i32
      %add3A_1441 = vector.broadcast %add3A_1440 : i32 to vector<16xi32>
      %add3A_1442 = arith.addi %gather3A_1382, %add3A_1441 : vector<16xi32>
      %gather3A_1443 = tpu.vector_load_idx %arg15[%add3A_1375, %add3A_1442] : memref<256x128xf32, #tpu.memory_space<vmem>>[vector<16xi32>, vector<16xi32>], vector<16xf32>,
      %broadcast_in_dim3A_1444 = arith.constant 36 : i32
      %broadcast_in_dim3A_1445 = vector.broadcast %broadcast_in_dim3A_1444 : i32 to vector<16xi32>
      tpu.vector_store_idx %arg16[%add3A_1375, %broadcast_in_dim3A_1445], %gather3A_1443 : memref<256x128xf32, #tpu.memory_space<vmem>>[vector<16xi32>, vector<16xi32>], vector<16xf32>,
      %add3A_1446 = arith.constant 5 : i32
      %add3A_1447 = vector.broadcast %add3A_1446 : i32 to vector<16xi32>
      %add3A_1448 = arith.addi %gather3A, %add3A_1447 : vector<16xi32>
      %gather3A_1449 = tpu.vector_load_idx %arg14[%add3A_1375, %add3A_1448] : memref<256x128xf32, #tpu.memory_space<vmem>>[vector<16xi32>, vector<16xi32>], vector<16xf32>,
      %broadcast_in_dim3A_1450 = arith.constant 5 : i32
      %broadcast_in_dim3A_1451 = vector.broadcast %broadcast_in_dim3A_1450 : i32 to vector<16xi32>
      tpu.vector_store_idx %arg16[%add3A_1375, %broadcast_in_dim3A_1451], %gather3A_1449 : memref<256x128xf32, #tpu.memory_space<vmem>>[vector<16xi32>, vector<16xi32>], vector<16xf32>,
      %add3A_1452 = arith.constant 5 : i32
      %add3A_1453 = vector.broadcast %add3A_1452 : i32 to vector<16xi32>
      %add3A_1454 = arith.addi %gather3A_1382, %add3A_1453 : vector<16xi32>
      %gather3A_1455 = tpu.vector_load_idx %arg15[%add3A_1375, %add3A_1454] : memref<256x128xf32, #tpu.memory_space<vmem>>[vector<16xi32>, vector<16xi32>], vector<16xf32>,
      %broadcast_in_dim3A_1456 = arith.constant 37 : i32
      %broadcast_in_dim3A_1457 = vector.broadcast %broadcast_in_dim3A_1456 : i32 to vector<16xi32>
      tpu.vector_store_idx %arg16[%add3A_1375, %broadcast_in_dim3A_1457], %gather3A_1455 : memref<256x128xf32, #tpu.memory_space<vmem>>[vector<16xi32>, vector<16xi32>], vector<16xf32>,
      %add3A_1458 = arith.constant 6 : i32
      %add3A_1459 = vector.broadcast %add3A_1458 : i32 to vector<16xi32>
      %add3A_1460 = arith.addi %gather3A, %add3A_1459 : vector<16xi32>
      %gather3A_1461 = tpu.vector_load_idx %arg14[%add3A_1375, %add3A_1460] : memref<256x128xf32, #tpu.memory_space<vmem>>[vector<16xi32>, vector<16xi32>], vector<16xf32>,
      %broadcast_in_dim3A_1462 = arith.constant 6 : i32
      %broadcast_in_dim3A_1463 = vector.broadcast %broadcast_in_dim3A_1462 : i32 to vector<16xi32>
      tpu.vector_store_idx %arg16[%add3A_1375, %broadcast_in_dim3A_1463], %gather3A_1461 : memref<256x128xf32, #tpu.memory_space<vmem>>[vector<16xi32>, vector<16xi32>], vector<16xf32>,
      %add3A_1464 = arith.constant 6 : i32
      %add3A_1465 = vector.broadcast %add3A_1464 : i32 to vector<16xi32>
      %add3A_1466 = arith.addi %gather3A_1382, %add3A_1465 : vector<16xi32>
      %gather3A_1467 = tpu.vector_load_idx %arg15[%add3A_1375, %add3A_1466] : memref<256x128xf32, #tpu.memory_space<vmem>>[vector<16xi32>, vector<16xi32>], vector<16xf32>,
      %broadcast_in_dim3A_1468 = arith.constant 38 : i32
      %broadcast_in_dim3A_1469 = vector.broadcast %broadcast_in_dim3A_1468 : i32 to vector<16xi32>
      tpu.vector_store_idx %arg16[%add3A_1375, %broadcast_in_dim3A_1469], %gather3A_1467 : memref<256x128xf32, #tpu.memory_space<vmem>>[vector<16xi32>, vector<16xi32>], vector<16xf32>,
      %add3A_1470 = arith.constant 7 : i32
      %add3A_1471 = vector.broadcast %add3A_1470 : i32 to vector<16xi32>
      %add3A_1472 = arith.addi %gather3A, %add3A_1471 : vector<16xi32>
      %gather3A_1473 = tpu.vector_load_idx %arg14[%add3A_1375, %add3A_1472] : memref<256x128xf32, #tpu.memory_space<vmem>>[vector<16xi32>, vector<16xi32>], vector<16xf32>,
      %broadcast_in_dim3A_1474 = arith.constant 7 : i32
      %broadcast_in_dim3A_1475 = vector.broadcast %broadcast_in_dim3A_1474 : i32 to vector<16xi32>
      tpu.vector_store_idx %arg16[%add3A_1375, %broadcast_in_dim3A_1475], %gather3A_1473 : memref<256x128xf32, #tpu.memory_space<vmem>>[vector<16xi32>, vector<16xi32>], vector<16xf32>,
      %add3A_1476 = arith.constant 7 : i32
      %add3A_1477 = vector.broadcast %add3A_1476 : i32 to vector<16xi32>
      %add3A_1478 = arith.addi %gather3A_1382, %add3A_1477 : vector<16xi32>
      %gather3A_1479 = tpu.vector_load_idx %arg15[%add3A_1375, %add3A_1478] : memref<256x128xf32, #tpu.memory_space<vmem>>[vector<16xi32>, vector<16xi32>], vector<16xf32>,
      %broadcast_in_dim3A_1480 = arith.constant 39 : i32
      %broadcast_in_dim3A_1481 = vector.broadcast %broadcast_in_dim3A_1480 : i32 to vector<16xi32>
      tpu.vector_store_idx %arg16[%add3A_1375, %broadcast_in_dim3A_1481], %gather3A_1479 : memref<256x128xf32, #tpu.memory_space<vmem>>[vector<16xi32>, vector<16xi32>], vector<16xf32>,
      %add3A_1482 = arith.constant 8 : i32
      %add3A_1483 = vector.broadcast %add3A_1482 : i32 to vector<16xi32>
      %add3A_1484 = arith.addi %gather3A, %add3A_1483 : vector<16xi32>
      %gather3A_1485 = tpu.vector_load_idx %arg14[%add3A_1375, %add3A_1484] : memref<256x128xf32, #tpu.memory_space<vmem>>[vector<16xi32>, vector<16xi32>], vector<16xf32>,
      %broadcast_in_dim3A_1486 = arith.constant 8 : i32
      %broadcast_in_dim3A_1487 = vector.broadcast %broadcast_in_dim3A_1486 : i32 to vector<16xi32>
      tpu.vector_store_idx %arg16[%add3A_1375, %broadcast_in_dim3A_1487], %gather3A_1485 : memref<256x128xf32, #tpu.memory_space<vmem>>[vector<16xi32>, vector<16xi32>], vector<16xf32>,
      %add3A_1488 = arith.constant 8 : i32
      %add3A_1489 = vector.broadcast %add3A_1488 : i32 to vector<16xi32>
      %add3A_1490 = arith.addi %gather3A_1382, %add3A_1489 : vector<16xi32>
      %gather3A_1491 = tpu.vector_load_idx %arg15[%add3A_1375, %add3A_1490] : memref<256x128xf32, #tpu.memory_space<vmem>>[vector<16xi32>, vector<16xi32>], vector<16xf32>,
      %broadcast_in_dim3A_1492 = arith.constant 40 : i32
      %broadcast_in_dim3A_1493 = vector.broadcast %broadcast_in_dim3A_1492 : i32 to vector<16xi32>
      tpu.vector_store_idx %arg16[%add3A_1375, %broadcast_in_dim3A_1493], %gather3A_1491 : memref<256x128xf32, #tpu.memory_space<vmem>>[vector<16xi32>, vector<16xi32>], vector<16xf32>,
      %add3A_1494 = arith.constant 9 : i32
      %add3A_1495 = vector.broadcast %add3A_1494 : i32 to vector<16xi32>
      %add3A_1496 = arith.addi %gather3A, %add3A_1495 : vector<16xi32>
      %gather3A_1497 = tpu.vector_load_idx %arg14[%add3A_1375, %add3A_1496] : memref<256x128xf32, #tpu.memory_space<vmem>>[vector<16xi32>, vector<16xi32>], vector<16xf32>,
      %broadcast_in_dim3A_1498 = arith.constant 9 : i32
      %broadcast_in_dim3A_1499 = vector.broadcast %broadcast_in_dim3A_1498 : i32 to vector<16xi32>
      tpu.vector_store_idx %arg16[%add3A_1375, %broadcast_in_dim3A_1499], %gather3A_1497 : memref<256x128xf32, #tpu.memory_space<vmem>>[vector<16xi32>, vector<16xi32>], vector<16xf32>,
      %add3A_1500 = arith.constant 9 : i32
      %add3A_1501 = vector.broadcast %add3A_1500 : i32 to vector<16xi32>
      %add3A_1502 = arith.addi %gather3A_1382, %add3A_1501 : vector<16xi32>
      %gather3A_1503 = tpu.vector_load_idx %arg15[%add3A_1375, %add3A_1502] : memref<256x128xf32, #tpu.memory_space<vmem>>[vector<16xi32>, vector<16xi32>], vector<16xf32>,
      %broadcast_in_dim3A_1504 = arith.constant 41 : i32
      %broadcast_in_dim3A_1505 = vector.broadcast %broadcast_in_dim3A_1504 : i32 to vector<16xi32>
      tpu.vector_store_idx %arg16[%add3A_1375, %broadcast_in_dim3A_1505], %gather3A_1503 : memref<256x128xf32, #tpu.memory_space<vmem>>[vector<16xi32>, vector<16xi32>], vector<16xf32>,
      %add3A_1506 = arith.constant 10 : i32
      %add3A_1507 = vector.broadcast %add3A_1506 : i32 to vector<16xi32>
      %add3A_1508 = arith.addi %gather3A, %add3A_1507 : vector<16xi32>
      %gather3A_1509 = tpu.vector_load_idx %arg14[%add3A_1375, %add3A_1508] : memref<256x128xf32, #tpu.memory_space<vmem>>[vector<16xi32>, vector<16xi32>], vector<16xf32>,
      %broadcast_in_dim3A_1510 = arith.constant 10 : i32
      %broadcast_in_dim3A_1511 = vector.broadcast %broadcast_in_dim3A_1510 : i32 to vector<16xi32>
      tpu.vector_store_idx %arg16[%add3A_1375, %broadcast_in_dim3A_1511], %gather3A_1509 : memref<256x128xf32, #tpu.memory_space<vmem>>[vector<16xi32>, vector<16xi32>], vector<16xf32>,
      %add3A_1512 = arith.constant 10 : i32
      %add3A_1513 = vector.broadcast %add3A_1512 : i32 to vector<16xi32>
      %add3A_1514 = arith.addi %gather3A_1382, %add3A_1513 : vector<16xi32>
      %gather3A_1515 = tpu.vector_load_idx %arg15[%add3A_1375, %add3A_1514] : memref<256x128xf32, #tpu.memory_space<vmem>>[vector<16xi32>, vector<16xi32>], vector<16xf32>,
      %broadcast_in_dim3A_1516 = arith.constant 42 : i32
      %broadcast_in_dim3A_1517 = vector.broadcast %broadcast_in_dim3A_1516 : i32 to vector<16xi32>
      tpu.vector_store_idx %arg16[%add3A_1375, %broadcast_in_dim3A_1517], %gather3A_1515 : memref<256x128xf32, #tpu.memory_space<vmem>>[vector<16xi32>, vector<16xi32>], vector<16xf32>,
      %add3A_1518 = arith.constant 11 : i32
      %add3A_1519 = vector.broadcast %add3A_1518 : i32 to vector<16xi32>
      %add3A_1520 = arith.addi %gather3A, %add3A_1519 : vector<16xi32>
      %gather3A_1521 = tpu.vector_load_idx %arg14[%add3A_1375, %add3A_1520] : memref<256x128xf32, #tpu.memory_space<vmem>>[vector<16xi32>, vector<16xi32>], vector<16xf32>,
      %broadcast_in_dim3A_1522 = arith.constant 11 : i32
      %broadcast_in_dim3A_1523 = vector.broadcast %broadcast_in_dim3A_1522 : i32 to vector<16xi32>
      tpu.vector_store_idx %arg16[%add3A_1375, %broadcast_in_dim3A_1523], %gather3A_1521 : memref<256x128xf32, #tpu.memory_space<vmem>>[vector<16xi32>, vector<16xi32>], vector<16xf32>,
      %add3A_1524 = arith.constant 11 : i32
      %add3A_1525 = vector.broadcast %add3A_1524 : i32 to vector<16xi32>
      %add3A_1526 = arith.addi %gather3A_1382, %add3A_1525 : vector<16xi32>
      %gather3A_1527 = tpu.vector_load_idx %arg15[%add3A_1375, %add3A_1526] : memref<256x128xf32, #tpu.memory_space<vmem>>[vector<16xi32>, vector<16xi32>], vector<16xf32>,
      %broadcast_in_dim3A_1528 = arith.constant 43 : i32
      %broadcast_in_dim3A_1529 = vector.broadcast %broadcast_in_dim3A_1528 : i32 to vector<16xi32>
      tpu.vector_store_idx %arg16[%add3A_1375, %broadcast_in_dim3A_1529], %gather3A_1527 : memref<256x128xf32, #tpu.memory_space<vmem>>[vector<16xi32>, vector<16xi32>], vector<16xf32>,
      %add3A_1530 = arith.constant 12 : i32
      %add3A_1531 = vector.broadcast %add3A_1530 : i32 to vector<16xi32>
      %add3A_1532 = arith.addi %gather3A, %add3A_1531 : vector<16xi32>
      %gather3A_1533 = tpu.vector_load_idx %arg14[%add3A_1375, %add3A_1532] : memref<256x128xf32, #tpu.memory_space<vmem>>[vector<16xi32>, vector<16xi32>], vector<16xf32>,
      %broadcast_in_dim3A_1534 = arith.constant 12 : i32
      %broadcast_in_dim3A_1535 = vector.broadcast %broadcast_in_dim3A_1534 : i32 to vector<16xi32>
      tpu.vector_store_idx %arg16[%add3A_1375, %broadcast_in_dim3A_1535], %gather3A_1533 : memref<256x128xf32, #tpu.memory_space<vmem>>[vector<16xi32>, vector<16xi32>], vector<16xf32>,
      %add3A_1536 = arith.constant 12 : i32
      %add3A_1537 = vector.broadcast %add3A_1536 : i32 to vector<16xi32>
      %add3A_1538 = arith.addi %gather3A_1382, %add3A_1537 : vector<16xi32>
      %gather3A_1539 = tpu.vector_load_idx %arg15[%add3A_1375, %add3A_1538] : memref<256x128xf32, #tpu.memory_space<vmem>>[vector<16xi32>, vector<16xi32>], vector<16xf32>,
      %broadcast_in_dim3A_1540 = arith.constant 44 : i32
      %broadcast_in_dim3A_1541 = vector.broadcast %broadcast_in_dim3A_1540 : i32 to vector<16xi32>
      tpu.vector_store_idx %arg16[%add3A_1375, %broadcast_in_dim3A_1541], %gather3A_1539 : memref<256x128xf32, #tpu.memory_space<vmem>>[vector<16xi32>, vector<16xi32>], vector<16xf32>,
      %add3A_1542 = arith.constant 13 : i32
      %add3A_1543 = vector.broadcast %add3A_1542 : i32 to vector<16xi32>
      %add3A_1544 = arith.addi %gather3A, %add3A_1543 : vector<16xi32>
      %gather3A_1545 = tpu.vector_load_idx %arg14[%add3A_1375, %add3A_1544] : memref<256x128xf32, #tpu.memory_space<vmem>>[vector<16xi32>, vector<16xi32>], vector<16xf32>,
      %broadcast_in_dim3A_1546 = arith.constant 13 : i32
      %broadcast_in_dim3A_1547 = vector.broadcast %broadcast_in_dim3A_1546 : i32 to vector<16xi32>
      tpu.vector_store_idx %arg16[%add3A_1375, %broadcast_in_dim3A_1547], %gather3A_1545 : memref<256x128xf32, #tpu.memory_space<vmem>>[vector<16xi32>, vector<16xi32>], vector<16xf32>,
      %add3A_1548 = arith.constant 13 : i32
      %add3A_1549 = vector.broadcast %add3A_1548 : i32 to vector<16xi32>
      %add3A_1550 = arith.addi %gather3A_1382, %add3A_1549 : vector<16xi32>
      %gather3A_1551 = tpu.vector_load_idx %arg15[%add3A_1375, %add3A_1550] : memref<256x128xf32, #tpu.memory_space<vmem>>[vector<16xi32>, vector<16xi32>], vector<16xf32>,
      %broadcast_in_dim3A_1552 = arith.constant 45 : i32
      %broadcast_in_dim3A_1553 = vector.broadcast %broadcast_in_dim3A_1552 : i32 to vector<16xi32>
      tpu.vector_store_idx %arg16[%add3A_1375, %broadcast_in_dim3A_1553], %gather3A_1551 : memref<256x128xf32, #tpu.memory_space<vmem>>[vector<16xi32>, vector<16xi32>], vector<16xf32>,
      %add3A_1554 = arith.constant 14 : i32
      %add3A_1555 = vector.broadcast %add3A_1554 : i32 to vector<16xi32>
      %add3A_1556 = arith.addi %gather3A, %add3A_1555 : vector<16xi32>
      %gather3A_1557 = tpu.vector_load_idx %arg14[%add3A_1375, %add3A_1556] : memref<256x128xf32, #tpu.memory_space<vmem>>[vector<16xi32>, vector<16xi32>], vector<16xf32>,
      %broadcast_in_dim3A_1558 = arith.constant 14 : i32
      %broadcast_in_dim3A_1559 = vector.broadcast %broadcast_in_dim3A_1558 : i32 to vector<16xi32>
      tpu.vector_store_idx %arg16[%add3A_1375, %broadcast_in_dim3A_1559], %gather3A_1557 : memref<256x128xf32, #tpu.memory_space<vmem>>[vector<16xi32>, vector<16xi32>], vector<16xf32>,
      %add3A_1560 = arith.constant 14 : i32
      %add3A_1561 = vector.broadcast %add3A_1560 : i32 to vector<16xi32>
      %add3A_1562 = arith.addi %gather3A_1382, %add3A_1561 : vector<16xi32>
      %gather3A_1563 = tpu.vector_load_idx %arg15[%add3A_1375, %add3A_1562] : memref<256x128xf32, #tpu.memory_space<vmem>>[vector<16xi32>, vector<16xi32>], vector<16xf32>,
      %broadcast_in_dim3A_1564 = arith.constant 46 : i32
      %broadcast_in_dim3A_1565 = vector.broadcast %broadcast_in_dim3A_1564 : i32 to vector<16xi32>
      tpu.vector_store_idx %arg16[%add3A_1375, %broadcast_in_dim3A_1565], %gather3A_1563 : memref<256x128xf32, #tpu.memory_space<vmem>>[vector<16xi32>, vector<16xi32>], vector<16xf32>,
      %add3A_1566 = arith.constant 15 : i32
      %add3A_1567 = vector.broadcast %add3A_1566 : i32 to vector<16xi32>
      %add3A_1568 = arith.addi %gather3A, %add3A_1567 : vector<16xi32>
      %gather3A_1569 = tpu.vector_load_idx %arg14[%add3A_1375, %add3A_1568] : memref<256x128xf32, #tpu.memory_space<vmem>>[vector<16xi32>, vector<16xi32>], vector<16xf32>,
      %broadcast_in_dim3A_1570 = arith.constant 15 : i32
      %broadcast_in_dim3A_1571 = vector.broadcast %broadcast_in_dim3A_1570 : i32 to vector<16xi32>
      tpu.vector_store_idx %arg16[%add3A_1375, %broadcast_in_dim3A_1571], %gather3A_1569 : memref<256x128xf32, #tpu.memory_space<vmem>>[vector<16xi32>, vector<16xi32>], vector<16xf32>,
      %add3A_1572 = arith.constant 15 : i32
      %add3A_1573 = vector.broadcast %add3A_1572 : i32 to vector<16xi32>
      %add3A_1574 = arith.addi %gather3A_1382, %add3A_1573 : vector<16xi32>
      %gather3A_1575 = tpu.vector_load_idx %arg15[%add3A_1375, %add3A_1574] : memref<256x128xf32, #tpu.memory_space<vmem>>[vector<16xi32>, vector<16xi32>], vector<16xf32>,
      %broadcast_in_dim3A_1576 = arith.constant 47 : i32
      %broadcast_in_dim3A_1577 = vector.broadcast %broadcast_in_dim3A_1576 : i32 to vector<16xi32>
      tpu.vector_store_idx %arg16[%add3A_1375, %broadcast_in_dim3A_1577], %gather3A_1575 : memref<256x128xf32, #tpu.memory_space<vmem>>[vector<16xi32>, vector<16xi32>], vector<16xf32>,
      %add3A_1578 = arith.constant 16 : i32
      %add3A_1579 = vector.broadcast %add3A_1578 : i32 to vector<16xi32>
      %add3A_1580 = arith.addi %gather3A, %add3A_1579 : vector<16xi32>
      %gather3A_1581 = tpu.vector_load_idx %arg14[%add3A_1375, %add3A_1580] : memref<256x128xf32, #tpu.memory_space<vmem>>[vector<16xi32>, vector<16xi32>], vector<16xf32>,
      %broadcast_in_dim3A_1582 = arith.constant 16 : i32
      %broadcast_in_dim3A_1583 = vector.broadcast %broadcast_in_dim3A_1582 : i32 to vector<16xi32>
      tpu.vector_store_idx %arg16[%add3A_1375, %broadcast_in_dim3A_1583], %gather3A_1581 : memref<256x128xf32, #tpu.memory_space<vmem>>[vector<16xi32>, vector<16xi32>], vector<16xf32>,
      %add3A_1584 = arith.constant 16 : i32
      %add3A_1585 = vector.broadcast %add3A_1584 : i32 to vector<16xi32>
      %add3A_1586 = arith.addi %gather3A_1382, %add3A_1585 : vector<16xi32>
      %gather3A_1587 = tpu.vector_load_idx %arg15[%add3A_1375, %add3A_1586] : memref<256x128xf32, #tpu.memory_space<vmem>>[vector<16xi32>, vector<16xi32>], vector<16xf32>,
      %broadcast_in_dim3A_1588 = arith.constant 48 : i32
      %broadcast_in_dim3A_1589 = vector.broadcast %broadcast_in_dim3A_1588 : i32 to vector<16xi32>
      tpu.vector_store_idx %arg16[%add3A_1375, %broadcast_in_dim3A_1589], %gather3A_1587 : memref<256x128xf32, #tpu.memory_space<vmem>>[vector<16xi32>, vector<16xi32>], vector<16xf32>,
      %add3A_1590 = arith.constant 17 : i32
      %add3A_1591 = vector.broadcast %add3A_1590 : i32 to vector<16xi32>
      %add3A_1592 = arith.addi %gather3A, %add3A_1591 : vector<16xi32>
      %gather3A_1593 = tpu.vector_load_idx %arg14[%add3A_1375, %add3A_1592] : memref<256x128xf32, #tpu.memory_space<vmem>>[vector<16xi32>, vector<16xi32>], vector<16xf32>,
      %broadcast_in_dim3A_1594 = arith.constant 17 : i32
      %broadcast_in_dim3A_1595 = vector.broadcast %broadcast_in_dim3A_1594 : i32 to vector<16xi32>
      tpu.vector_store_idx %arg16[%add3A_1375, %broadcast_in_dim3A_1595], %gather3A_1593 : memref<256x128xf32, #tpu.memory_space<vmem>>[vector<16xi32>, vector<16xi32>], vector<16xf32>,
      %add3A_1596 = arith.constant 17 : i32
      %add3A_1597 = vector.broadcast %add3A_1596 : i32 to vector<16xi32>
      %add3A_1598 = arith.addi %gather3A_1382, %add3A_1597 : vector<16xi32>
      %gather3A_1599 = tpu.vector_load_idx %arg15[%add3A_1375, %add3A_1598] : memref<256x128xf32, #tpu.memory_space<vmem>>[vector<16xi32>, vector<16xi32>], vector<16xf32>,
      %broadcast_in_dim3A_1600 = arith.constant 49 : i32
      %broadcast_in_dim3A_1601 = vector.broadcast %broadcast_in_dim3A_1600 : i32 to vector<16xi32>
      tpu.vector_store_idx %arg16[%add3A_1375, %broadcast_in_dim3A_1601], %gather3A_1599 : memref<256x128xf32, #tpu.memory_space<vmem>>[vector<16xi32>, vector<16xi32>], vector<16xf32>,
      %add3A_1602 = arith.constant 18 : i32
      %add3A_1603 = vector.broadcast %add3A_1602 : i32 to vector<16xi32>
      %add3A_1604 = arith.addi %gather3A, %add3A_1603 : vector<16xi32>
      %gather3A_1605 = tpu.vector_load_idx %arg14[%add3A_1375, %add3A_1604] : memref<256x128xf32, #tpu.memory_space<vmem>>[vector<16xi32>, vector<16xi32>], vector<16xf32>,
      %broadcast_in_dim3A_1606 = arith.constant 18 : i32
      %broadcast_in_dim3A_1607 = vector.broadcast %broadcast_in_dim3A_1606 : i32 to vector<16xi32>
      tpu.vector_store_idx %arg16[%add3A_1375, %broadcast_in_dim3A_1607], %gather3A_1605 : memref<256x128xf32, #tpu.memory_space<vmem>>[vector<16xi32>, vector<16xi32>], vector<16xf32>,
      %add3A_1608 = arith.constant 18 : i32
      %add3A_1609 = vector.broadcast %add3A_1608 : i32 to vector<16xi32>
      %add3A_1610 = arith.addi %gather3A_1382, %add3A_1609 : vector<16xi32>
      %gather3A_1611 = tpu.vector_load_idx %arg15[%add3A_1375, %add3A_1610] : memref<256x128xf32, #tpu.memory_space<vmem>>[vector<16xi32>, vector<16xi32>], vector<16xf32>,
      %broadcast_in_dim3A_1612 = arith.constant 50 : i32
      %broadcast_in_dim3A_1613 = vector.broadcast %broadcast_in_dim3A_1612 : i32 to vector<16xi32>
      tpu.vector_store_idx %arg16[%add3A_1375, %broadcast_in_dim3A_1613], %gather3A_1611 : memref<256x128xf32, #tpu.memory_space<vmem>>[vector<16xi32>, vector<16xi32>], vector<16xf32>,
      %add3A_1614 = arith.constant 19 : i32
      %add3A_1615 = vector.broadcast %add3A_1614 : i32 to vector<16xi32>
      %add3A_1616 = arith.addi %gather3A, %add3A_1615 : vector<16xi32>
      %gather3A_1617 = tpu.vector_load_idx %arg14[%add3A_1375, %add3A_1616] : memref<256x128xf32, #tpu.memory_space<vmem>>[vector<16xi32>, vector<16xi32>], vector<16xf32>,
      %broadcast_in_dim3A_1618 = arith.constant 19 : i32
      %broadcast_in_dim3A_1619 = vector.broadcast %broadcast_in_dim3A_1618 : i32 to vector<16xi32>
      tpu.vector_store_idx %arg16[%add3A_1375, %broadcast_in_dim3A_1619], %gather3A_1617 : memref<256x128xf32, #tpu.memory_space<vmem>>[vector<16xi32>, vector<16xi32>], vector<16xf32>,
      %add3A_1620 = arith.constant 19 : i32
      %add3A_1621 = vector.broadcast %add3A_1620 : i32 to vector<16xi32>
      %add3A_1622 = arith.addi %gather3A_1382, %add3A_1621 : vector<16xi32>
      %gather3A_1623 = tpu.vector_load_idx %arg15[%add3A_1375, %add3A_1622] : memref<256x128xf32, #tpu.memory_space<vmem>>[vector<16xi32>, vector<16xi32>], vector<16xf32>,
      %broadcast_in_dim3A_1624 = arith.constant 51 : i32
      %broadcast_in_dim3A_1625 = vector.broadcast %broadcast_in_dim3A_1624 : i32 to vector<16xi32>
      tpu.vector_store_idx %arg16[%add3A_1375, %broadcast_in_dim3A_1625], %gather3A_1623 : memref<256x128xf32, #tpu.memory_space<vmem>>[vector<16xi32>, vector<16xi32>], vector<16xf32>,
      %add3A_1626 = arith.constant 20 : i32
      %add3A_1627 = vector.broadcast %add3A_1626 : i32 to vector<16xi32>
      %add3A_1628 = arith.addi %gather3A, %add3A_1627 : vector<16xi32>
      %gather3A_1629 = tpu.vector_load_idx %arg14[%add3A_1375, %add3A_1628] : memref<256x128xf32, #tpu.memory_space<vmem>>[vector<16xi32>, vector<16xi32>], vector<16xf32>,
      %broadcast_in_dim3A_1630 = arith.constant 20 : i32
      %broadcast_in_dim3A_1631 = vector.broadcast %broadcast_in_dim3A_1630 : i32 to vector<16xi32>
      tpu.vector_store_idx %arg16[%add3A_1375, %broadcast_in_dim3A_1631], %gather3A_1629 : memref<256x128xf32, #tpu.memory_space<vmem>>[vector<16xi32>, vector<16xi32>], vector<16xf32>,
      %add3A_1632 = arith.constant 20 : i32
      %add3A_1633 = vector.broadcast %add3A_1632 : i32 to vector<16xi32>
      %add3A_1634 = arith.addi %gather3A_1382, %add3A_1633 : vector<16xi32>
      %gather3A_1635 = tpu.vector_load_idx %arg15[%add3A_1375, %add3A_1634] : memref<256x128xf32, #tpu.memory_space<vmem>>[vector<16xi32>, vector<16xi32>], vector<16xf32>,
      %broadcast_in_dim3A_1636 = arith.constant 52 : i32
      %broadcast_in_dim3A_1637 = vector.broadcast %broadcast_in_dim3A_1636 : i32 to vector<16xi32>
      tpu.vector_store_idx %arg16[%add3A_1375, %broadcast_in_dim3A_1637], %gather3A_1635 : memref<256x128xf32, #tpu.memory_space<vmem>>[vector<16xi32>, vector<16xi32>], vector<16xf32>,
      %add3A_1638 = arith.constant 21 : i32
      %add3A_1639 = vector.broadcast %add3A_1638 : i32 to vector<16xi32>
      %add3A_1640 = arith.addi %gather3A, %add3A_1639 : vector<16xi32>
      %gather3A_1641 = tpu.vector_load_idx %arg14[%add3A_1375, %add3A_1640] : memref<256x128xf32, #tpu.memory_space<vmem>>[vector<16xi32>, vector<16xi32>], vector<16xf32>,
      %broadcast_in_dim3A_1642 = arith.constant 21 : i32
      %broadcast_in_dim3A_1643 = vector.broadcast %broadcast_in_dim3A_1642 : i32 to vector<16xi32>
      tpu.vector_store_idx %arg16[%add3A_1375, %broadcast_in_dim3A_1643], %gather3A_1641 : memref<256x128xf32, #tpu.memory_space<vmem>>[vector<16xi32>, vector<16xi32>], vector<16xf32>,
      %add3A_1644 = arith.constant 21 : i32
      %add3A_1645 = vector.broadcast %add3A_1644 : i32 to vector<16xi32>
      %add3A_1646 = arith.addi %gather3A_1382, %add3A_1645 : vector<16xi32>
      %gather3A_1647 = tpu.vector_load_idx %arg15[%add3A_1375, %add3A_1646] : memref<256x128xf32, #tpu.memory_space<vmem>>[vector<16xi32>, vector<16xi32>], vector<16xf32>,
      %broadcast_in_dim3A_1648 = arith.constant 53 : i32
      %broadcast_in_dim3A_1649 = vector.broadcast %broadcast_in_dim3A_1648 : i32 to vector<16xi32>
      tpu.vector_store_idx %arg16[%add3A_1375, %broadcast_in_dim3A_1649], %gather3A_1647 : memref<256x128xf32, #tpu.memory_space<vmem>>[vector<16xi32>, vector<16xi32>], vector<16xf32>,
      %add3A_1650 = arith.constant 22 : i32
      %add3A_1651 = vector.broadcast %add3A_1650 : i32 to vector<16xi32>
      %add3A_1652 = arith.addi %gather3A, %add3A_1651 : vector<16xi32>
      %gather3A_1653 = tpu.vector_load_idx %arg14[%add3A_1375, %add3A_1652] : memref<256x128xf32, #tpu.memory_space<vmem>>[vector<16xi32>, vector<16xi32>], vector<16xf32>,
      %broadcast_in_dim3A_1654 = arith.constant 22 : i32
      %broadcast_in_dim3A_1655 = vector.broadcast %broadcast_in_dim3A_1654 : i32 to vector<16xi32>
      tpu.vector_store_idx %arg16[%add3A_1375, %broadcast_in_dim3A_1655], %gather3A_1653 : memref<256x128xf32, #tpu.memory_space<vmem>>[vector<16xi32>, vector<16xi32>], vector<16xf32>,
      %add3A_1656 = arith.constant 22 : i32
      %add3A_1657 = vector.broadcast %add3A_1656 : i32 to vector<16xi32>
      %add3A_1658 = arith.addi %gather3A_1382, %add3A_1657 : vector<16xi32>
      %gather3A_1659 = tpu.vector_load_idx %arg15[%add3A_1375, %add3A_1658] : memref<256x128xf32, #tpu.memory_space<vmem>>[vector<16xi32>, vector<16xi32>], vector<16xf32>,
      %broadcast_in_dim3A_1660 = arith.constant 54 : i32
      %broadcast_in_dim3A_1661 = vector.broadcast %broadcast_in_dim3A_1660 : i32 to vector<16xi32>
      tpu.vector_store_idx %arg16[%add3A_1375, %broadcast_in_dim3A_1661], %gather3A_1659 : memref<256x128xf32, #tpu.memory_space<vmem>>[vector<16xi32>, vector<16xi32>], vector<16xf32>,
      %add3A_1662 = arith.constant 23 : i32
      %add3A_1663 = vector.broadcast %add3A_1662 : i32 to vector<16xi32>
      %add3A_1664 = arith.addi %gather3A, %add3A_1663 : vector<16xi32>
      %gather3A_1665 = tpu.vector_load_idx %arg14[%add3A_1375, %add3A_1664] : memref<256x128xf32, #tpu.memory_space<vmem>>[vector<16xi32>, vector<16xi32>], vector<16xf32>,
      %broadcast_in_dim3A_1666 = arith.constant 23 : i32
      %broadcast_in_dim3A_1667 = vector.broadcast %broadcast_in_dim3A_1666 : i32 to vector<16xi32>
      tpu.vector_store_idx %arg16[%add3A_1375, %broadcast_in_dim3A_1667], %gather3A_1665 : memref<256x128xf32, #tpu.memory_space<vmem>>[vector<16xi32>, vector<16xi32>], vector<16xf32>,
      %add3A_1668 = arith.constant 23 : i32
      %add3A_1669 = vector.broadcast %add3A_1668 : i32 to vector<16xi32>
      %add3A_1670 = arith.addi %gather3A_1382, %add3A_1669 : vector<16xi32>
      %gather3A_1671 = tpu.vector_load_idx %arg15[%add3A_1375, %add3A_1670] : memref<256x128xf32, #tpu.memory_space<vmem>>[vector<16xi32>, vector<16xi32>], vector<16xf32>,
      %broadcast_in_dim3A_1672 = arith.constant 55 : i32
      %broadcast_in_dim3A_1673 = vector.broadcast %broadcast_in_dim3A_1672 : i32 to vector<16xi32>
      tpu.vector_store_idx %arg16[%add3A_1375, %broadcast_in_dim3A_1673], %gather3A_1671 : memref<256x128xf32, #tpu.memory_space<vmem>>[vector<16xi32>, vector<16xi32>], vector<16xf32>,
      %add3A_1674 = arith.constant 24 : i32
      %add3A_1675 = vector.broadcast %add3A_1674 : i32 to vector<16xi32>
      %add3A_1676 = arith.addi %gather3A, %add3A_1675 : vector<16xi32>
      %gather3A_1677 = tpu.vector_load_idx %arg14[%add3A_1375, %add3A_1676] : memref<256x128xf32, #tpu.memory_space<vmem>>[vector<16xi32>, vector<16xi32>], vector<16xf32>,
      %broadcast_in_dim3A_1678 = arith.constant 24 : i32
      %broadcast_in_dim3A_1679 = vector.broadcast %broadcast_in_dim3A_1678 : i32 to vector<16xi32>
      tpu.vector_store_idx %arg16[%add3A_1375, %broadcast_in_dim3A_1679], %gather3A_1677 : memref<256x128xf32, #tpu.memory_space<vmem>>[vector<16xi32>, vector<16xi32>], vector<16xf32>,
      %add3A_1680 = arith.constant 24 : i32
      %add3A_1681 = vector.broadcast %add3A_1680 : i32 to vector<16xi32>
      %add3A_1682 = arith.addi %gather3A_1382, %add3A_1681 : vector<16xi32>
      %gather3A_1683 = tpu.vector_load_idx %arg15[%add3A_1375, %add3A_1682] : memref<256x128xf32, #tpu.memory_space<vmem>>[vector<16xi32>, vector<16xi32>], vector<16xf32>,
      %broadcast_in_dim3A_1684 = arith.constant 56 : i32
      %broadcast_in_dim3A_1685 = vector.broadcast %broadcast_in_dim3A_1684 : i32 to vector<16xi32>
      tpu.vector_store_idx %arg16[%add3A_1375, %broadcast_in_dim3A_1685], %gather3A_1683 : memref<256x128xf32, #tpu.memory_space<vmem>>[vector<16xi32>, vector<16xi32>], vector<16xf32>,
      %add3A_1686 = arith.constant 25 : i32
      %add3A_1687 = vector.broadcast %add3A_1686 : i32 to vector<16xi32>
      %add3A_1688 = arith.addi %gather3A, %add3A_1687 : vector<16xi32>
      %gather3A_1689 = tpu.vector_load_idx %arg14[%add3A_1375, %add3A_1688] : memref<256x128xf32, #tpu.memory_space<vmem>>[vector<16xi32>, vector<16xi32>], vector<16xf32>,
      %broadcast_in_dim3A_1690 = arith.constant 25 : i32
      %broadcast_in_dim3A_1691 = vector.broadcast %broadcast_in_dim3A_1690 : i32 to vector<16xi32>
      tpu.vector_store_idx %arg16[%add3A_1375, %broadcast_in_dim3A_1691], %gather3A_1689 : memref<256x128xf32, #tpu.memory_space<vmem>>[vector<16xi32>, vector<16xi32>], vector<16xf32>,
      %add3A_1692 = arith.constant 25 : i32
      %add3A_1693 = vector.broadcast %add3A_1692 : i32 to vector<16xi32>
      %add3A_1694 = arith.addi %gather3A_1382, %add3A_1693 : vector<16xi32>
      %gather3A_1695 = tpu.vector_load_idx %arg15[%add3A_1375, %add3A_1694] : memref<256x128xf32, #tpu.memory_space<vmem>>[vector<16xi32>, vector<16xi32>], vector<16xf32>,
      %broadcast_in_dim3A_1696 = arith.constant 57 : i32
      %broadcast_in_dim3A_1697 = vector.broadcast %broadcast_in_dim3A_1696 : i32 to vector<16xi32>
      tpu.vector_store_idx %arg16[%add3A_1375, %broadcast_in_dim3A_1697], %gather3A_1695 : memref<256x128xf32, #tpu.memory_space<vmem>>[vector<16xi32>, vector<16xi32>], vector<16xf32>,
      %add3A_1698 = arith.constant 26 : i32
      %add3A_1699 = vector.broadcast %add3A_1698 : i32 to vector<16xi32>
      %add3A_1700 = arith.addi %gather3A, %add3A_1699 : vector<16xi32>
      %gather3A_1701 = tpu.vector_load_idx %arg14[%add3A_1375, %add3A_1700] : memref<256x128xf32, #tpu.memory_space<vmem>>[vector<16xi32>, vector<16xi32>], vector<16xf32>,
      %broadcast_in_dim3A_1702 = arith.constant 26 : i32
      %broadcast_in_dim3A_1703 = vector.broadcast %broadcast_in_dim3A_1702 : i32 to vector<16xi32>
      tpu.vector_store_idx %arg16[%add3A_1375, %broadcast_in_dim3A_1703], %gather3A_1701 : memref<256x128xf32, #tpu.memory_space<vmem>>[vector<16xi32>, vector<16xi32>], vector<16xf32>,
      %add3A_1704 = arith.constant 26 : i32
      %add3A_1705 = vector.broadcast %add3A_1704 : i32 to vector<16xi32>
      %add3A_1706 = arith.addi %gather3A_1382, %add3A_1705 : vector<16xi32>
      %gather3A_1707 = tpu.vector_load_idx %arg15[%add3A_1375, %add3A_1706] : memref<256x128xf32, #tpu.memory_space<vmem>>[vector<16xi32>, vector<16xi32>], vector<16xf32>,
      %broadcast_in_dim3A_1708 = arith.constant 58 : i32
      %broadcast_in_dim3A_1709 = vector.broadcast %broadcast_in_dim3A_1708 : i32 to vector<16xi32>
      tpu.vector_store_idx %arg16[%add3A_1375, %broadcast_in_dim3A_1709], %gather3A_1707 : memref<256x128xf32, #tpu.memory_space<vmem>>[vector<16xi32>, vector<16xi32>], vector<16xf32>,
      %add3A_1710 = arith.constant 27 : i32
      %add3A_1711 = vector.broadcast %add3A_1710 : i32 to vector<16xi32>
      %add3A_1712 = arith.addi %gather3A, %add3A_1711 : vector<16xi32>
      %gather3A_1713 = tpu.vector_load_idx %arg14[%add3A_1375, %add3A_1712] : memref<256x128xf32, #tpu.memory_space<vmem>>[vector<16xi32>, vector<16xi32>], vector<16xf32>,
      %broadcast_in_dim3A_1714 = arith.constant 27 : i32
      %broadcast_in_dim3A_1715 = vector.broadcast %broadcast_in_dim3A_1714 : i32 to vector<16xi32>
      tpu.vector_store_idx %arg16[%add3A_1375, %broadcast_in_dim3A_1715], %gather3A_1713 : memref<256x128xf32, #tpu.memory_space<vmem>>[vector<16xi32>, vector<16xi32>], vector<16xf32>,
      %add3A_1716 = arith.constant 27 : i32
      %add3A_1717 = vector.broadcast %add3A_1716 : i32 to vector<16xi32>
      %add3A_1718 = arith.addi %gather3A_1382, %add3A_1717 : vector<16xi32>
      %gather3A_1719 = tpu.vector_load_idx %arg15[%add3A_1375, %add3A_1718] : memref<256x128xf32, #tpu.memory_space<vmem>>[vector<16xi32>, vector<16xi32>], vector<16xf32>,
      %broadcast_in_dim3A_1720 = arith.constant 59 : i32
      %broadcast_in_dim3A_1721 = vector.broadcast %broadcast_in_dim3A_1720 : i32 to vector<16xi32>
      tpu.vector_store_idx %arg16[%add3A_1375, %broadcast_in_dim3A_1721], %gather3A_1719 : memref<256x128xf32, #tpu.memory_space<vmem>>[vector<16xi32>, vector<16xi32>], vector<16xf32>,
      %add3A_1722 = arith.constant 28 : i32
      %add3A_1723 = vector.broadcast %add3A_1722 : i32 to vector<16xi32>
      %add3A_1724 = arith.addi %gather3A, %add3A_1723 : vector<16xi32>
      %gather3A_1725 = tpu.vector_load_idx %arg14[%add3A_1375, %add3A_1724] : memref<256x128xf32, #tpu.memory_space<vmem>>[vector<16xi32>, vector<16xi32>], vector<16xf32>,
      %broadcast_in_dim3A_1726 = arith.constant 28 : i32
      %broadcast_in_dim3A_1727 = vector.broadcast %broadcast_in_dim3A_1726 : i32 to vector<16xi32>
      tpu.vector_store_idx %arg16[%add3A_1375, %broadcast_in_dim3A_1727], %gather3A_1725 : memref<256x128xf32, #tpu.memory_space<vmem>>[vector<16xi32>, vector<16xi32>], vector<16xf32>,
      %add3A_1728 = arith.constant 28 : i32
      %add3A_1729 = vector.broadcast %add3A_1728 : i32 to vector<16xi32>
      %add3A_1730 = arith.addi %gather3A_1382, %add3A_1729 : vector<16xi32>
      %gather3A_1731 = tpu.vector_load_idx %arg15[%add3A_1375, %add3A_1730] : memref<256x128xf32, #tpu.memory_space<vmem>>[vector<16xi32>, vector<16xi32>], vector<16xf32>,
      %broadcast_in_dim3A_1732 = arith.constant 60 : i32
      %broadcast_in_dim3A_1733 = vector.broadcast %broadcast_in_dim3A_1732 : i32 to vector<16xi32>
      tpu.vector_store_idx %arg16[%add3A_1375, %broadcast_in_dim3A_1733], %gather3A_1731 : memref<256x128xf32, #tpu.memory_space<vmem>>[vector<16xi32>, vector<16xi32>], vector<16xf32>,
      %add3A_1734 = arith.constant 29 : i32
      %add3A_1735 = vector.broadcast %add3A_1734 : i32 to vector<16xi32>
      %add3A_1736 = arith.addi %gather3A, %add3A_1735 : vector<16xi32>
      %gather3A_1737 = tpu.vector_load_idx %arg14[%add3A_1375, %add3A_1736] : memref<256x128xf32, #tpu.memory_space<vmem>>[vector<16xi32>, vector<16xi32>], vector<16xf32>,
      %broadcast_in_dim3A_1738 = arith.constant 29 : i32
      %broadcast_in_dim3A_1739 = vector.broadcast %broadcast_in_dim3A_1738 : i32 to vector<16xi32>
      tpu.vector_store_idx %arg16[%add3A_1375, %broadcast_in_dim3A_1739], %gather3A_1737 : memref<256x128xf32, #tpu.memory_space<vmem>>[vector<16xi32>, vector<16xi32>], vector<16xf32>,
      %add3A_1740 = arith.constant 29 : i32
      %add3A_1741 = vector.broadcast %add3A_1740 : i32 to vector<16xi32>
      %add3A_1742 = arith.addi %gather3A_1382, %add3A_1741 : vector<16xi32>
      %gather3A_1743 = tpu.vector_load_idx %arg15[%add3A_1375, %add3A_1742] : memref<256x128xf32, #tpu.memory_space<vmem>>[vector<16xi32>, vector<16xi32>], vector<16xf32>,
      %broadcast_in_dim3A_1744 = arith.constant 61 : i32
      %broadcast_in_dim3A_1745 = vector.broadcast %broadcast_in_dim3A_1744 : i32 to vector<16xi32>
      tpu.vector_store_idx %arg16[%add3A_1375, %broadcast_in_dim3A_1745], %gather3A_1743 : memref<256x128xf32, #tpu.memory_space<vmem>>[vector<16xi32>, vector<16xi32>], vector<16xf32>,
      %add3A_1746 = arith.constant 30 : i32
      %add3A_1747 = vector.broadcast %add3A_1746 : i32 to vector<16xi32>
      %add3A_1748 = arith.addi %gather3A, %add3A_1747 : vector<16xi32>
      %gather3A_1749 = tpu.vector_load_idx %arg14[%add3A_1375, %add3A_1748] : memref<256x128xf32, #tpu.memory_space<vmem>>[vector<16xi32>, vector<16xi32>], vector<16xf32>,
      %broadcast_in_dim3A_1750 = arith.constant 30 : i32
      %broadcast_in_dim3A_1751 = vector.broadcast %broadcast_in_dim3A_1750 : i32 to vector<16xi32>
      tpu.vector_store_idx %arg16[%add3A_1375, %broadcast_in_dim3A_1751], %gather3A_1749 : memref<256x128xf32, #tpu.memory_space<vmem>>[vector<16xi32>, vector<16xi32>], vector<16xf32>,
      %add3A_1752 = arith.constant 30 : i32
      %add3A_1753 = vector.broadcast %add3A_1752 : i32 to vector<16xi32>
      %add3A_1754 = arith.addi %gather3A_1382, %add3A_1753 : vector<16xi32>
      %gather3A_1755 = tpu.vector_load_idx %arg15[%add3A_1375, %add3A_1754] : memref<256x128xf32, #tpu.memory_space<vmem>>[vector<16xi32>, vector<16xi32>], vector<16xf32>,
      %broadcast_in_dim3A_1756 = arith.constant 62 : i32
      %broadcast_in_dim3A_1757 = vector.broadcast %broadcast_in_dim3A_1756 : i32 to vector<16xi32>
      tpu.vector_store_idx %arg16[%add3A_1375, %broadcast_in_dim3A_1757], %gather3A_1755 : memref<256x128xf32, #tpu.memory_space<vmem>>[vector<16xi32>, vector<16xi32>], vector<16xf32>,
      %add3A_1758 = arith.constant 31 : i32
      %add3A_1759 = vector.broadcast %add3A_1758 : i32 to vector<16xi32>
      %add3A_1760 = arith.addi %gather3A, %add3A_1759 : vector<16xi32>
      %gather3A_1761 = tpu.vector_load_idx %arg14[%add3A_1375, %add3A_1760] : memref<256x128xf32, #tpu.memory_space<vmem>>[vector<16xi32>, vector<16xi32>], vector<16xf32>,
      %broadcast_in_dim3A_1762 = arith.constant 31 : i32
      %broadcast_in_dim3A_1763 = vector.broadcast %broadcast_in_dim3A_1762 : i32 to vector<16xi32>
      tpu.vector_store_idx %arg16[%add3A_1375, %broadcast_in_dim3A_1763], %gather3A_1761 : memref<256x128xf32, #tpu.memory_space<vmem>>[vector<16xi32>, vector<16xi32>], vector<16xf32>,
      %add3A_1764 = arith.constant 31 : i32
      %add3A_1765 = vector.broadcast %add3A_1764 : i32 to vector<16xi32>
      %add3A_1766 = arith.addi %gather3A_1382, %add3A_1765 : vector<16xi32>
      %gather3A_1767 = tpu.vector_load_idx %arg15[%add3A_1375, %add3A_1766] : memref<256x128xf32, #tpu.memory_space<vmem>>[vector<16xi32>, vector<16xi32>], vector<16xf32>,
      %broadcast_in_dim3A_1768 = arith.constant 63 : i32
      %broadcast_in_dim3A_1769 = vector.broadcast %broadcast_in_dim3A_1768 : i32 to vector<16xi32>
      tpu.vector_store_idx %arg16[%add3A_1375, %broadcast_in_dim3A_1769], %gather3A_1767 : memref<256x128xf32, #tpu.memory_space<vmem>>[vector<16xi32>, vector<16xi32>], vector<16xf32>,
      %broadcast_in_dim3A_1770 = arith.constant 64 : i32
      %broadcast_in_dim3A_1771 = vector.broadcast %broadcast_in_dim3A_1770 : i32 to vector<16xi32>
      tpu.vector_store_idx %arg16[%add3A_1375, %broadcast_in_dim3A_1771], %gather3A_1386 : memref<256x128xf32, #tpu.memory_space<vmem>>[vector<16xi32>, vector<16xi32>], vector<16xf32>,
    }
    %scan3A_1296 = arith.constant 16 : i32
    %add3A_1297 = arith.constant 0 : i32
    %add3A_1298 = arith.addi %mul3A_2, %add3A_1297 : i32
    "tpu.region"() ({
      %run_scoped3A = tpu.sem_alloc : memref<!tpu.dma_semaphore, #tpu.memory_space<semaphore_mem>>
      %dma_start3A_1371 = arith.constant 0 : i32
      %dma_start3A_1372 = tpu.memref_slice %arg7[%add3A_1298, %dma_start3A_1371] : memref<16384x128xf32, #tpu.memory_space<hbm>> -> memref<256x128xf32, #tpu.memory_space<hbm>>
      %dma_start3A_1373 = arith.constant 0 : i32
      %dma_start3A_1374 = tpu.memref_slice %arg7[%add3A_1298, %dma_start3A_1373] : memref<16384x128xf32, #tpu.memory_space<hbm>> -> memref<256x128xf32, #tpu.memory_space<hbm>>
      tpu.enqueue_dma source(%arg16 : memref<256x128xf32, #tpu.memory_space<vmem>>) target(%dma_start3A_1374 : memref<256x128xf32, #tpu.memory_space<hbm>>) target_semaphore(%run_scoped3A : memref<!tpu.dma_semaphore, #tpu.memory_space<semaphore_mem>>)
      %dma_wait3A_1375 = arith.constant 0 : i32
      %dma_wait3A_1376 = tpu.memref_slice %arg7[%add3A_1298, %dma_wait3A_1375] : memref<16384x128xf32, #tpu.memory_space<hbm>> -> memref<256x128xf32, #tpu.memory_space<hbm>>
      %dma_wait3A_1377 = arith.constant 0 : i32
      %dma_wait3A_1378 = tpu.memref_slice %arg7[%add3A_1298, %dma_wait3A_1377] : memref<16384x128xf32, #tpu.memory_space<hbm>> -> memref<256x128xf32, #tpu.memory_space<hbm>>
      tpu.wait_dma2 semaphore(%run_scoped3A : memref<!tpu.dma_semaphore, #tpu.memory_space<semaphore_mem>>) src(%arg16 : memref<256x128xf32, #tpu.memory_space<vmem>>) dst(%dma_wait3A_1378 : memref<256x128xf32, #tpu.memory_space<hbm>>)
      tpu.yield
    }) : () -> ()
    %dma_start3A_1299 = arith.constant 0 : i32
    %dma_start3A_1300 = arith.constant 0 : i32
    %dma_start3A_1301 = tpu.memref_slice %arg14[%dma_start3A_1299, %dma_start3A_1300] : memref<256x128xf32, #tpu.memory_space<vmem>> -> memref<128x128xf32, #tpu.memory_space<vmem>>
    %dma_start3A_1302 = arith.constant 256 : i32
    %dma_start3A_1303 = tpu.memref_slice %arg10[%dma_start3A_1302] : memref<512xi32, #tpu.memory_space<vmem>> -> memref<128xi32, #tpu.memory_space<vmem>>
    %dma_start3A_1304 = arith.constant 0 : i32
    %dma_start3A_1305 = arith.constant 0 : i32
    %dma_start3A_1306 = tpu.memref_slice %arg2[%dma_start3A_1304, %dma_start3A_1305] : memref<262144x128xf32, #tpu.memory_space<hbm>> -> memref<262144x128xf32, #tpu.memory_space<hbm>>
    tpu.enqueue_indirect_dma source(%dma_start3A_1306 : memref<262144x128xf32, #tpu.memory_space<hbm>>) target(%dma_start3A_1301 : memref<128x128xf32, #tpu.memory_space<vmem>>) offsets(%dma_start3A_1303 : memref<128xi32, #tpu.memory_space<vmem>>) semaphore(%arg20 : memref<!tpu.dma_semaphore, #tpu.memory_space<semaphore_mem>>)
    %dma_start3A_1307 = arith.constant 0 : i32
    %dma_start3A_1308 = arith.constant 0 : i32
    %dma_start3A_1309 = tpu.memref_slice %arg15[%dma_start3A_1307, %dma_start3A_1308] : memref<256x128xf32, #tpu.memory_space<vmem>> -> memref<128x128xf32, #tpu.memory_space<vmem>>
    %dma_start3A_1310 = arith.constant 256 : i32
    %dma_start3A_1311 = tpu.memref_slice %arg11[%dma_start3A_1310] : memref<512xi32, #tpu.memory_space<vmem>> -> memref<128xi32, #tpu.memory_space<vmem>>
    %dma_start3A_1312 = arith.constant 0 : i32
    %dma_start3A_1313 = arith.constant 0 : i32
    %dma_start3A_1314 = tpu.memref_slice %arg2[%dma_start3A_1312, %dma_start3A_1313] : memref<262144x128xf32, #tpu.memory_space<hbm>> -> memref<262144x128xf32, #tpu.memory_space<hbm>>
    tpu.enqueue_indirect_dma source(%dma_start3A_1314 : memref<262144x128xf32, #tpu.memory_space<hbm>>) target(%dma_start3A_1309 : memref<128x128xf32, #tpu.memory_space<vmem>>) offsets(%dma_start3A_1311 : memref<128xi32, #tpu.memory_space<vmem>>) semaphore(%arg20 : memref<!tpu.dma_semaphore, #tpu.memory_space<semaphore_mem>>)
    %dma_start3A_1315 = arith.constant 128 : i32
    %dma_start3A_1316 = arith.constant 0 : i32
    %dma_start3A_1317 = tpu.memref_slice %arg14[%dma_start3A_1315, %dma_start3A_1316] : memref<256x128xf32, #tpu.memory_space<vmem>> -> memref<128x128xf32, #tpu.memory_space<vmem>>
    %dma_start3A_1318 = arith.constant 384 : i32
    %dma_start3A_1319 = tpu.memref_slice %arg10[%dma_start3A_1318] : memref<512xi32, #tpu.memory_space<vmem>> -> memref<128xi32, #tpu.memory_space<vmem>>
    %dma_start3A_1320 = arith.constant 0 : i32
    %dma_start3A_1321 = arith.constant 0 : i32
    %dma_start3A_1322 = tpu.memref_slice %arg2[%dma_start3A_1320, %dma_start3A_1321] : memref<262144x128xf32, #tpu.memory_space<hbm>> -> memref<262144x128xf32, #tpu.memory_space<hbm>>
    tpu.enqueue_indirect_dma source(%dma_start3A_1322 : memref<262144x128xf32, #tpu.memory_space<hbm>>) target(%dma_start3A_1317 : memref<128x128xf32, #tpu.memory_space<vmem>>) offsets(%dma_start3A_1319 : memref<128xi32, #tpu.memory_space<vmem>>) semaphore(%arg20 : memref<!tpu.dma_semaphore, #tpu.memory_space<semaphore_mem>>)
    %dma_start3A_1323 = arith.constant 128 : i32
    %dma_start3A_1324 = arith.constant 0 : i32
    %dma_start3A_1325 = tpu.memref_slice %arg15[%dma_start3A_1323, %dma_start3A_1324] : memref<256x128xf32, #tpu.memory_space<vmem>> -> memref<128x128xf32, #tpu.memory_space<vmem>>
    %dma_start3A_1326 = arith.constant 384 : i32
    %dma_start3A_1327 = tpu.memref_slice %arg11[%dma_start3A_1326] : memref<512xi32, #tpu.memory_space<vmem>> -> memref<128xi32, #tpu.memory_space<vmem>>
    %dma_start3A_1328 = arith.constant 0 : i32
    %dma_start3A_1329 = arith.constant 0 : i32
    %dma_start3A_1330 = tpu.memref_slice %arg2[%dma_start3A_1328, %dma_start3A_1329] : memref<262144x128xf32, #tpu.memory_space<hbm>> -> memref<262144x128xf32, #tpu.memory_space<hbm>>
    tpu.enqueue_indirect_dma source(%dma_start3A_1330 : memref<262144x128xf32, #tpu.memory_space<hbm>>) target(%dma_start3A_1325 : memref<128x128xf32, #tpu.memory_space<vmem>>) offsets(%dma_start3A_1327 : memref<128xi32, #tpu.memory_space<vmem>>) semaphore(%arg20 : memref<!tpu.dma_semaphore, #tpu.memory_space<semaphore_mem>>)
    %dma_wait3A_1331 = arith.constant 0 : i32
    %dma_wait3A_1332 = arith.constant 0 : i32
    %dma_wait3A_1333 = tpu.memref_slice %arg14[%dma_wait3A_1331, %dma_wait3A_1332] : memref<256x128xf32, #tpu.memory_space<vmem>> -> memref<128x128xf32, #tpu.memory_space<vmem>>
    %dma_wait3A_1334 = arith.constant 256 : i32
    %dma_wait3A_1335 = tpu.memref_slice %arg10[%dma_wait3A_1334] : memref<512xi32, #tpu.memory_space<vmem>> -> memref<128xi32, #tpu.memory_space<vmem>>
    %dma_wait3A_1336 = arith.constant 0 : i32
    %dma_wait3A_1337 = arith.constant 0 : i32
    %dma_wait3A_1338 = tpu.memref_slice %arg2[%dma_wait3A_1336, %dma_wait3A_1337] : memref<262144x128xf32, #tpu.memory_space<hbm>> -> memref<262144x128xf32, #tpu.memory_space<hbm>>
    tpu.wait_indirect_dma semaphore(%arg20 : memref<!tpu.dma_semaphore, #tpu.memory_space<semaphore_mem>>) src(%dma_wait3A_1338 : memref<262144x128xf32, #tpu.memory_space<hbm>>) dst(%dma_wait3A_1333 : memref<128x128xf32, #tpu.memory_space<vmem>>)
    %dma_wait3A_1339 = arith.constant 0 : i32
    %dma_wait3A_1340 = arith.constant 0 : i32
    %dma_wait3A_1341 = tpu.memref_slice %arg15[%dma_wait3A_1339, %dma_wait3A_1340] : memref<256x128xf32, #tpu.memory_space<vmem>> -> memref<128x128xf32, #tpu.memory_space<vmem>>
    %dma_wait3A_1342 = arith.constant 256 : i32
    %dma_wait3A_1343 = tpu.memref_slice %arg11[%dma_wait3A_1342] : memref<512xi32, #tpu.memory_space<vmem>> -> memref<128xi32, #tpu.memory_space<vmem>>
    %dma_wait3A_1344 = arith.constant 0 : i32
    %dma_wait3A_1345 = arith.constant 0 : i32
    %dma_wait3A_1346 = tpu.memref_slice %arg2[%dma_wait3A_1344, %dma_wait3A_1345] : memref<262144x128xf32, #tpu.memory_space<hbm>> -> memref<262144x128xf32, #tpu.memory_space<hbm>>
    tpu.wait_indirect_dma semaphore(%arg20 : memref<!tpu.dma_semaphore, #tpu.memory_space<semaphore_mem>>) src(%dma_wait3A_1346 : memref<262144x128xf32, #tpu.memory_space<hbm>>) dst(%dma_wait3A_1341 : memref<128x128xf32, #tpu.memory_space<vmem>>)
    %dma_wait3A_1347 = arith.constant 128 : i32
    %dma_wait3A_1348 = arith.constant 0 : i32
    %dma_wait3A_1349 = tpu.memref_slice %arg14[%dma_wait3A_1347, %dma_wait3A_1348] : memref<256x128xf32, #tpu.memory_space<vmem>> -> memref<128x128xf32, #tpu.memory_space<vmem>>
    %dma_wait3A_1350 = arith.constant 384 : i32
    %dma_wait3A_1351 = tpu.memref_slice %arg10[%dma_wait3A_1350] : memref<512xi32, #tpu.memory_space<vmem>> -> memref<128xi32, #tpu.memory_space<vmem>>
    %dma_wait3A_1352 = arith.constant 0 : i32
    %dma_wait3A_1353 = arith.constant 0 : i32
    %dma_wait3A_1354 = tpu.memref_slice %arg2[%dma_wait3A_1352, %dma_wait3A_1353] : memref<262144x128xf32, #tpu.memory_space<hbm>> -> memref<262144x128xf32, #tpu.memory_space<hbm>>
    tpu.wait_indirect_dma semaphore(%arg20 : memref<!tpu.dma_semaphore, #tpu.memory_space<semaphore_mem>>) src(%dma_wait3A_1354 : memref<262144x128xf32, #tpu.memory_space<hbm>>) dst(%dma_wait3A_1349 : memref<128x128xf32, #tpu.memory_space<vmem>>)
    %dma_wait3A_1355 = arith.constant 128 : i32
    %dma_wait3A_1356 = arith.constant 0 : i32
    %dma_wait3A_1357 = tpu.memref_slice %arg15[%dma_wait3A_1355, %dma_wait3A_1356] : memref<256x128xf32, #tpu.memory_space<vmem>> -> memref<128x128xf32, #tpu.memory_space<vmem>>
    %dma_wait3A_1358 = arith.constant 384 : i32
    %dma_wait3A_1359 = tpu.memref_slice %arg11[%dma_wait3A_1358] : memref<512xi32, #tpu.memory_space<vmem>> -> memref<128xi32, #tpu.memory_space<vmem>>
    %dma_wait3A_1360 = arith.constant 0 : i32
    %dma_wait3A_1361 = arith.constant 0 : i32
    %dma_wait3A_1362 = tpu.memref_slice %arg2[%dma_wait3A_1360, %dma_wait3A_1361] : memref<262144x128xf32, #tpu.memory_space<hbm>> -> memref<262144x128xf32, #tpu.memory_space<hbm>>
    tpu.wait_indirect_dma semaphore(%arg20 : memref<!tpu.dma_semaphore, #tpu.memory_space<semaphore_mem>>) src(%dma_wait3A_1362 : memref<262144x128xf32, #tpu.memory_space<hbm>>) dst(%dma_wait3A_1357 : memref<128x128xf32, #tpu.memory_space<vmem>>)
    %scan3A_1363 = arith.constant 0 : i32
    %scan3A_1364 = arith.constant 0 : i32
    %scan3A_1365 = arith.constant 16 : i32
    %scan3A_1366 = arith.addi %scan3A_1364, %scan3A_1365 : i32
    %scan3A_1367 = arith.constant 1 : i32
    scf.for %scan3A_1371 = %scan3A_1364 to %scan3A_1366 step %scan3A_1367  : i32 {
      %mul3A_1372 = arith.constant 16 : i32
      %mul3A_1373 = arith.muli %scan3A_1371, %mul3A_1372 : i32
      %add3A_1374 = vector.broadcast %mul3A_1373 : i32 to vector<16xi32>
      %add3A_1375 = arith.addi %iota3A, %add3A_1374 : vector<16xi32>
      %add3A_1376 = arith.constant 256 : i32
      %add3A_1377 = vector.broadcast %add3A_1376 : i32 to vector<16xi32>
      %add3A_1378 = arith.addi %add3A_1375, %add3A_1377 : vector<16xi32>
      %gather3A = tpu.vector_load_idx %arg12[%add3A_1378] : memref<512xi32, #tpu.memory_space<vmem>>[vector<16xi32>], vector<16xi32>,
      %add3A_1379 = arith.constant 256 : i32
      %add3A_1380 = vector.broadcast %add3A_1379 : i32 to vector<16xi32>
      %add3A_1381 = arith.addi %add3A_1375, %add3A_1380 : vector<16xi32>
      %gather3A_1382 = tpu.vector_load_idx %arg13[%add3A_1381] : memref<512xi32, #tpu.memory_space<vmem>>[vector<16xi32>], vector<16xi32>,
      %add3A_1383 = arith.constant 256 : i32
      %add3A_1384 = vector.broadcast %add3A_1383 : i32 to vector<16xi32>
      %add3A_1385 = arith.addi %add3A_1375, %add3A_1384 : vector<16xi32>
      %gather3A_1386 = tpu.vector_load_idx %arg19[%add3A_1385] : memref<512xf32, #tpu.memory_space<vmem>>[vector<16xi32>], vector<16xf32>,
      %add3A_1387 = arith.constant 0 : i32
      %add3A_1388 = vector.broadcast %add3A_1387 : i32 to vector<16xi32>
      %add3A_1389 = arith.addi %gather3A, %add3A_1388 : vector<16xi32>
      %gather3A_1390 = tpu.vector_load_idx %arg14[%add3A_1375, %add3A_1389] : memref<256x128xf32, #tpu.memory_space<vmem>>[vector<16xi32>, vector<16xi32>], vector<16xf32>,
      %broadcast_in_dim3A = arith.constant 0 : i32
      %broadcast_in_dim3A_1391 = vector.broadcast %broadcast_in_dim3A : i32 to vector<16xi32>
      tpu.vector_store_idx %arg16[%add3A_1375, %broadcast_in_dim3A_1391], %gather3A_1390 : memref<256x128xf32, #tpu.memory_space<vmem>>[vector<16xi32>, vector<16xi32>], vector<16xf32>,
      %add3A_1392 = arith.constant 0 : i32
      %add3A_1393 = vector.broadcast %add3A_1392 : i32 to vector<16xi32>
      %add3A_1394 = arith.addi %gather3A_1382, %add3A_1393 : vector<16xi32>
      %gather3A_1395 = tpu.vector_load_idx %arg15[%add3A_1375, %add3A_1394] : memref<256x128xf32, #tpu.memory_space<vmem>>[vector<16xi32>, vector<16xi32>], vector<16xf32>,
      %broadcast_in_dim3A_1396 = arith.constant 32 : i32
      %broadcast_in_dim3A_1397 = vector.broadcast %broadcast_in_dim3A_1396 : i32 to vector<16xi32>
      tpu.vector_store_idx %arg16[%add3A_1375, %broadcast_in_dim3A_1397], %gather3A_1395 : memref<256x128xf32, #tpu.memory_space<vmem>>[vector<16xi32>, vector<16xi32>], vector<16xf32>,
      %add3A_1398 = arith.constant 1 : i32
      %add3A_1399 = vector.broadcast %add3A_1398 : i32 to vector<16xi32>
      %add3A_1400 = arith.addi %gather3A, %add3A_1399 : vector<16xi32>
      %gather3A_1401 = tpu.vector_load_idx %arg14[%add3A_1375, %add3A_1400] : memref<256x128xf32, #tpu.memory_space<vmem>>[vector<16xi32>, vector<16xi32>], vector<16xf32>,
      %broadcast_in_dim3A_1402 = arith.constant 1 : i32
      %broadcast_in_dim3A_1403 = vector.broadcast %broadcast_in_dim3A_1402 : i32 to vector<16xi32>
      tpu.vector_store_idx %arg16[%add3A_1375, %broadcast_in_dim3A_1403], %gather3A_1401 : memref<256x128xf32, #tpu.memory_space<vmem>>[vector<16xi32>, vector<16xi32>], vector<16xf32>,
      %add3A_1404 = arith.constant 1 : i32
      %add3A_1405 = vector.broadcast %add3A_1404 : i32 to vector<16xi32>
      %add3A_1406 = arith.addi %gather3A_1382, %add3A_1405 : vector<16xi32>
      %gather3A_1407 = tpu.vector_load_idx %arg15[%add3A_1375, %add3A_1406] : memref<256x128xf32, #tpu.memory_space<vmem>>[vector<16xi32>, vector<16xi32>], vector<16xf32>,
      %broadcast_in_dim3A_1408 = arith.constant 33 : i32
      %broadcast_in_dim3A_1409 = vector.broadcast %broadcast_in_dim3A_1408 : i32 to vector<16xi32>
      tpu.vector_store_idx %arg16[%add3A_1375, %broadcast_in_dim3A_1409], %gather3A_1407 : memref<256x128xf32, #tpu.memory_space<vmem>>[vector<16xi32>, vector<16xi32>], vector<16xf32>,
      %add3A_1410 = arith.constant 2 : i32
      %add3A_1411 = vector.broadcast %add3A_1410 : i32 to vector<16xi32>
      %add3A_1412 = arith.addi %gather3A, %add3A_1411 : vector<16xi32>
      %gather3A_1413 = tpu.vector_load_idx %arg14[%add3A_1375, %add3A_1412] : memref<256x128xf32, #tpu.memory_space<vmem>>[vector<16xi32>, vector<16xi32>], vector<16xf32>,
      %broadcast_in_dim3A_1414 = arith.constant 2 : i32
      %broadcast_in_dim3A_1415 = vector.broadcast %broadcast_in_dim3A_1414 : i32 to vector<16xi32>
      tpu.vector_store_idx %arg16[%add3A_1375, %broadcast_in_dim3A_1415], %gather3A_1413 : memref<256x128xf32, #tpu.memory_space<vmem>>[vector<16xi32>, vector<16xi32>], vector<16xf32>,
      %add3A_1416 = arith.constant 2 : i32
      %add3A_1417 = vector.broadcast %add3A_1416 : i32 to vector<16xi32>
      %add3A_1418 = arith.addi %gather3A_1382, %add3A_1417 : vector<16xi32>
      %gather3A_1419 = tpu.vector_load_idx %arg15[%add3A_1375, %add3A_1418] : memref<256x128xf32, #tpu.memory_space<vmem>>[vector<16xi32>, vector<16xi32>], vector<16xf32>,
      %broadcast_in_dim3A_1420 = arith.constant 34 : i32
      %broadcast_in_dim3A_1421 = vector.broadcast %broadcast_in_dim3A_1420 : i32 to vector<16xi32>
      tpu.vector_store_idx %arg16[%add3A_1375, %broadcast_in_dim3A_1421], %gather3A_1419 : memref<256x128xf32, #tpu.memory_space<vmem>>[vector<16xi32>, vector<16xi32>], vector<16xf32>,
      %add3A_1422 = arith.constant 3 : i32
      %add3A_1423 = vector.broadcast %add3A_1422 : i32 to vector<16xi32>
      %add3A_1424 = arith.addi %gather3A, %add3A_1423 : vector<16xi32>
      %gather3A_1425 = tpu.vector_load_idx %arg14[%add3A_1375, %add3A_1424] : memref<256x128xf32, #tpu.memory_space<vmem>>[vector<16xi32>, vector<16xi32>], vector<16xf32>,
      %broadcast_in_dim3A_1426 = arith.constant 3 : i32
      %broadcast_in_dim3A_1427 = vector.broadcast %broadcast_in_dim3A_1426 : i32 to vector<16xi32>
      tpu.vector_store_idx %arg16[%add3A_1375, %broadcast_in_dim3A_1427], %gather3A_1425 : memref<256x128xf32, #tpu.memory_space<vmem>>[vector<16xi32>, vector<16xi32>], vector<16xf32>,
      %add3A_1428 = arith.constant 3 : i32
      %add3A_1429 = vector.broadcast %add3A_1428 : i32 to vector<16xi32>
      %add3A_1430 = arith.addi %gather3A_1382, %add3A_1429 : vector<16xi32>
      %gather3A_1431 = tpu.vector_load_idx %arg15[%add3A_1375, %add3A_1430] : memref<256x128xf32, #tpu.memory_space<vmem>>[vector<16xi32>, vector<16xi32>], vector<16xf32>,
      %broadcast_in_dim3A_1432 = arith.constant 35 : i32
      %broadcast_in_dim3A_1433 = vector.broadcast %broadcast_in_dim3A_1432 : i32 to vector<16xi32>
      tpu.vector_store_idx %arg16[%add3A_1375, %broadcast_in_dim3A_1433], %gather3A_1431 : memref<256x128xf32, #tpu.memory_space<vmem>>[vector<16xi32>, vector<16xi32>], vector<16xf32>,
      %add3A_1434 = arith.constant 4 : i32
      %add3A_1435 = vector.broadcast %add3A_1434 : i32 to vector<16xi32>
      %add3A_1436 = arith.addi %gather3A, %add3A_1435 : vector<16xi32>
      %gather3A_1437 = tpu.vector_load_idx %arg14[%add3A_1375, %add3A_1436] : memref<256x128xf32, #tpu.memory_space<vmem>>[vector<16xi32>, vector<16xi32>], vector<16xf32>,
      %broadcast_in_dim3A_1438 = arith.constant 4 : i32
      %broadcast_in_dim3A_1439 = vector.broadcast %broadcast_in_dim3A_1438 : i32 to vector<16xi32>
      tpu.vector_store_idx %arg16[%add3A_1375, %broadcast_in_dim3A_1439], %gather3A_1437 : memref<256x128xf32, #tpu.memory_space<vmem>>[vector<16xi32>, vector<16xi32>], vector<16xf32>,
      %add3A_1440 = arith.constant 4 : i32
      %add3A_1441 = vector.broadcast %add3A_1440 : i32 to vector<16xi32>
      %add3A_1442 = arith.addi %gather3A_1382, %add3A_1441 : vector<16xi32>
      %gather3A_1443 = tpu.vector_load_idx %arg15[%add3A_1375, %add3A_1442] : memref<256x128xf32, #tpu.memory_space<vmem>>[vector<16xi32>, vector<16xi32>], vector<16xf32>,
      %broadcast_in_dim3A_1444 = arith.constant 36 : i32
      %broadcast_in_dim3A_1445 = vector.broadcast %broadcast_in_dim3A_1444 : i32 to vector<16xi32>
      tpu.vector_store_idx %arg16[%add3A_1375, %broadcast_in_dim3A_1445], %gather3A_1443 : memref<256x128xf32, #tpu.memory_space<vmem>>[vector<16xi32>, vector<16xi32>], vector<16xf32>,
      %add3A_1446 = arith.constant 5 : i32
      %add3A_1447 = vector.broadcast %add3A_1446 : i32 to vector<16xi32>
      %add3A_1448 = arith.addi %gather3A, %add3A_1447 : vector<16xi32>
      %gather3A_1449 = tpu.vector_load_idx %arg14[%add3A_1375, %add3A_1448] : memref<256x128xf32, #tpu.memory_space<vmem>>[vector<16xi32>, vector<16xi32>], vector<16xf32>,
      %broadcast_in_dim3A_1450 = arith.constant 5 : i32
      %broadcast_in_dim3A_1451 = vector.broadcast %broadcast_in_dim3A_1450 : i32 to vector<16xi32>
      tpu.vector_store_idx %arg16[%add3A_1375, %broadcast_in_dim3A_1451], %gather3A_1449 : memref<256x128xf32, #tpu.memory_space<vmem>>[vector<16xi32>, vector<16xi32>], vector<16xf32>,
      %add3A_1452 = arith.constant 5 : i32
      %add3A_1453 = vector.broadcast %add3A_1452 : i32 to vector<16xi32>
      %add3A_1454 = arith.addi %gather3A_1382, %add3A_1453 : vector<16xi32>
      %gather3A_1455 = tpu.vector_load_idx %arg15[%add3A_1375, %add3A_1454] : memref<256x128xf32, #tpu.memory_space<vmem>>[vector<16xi32>, vector<16xi32>], vector<16xf32>,
      %broadcast_in_dim3A_1456 = arith.constant 37 : i32
      %broadcast_in_dim3A_1457 = vector.broadcast %broadcast_in_dim3A_1456 : i32 to vector<16xi32>
      tpu.vector_store_idx %arg16[%add3A_1375, %broadcast_in_dim3A_1457], %gather3A_1455 : memref<256x128xf32, #tpu.memory_space<vmem>>[vector<16xi32>, vector<16xi32>], vector<16xf32>,
      %add3A_1458 = arith.constant 6 : i32
      %add3A_1459 = vector.broadcast %add3A_1458 : i32 to vector<16xi32>
      %add3A_1460 = arith.addi %gather3A, %add3A_1459 : vector<16xi32>
      %gather3A_1461 = tpu.vector_load_idx %arg14[%add3A_1375, %add3A_1460] : memref<256x128xf32, #tpu.memory_space<vmem>>[vector<16xi32>, vector<16xi32>], vector<16xf32>,
      %broadcast_in_dim3A_1462 = arith.constant 6 : i32
      %broadcast_in_dim3A_1463 = vector.broadcast %broadcast_in_dim3A_1462 : i32 to vector<16xi32>
      tpu.vector_store_idx %arg16[%add3A_1375, %broadcast_in_dim3A_1463], %gather3A_1461 : memref<256x128xf32, #tpu.memory_space<vmem>>[vector<16xi32>, vector<16xi32>], vector<16xf32>,
      %add3A_1464 = arith.constant 6 : i32
      %add3A_1465 = vector.broadcast %add3A_1464 : i32 to vector<16xi32>
      %add3A_1466 = arith.addi %gather3A_1382, %add3A_1465 : vector<16xi32>
      %gather3A_1467 = tpu.vector_load_idx %arg15[%add3A_1375, %add3A_1466] : memref<256x128xf32, #tpu.memory_space<vmem>>[vector<16xi32>, vector<16xi32>], vector<16xf32>,
      %broadcast_in_dim3A_1468 = arith.constant 38 : i32
      %broadcast_in_dim3A_1469 = vector.broadcast %broadcast_in_dim3A_1468 : i32 to vector<16xi32>
      tpu.vector_store_idx %arg16[%add3A_1375, %broadcast_in_dim3A_1469], %gather3A_1467 : memref<256x128xf32, #tpu.memory_space<vmem>>[vector<16xi32>, vector<16xi32>], vector<16xf32>,
      %add3A_1470 = arith.constant 7 : i32
      %add3A_1471 = vector.broadcast %add3A_1470 : i32 to vector<16xi32>
      %add3A_1472 = arith.addi %gather3A, %add3A_1471 : vector<16xi32>
      %gather3A_1473 = tpu.vector_load_idx %arg14[%add3A_1375, %add3A_1472] : memref<256x128xf32, #tpu.memory_space<vmem>>[vector<16xi32>, vector<16xi32>], vector<16xf32>,
      %broadcast_in_dim3A_1474 = arith.constant 7 : i32
      %broadcast_in_dim3A_1475 = vector.broadcast %broadcast_in_dim3A_1474 : i32 to vector<16xi32>
      tpu.vector_store_idx %arg16[%add3A_1375, %broadcast_in_dim3A_1475], %gather3A_1473 : memref<256x128xf32, #tpu.memory_space<vmem>>[vector<16xi32>, vector<16xi32>], vector<16xf32>,
      %add3A_1476 = arith.constant 7 : i32
      %add3A_1477 = vector.broadcast %add3A_1476 : i32 to vector<16xi32>
      %add3A_1478 = arith.addi %gather3A_1382, %add3A_1477 : vector<16xi32>
      %gather3A_1479 = tpu.vector_load_idx %arg15[%add3A_1375, %add3A_1478] : memref<256x128xf32, #tpu.memory_space<vmem>>[vector<16xi32>, vector<16xi32>], vector<16xf32>,
      %broadcast_in_dim3A_1480 = arith.constant 39 : i32
      %broadcast_in_dim3A_1481 = vector.broadcast %broadcast_in_dim3A_1480 : i32 to vector<16xi32>
      tpu.vector_store_idx %arg16[%add3A_1375, %broadcast_in_dim3A_1481], %gather3A_1479 : memref<256x128xf32, #tpu.memory_space<vmem>>[vector<16xi32>, vector<16xi32>], vector<16xf32>,
      %add3A_1482 = arith.constant 8 : i32
      %add3A_1483 = vector.broadcast %add3A_1482 : i32 to vector<16xi32>
      %add3A_1484 = arith.addi %gather3A, %add3A_1483 : vector<16xi32>
      %gather3A_1485 = tpu.vector_load_idx %arg14[%add3A_1375, %add3A_1484] : memref<256x128xf32, #tpu.memory_space<vmem>>[vector<16xi32>, vector<16xi32>], vector<16xf32>,
      %broadcast_in_dim3A_1486 = arith.constant 8 : i32
      %broadcast_in_dim3A_1487 = vector.broadcast %broadcast_in_dim3A_1486 : i32 to vector<16xi32>
      tpu.vector_store_idx %arg16[%add3A_1375, %broadcast_in_dim3A_1487], %gather3A_1485 : memref<256x128xf32, #tpu.memory_space<vmem>>[vector<16xi32>, vector<16xi32>], vector<16xf32>,
      %add3A_1488 = arith.constant 8 : i32
      %add3A_1489 = vector.broadcast %add3A_1488 : i32 to vector<16xi32>
      %add3A_1490 = arith.addi %gather3A_1382, %add3A_1489 : vector<16xi32>
      %gather3A_1491 = tpu.vector_load_idx %arg15[%add3A_1375, %add3A_1490] : memref<256x128xf32, #tpu.memory_space<vmem>>[vector<16xi32>, vector<16xi32>], vector<16xf32>,
      %broadcast_in_dim3A_1492 = arith.constant 40 : i32
      %broadcast_in_dim3A_1493 = vector.broadcast %broadcast_in_dim3A_1492 : i32 to vector<16xi32>
      tpu.vector_store_idx %arg16[%add3A_1375, %broadcast_in_dim3A_1493], %gather3A_1491 : memref<256x128xf32, #tpu.memory_space<vmem>>[vector<16xi32>, vector<16xi32>], vector<16xf32>,
      %add3A_1494 = arith.constant 9 : i32
      %add3A_1495 = vector.broadcast %add3A_1494 : i32 to vector<16xi32>
      %add3A_1496 = arith.addi %gather3A, %add3A_1495 : vector<16xi32>
      %gather3A_1497 = tpu.vector_load_idx %arg14[%add3A_1375, %add3A_1496] : memref<256x128xf32, #tpu.memory_space<vmem>>[vector<16xi32>, vector<16xi32>], vector<16xf32>,
      %broadcast_in_dim3A_1498 = arith.constant 9 : i32
      %broadcast_in_dim3A_1499 = vector.broadcast %broadcast_in_dim3A_1498 : i32 to vector<16xi32>
      tpu.vector_store_idx %arg16[%add3A_1375, %broadcast_in_dim3A_1499], %gather3A_1497 : memref<256x128xf32, #tpu.memory_space<vmem>>[vector<16xi32>, vector<16xi32>], vector<16xf32>,
      %add3A_1500 = arith.constant 9 : i32
      %add3A_1501 = vector.broadcast %add3A_1500 : i32 to vector<16xi32>
      %add3A_1502 = arith.addi %gather3A_1382, %add3A_1501 : vector<16xi32>
      %gather3A_1503 = tpu.vector_load_idx %arg15[%add3A_1375, %add3A_1502] : memref<256x128xf32, #tpu.memory_space<vmem>>[vector<16xi32>, vector<16xi32>], vector<16xf32>,
      %broadcast_in_dim3A_1504 = arith.constant 41 : i32
      %broadcast_in_dim3A_1505 = vector.broadcast %broadcast_in_dim3A_1504 : i32 to vector<16xi32>
      tpu.vector_store_idx %arg16[%add3A_1375, %broadcast_in_dim3A_1505], %gather3A_1503 : memref<256x128xf32, #tpu.memory_space<vmem>>[vector<16xi32>, vector<16xi32>], vector<16xf32>,
      %add3A_1506 = arith.constant 10 : i32
      %add3A_1507 = vector.broadcast %add3A_1506 : i32 to vector<16xi32>
      %add3A_1508 = arith.addi %gather3A, %add3A_1507 : vector<16xi32>
      %gather3A_1509 = tpu.vector_load_idx %arg14[%add3A_1375, %add3A_1508] : memref<256x128xf32, #tpu.memory_space<vmem>>[vector<16xi32>, vector<16xi32>], vector<16xf32>,
      %broadcast_in_dim3A_1510 = arith.constant 10 : i32
      %broadcast_in_dim3A_1511 = vector.broadcast %broadcast_in_dim3A_1510 : i32 to vector<16xi32>
      tpu.vector_store_idx %arg16[%add3A_1375, %broadcast_in_dim3A_1511], %gather3A_1509 : memref<256x128xf32, #tpu.memory_space<vmem>>[vector<16xi32>, vector<16xi32>], vector<16xf32>,
      %add3A_1512 = arith.constant 10 : i32
      %add3A_1513 = vector.broadcast %add3A_1512 : i32 to vector<16xi32>
      %add3A_1514 = arith.addi %gather3A_1382, %add3A_1513 : vector<16xi32>
      %gather3A_1515 = tpu.vector_load_idx %arg15[%add3A_1375, %add3A_1514] : memref<256x128xf32, #tpu.memory_space<vmem>>[vector<16xi32>, vector<16xi32>], vector<16xf32>,
      %broadcast_in_dim3A_1516 = arith.constant 42 : i32
      %broadcast_in_dim3A_1517 = vector.broadcast %broadcast_in_dim3A_1516 : i32 to vector<16xi32>
      tpu.vector_store_idx %arg16[%add3A_1375, %broadcast_in_dim3A_1517], %gather3A_1515 : memref<256x128xf32, #tpu.memory_space<vmem>>[vector<16xi32>, vector<16xi32>], vector<16xf32>,
      %add3A_1518 = arith.constant 11 : i32
      %add3A_1519 = vector.broadcast %add3A_1518 : i32 to vector<16xi32>
      %add3A_1520 = arith.addi %gather3A, %add3A_1519 : vector<16xi32>
      %gather3A_1521 = tpu.vector_load_idx %arg14[%add3A_1375, %add3A_1520] : memref<256x128xf32, #tpu.memory_space<vmem>>[vector<16xi32>, vector<16xi32>], vector<16xf32>,
      %broadcast_in_dim3A_1522 = arith.constant 11 : i32
      %broadcast_in_dim3A_1523 = vector.broadcast %broadcast_in_dim3A_1522 : i32 to vector<16xi32>
      tpu.vector_store_idx %arg16[%add3A_1375, %broadcast_in_dim3A_1523], %gather3A_1521 : memref<256x128xf32, #tpu.memory_space<vmem>>[vector<16xi32>, vector<16xi32>], vector<16xf32>,
      %add3A_1524 = arith.constant 11 : i32
      %add3A_1525 = vector.broadcast %add3A_1524 : i32 to vector<16xi32>
      %add3A_1526 = arith.addi %gather3A_1382, %add3A_1525 : vector<16xi32>
      %gather3A_1527 = tpu.vector_load_idx %arg15[%add3A_1375, %add3A_1526] : memref<256x128xf32, #tpu.memory_space<vmem>>[vector<16xi32>, vector<16xi32>], vector<16xf32>,
      %broadcast_in_dim3A_1528 = arith.constant 43 : i32
      %broadcast_in_dim3A_1529 = vector.broadcast %broadcast_in_dim3A_1528 : i32 to vector<16xi32>
      tpu.vector_store_idx %arg16[%add3A_1375, %broadcast_in_dim3A_1529], %gather3A_1527 : memref<256x128xf32, #tpu.memory_space<vmem>>[vector<16xi32>, vector<16xi32>], vector<16xf32>,
      %add3A_1530 = arith.constant 12 : i32
      %add3A_1531 = vector.broadcast %add3A_1530 : i32 to vector<16xi32>
      %add3A_1532 = arith.addi %gather3A, %add3A_1531 : vector<16xi32>
      %gather3A_1533 = tpu.vector_load_idx %arg14[%add3A_1375, %add3A_1532] : memref<256x128xf32, #tpu.memory_space<vmem>>[vector<16xi32>, vector<16xi32>], vector<16xf32>,
      %broadcast_in_dim3A_1534 = arith.constant 12 : i32
      %broadcast_in_dim3A_1535 = vector.broadcast %broadcast_in_dim3A_1534 : i32 to vector<16xi32>
      tpu.vector_store_idx %arg16[%add3A_1375, %broadcast_in_dim3A_1535], %gather3A_1533 : memref<256x128xf32, #tpu.memory_space<vmem>>[vector<16xi32>, vector<16xi32>], vector<16xf32>,
      %add3A_1536 = arith.constant 12 : i32
      %add3A_1537 = vector.broadcast %add3A_1536 : i32 to vector<16xi32>
      %add3A_1538 = arith.addi %gather3A_1382, %add3A_1537 : vector<16xi32>
      %gather3A_1539 = tpu.vector_load_idx %arg15[%add3A_1375, %add3A_1538] : memref<256x128xf32, #tpu.memory_space<vmem>>[vector<16xi32>, vector<16xi32>], vector<16xf32>,
      %broadcast_in_dim3A_1540 = arith.constant 44 : i32
      %broadcast_in_dim3A_1541 = vector.broadcast %broadcast_in_dim3A_1540 : i32 to vector<16xi32>
      tpu.vector_store_idx %arg16[%add3A_1375, %broadcast_in_dim3A_1541], %gather3A_1539 : memref<256x128xf32, #tpu.memory_space<vmem>>[vector<16xi32>, vector<16xi32>], vector<16xf32>,
      %add3A_1542 = arith.constant 13 : i32
      %add3A_1543 = vector.broadcast %add3A_1542 : i32 to vector<16xi32>
      %add3A_1544 = arith.addi %gather3A, %add3A_1543 : vector<16xi32>
      %gather3A_1545 = tpu.vector_load_idx %arg14[%add3A_1375, %add3A_1544] : memref<256x128xf32, #tpu.memory_space<vmem>>[vector<16xi32>, vector<16xi32>], vector<16xf32>,
      %broadcast_in_dim3A_1546 = arith.constant 13 : i32
      %broadcast_in_dim3A_1547 = vector.broadcast %broadcast_in_dim3A_1546 : i32 to vector<16xi32>
      tpu.vector_store_idx %arg16[%add3A_1375, %broadcast_in_dim3A_1547], %gather3A_1545 : memref<256x128xf32, #tpu.memory_space<vmem>>[vector<16xi32>, vector<16xi32>], vector<16xf32>,
      %add3A_1548 = arith.constant 13 : i32
      %add3A_1549 = vector.broadcast %add3A_1548 : i32 to vector<16xi32>
      %add3A_1550 = arith.addi %gather3A_1382, %add3A_1549 : vector<16xi32>
      %gather3A_1551 = tpu.vector_load_idx %arg15[%add3A_1375, %add3A_1550] : memref<256x128xf32, #tpu.memory_space<vmem>>[vector<16xi32>, vector<16xi32>], vector<16xf32>,
      %broadcast_in_dim3A_1552 = arith.constant 45 : i32
      %broadcast_in_dim3A_1553 = vector.broadcast %broadcast_in_dim3A_1552 : i32 to vector<16xi32>
      tpu.vector_store_idx %arg16[%add3A_1375, %broadcast_in_dim3A_1553], %gather3A_1551 : memref<256x128xf32, #tpu.memory_space<vmem>>[vector<16xi32>, vector<16xi32>], vector<16xf32>,
      %add3A_1554 = arith.constant 14 : i32
      %add3A_1555 = vector.broadcast %add3A_1554 : i32 to vector<16xi32>
      %add3A_1556 = arith.addi %gather3A, %add3A_1555 : vector<16xi32>
      %gather3A_1557 = tpu.vector_load_idx %arg14[%add3A_1375, %add3A_1556] : memref<256x128xf32, #tpu.memory_space<vmem>>[vector<16xi32>, vector<16xi32>], vector<16xf32>,
      %broadcast_in_dim3A_1558 = arith.constant 14 : i32
      %broadcast_in_dim3A_1559 = vector.broadcast %broadcast_in_dim3A_1558 : i32 to vector<16xi32>
      tpu.vector_store_idx %arg16[%add3A_1375, %broadcast_in_dim3A_1559], %gather3A_1557 : memref<256x128xf32, #tpu.memory_space<vmem>>[vector<16xi32>, vector<16xi32>], vector<16xf32>,
      %add3A_1560 = arith.constant 14 : i32
      %add3A_1561 = vector.broadcast %add3A_1560 : i32 to vector<16xi32>
      %add3A_1562 = arith.addi %gather3A_1382, %add3A_1561 : vector<16xi32>
      %gather3A_1563 = tpu.vector_load_idx %arg15[%add3A_1375, %add3A_1562] : memref<256x128xf32, #tpu.memory_space<vmem>>[vector<16xi32>, vector<16xi32>], vector<16xf32>,
      %broadcast_in_dim3A_1564 = arith.constant 46 : i32
      %broadcast_in_dim3A_1565 = vector.broadcast %broadcast_in_dim3A_1564 : i32 to vector<16xi32>
      tpu.vector_store_idx %arg16[%add3A_1375, %broadcast_in_dim3A_1565], %gather3A_1563 : memref<256x128xf32, #tpu.memory_space<vmem>>[vector<16xi32>, vector<16xi32>], vector<16xf32>,
      %add3A_1566 = arith.constant 15 : i32
      %add3A_1567 = vector.broadcast %add3A_1566 : i32 to vector<16xi32>
      %add3A_1568 = arith.addi %gather3A, %add3A_1567 : vector<16xi32>
      %gather3A_1569 = tpu.vector_load_idx %arg14[%add3A_1375, %add3A_1568] : memref<256x128xf32, #tpu.memory_space<vmem>>[vector<16xi32>, vector<16xi32>], vector<16xf32>,
      %broadcast_in_dim3A_1570 = arith.constant 15 : i32
      %broadcast_in_dim3A_1571 = vector.broadcast %broadcast_in_dim3A_1570 : i32 to vector<16xi32>
      tpu.vector_store_idx %arg16[%add3A_1375, %broadcast_in_dim3A_1571], %gather3A_1569 : memref<256x128xf32, #tpu.memory_space<vmem>>[vector<16xi32>, vector<16xi32>], vector<16xf32>,
      %add3A_1572 = arith.constant 15 : i32
      %add3A_1573 = vector.broadcast %add3A_1572 : i32 to vector<16xi32>
      %add3A_1574 = arith.addi %gather3A_1382, %add3A_1573 : vector<16xi32>
      %gather3A_1575 = tpu.vector_load_idx %arg15[%add3A_1375, %add3A_1574] : memref<256x128xf32, #tpu.memory_space<vmem>>[vector<16xi32>, vector<16xi32>], vector<16xf32>,
      %broadcast_in_dim3A_1576 = arith.constant 47 : i32
      %broadcast_in_dim3A_1577 = vector.broadcast %broadcast_in_dim3A_1576 : i32 to vector<16xi32>
      tpu.vector_store_idx %arg16[%add3A_1375, %broadcast_in_dim3A_1577], %gather3A_1575 : memref<256x128xf32, #tpu.memory_space<vmem>>[vector<16xi32>, vector<16xi32>], vector<16xf32>,
      %add3A_1578 = arith.constant 16 : i32
      %add3A_1579 = vector.broadcast %add3A_1578 : i32 to vector<16xi32>
      %add3A_1580 = arith.addi %gather3A, %add3A_1579 : vector<16xi32>
      %gather3A_1581 = tpu.vector_load_idx %arg14[%add3A_1375, %add3A_1580] : memref<256x128xf32, #tpu.memory_space<vmem>>[vector<16xi32>, vector<16xi32>], vector<16xf32>,
      %broadcast_in_dim3A_1582 = arith.constant 16 : i32
      %broadcast_in_dim3A_1583 = vector.broadcast %broadcast_in_dim3A_1582 : i32 to vector<16xi32>
      tpu.vector_store_idx %arg16[%add3A_1375, %broadcast_in_dim3A_1583], %gather3A_1581 : memref<256x128xf32, #tpu.memory_space<vmem>>[vector<16xi32>, vector<16xi32>], vector<16xf32>,
      %add3A_1584 = arith.constant 16 : i32
      %add3A_1585 = vector.broadcast %add3A_1584 : i32 to vector<16xi32>
      %add3A_1586 = arith.addi %gather3A_1382, %add3A_1585 : vector<16xi32>
      %gather3A_1587 = tpu.vector_load_idx %arg15[%add3A_1375, %add3A_1586] : memref<256x128xf32, #tpu.memory_space<vmem>>[vector<16xi32>, vector<16xi32>], vector<16xf32>,
      %broadcast_in_dim3A_1588 = arith.constant 48 : i32
      %broadcast_in_dim3A_1589 = vector.broadcast %broadcast_in_dim3A_1588 : i32 to vector<16xi32>
      tpu.vector_store_idx %arg16[%add3A_1375, %broadcast_in_dim3A_1589], %gather3A_1587 : memref<256x128xf32, #tpu.memory_space<vmem>>[vector<16xi32>, vector<16xi32>], vector<16xf32>,
      %add3A_1590 = arith.constant 17 : i32
      %add3A_1591 = vector.broadcast %add3A_1590 : i32 to vector<16xi32>
      %add3A_1592 = arith.addi %gather3A, %add3A_1591 : vector<16xi32>
      %gather3A_1593 = tpu.vector_load_idx %arg14[%add3A_1375, %add3A_1592] : memref<256x128xf32, #tpu.memory_space<vmem>>[vector<16xi32>, vector<16xi32>], vector<16xf32>,
      %broadcast_in_dim3A_1594 = arith.constant 17 : i32
      %broadcast_in_dim3A_1595 = vector.broadcast %broadcast_in_dim3A_1594 : i32 to vector<16xi32>
      tpu.vector_store_idx %arg16[%add3A_1375, %broadcast_in_dim3A_1595], %gather3A_1593 : memref<256x128xf32, #tpu.memory_space<vmem>>[vector<16xi32>, vector<16xi32>], vector<16xf32>,
      %add3A_1596 = arith.constant 17 : i32
      %add3A_1597 = vector.broadcast %add3A_1596 : i32 to vector<16xi32>
      %add3A_1598 = arith.addi %gather3A_1382, %add3A_1597 : vector<16xi32>
      %gather3A_1599 = tpu.vector_load_idx %arg15[%add3A_1375, %add3A_1598] : memref<256x128xf32, #tpu.memory_space<vmem>>[vector<16xi32>, vector<16xi32>], vector<16xf32>,
      %broadcast_in_dim3A_1600 = arith.constant 49 : i32
      %broadcast_in_dim3A_1601 = vector.broadcast %broadcast_in_dim3A_1600 : i32 to vector<16xi32>
      tpu.vector_store_idx %arg16[%add3A_1375, %broadcast_in_dim3A_1601], %gather3A_1599 : memref<256x128xf32, #tpu.memory_space<vmem>>[vector<16xi32>, vector<16xi32>], vector<16xf32>,
      %add3A_1602 = arith.constant 18 : i32
      %add3A_1603 = vector.broadcast %add3A_1602 : i32 to vector<16xi32>
      %add3A_1604 = arith.addi %gather3A, %add3A_1603 : vector<16xi32>
      %gather3A_1605 = tpu.vector_load_idx %arg14[%add3A_1375, %add3A_1604] : memref<256x128xf32, #tpu.memory_space<vmem>>[vector<16xi32>, vector<16xi32>], vector<16xf32>,
      %broadcast_in_dim3A_1606 = arith.constant 18 : i32
      %broadcast_in_dim3A_1607 = vector.broadcast %broadcast_in_dim3A_1606 : i32 to vector<16xi32>
      tpu.vector_store_idx %arg16[%add3A_1375, %broadcast_in_dim3A_1607], %gather3A_1605 : memref<256x128xf32, #tpu.memory_space<vmem>>[vector<16xi32>, vector<16xi32>], vector<16xf32>,
      %add3A_1608 = arith.constant 18 : i32
      %add3A_1609 = vector.broadcast %add3A_1608 : i32 to vector<16xi32>
      %add3A_1610 = arith.addi %gather3A_1382, %add3A_1609 : vector<16xi32>
      %gather3A_1611 = tpu.vector_load_idx %arg15[%add3A_1375, %add3A_1610] : memref<256x128xf32, #tpu.memory_space<vmem>>[vector<16xi32>, vector<16xi32>], vector<16xf32>,
      %broadcast_in_dim3A_1612 = arith.constant 50 : i32
      %broadcast_in_dim3A_1613 = vector.broadcast %broadcast_in_dim3A_1612 : i32 to vector<16xi32>
      tpu.vector_store_idx %arg16[%add3A_1375, %broadcast_in_dim3A_1613], %gather3A_1611 : memref<256x128xf32, #tpu.memory_space<vmem>>[vector<16xi32>, vector<16xi32>], vector<16xf32>,
      %add3A_1614 = arith.constant 19 : i32
      %add3A_1615 = vector.broadcast %add3A_1614 : i32 to vector<16xi32>
      %add3A_1616 = arith.addi %gather3A, %add3A_1615 : vector<16xi32>
      %gather3A_1617 = tpu.vector_load_idx %arg14[%add3A_1375, %add3A_1616] : memref<256x128xf32, #tpu.memory_space<vmem>>[vector<16xi32>, vector<16xi32>], vector<16xf32>,
      %broadcast_in_dim3A_1618 = arith.constant 19 : i32
      %broadcast_in_dim3A_1619 = vector.broadcast %broadcast_in_dim3A_1618 : i32 to vector<16xi32>
      tpu.vector_store_idx %arg16[%add3A_1375, %broadcast_in_dim3A_1619], %gather3A_1617 : memref<256x128xf32, #tpu.memory_space<vmem>>[vector<16xi32>, vector<16xi32>], vector<16xf32>,
      %add3A_1620 = arith.constant 19 : i32
      %add3A_1621 = vector.broadcast %add3A_1620 : i32 to vector<16xi32>
      %add3A_1622 = arith.addi %gather3A_1382, %add3A_1621 : vector<16xi32>
      %gather3A_1623 = tpu.vector_load_idx %arg15[%add3A_1375, %add3A_1622] : memref<256x128xf32, #tpu.memory_space<vmem>>[vector<16xi32>, vector<16xi32>], vector<16xf32>,
      %broadcast_in_dim3A_1624 = arith.constant 51 : i32
      %broadcast_in_dim3A_1625 = vector.broadcast %broadcast_in_dim3A_1624 : i32 to vector<16xi32>
      tpu.vector_store_idx %arg16[%add3A_1375, %broadcast_in_dim3A_1625], %gather3A_1623 : memref<256x128xf32, #tpu.memory_space<vmem>>[vector<16xi32>, vector<16xi32>], vector<16xf32>,
      %add3A_1626 = arith.constant 20 : i32
      %add3A_1627 = vector.broadcast %add3A_1626 : i32 to vector<16xi32>
      %add3A_1628 = arith.addi %gather3A, %add3A_1627 : vector<16xi32>
      %gather3A_1629 = tpu.vector_load_idx %arg14[%add3A_1375, %add3A_1628] : memref<256x128xf32, #tpu.memory_space<vmem>>[vector<16xi32>, vector<16xi32>], vector<16xf32>,
      %broadcast_in_dim3A_1630 = arith.constant 20 : i32
      %broadcast_in_dim3A_1631 = vector.broadcast %broadcast_in_dim3A_1630 : i32 to vector<16xi32>
      tpu.vector_store_idx %arg16[%add3A_1375, %broadcast_in_dim3A_1631], %gather3A_1629 : memref<256x128xf32, #tpu.memory_space<vmem>>[vector<16xi32>, vector<16xi32>], vector<16xf32>,
      %add3A_1632 = arith.constant 20 : i32
      %add3A_1633 = vector.broadcast %add3A_1632 : i32 to vector<16xi32>
      %add3A_1634 = arith.addi %gather3A_1382, %add3A_1633 : vector<16xi32>
      %gather3A_1635 = tpu.vector_load_idx %arg15[%add3A_1375, %add3A_1634] : memref<256x128xf32, #tpu.memory_space<vmem>>[vector<16xi32>, vector<16xi32>], vector<16xf32>,
      %broadcast_in_dim3A_1636 = arith.constant 52 : i32
      %broadcast_in_dim3A_1637 = vector.broadcast %broadcast_in_dim3A_1636 : i32 to vector<16xi32>
      tpu.vector_store_idx %arg16[%add3A_1375, %broadcast_in_dim3A_1637], %gather3A_1635 : memref<256x128xf32, #tpu.memory_space<vmem>>[vector<16xi32>, vector<16xi32>], vector<16xf32>,
      %add3A_1638 = arith.constant 21 : i32
      %add3A_1639 = vector.broadcast %add3A_1638 : i32 to vector<16xi32>
      %add3A_1640 = arith.addi %gather3A, %add3A_1639 : vector<16xi32>
      %gather3A_1641 = tpu.vector_load_idx %arg14[%add3A_1375, %add3A_1640] : memref<256x128xf32, #tpu.memory_space<vmem>>[vector<16xi32>, vector<16xi32>], vector<16xf32>,
      %broadcast_in_dim3A_1642 = arith.constant 21 : i32
      %broadcast_in_dim3A_1643 = vector.broadcast %broadcast_in_dim3A_1642 : i32 to vector<16xi32>
      tpu.vector_store_idx %arg16[%add3A_1375, %broadcast_in_dim3A_1643], %gather3A_1641 : memref<256x128xf32, #tpu.memory_space<vmem>>[vector<16xi32>, vector<16xi32>], vector<16xf32>,
      %add3A_1644 = arith.constant 21 : i32
      %add3A_1645 = vector.broadcast %add3A_1644 : i32 to vector<16xi32>
      %add3A_1646 = arith.addi %gather3A_1382, %add3A_1645 : vector<16xi32>
      %gather3A_1647 = tpu.vector_load_idx %arg15[%add3A_1375, %add3A_1646] : memref<256x128xf32, #tpu.memory_space<vmem>>[vector<16xi32>, vector<16xi32>], vector<16xf32>,
      %broadcast_in_dim3A_1648 = arith.constant 53 : i32
      %broadcast_in_dim3A_1649 = vector.broadcast %broadcast_in_dim3A_1648 : i32 to vector<16xi32>
      tpu.vector_store_idx %arg16[%add3A_1375, %broadcast_in_dim3A_1649], %gather3A_1647 : memref<256x128xf32, #tpu.memory_space<vmem>>[vector<16xi32>, vector<16xi32>], vector<16xf32>,
      %add3A_1650 = arith.constant 22 : i32
      %add3A_1651 = vector.broadcast %add3A_1650 : i32 to vector<16xi32>
      %add3A_1652 = arith.addi %gather3A, %add3A_1651 : vector<16xi32>
      %gather3A_1653 = tpu.vector_load_idx %arg14[%add3A_1375, %add3A_1652] : memref<256x128xf32, #tpu.memory_space<vmem>>[vector<16xi32>, vector<16xi32>], vector<16xf32>,
      %broadcast_in_dim3A_1654 = arith.constant 22 : i32
      %broadcast_in_dim3A_1655 = vector.broadcast %broadcast_in_dim3A_1654 : i32 to vector<16xi32>
      tpu.vector_store_idx %arg16[%add3A_1375, %broadcast_in_dim3A_1655], %gather3A_1653 : memref<256x128xf32, #tpu.memory_space<vmem>>[vector<16xi32>, vector<16xi32>], vector<16xf32>,
      %add3A_1656 = arith.constant 22 : i32
      %add3A_1657 = vector.broadcast %add3A_1656 : i32 to vector<16xi32>
      %add3A_1658 = arith.addi %gather3A_1382, %add3A_1657 : vector<16xi32>
      %gather3A_1659 = tpu.vector_load_idx %arg15[%add3A_1375, %add3A_1658] : memref<256x128xf32, #tpu.memory_space<vmem>>[vector<16xi32>, vector<16xi32>], vector<16xf32>,
      %broadcast_in_dim3A_1660 = arith.constant 54 : i32
      %broadcast_in_dim3A_1661 = vector.broadcast %broadcast_in_dim3A_1660 : i32 to vector<16xi32>
      tpu.vector_store_idx %arg16[%add3A_1375, %broadcast_in_dim3A_1661], %gather3A_1659 : memref<256x128xf32, #tpu.memory_space<vmem>>[vector<16xi32>, vector<16xi32>], vector<16xf32>,
      %add3A_1662 = arith.constant 23 : i32
      %add3A_1663 = vector.broadcast %add3A_1662 : i32 to vector<16xi32>
      %add3A_1664 = arith.addi %gather3A, %add3A_1663 : vector<16xi32>
      %gather3A_1665 = tpu.vector_load_idx %arg14[%add3A_1375, %add3A_1664] : memref<256x128xf32, #tpu.memory_space<vmem>>[vector<16xi32>, vector<16xi32>], vector<16xf32>,
      %broadcast_in_dim3A_1666 = arith.constant 23 : i32
      %broadcast_in_dim3A_1667 = vector.broadcast %broadcast_in_dim3A_1666 : i32 to vector<16xi32>
      tpu.vector_store_idx %arg16[%add3A_1375, %broadcast_in_dim3A_1667], %gather3A_1665 : memref<256x128xf32, #tpu.memory_space<vmem>>[vector<16xi32>, vector<16xi32>], vector<16xf32>,
      %add3A_1668 = arith.constant 23 : i32
      %add3A_1669 = vector.broadcast %add3A_1668 : i32 to vector<16xi32>
      %add3A_1670 = arith.addi %gather3A_1382, %add3A_1669 : vector<16xi32>
      %gather3A_1671 = tpu.vector_load_idx %arg15[%add3A_1375, %add3A_1670] : memref<256x128xf32, #tpu.memory_space<vmem>>[vector<16xi32>, vector<16xi32>], vector<16xf32>,
      %broadcast_in_dim3A_1672 = arith.constant 55 : i32
      %broadcast_in_dim3A_1673 = vector.broadcast %broadcast_in_dim3A_1672 : i32 to vector<16xi32>
      tpu.vector_store_idx %arg16[%add3A_1375, %broadcast_in_dim3A_1673], %gather3A_1671 : memref<256x128xf32, #tpu.memory_space<vmem>>[vector<16xi32>, vector<16xi32>], vector<16xf32>,
      %add3A_1674 = arith.constant 24 : i32
      %add3A_1675 = vector.broadcast %add3A_1674 : i32 to vector<16xi32>
      %add3A_1676 = arith.addi %gather3A, %add3A_1675 : vector<16xi32>
      %gather3A_1677 = tpu.vector_load_idx %arg14[%add3A_1375, %add3A_1676] : memref<256x128xf32, #tpu.memory_space<vmem>>[vector<16xi32>, vector<16xi32>], vector<16xf32>,
      %broadcast_in_dim3A_1678 = arith.constant 24 : i32
      %broadcast_in_dim3A_1679 = vector.broadcast %broadcast_in_dim3A_1678 : i32 to vector<16xi32>
      tpu.vector_store_idx %arg16[%add3A_1375, %broadcast_in_dim3A_1679], %gather3A_1677 : memref<256x128xf32, #tpu.memory_space<vmem>>[vector<16xi32>, vector<16xi32>], vector<16xf32>,
      %add3A_1680 = arith.constant 24 : i32
      %add3A_1681 = vector.broadcast %add3A_1680 : i32 to vector<16xi32>
      %add3A_1682 = arith.addi %gather3A_1382, %add3A_1681 : vector<16xi32>
      %gather3A_1683 = tpu.vector_load_idx %arg15[%add3A_1375, %add3A_1682] : memref<256x128xf32, #tpu.memory_space<vmem>>[vector<16xi32>, vector<16xi32>], vector<16xf32>,
      %broadcast_in_dim3A_1684 = arith.constant 56 : i32
      %broadcast_in_dim3A_1685 = vector.broadcast %broadcast_in_dim3A_1684 : i32 to vector<16xi32>
      tpu.vector_store_idx %arg16[%add3A_1375, %broadcast_in_dim3A_1685], %gather3A_1683 : memref<256x128xf32, #tpu.memory_space<vmem>>[vector<16xi32>, vector<16xi32>], vector<16xf32>,
      %add3A_1686 = arith.constant 25 : i32
      %add3A_1687 = vector.broadcast %add3A_1686 : i32 to vector<16xi32>
      %add3A_1688 = arith.addi %gather3A, %add3A_1687 : vector<16xi32>
      %gather3A_1689 = tpu.vector_load_idx %arg14[%add3A_1375, %add3A_1688] : memref<256x128xf32, #tpu.memory_space<vmem>>[vector<16xi32>, vector<16xi32>], vector<16xf32>,
      %broadcast_in_dim3A_1690 = arith.constant 25 : i32
      %broadcast_in_dim3A_1691 = vector.broadcast %broadcast_in_dim3A_1690 : i32 to vector<16xi32>
      tpu.vector_store_idx %arg16[%add3A_1375, %broadcast_in_dim3A_1691], %gather3A_1689 : memref<256x128xf32, #tpu.memory_space<vmem>>[vector<16xi32>, vector<16xi32>], vector<16xf32>,
      %add3A_1692 = arith.constant 25 : i32
      %add3A_1693 = vector.broadcast %add3A_1692 : i32 to vector<16xi32>
      %add3A_1694 = arith.addi %gather3A_1382, %add3A_1693 : vector<16xi32>
      %gather3A_1695 = tpu.vector_load_idx %arg15[%add3A_1375, %add3A_1694] : memref<256x128xf32, #tpu.memory_space<vmem>>[vector<16xi32>, vector<16xi32>], vector<16xf32>,
      %broadcast_in_dim3A_1696 = arith.constant 57 : i32
      %broadcast_in_dim3A_1697 = vector.broadcast %broadcast_in_dim3A_1696 : i32 to vector<16xi32>
      tpu.vector_store_idx %arg16[%add3A_1375, %broadcast_in_dim3A_1697], %gather3A_1695 : memref<256x128xf32, #tpu.memory_space<vmem>>[vector<16xi32>, vector<16xi32>], vector<16xf32>,
      %add3A_1698 = arith.constant 26 : i32
      %add3A_1699 = vector.broadcast %add3A_1698 : i32 to vector<16xi32>
      %add3A_1700 = arith.addi %gather3A, %add3A_1699 : vector<16xi32>
      %gather3A_1701 = tpu.vector_load_idx %arg14[%add3A_1375, %add3A_1700] : memref<256x128xf32, #tpu.memory_space<vmem>>[vector<16xi32>, vector<16xi32>], vector<16xf32>,
      %broadcast_in_dim3A_1702 = arith.constant 26 : i32
      %broadcast_in_dim3A_1703 = vector.broadcast %broadcast_in_dim3A_1702 : i32 to vector<16xi32>
      tpu.vector_store_idx %arg16[%add3A_1375, %broadcast_in_dim3A_1703], %gather3A_1701 : memref<256x128xf32, #tpu.memory_space<vmem>>[vector<16xi32>, vector<16xi32>], vector<16xf32>,
      %add3A_1704 = arith.constant 26 : i32
      %add3A_1705 = vector.broadcast %add3A_1704 : i32 to vector<16xi32>
      %add3A_1706 = arith.addi %gather3A_1382, %add3A_1705 : vector<16xi32>
      %gather3A_1707 = tpu.vector_load_idx %arg15[%add3A_1375, %add3A_1706] : memref<256x128xf32, #tpu.memory_space<vmem>>[vector<16xi32>, vector<16xi32>], vector<16xf32>,
      %broadcast_in_dim3A_1708 = arith.constant 58 : i32
      %broadcast_in_dim3A_1709 = vector.broadcast %broadcast_in_dim3A_1708 : i32 to vector<16xi32>
      tpu.vector_store_idx %arg16[%add3A_1375, %broadcast_in_dim3A_1709], %gather3A_1707 : memref<256x128xf32, #tpu.memory_space<vmem>>[vector<16xi32>, vector<16xi32>], vector<16xf32>,
      %add3A_1710 = arith.constant 27 : i32
      %add3A_1711 = vector.broadcast %add3A_1710 : i32 to vector<16xi32>
      %add3A_1712 = arith.addi %gather3A, %add3A_1711 : vector<16xi32>
      %gather3A_1713 = tpu.vector_load_idx %arg14[%add3A_1375, %add3A_1712] : memref<256x128xf32, #tpu.memory_space<vmem>>[vector<16xi32>, vector<16xi32>], vector<16xf32>,
      %broadcast_in_dim3A_1714 = arith.constant 27 : i32
      %broadcast_in_dim3A_1715 = vector.broadcast %broadcast_in_dim3A_1714 : i32 to vector<16xi32>
      tpu.vector_store_idx %arg16[%add3A_1375, %broadcast_in_dim3A_1715], %gather3A_1713 : memref<256x128xf32, #tpu.memory_space<vmem>>[vector<16xi32>, vector<16xi32>], vector<16xf32>,
      %add3A_1716 = arith.constant 27 : i32
      %add3A_1717 = vector.broadcast %add3A_1716 : i32 to vector<16xi32>
      %add3A_1718 = arith.addi %gather3A_1382, %add3A_1717 : vector<16xi32>
      %gather3A_1719 = tpu.vector_load_idx %arg15[%add3A_1375, %add3A_1718] : memref<256x128xf32, #tpu.memory_space<vmem>>[vector<16xi32>, vector<16xi32>], vector<16xf32>,
      %broadcast_in_dim3A_1720 = arith.constant 59 : i32
      %broadcast_in_dim3A_1721 = vector.broadcast %broadcast_in_dim3A_1720 : i32 to vector<16xi32>
      tpu.vector_store_idx %arg16[%add3A_1375, %broadcast_in_dim3A_1721], %gather3A_1719 : memref<256x128xf32, #tpu.memory_space<vmem>>[vector<16xi32>, vector<16xi32>], vector<16xf32>,
      %add3A_1722 = arith.constant 28 : i32
      %add3A_1723 = vector.broadcast %add3A_1722 : i32 to vector<16xi32>
      %add3A_1724 = arith.addi %gather3A, %add3A_1723 : vector<16xi32>
      %gather3A_1725 = tpu.vector_load_idx %arg14[%add3A_1375, %add3A_1724] : memref<256x128xf32, #tpu.memory_space<vmem>>[vector<16xi32>, vector<16xi32>], vector<16xf32>,
      %broadcast_in_dim3A_1726 = arith.constant 28 : i32
      %broadcast_in_dim3A_1727 = vector.broadcast %broadcast_in_dim3A_1726 : i32 to vector<16xi32>
      tpu.vector_store_idx %arg16[%add3A_1375, %broadcast_in_dim3A_1727], %gather3A_1725 : memref<256x128xf32, #tpu.memory_space<vmem>>[vector<16xi32>, vector<16xi32>], vector<16xf32>,
      %add3A_1728 = arith.constant 28 : i32
      %add3A_1729 = vector.broadcast %add3A_1728 : i32 to vector<16xi32>
      %add3A_1730 = arith.addi %gather3A_1382, %add3A_1729 : vector<16xi32>
      %gather3A_1731 = tpu.vector_load_idx %arg15[%add3A_1375, %add3A_1730] : memref<256x128xf32, #tpu.memory_space<vmem>>[vector<16xi32>, vector<16xi32>], vector<16xf32>,
      %broadcast_in_dim3A_1732 = arith.constant 60 : i32
      %broadcast_in_dim3A_1733 = vector.broadcast %broadcast_in_dim3A_1732 : i32 to vector<16xi32>
      tpu.vector_store_idx %arg16[%add3A_1375, %broadcast_in_dim3A_1733], %gather3A_1731 : memref<256x128xf32, #tpu.memory_space<vmem>>[vector<16xi32>, vector<16xi32>], vector<16xf32>,
      %add3A_1734 = arith.constant 29 : i32
      %add3A_1735 = vector.broadcast %add3A_1734 : i32 to vector<16xi32>
      %add3A_1736 = arith.addi %gather3A, %add3A_1735 : vector<16xi32>
      %gather3A_1737 = tpu.vector_load_idx %arg14[%add3A_1375, %add3A_1736] : memref<256x128xf32, #tpu.memory_space<vmem>>[vector<16xi32>, vector<16xi32>], vector<16xf32>,
      %broadcast_in_dim3A_1738 = arith.constant 29 : i32
      %broadcast_in_dim3A_1739 = vector.broadcast %broadcast_in_dim3A_1738 : i32 to vector<16xi32>
      tpu.vector_store_idx %arg16[%add3A_1375, %broadcast_in_dim3A_1739], %gather3A_1737 : memref<256x128xf32, #tpu.memory_space<vmem>>[vector<16xi32>, vector<16xi32>], vector<16xf32>,
      %add3A_1740 = arith.constant 29 : i32
      %add3A_1741 = vector.broadcast %add3A_1740 : i32 to vector<16xi32>
      %add3A_1742 = arith.addi %gather3A_1382, %add3A_1741 : vector<16xi32>
      %gather3A_1743 = tpu.vector_load_idx %arg15[%add3A_1375, %add3A_1742] : memref<256x128xf32, #tpu.memory_space<vmem>>[vector<16xi32>, vector<16xi32>], vector<16xf32>,
      %broadcast_in_dim3A_1744 = arith.constant 61 : i32
      %broadcast_in_dim3A_1745 = vector.broadcast %broadcast_in_dim3A_1744 : i32 to vector<16xi32>
      tpu.vector_store_idx %arg16[%add3A_1375, %broadcast_in_dim3A_1745], %gather3A_1743 : memref<256x128xf32, #tpu.memory_space<vmem>>[vector<16xi32>, vector<16xi32>], vector<16xf32>,
      %add3A_1746 = arith.constant 30 : i32
      %add3A_1747 = vector.broadcast %add3A_1746 : i32 to vector<16xi32>
      %add3A_1748 = arith.addi %gather3A, %add3A_1747 : vector<16xi32>
      %gather3A_1749 = tpu.vector_load_idx %arg14[%add3A_1375, %add3A_1748] : memref<256x128xf32, #tpu.memory_space<vmem>>[vector<16xi32>, vector<16xi32>], vector<16xf32>,
      %broadcast_in_dim3A_1750 = arith.constant 30 : i32
      %broadcast_in_dim3A_1751 = vector.broadcast %broadcast_in_dim3A_1750 : i32 to vector<16xi32>
      tpu.vector_store_idx %arg16[%add3A_1375, %broadcast_in_dim3A_1751], %gather3A_1749 : memref<256x128xf32, #tpu.memory_space<vmem>>[vector<16xi32>, vector<16xi32>], vector<16xf32>,
      %add3A_1752 = arith.constant 30 : i32
      %add3A_1753 = vector.broadcast %add3A_1752 : i32 to vector<16xi32>
      %add3A_1754 = arith.addi %gather3A_1382, %add3A_1753 : vector<16xi32>
      %gather3A_1755 = tpu.vector_load_idx %arg15[%add3A_1375, %add3A_1754] : memref<256x128xf32, #tpu.memory_space<vmem>>[vector<16xi32>, vector<16xi32>], vector<16xf32>,
      %broadcast_in_dim3A_1756 = arith.constant 62 : i32
      %broadcast_in_dim3A_1757 = vector.broadcast %broadcast_in_dim3A_1756 : i32 to vector<16xi32>
      tpu.vector_store_idx %arg16[%add3A_1375, %broadcast_in_dim3A_1757], %gather3A_1755 : memref<256x128xf32, #tpu.memory_space<vmem>>[vector<16xi32>, vector<16xi32>], vector<16xf32>,
      %add3A_1758 = arith.constant 31 : i32
      %add3A_1759 = vector.broadcast %add3A_1758 : i32 to vector<16xi32>
      %add3A_1760 = arith.addi %gather3A, %add3A_1759 : vector<16xi32>
      %gather3A_1761 = tpu.vector_load_idx %arg14[%add3A_1375, %add3A_1760] : memref<256x128xf32, #tpu.memory_space<vmem>>[vector<16xi32>, vector<16xi32>], vector<16xf32>,
      %broadcast_in_dim3A_1762 = arith.constant 31 : i32
      %broadcast_in_dim3A_1763 = vector.broadcast %broadcast_in_dim3A_1762 : i32 to vector<16xi32>
      tpu.vector_store_idx %arg16[%add3A_1375, %broadcast_in_dim3A_1763], %gather3A_1761 : memref<256x128xf32, #tpu.memory_space<vmem>>[vector<16xi32>, vector<16xi32>], vector<16xf32>,
      %add3A_1764 = arith.constant 31 : i32
      %add3A_1765 = vector.broadcast %add3A_1764 : i32 to vector<16xi32>
      %add3A_1766 = arith.addi %gather3A_1382, %add3A_1765 : vector<16xi32>
      %gather3A_1767 = tpu.vector_load_idx %arg15[%add3A_1375, %add3A_1766] : memref<256x128xf32, #tpu.memory_space<vmem>>[vector<16xi32>, vector<16xi32>], vector<16xf32>,
      %broadcast_in_dim3A_1768 = arith.constant 63 : i32
      %broadcast_in_dim3A_1769 = vector.broadcast %broadcast_in_dim3A_1768 : i32 to vector<16xi32>
      tpu.vector_store_idx %arg16[%add3A_1375, %broadcast_in_dim3A_1769], %gather3A_1767 : memref<256x128xf32, #tpu.memory_space<vmem>>[vector<16xi32>, vector<16xi32>], vector<16xf32>,
      %broadcast_in_dim3A_1770 = arith.constant 64 : i32
      %broadcast_in_dim3A_1771 = vector.broadcast %broadcast_in_dim3A_1770 : i32 to vector<16xi32>
      tpu.vector_store_idx %arg16[%add3A_1375, %broadcast_in_dim3A_1771], %gather3A_1386 : memref<256x128xf32, #tpu.memory_space<vmem>>[vector<16xi32>, vector<16xi32>], vector<16xf32>,
    }
    %scan3A_1368 = arith.constant 16 : i32
    %add3A_1369 = arith.constant 256 : i32
    %add3A_1370 = arith.addi %mul3A_2, %add3A_1369 : i32
    "tpu.region"() ({
      %run_scoped3A = tpu.sem_alloc : memref<!tpu.dma_semaphore, #tpu.memory_space<semaphore_mem>>
      %dma_start3A_1371 = arith.constant 0 : i32
      %dma_start3A_1372 = tpu.memref_slice %arg7[%add3A_1370, %dma_start3A_1371] : memref<16384x128xf32, #tpu.memory_space<hbm>> -> memref<256x128xf32, #tpu.memory_space<hbm>>
      %dma_start3A_1373 = arith.constant 0 : i32
      %dma_start3A_1374 = tpu.memref_slice %arg7[%add3A_1370, %dma_start3A_1373] : memref<16384x128xf32, #tpu.memory_space<hbm>> -> memref<256x128xf32, #tpu.memory_space<hbm>>
      tpu.enqueue_dma source(%arg16 : memref<256x128xf32, #tpu.memory_space<vmem>>) target(%dma_start3A_1374 : memref<256x128xf32, #tpu.memory_space<hbm>>) target_semaphore(%run_scoped3A : memref<!tpu.dma_semaphore, #tpu.memory_space<semaphore_mem>>)
      %dma_wait3A_1375 = arith.constant 0 : i32
      %dma_wait3A_1376 = tpu.memref_slice %arg7[%add3A_1370, %dma_wait3A_1375] : memref<16384x128xf32, #tpu.memory_space<hbm>> -> memref<256x128xf32, #tpu.memory_space<hbm>>
      %dma_wait3A_1377 = arith.constant 0 : i32
      %dma_wait3A_1378 = tpu.memref_slice %arg7[%add3A_1370, %dma_wait3A_1377] : memref<16384x128xf32, #tpu.memory_space<hbm>> -> memref<256x128xf32, #tpu.memory_space<hbm>>
      tpu.wait_dma2 semaphore(%run_scoped3A : memref<!tpu.dma_semaphore, #tpu.memory_space<semaphore_mem>>) src(%arg16 : memref<256x128xf32, #tpu.memory_space<vmem>>) dst(%dma_wait3A_1378 : memref<256x128xf32, #tpu.memory_space<hbm>>)
      tpu.yield
    }) : () -> ()
    return
  }
}

module attributes {stable_mosaic.version = 14 : i64} {
  func.func @_mlp_body(%arg0: i32, %arg1: memref<2048x128xf32, #tpu.memory_space<vmem>>, %arg2: memref<16x2048xf32, #tpu.memory_space<vmem>>, %arg3: memref<1x16xf32, #tpu.memory_space<vmem>>, %arg4: memref<1x16xf32, #tpu.memory_space<vmem>>, %arg5: memref<32x128xf32, #tpu.memory_space<vmem>>, %arg6: memref<32x128xf32, #tpu.memory_space<vmem>>, %arg7: memref<16x128xf32, #tpu.memory_space<vmem>>, %arg8: memref<16x128xf32, #tpu.memory_space<vmem>>, %arg9: memref<1x128xf32, #tpu.memory_space<vmem>>, %arg10: memref<1x128xf32, #tpu.memory_space<vmem>>, %arg11: memref<1x1xf32, #tpu.memory_space<vmem>>, %arg12: memref<1x2048xf32, #tpu.memory_space<vmem>>) attributes {dimension_semantics = [#tpu.dimension_semantics<arbitrary>], iteration_bounds = array<i64: 8>, scalar_prefetch = 0 : i64, scratch_operands = 0 : i64, tpu.core_type = #tpu.core_type<tc>, window_params = [{transform_indices = @transform_0, window_bounds = array<i64: 2048, 128>}, {transform_indices = @transform_1, window_bounds = array<i64: 16, 2048>}, {pipeline_mode = #tpu.pipeline_mode<synchronous>, transform_indices = @transform_2, window_bounds = array<i64: 1, 16>}, {pipeline_mode = #tpu.pipeline_mode<synchronous>, transform_indices = @transform_3, window_bounds = array<i64: 1, 16>}, {pipeline_mode = #tpu.pipeline_mode<synchronous>, transform_indices = @transform_4, window_bounds = array<i64: 32, 128>}, {pipeline_mode = #tpu.pipeline_mode<synchronous>, transform_indices = @transform_5, window_bounds = array<i64: 32, 128>}, {pipeline_mode = #tpu.pipeline_mode<synchronous>, transform_indices = @transform_6, window_bounds = array<i64: 16, 128>}, {pipeline_mode = #tpu.pipeline_mode<synchronous>, transform_indices = @transform_7, window_bounds = array<i64: 16, 128>}, {pipeline_mode = #tpu.pipeline_mode<synchronous>, transform_indices = @transform_8, window_bounds = array<i64: 1, 128>}, {pipeline_mode = #tpu.pipeline_mode<synchronous>, transform_indices = @transform_9, window_bounds = array<i64: 1, 128>}, {pipeline_mode = #tpu.pipeline_mode<synchronous>, transform_indices = @transform_10, window_bounds = array<i64: 1, 1>}, {transform_indices = @transform_11, window_bounds = array<i64: 1, 2048>}]} {
    %get3A = arith.constant 0 : index
    %get3A_0 = arith.constant 0 : index
    %get3A_1 = vector.load %arg1[%get3A, %get3A_0] : memref<2048x128xf32, #tpu.memory_space<vmem>>, vector<2048x32xf32>
    %get3A_2 = arith.constant 0 : index
    %get3A_3 = arith.constant 32 : index
    %get3A_4 = vector.load %arg1[%get3A_2, %get3A_3] : memref<2048x128xf32, #tpu.memory_space<vmem>>, vector<2048x32xf32>
    %get3A_5 = arith.constant 0 : index
    %get3A_6 = arith.constant 64 : index
    %get3A_7 = vector.load %arg1[%get3A_5, %get3A_6] : memref<2048x128xf32, #tpu.memory_space<vmem>>, vector<2048x1xf32>
    %get3A_8 = arith.constant 0 : index
    %get3A_9 = arith.constant 0 : index
    %get3A_10 = vector.load %arg3[%get3A_8, %get3A_9] : memref<1x16xf32, #tpu.memory_space<vmem>>, vector<1x16xf32>
    %mul3A = vector.broadcast %get3A_7 : vector<2048x1xf32> to vector<2048x16xf32>
    %mul3A_11 = vector.broadcast %get3A_10 : vector<1x16xf32> to vector<2048x16xf32>
    %mul3A_12 = arith.mulf %mul3A, %mul3A_11 : vector<2048x16xf32>
    %get3A_13 = arith.constant 0 : index
    %get3A_14 = arith.constant 0 : index
    %get3A_15 = vector.load %arg4[%get3A_13, %get3A_14] : memref<1x16xf32, #tpu.memory_space<vmem>>, vector<1x16xf32>
    %add3A = vector.broadcast %get3A_15 : vector<1x16xf32> to vector<2048x16xf32>
    %add3A_16 = arith.addf %mul3A_12, %add3A : vector<2048x16xf32>
    %cos3A = math.cos %add3A_16 : vector<2048x16xf32>
    %get3A_17 = arith.constant 0 : index
    %get3A_18 = arith.constant 0 : index
    %get3A_19 = vector.load %arg5[%get3A_17, %get3A_18] : memref<32x128xf32, #tpu.memory_space<vmem>>, vector<32x128xf32>
    %dot_general3A = arith.constant dense<0.000000e+00> : vector<2048x128xf32>
    %dot_general3A_20 = tpu.matmul %get3A_1, %get3A_19, %dot_general3A {dimension_numbers = #tpu.dot_dimension_numbers<[1], [0], [0], [1], [0, 0, 1, 1], [], []>, transpose_lhs_hint = false} : vector<2048x32xf32>, vector<32x128xf32>, vector<2048x128xf32> -> vector<2048x128xf32>
    %get3A_21 = arith.constant 0 : index
    %get3A_22 = arith.constant 0 : index
    %get3A_23 = vector.load %arg6[%get3A_21, %get3A_22] : memref<32x128xf32, #tpu.memory_space<vmem>>, vector<32x128xf32>
    %dot_general3A_24 = arith.constant dense<0.000000e+00> : vector<2048x128xf32>
    %dot_general3A_25 = tpu.matmul %get3A_4, %get3A_23, %dot_general3A_24 {dimension_numbers = #tpu.dot_dimension_numbers<[1], [0], [0], [1], [0, 0, 1, 1], [], []>, transpose_lhs_hint = false} : vector<2048x32xf32>, vector<32x128xf32>, vector<2048x128xf32> -> vector<2048x128xf32>
    %add3A_26 = arith.addf %dot_general3A_20, %dot_general3A_25 : vector<2048x128xf32>
    %get3A_27 = arith.constant 0 : index
    %get3A_28 = arith.constant 0 : index
    %get3A_29 = vector.load %arg7[%get3A_27, %get3A_28] : memref<16x128xf32, #tpu.memory_space<vmem>>, vector<16x128xf32>
    %dot_general3A_30 = arith.constant dense<0.000000e+00> : vector<2048x128xf32>
    %dot_general3A_31 = tpu.matmul %cos3A, %get3A_29, %dot_general3A_30 {dimension_numbers = #tpu.dot_dimension_numbers<[1], [0], [0], [1], [0, 0, 1, 1], [], []>, transpose_lhs_hint = false} : vector<2048x16xf32>, vector<16x128xf32>, vector<2048x128xf32> -> vector<2048x128xf32>
    %add3A_32 = arith.addf %add3A_26, %dot_general3A_31 : vector<2048x128xf32>
    %get3A_33 = arith.constant 0 : index
    %get3A_34 = arith.constant 0 : index
    %get3A_35 = vector.load %arg2[%get3A_33, %get3A_34] : memref<16x2048xf32, #tpu.memory_space<vmem>>, vector<16x2048xf32>
    %get3A_36 = arith.constant 0 : index
    %get3A_37 = arith.constant 0 : index
    %get3A_38 = vector.load %arg8[%get3A_36, %get3A_37] : memref<16x128xf32, #tpu.memory_space<vmem>>, vector<16x128xf32>
    %dot_general3A_39 = arith.constant dense<0.000000e+00> : vector<2048x128xf32>
    %dot_general3A_40 = tpu.matmul %get3A_35, %get3A_38, %dot_general3A_39 {dimension_numbers = #tpu.dot_dimension_numbers<[0], [0], [1], [1], [0, 1, 1, 1], [], []>, transpose_lhs_hint = false} : vector<16x2048xf32>, vector<16x128xf32>, vector<2048x128xf32> -> vector<2048x128xf32>
    %add3A_41 = arith.addf %add3A_32, %dot_general3A_40 : vector<2048x128xf32>
    %get3A_42 = arith.constant 0 : index
    %get3A_43 = arith.constant 0 : index
    %get3A_44 = vector.load %arg9[%get3A_42, %get3A_43] : memref<1x128xf32, #tpu.memory_space<vmem>>, vector<1x128xf32>
    %add3A_45 = vector.broadcast %get3A_44 : vector<1x128xf32> to vector<2048x128xf32>
    %add3A_46 = arith.addf %add3A_41, %add3A_45 : vector<2048x128xf32>
    %max3A = arith.constant 0.000000e+00 : f32
    %max3A_47 = vector.broadcast %max3A : f32 to vector<2048x128xf32>
    %max3A_48 = arith.maximumf %add3A_46, %max3A_47 : vector<2048x128xf32>
    %get3A_49 = arith.constant 0 : index
    %get3A_50 = arith.constant 0 : index
    %get3A_51 = vector.load %arg10[%get3A_49, %get3A_50] : memref<1x128xf32, #tpu.memory_space<vmem>>, vector<1x128xf32>
    %dot_general3A_52 = arith.constant dense<0.000000e+00> : vector<1x2048xf32>
    %dot_general3A_53 = tpu.matmul %get3A_51, %max3A_48, %dot_general3A_52 {dimension_numbers = #tpu.dot_dimension_numbers<[1], [1], [0], [0], [0, 0, 1, 0], [], []>, transpose_lhs_hint = false} : vector<1x128xf32>, vector<2048x128xf32>, vector<1x2048xf32> -> vector<1x2048xf32>
    %get3A_54 = arith.constant 0 : index
    %get3A_55 = arith.constant 0 : index
    %get3A_56 = vector.load %arg11[%get3A_54, %get3A_55] : memref<1x1xf32, #tpu.memory_space<vmem>>, vector<1x1xf32>
    %get3A_57 = vector.extract %get3A_56[0, 0] : f32 from vector<1x1xf32>
    %add3A_58 = vector.broadcast %get3A_57 : f32 to vector<1x2048xf32>
    %add3A_59 = arith.addf %dot_general3A_53, %add3A_58 : vector<1x2048xf32>
    %swap3A = arith.constant 0 : index
    %swap3A_60 = arith.constant 0 : index
    %swap3A_61 = vector.load %arg12[%swap3A, %swap3A_60] : memref<1x2048xf32, #tpu.memory_space<vmem>>, vector<1x2048xf32>
    tpu.vector_store %arg12[%swap3A, %swap3A_60], %add3A_59 {strides = array<i32>} : memref<1x2048xf32, #tpu.memory_space<vmem>>, vector<1x2048xf32>,
    return
  }
  func.func @transform_0(%arg0: i32) -> (i32, i32) {
    %c0_i32 = arith.constant 0 : i32
    %c0_i32_0 = arith.constant 0 : i32
    return %arg0, %c0_i32 : i32, i32
  }
  func.func @transform_1(%arg0: i32) -> (i32, i32) {
    %c0_i32 = arith.constant 0 : i32
    %c0_i32_0 = arith.constant 0 : i32
    return %c0_i32, %arg0 : i32, i32
  }
  func.func @transform_2(%arg0: i32) -> (i32, i32) {
    %c0_i32 = arith.constant 0 : i32
    %c0_i32_0 = arith.constant 0 : i32
    %c0_i32_1 = arith.constant 0 : i32
    return %c0_i32, %c0_i32_0 : i32, i32
  }
  func.func @transform_3(%arg0: i32) -> (i32, i32) {
    %c0_i32 = arith.constant 0 : i32
    %c0_i32_0 = arith.constant 0 : i32
    %c0_i32_1 = arith.constant 0 : i32
    return %c0_i32, %c0_i32_0 : i32, i32
  }
  func.func @transform_4(%arg0: i32) -> (i32, i32) {
    %c0_i32 = arith.constant 0 : i32
    %c0_i32_0 = arith.constant 0 : i32
    %c0_i32_1 = arith.constant 0 : i32
    return %c0_i32, %c0_i32_0 : i32, i32
  }
  func.func @transform_5(%arg0: i32) -> (i32, i32) {
    %c0_i32 = arith.constant 0 : i32
    %c0_i32_0 = arith.constant 0 : i32
    %c0_i32_1 = arith.constant 0 : i32
    return %c0_i32, %c0_i32_0 : i32, i32
  }
  func.func @transform_6(%arg0: i32) -> (i32, i32) {
    %c0_i32 = arith.constant 0 : i32
    %c0_i32_0 = arith.constant 0 : i32
    %c0_i32_1 = arith.constant 0 : i32
    return %c0_i32, %c0_i32_0 : i32, i32
  }
  func.func @transform_7(%arg0: i32) -> (i32, i32) {
    %c0_i32 = arith.constant 0 : i32
    %c0_i32_0 = arith.constant 0 : i32
    %c0_i32_1 = arith.constant 0 : i32
    return %c0_i32, %c0_i32_0 : i32, i32
  }
  func.func @transform_8(%arg0: i32) -> (i32, i32) {
    %c0_i32 = arith.constant 0 : i32
    %c0_i32_0 = arith.constant 0 : i32
    %c0_i32_1 = arith.constant 0 : i32
    return %c0_i32, %c0_i32_0 : i32, i32
  }
  func.func @transform_9(%arg0: i32) -> (i32, i32) {
    %c0_i32 = arith.constant 0 : i32
    %c0_i32_0 = arith.constant 0 : i32
    %c0_i32_1 = arith.constant 0 : i32
    return %c0_i32, %c0_i32_0 : i32, i32
  }
  func.func @transform_10(%arg0: i32) -> (i32, i32) {
    %c0_i32 = arith.constant 0 : i32
    %c0_i32_0 = arith.constant 0 : i32
    %c0_i32_1 = arith.constant 0 : i32
    return %c0_i32, %c0_i32_0 : i32, i32
  }
  func.func @transform_11(%arg0: i32) -> (i32, i32) {
    %c0_i32 = arith.constant 0 : i32
    %c0_i32_0 = arith.constant 0 : i32
    return %c0_i32, %arg0 : i32, i32
  }
}

module attributes {stable_mosaic.version = 14 : i64} {
  func.func @body(%arg0: i32, %arg1: memref<32x8192xf32, #tpu.memory_space<vmem>>, %arg2: memref<32x8192xf32, #tpu.memory_space<vmem>>, %arg3: memref<32x8192xf32, #tpu.memory_space<vmem>>, %arg4: memref<32x8192xf32, #tpu.memory_space<vmem>>, %arg5: memref<8192x128xf32, #tpu.memory_space<vmem>>) attributes {dimension_semantics = [#tpu.dimension_semantics<arbitrary>], iteration_bounds = array<i64: 32>, scalar_prefetch = 0 : i64, scratch_operands = 0 : i64, tpu.core_type = #tpu.core_type<tc>, window_params = [{transform_indices = @transform_0, window_bounds = array<i64: 32, 8192>}, {transform_indices = @transform_1, window_bounds = array<i64: 32, 8192>}, {transform_indices = @transform_2, window_bounds = array<i64: 32, 8192>}, {transform_indices = @transform_3, window_bounds = array<i64: 32, 8192>}, {transform_indices = @transform_4, window_bounds = array<i64: 8192, 128>}]} {
    %get3A = arith.constant 0 : index
    %get3A_0 = arith.constant 0 : index
    %get3A_1 = vector.load %arg1[%get3A, %get3A_0] : memref<32x8192xf32, #tpu.memory_space<vmem>>, vector<32x8192xf32>
    %get3A_2 = arith.constant 0 : index
    %get3A_3 = arith.constant 0 : index
    %get3A_4 = vector.load %arg2[%get3A_2, %get3A_3] : memref<32x8192xf32, #tpu.memory_space<vmem>>, vector<32x8192xf32>
    %get3A_5 = arith.constant 0 : index
    %get3A_6 = arith.constant 0 : index
    %get3A_7 = vector.load %arg3[%get3A_5, %get3A_6] : memref<32x8192xf32, #tpu.memory_space<vmem>>, vector<32x8192xf32>
    %get3A_8 = arith.constant 0 : index
    %get3A_9 = arith.constant 0 : index
    %get3A_10 = vector.load %arg4[%get3A_8, %get3A_9] : memref<32x8192xf32, #tpu.memory_space<vmem>>, vector<32x8192xf32>
    %concatenate3A = tpu.concatenate %get3A_1, %get3A_4, %get3A_7, %get3A_10 in 0 : vector<32x8192xf32>, vector<32x8192xf32>, vector<32x8192xf32>, vector<32x8192xf32> -> vector<128x8192xf32>
    %iota3A = tpu.iota {dimensions = array<i32: 0>} : vector<128x128xi32>
    %iota3A_11 = tpu.iota {dimensions = array<i32: 1>} : vector<128x128xi32>
    %add3A = arith.constant 0 : i32
    %add3A_12 = vector.broadcast %add3A : i32 to vector<128x128xi32>
    %add3A_13 = arith.addi %iota3A, %add3A_12 : vector<128x128xi32>
    %eq3A = arith.cmpi eq, %add3A_13, %iota3A_11 : vector<128x128xi32>
    %convert_element_type3A = arith.extui %eq3A : vector<128x128xi1> to vector<128x128xi32>
    %convert_element_type3A_14 = arith.sitofp %convert_element_type3A : vector<128x128xi32> to vector<128x128xf32>
    %dot_general3A = arith.constant dense<0.000000e+00> : vector<8192x128xf32>
    %dot_general3A_15 = tpu.matmul %concatenate3A, %convert_element_type3A_14, %dot_general3A {dimension_numbers = #tpu.dot_dimension_numbers<[0], [0], [1], [1], [0, 1, 1, 1], [], []>, transpose_lhs_hint = false} : vector<128x8192xf32>, vector<128x128xf32>, vector<8192x128xf32> -> vector<8192x128xf32>
    %swap3A = arith.constant 0 : index
    %swap3A_16 = arith.constant 0 : index
    %swap3A_17 = vector.load %arg5[%swap3A, %swap3A_16] : memref<8192x128xf32, #tpu.memory_space<vmem>>, vector<8192x128xf32>
    tpu.vector_store %arg5[%swap3A, %swap3A_16], %dot_general3A_15 {strides = array<i32>} : memref<8192x128xf32, #tpu.memory_space<vmem>>, vector<8192x128xf32>,
    return
  }
  func.func @transform_0(%arg0: i32) -> (i32, i32) {
    %add3A = arith.constant 0 : i32
    %add3A_0 = arith.addi %add3A, %arg0 : i32
    %min3A = arith.constant 122 : i32
    %min3A_1 = arith.minsi %add3A_0, %min3A : i32
    %c0_i32 = arith.constant 0 : i32
    %c0_i32_2 = arith.constant 0 : i32
    return %c0_i32, %min3A_1 : i32, i32
  }
  func.func @transform_1(%arg0: i32) -> (i32, i32) {
    %add3A = arith.constant 32 : i32
    %add3A_0 = arith.addi %add3A, %arg0 : i32
    %min3A = arith.constant 122 : i32
    %min3A_1 = arith.minsi %add3A_0, %min3A : i32
    %c0_i32 = arith.constant 0 : i32
    %c0_i32_2 = arith.constant 0 : i32
    return %c0_i32, %min3A_1 : i32, i32
  }
  func.func @transform_2(%arg0: i32) -> (i32, i32) {
    %add3A = arith.constant 64 : i32
    %add3A_0 = arith.addi %add3A, %arg0 : i32
    %min3A = arith.constant 122 : i32
    %min3A_1 = arith.minsi %add3A_0, %min3A : i32
    %c0_i32 = arith.constant 0 : i32
    %c0_i32_2 = arith.constant 0 : i32
    return %c0_i32, %min3A_1 : i32, i32
  }
  func.func @transform_3(%arg0: i32) -> (i32, i32) {
    %add3A = arith.constant 96 : i32
    %add3A_0 = arith.addi %add3A, %arg0 : i32
    %min3A = arith.constant 122 : i32
    %min3A_1 = arith.minsi %add3A_0, %min3A : i32
    %c0_i32 = arith.constant 0 : i32
    %c0_i32_2 = arith.constant 0 : i32
    return %c0_i32, %min3A_1 : i32, i32
  }
  func.func @transform_4(%arg0: i32) -> (i32, i32) {
    %c0_i32 = arith.constant 0 : i32
    %c0_i32_0 = arith.constant 0 : i32
    return %arg0, %c0_i32 : i32, i32
  }
}

</mosaic_0001>

<sc_bundles>
// kernel: kernel.5.cloned.1.call-start
scs
__scs_entry_jumppad:
0x0: {  	(pc) =	sbr.rel $0x88, $3  }
0x1: {  	(tag) =	ssettag $0x0;
	lr =	simm.s32 $0x1  }
0x2: {  	[smem:$0x3F95] =	sst lr;
	_ =	strace $0xD0000000  }
0x3: {  	_ = 	snop  }
0x4: {  	_ = 	snop  }
0x5: {  	_ = 	snop  }
0x6: {  	_ = 	snop  }
0x7: {  	_ = 	snop  }
__scs_overlays_trampoline_lowered:
0x8: {  	[smem:$0x3FA4] =	sst s0  }
0x9: {  	[smem:$0x3FA5] =	sst s1  }
0xa: {  	[smem:$0x3FA6] =	sst s2  }
0xb: {  	[smem:$0x3FA7] =	sst s3  }
0xc: {  	[smem:$0x3FA8] =	sst s4  }
0xd: {  	[smem:$0x3FA9] =	sst s5  }
0xe: {  	[smem:$0x3FAA] =	sst s6  }
0xf: {  	[smem:$0x3FAB] =	sst s7  }
0x10: {  	[smem:$0x3FAC] =	sst s8  }
0x11: {  	[smem:$0x3FAD] =	sst s9;
	s0 =	simm.s32 @!p0 $0x0  }
0x12: {  	s1 =	sld [smem:$0x3F93];
	s0 =	simm.s32 @p0 $0x1  }
0x13: {  	[smem:$0x3FAE] =	sst s0;
	s0 =	simm.s32 @!p1 $0x0  }
0x14: {  	s2 =	sld [smem:$0x3F92];
	s0 =	simm.s32 @p1 $0x1  }
0x15: {  	[smem:$0x3FAF] =	sst s0;
	s0 =	simm.s32 @!p2 $0x0  }
0x16: {  	s3 =	sld [smem:$0x3FDB];
	s0 =	simm.s32 @p2 $0x1  }
0x17: {  	s4 =	simm.s32 $0x1BF5;
	[smem:$0x3FB1] =	sst s0  }
0x18: {  	s0 =	sld [smem:$0x3F94];
	_ =	swait.ge [sflag:s4], $0x0  }
0x19: {  	s7 =	sld [smem:$0x3F95]  }
0x1a: {  	s8 =	sadd.s32 $0xFFFFE003, lr  }
0x1b: {  	s9 =	sadd.s32 $0xFFFFFEF7, lr;
	s5 =	simm.s32 $0xFFFFFFFF;
	p2 =	slt.u32 s8, $0xFFFFF086  }
0x1c: {  	p1 =	slt.u32 s9, $0xF7A;
	s5 =	simm.s32 @!p2 $0x0  }
0x1d: {  	s5 =	simm.s32 @p1 $0x1;
	p0 =	seq.s32 s7, s2  }
0x1e: {  	s7 =	smul.u32 @!p0 $0xF7A, s2;
	p2 =	seq.s32 @!p0 s5, $0x0  }
0x1f: {  	s9 =	smul.u32 $0xF7A, s1;
	s8 =	simm.s32 @!p0 $0x1BF5;
	p2 =	por !p2, p0  }
0x20: {  	[sflag:s8] =	ssyncset.s32 @!p0 $0xFFFFF086;
	s6 =	sadd.s32 @!p0 s3, s7;
	s7 =	simm.s32 @!p0 $0x108  }
0x21: {  	s3 =	sadd.s32 s3, s9;
	s6 =	sadd.s32 @!p0 $0x88, s6;
	s7 =	simm.s32 @p2 $0x1082  }
0x22: {  	[simem:s7], [sflag:s8] =	dma.local @!p0 [hbm:s6], $0xF7A  }
0x23: {  	s9 =	sor.u32 $0xD0000000, s2;
	s6 =	simm.s32 $0x108;
	_ =	swait.ge @!p0 [sflag:s8], $0x0  }
0x24: {  	s3 =	sadd.s32 $0x88, s3;
	s6 =	simm.s32 @!p1 $0x1082;
	[sflag:s4] =	ssyncset.s32 $0xFFFFF086  }
0x25: {  	[simem:s6], [sflag:s4] =	dma.local [hbm:s3], $0xF7A  }
0x26: {  	[smem:$0x3F95] =	sst s1;
	(tag) =	ssettag s2;
	_ =	strace s9  }
0x27: {  	s1 =	sld [smem:$0x3FA5]  }
0x28: {  	s2 =	sld [smem:$0x3FA6]  }
0x29: {  	s4 =	sld [smem:$0x3FA8]  }
0x2a: {  	p0 =	seq.s32 s5, $0x0;
	s5 =	sld [smem:$0x3FA9]  }
0x2b: {  	s6 =	sld [smem:$0x3FAA]  }
0x2c: {  	s7 =	sld [smem:$0x3FAB]  }
0x2d: {  	s3 =	simm.s32 $0x108;
	s8 =	sld [smem:$0x3FAC]  }
0x2e: {  	s3 =	simm.s32 @!p0 $0x1082;
	s9 =	sld [smem:$0x3FAD]  }
0x2f: {  	lr =	sadd.s32 s0, s3;
	s0 =	sld [smem:$0x3FA4]  }
0x30: {  	s3 =	sld [smem:$0x3FA7]  }
0x31: {  	[smem:$0x3FB0] =	sst s10  }
0x32: {  	s10 =	sld [smem:$0x3FAE];
	_ =	sdelay $0x3  }
0x33: {  	p0 =	seq.s32 s10, $0x1;
	s10 =	sld [smem:$0x3FB0];
	_ =	sdelay $0x3  }
0x34: {  	[smem:$0x3FB0] =	sst s10  }
0x35: {  	s10 =	sld [smem:$0x3FAF];
	_ =	sdelay $0x3  }
0x36: {  	p1 =	seq.s32 s10, $0x1;
	s10 =	sld [smem:$0x3FB0];
	_ =	sdelay $0x3  }
0x37: {  	[smem:$0x3FB0] =	sst s10  }
0x38: {  	s10 =	sld [smem:$0x3FB1]  }
0x39: {  	_ = 	snop;
	(pc) =	sbr.ind lr, $3  }
0x3a: {  	_ = 	snop  }
0x3b: {  	_ = 	snop  }
0x3c: {  	p2 =	seq.s32 s10, $0x1;
	s10 =	sld [smem:$0x3FB0]  }
0x3d: {  	_ =	shalt  }
0x3e: {  	_ =	shalt  }
0x3f: {  	_ =	shalt  }
0x40: {  	_ =	shalt  }
0x41: {  	_ =	shalt  }
0x42: {  	_ =	shalt  }
0x43: {  	_ =	shalt  }
0x44: {  	_ =	shalt  }
0x45: {  	_ =	shalt  }
0x46: {  	_ =	shalt  }
0x47: {  	_ =	shalt  }
0x48: {  	_ =	shalt  }
0x49: {  	_ =	shalt  }
0x4a: {  	_ =	shalt  }
0x4b: {  	_ =	shalt  }
0x4c: {  	_ =	shalt  }
0x4d: {  	_ =	shalt  }
0x4e: {  	_ =	shalt  }
0x4f: {  	_ =	shalt  }
0x50: {  	_ =	shalt  }
0x51: {  	_ =	shalt  }
0x52: {  	_ =	shalt  }
0x53: {  	_ =	shalt  }
0x54: {  	_ =	shalt  }
0x55: {  	_ =	shalt  }
0x56: {  	_ =	shalt  }
0x57: {  	_ =	shalt  }
0x58: {  	_ =	shalt  }
0x59: {  	_ =	shalt  }
0x5a: {  	_ =	shalt  }
0x5b: {  	_ =	shalt  }
0x5c: {  	_ =	shalt  }
0x5d: {  	_ =	shalt  }
0x5e: {  	_ =	shalt  }
0x5f: {  	_ =	shalt  }
0x60: {  	_ =	shalt  }
0x61: {  	_ =	shalt  }
0x62: {  	_ =	shalt  }
0x63: {  	_ =	shalt  }
0x64: {  	_ =	shalt  }
0x65: {  	_ =	shalt  }
0x66: {  	_ =	shalt  }
0x67: {  	_ =	shalt  }
0x68: {  	_ =	shalt  }
0x69: {  	_ =	shalt  }
0x6a: {  	_ =	shalt  }
0x6b: {  	_ =	shalt  }
0x6c: {  	_ =	shalt  }
0x6d: {  	_ =	shalt  }
0x6e: {  	_ =	shalt  }
0x6f: {  	_ =	shalt  }
0x70: {  	_ =	shalt  }
0x71: {  	_ =	shalt  }
0x72: {  	_ =	shalt  }
0x73: {  	_ =	shalt  }
0x74: {  	_ =	shalt  }
0x75: {  	_ =	shalt  }
0x76: {  	_ =	shalt  }
0x77: {  	_ =	shalt  }
0x78: {  	_ =	shalt  }
0x79: {  	_ =	shalt  }
0x7a: {  	_ =	shalt  }
0x7b: {  	_ =	shalt  }
0x7c: {  	_ =	shalt  }
0x7d: {  	_ =	shalt  }
0x7e: {  	_ =	shalt  }
0x7f: {  	_ =	shalt  }
0x80: {  	_ =	shalt  }
0x81: {  	_ =	shalt  }
0x82: {  	_ =	shalt  }
0x83: {  	_ =	shalt  }
0x84: {  	_ =	shalt  }
0x85: {  	_ =	shalt  }
0x86: {  	_ =	shalt  }
0x87: {  	_ =	shalt  }
.Lfunc_end0:
.L_simem_size_0:
called_computation_lowered:
.L_overlay_start_0:
0x88: {  	s2 =	sld [smem:$0x3FD9]  }
0x89: {  	s3 =	sld [smem:$0x3FFE];
	_ =	sdelay $0x1  }
0x8a: {  	s1 =	srdreg.scid  }
0x8b: {  	s0 =	sand.u32 $0x1, s1  }
0x8c: {  	s17 =	sshll.u32 s0, $0xA;
	s2 =	sadd.s32 s3, s2  }
0x8d: {  	s2 =	sadd.s32 s2, s17  }
0x8e: {  	[smem:$0x3FBC] =	sst s2  }
0x8f: {  	_ = 	snop  }
0x90: {  	s2 =	sld [smem:$0x3FC9]  }
0x91: {  	s18 =	sld [smem:$0x3FC8]  }
0x92: {  	s4 =	sld [smem:$0x3FC7]  }
0x93: {  	s5 =	sld [smem:$0x3FC4];
	(tm) =	ssettm $0x1  }
0x94: {  	s6 =	sld [smem:$0x3FFB];
	_ =	sdelay $0x3  }
0x95: {  	_ =	strace s6  }
0x96: {  	s6 =	sld [smem:$0x3FFC];
	_ =	sdelay $0x3  }
0x97: {  	_ =	strace s6  }
0x98: {  	s6 =	sld [smem:$0x3FFD];
	_ =	sdelay $0x3  }
0x99: {  	_ =	strace s6  }
0x9a: {  	_ =	strace $0x8FFFFFFF  }
0x9b: {  	s19 =	sld [smem:$0x3FDB];
	_ =	sdelay $0x1  }
0x9c: {  	s7 =	simm.s32 $_scs_section_size  }
0x9d: {  	s8 =	simm.s32 $_size__tile_overlayer_lowered;
	s9 =	simm.s32 $_tile_overlayer_lowered  }
0x9e: {  	s22 =	simm.s32 $0x1BFF;
	s21 =	sshll.u32 s9, $0x1;
	s6 =	sadd.s32 s7, s19  }
0x9f: {  	s10 =	simm.s32 $0x0;
	s20 =	sshll.u32 s8, $0x1;
	s8 =	sadd.s32 s21, s6  }
0xa0: {  	[timem:s10], [sflag:s22] =	dma.local [hbm:s8], s20  }
0xa1: {  	_ =	swait.ge [sflag:s22], s20  }
0xa2: {  	s7 =	ssub.s32 $0x0, s20;
	[sflag:s22] =	ssyncset.done $0x0  }
0xa3: {  	[sflag:s22] =	ssyncadd.s32 s7;
	_ =	sdelay $0x1  }
0xa4: {  	s23 =	simm.s32 $0x1B8B  }
0xa5: {  	_ =	swait.ge [sflag:s23], $0x1  }
0xa6: {  	[sflag:s23] =	ssyncset.done $0x0  }
0xa7: {  	s25 =	simm.s32 $0x1B8E;
	s24 =	sld [smem:$0x3FFE];
	[sflag:s23] =	ssyncadd.s32 $0xFFFFFFFF  }
0xa8: {  	s26 =	simm.s32 $execute0_lowered;
	[smem:$0x3FD2] =	sst s25  }
0xa9: {  	s8 =	sshll.u32 s26, $0x1;
	_ =	strace $0x80000046;
	[dreg:$0x1] =	wrdreg $0xFFFFFFFF  }
0xaa: {  	s28 =	simm.s32 $_size_execute0_lowered;
	s6 =	sadd.s32 s6, s8;
	[dreg:$0x0] =	wrdreg $0x0  }
0xab: {  	s8 =	sshll.u32 s28, $0x1;
	[dreg:$0x2] =	wrdreg s6  }
0xac: {  	[dreg:$0x3] =	wrdreg s8  }
0xad: {  	[dreg:$0x4] =	wrdreg $0xC0  }
0xae: {  	_ =	task [dreg:s10], $0x5FFFF  }
0xaf: {  	[dreg:$0x1] =	wrdreg $0xFFFFFFFF  }
0xb0: {  	[dreg:$0x0] =	wrdreg $0x60  }
0xb1: {  	[dreg:$0x2] =	wrdreg s24  }
0xb2: {  	[dreg:$0x3] =	wrdreg s2  }
0xb3: {  	[dreg:$0x4] =	wrdreg s18  }
0xb4: {  	[dreg:$0x5] =	wrdreg s4  }
0xb5: {  	[dreg:$0x6] =	wrdreg s5  }
0xb6: {  	[dreg:$0x7] =	wrdreg $0x9  }
0xb7: {  	_ =	task.clear_ibuf [dreg:s10], $0x8FFFF;
	_ =	strace $0x90000046  }
0xb8: {  	s29 =	simm.s32 $0x9;
	_ =	strace $0x80000048  }
0xb9: {  	_ =	swait.ge [sflag:s29], $0x1  }
0xba: {  	[sflag:s29] =	ssyncadd.s32 $0xFFFFFFFF  }
0xbb: {  	_ =	strace $0x90000048  }
0xbc: {  	_ =	sfence  }
0xbd: {  	s30 =	sld [smem:$0x0];
	_ =	sdelay $0x2  }
0xbe: {  	s31 =	sshll.u32 s1, $0xD;
	s1 =	sshrl.u32 s1, $0x2  }
0xbf: {  	s3 =	sand.u32 $0x4000, s31;
	s1 =	sadd.s32 s1, s30  }
0xc0: {  	s0 =	sor.u32 s3, s0;
	s1 =	sshll.u32 s1, $0x11  }
0xc1: {  	s0 =	sor.u32 s1, s0  }
0xc2: {  	s0 =	sadd.s32 $0x8F2B, s0  }
0xc3: {  	[sflag:s0] =	ssyncadd.remote.s32 $0x1  }
0xc4: {  	_ =	sfence.sel $0xFFFF  }
0xc5: {  	[dreg:$0x0] =	wrdreg $0xFFFFFFFF;
	(pc) =	sbr.abs _section_cstart, $3  }
0xc6: {  	[dreg:$0x1] =	wrdreg $0xFFFFFFFF  }
0xc7: {  	_ =	task.clear_ibuf [dreg:s10], $0x2FFFF;
	_ =	strace $0x9FFFFFFF  }
0xc8: {  	(tm) =	ssettm $0x7FFFFFFF  }
0xc9: {  	_ =	shalt  }
tec
execute0_lowered:
.L_overlay_start_1:
0x0: {  	(tag) =	ssettag $0x1  }
0x1: {  	s0 =	rddreg [dreg:$0x0]  }
0x2: {  	s2 =	rddreg [dreg:$0x1]  }
0x3: {  	s6 =	rddreg [dreg:$0x2]  }
0x4: {  	s7 =	rddreg [dreg:$0x3]  }
0x5: {  	s1 =	rddreg [dreg:$0x4]  }
0x6: {  	s3 =	simm.s32 $0x0;
	s4 =	srdreg.scid;
	s8 =	stileid.u32  }
0x7: {  	s11 =	simm.s32 $0x2;
	s14 =	simm.s32 $0x80;
	s21 =	simm.s32 $0x1  }
0x8: {  	s22 =	simm.s32 $0x400;
	s23 =	simm.s32 $0xC00;
	s24 =	simm.s32 $0x600  }
0x9: {  	s25 =	simm.s32 $0x8C00;
	s26 =	simm.s32 $0x480;
	s28 =	simm.s32 $0x4C00  }
0xa: {  	s29 =	simm.s32 $0x680;
	s30 =	simm.s32 $0xCC00;
	s31 =	simm.s32 $0x800  }
0xb: {  	s12 =	simm.s32 $0x10C00;
	s13 =	simm.s32 $0x500;
	s15 =	simm.s32 $0x700  }
0xc: {  	s16 =	simm.s32 $0x580;
	s17 =	simm.s32 $0x780;
	s18 =	simm.s32 $0x0  }
0xd: {  	[smem:$0x7FF] =	sst s3;
	s5 =	sand.u32 $0x1, s4;
	s8 =	sshll.u32 s8, $0xA  }
0xe: {  	s4 =	sadd.s32 $0x1600, s0;
	s9 =	sshll.u32 s5, $0x9;
	s5 =	ssub.s32 $0x2, s5  }
0xf: {  	_ =	strace $0x80000047;
	s8 =	sor.u32 s9, s8;
	s10 =	sshrl.u32 s5, $0x1  }
0x10: {  	s9 =	sshll.u32 s8, $0x4;
	s8 =	sshrl.u32 s8, $0x3;
	s10 =	ssub.s32 s5, s10  }
0x11: {  	s0 =	sadd.s32 s9, s0;
	s5 =	sadd.s32 s2, s8;
	s6 =	sadd.s32 s6, s8  }
0x12: {  	s7 =	sadd.s32 s7, s8;
	s10 =	smax.u32 s10, $0x1;
	s8 =	sadd.s32 $0x401600, s0  }
0x13: {  	v0 =	vlaneseq.u32;
	s2 =	simm.s32 $0x19000;
	s9 =	sadd.s32 $0x402600, s0;
	s0 =	simm.s32 $0xA00  }
.LBB2_1:
0x14: {  	[tilespmem:s3], [sflag:$0x2] =	stream.linear.gather [hbm4b:s5+s3], $0x200, $0x38;
	[tilespmem:$0x19200] =	vst v63  }
0x15: {  	_ =	swait.ge [sflag:s11], $0x200  }
0x16: {  	[sflag:s11] =	ssyncset.done $0x0  }
0x17: {  	s19 =	simm.s32 $0x200;
	[sflag:s11] =	ssyncadd.s32 $0xFFFFFE00  }
0x18: {  	[tilespmem:s19], [sflag:$0x2] =	stream.linear.gather [hbm4b:s6+s3], $0x200, $0x38;
	[tilespmem:$0x19200] =	vst v63  }
0x19: {  	_ =	swait.ge [sflag:s11], $0x200  }
0x1a: {  	[sflag:s11] =	ssyncset.done $0x0  }
0x1b: {  	s20 =	simm.s32 $0x18E00;
	[sflag:s11] =	ssyncadd.s32 $0xFFFFFE00  }
0x1c: {  	[tilespmem:s20], [sflag:$0x2] =	stream.linear.gather [hbm4b:s7+s3], $0x200, $0x38;
	[tilespmem:$0x19200] =	vst v63  }
0x1d: {  	_ =	swait.ge [sflag:s11], $0x200  }
0x1e: {  	[sflag:s11] =	ssyncset.done $0x0  }
0x1f: {  	[sflag:s11] =	ssyncadd.s32 $0xFFFFFE00  }
0x20: {  	v1 =	vld [tilespmem:$0x0];
	_ =	sdelay $0x1  }
0x21: {  	v2 =	vld [tilespmem:$0x200];
	_ =	sdelay $0x1  }
0x22: {  	v3 =	vld [tilespmem:$0x10]  }
0x23: {  	v4 =	vand.u32 $0x3FFFF, v1;
	v1 =	vshrl.u32 v1, $0xD  }
0x24: {  	v42 =	vld [tilespmem:$0x210];
	[tilespmem:$0x400] =	vst v4;
	v1 =	vand.u32 $0x7FFE0, v1  }
0x25: {  	[tilespmem:$0x800] =	vst v1;
	v1 =	vand.u32 $0x3FFFF, v2;
	v2 =	vshrl.u32 v2, $0xD  }
0x26: {  	[tilespmem:$0x600] =	vst v1;
	v1 =	vand.u32 $0x7FFE0, v2;
	v2 =	vld [tilespmem:$0x20]  }
0x27: {  	[tilespmem:$0xA00] =	vst v1;
	v1 =	vand.u32 $0x3FFFF, v3;
	v3 =	vshrl.u32 v3, $0xD  }
0x28: {  	[tilespmem:$0x410] =	vst v1;
	v1 =	vand.u32 $0x7FFE0, v3;
	v3 =	vld [tilespmem:$0x220]  }
0x29: {  	v4 =	vshrl.u32 v42, $0xD;
	[tilespmem:$0x810] =	vst v1;
	v1 =	vand.u32 $0x3FFFF, v42  }
0x2a: {  	v43 =	vld [tilespmem:$0x30];
	[tilespmem:$0x610] =	vst v1;
	v1 =	vand.u32 $0x7FFE0, v4  }
0x2b: {  	[tilespmem:$0xA10] =	vst v1;
	v1 =	vand.u32 $0x3FFFF, v2;
	v2 =	vshrl.u32 v2, $0xD  }
0x2c: {  	[tilespmem:$0x420] =	vst v1;
	v1 =	vand.u32 $0x7FFE0, v2;
	v2 =	vld [tilespmem:$0x230]  }
0x2d: {  	[tilespmem:$0x820] =	vst v1;
	v1 =	vand.u32 $0x3FFFF, v3;
	v3 =	vshrl.u32 v3, $0xD  }
0x2e: {  	[tilespmem:$0x620] =	vst v1;
	v1 =	vand.u32 $0x7FFE0, v3;
	v3 =	vld [tilespmem:$0x40]  }
0x2f: {  	v4 =	vshrl.u32 v43, $0xD;
	[tilespmem:$0xA20] =	vst v1;
	v1 =	vand.u32 $0x3FFFF, v43  }
0x30: {  	v44 =	vld [tilespmem:$0x240];
	[tilespmem:$0x430] =	vst v1;
	v1 =	vand.u32 $0x7FFE0, v4  }
0x31: {  	[tilespmem:$0x830] =	vst v1;
	v1 =	vand.u32 $0x3FFFF, v2;
	v2 =	vshrl.u32 v2, $0xD  }
0x32: {  	[tilespmem:$0x630] =	vst v1;
	v1 =	vand.u32 $0x7FFE0, v2;
	v2 =	vld [tilespmem:$0x50]  }
0x33: {  	[tilespmem:$0xA30] =	vst v1;
	v1 =	vand.u32 $0x3FFFF, v3;
	v3 =	vshrl.u32 v3, $0xD  }
0x34: {  	[tilespmem:$0x440] =	vst v1;
	v1 =	vand.u32 $0x7FFE0, v3;
	v3 =	vld [tilespmem:$0x250]  }
0x35: {  	v4 =	vshrl.u32 v44, $0xD;
	[tilespmem:$0x840] =	vst v1;
	v1 =	vand.u32 $0x3FFFF, v44  }
0x36: {  	v45 =	vld [tilespmem:$0x60];
	[tilespmem:$0x640] =	vst v1;
	v1 =	vand.u32 $0x7FFE0, v4  }
0x37: {  	[tilespmem:$0xA40] =	vst v1;
	v1 =	vand.u32 $0x3FFFF, v2;
	v2 =	vshrl.u32 v2, $0xD  }
0x38: {  	[tilespmem:$0x450] =	vst v1;
	v1 =	vand.u32 $0x7FFE0, v2;
	v2 =	vld [tilespmem:$0x260]  }
0x39: {  	[tilespmem:$0x850] =	vst v1;
	v1 =	vand.u32 $0x3FFFF, v3;
	v3 =	vshrl.u32 v3, $0xD  }
0x3a: {  	[tilespmem:$0x650] =	vst v1;
	v1 =	vand.u32 $0x7FFE0, v3;
	v3 =	vld [tilespmem:$0x70]  }
0x3b: {  	v4 =	vshrl.u32 v45, $0xD;
	[tilespmem:$0xA50] =	vst v1;
	v1 =	vand.u32 $0x3FFFF, v45  }
0x3c: {  	v46 =	vld [tilespmem:$0x270];
	[tilespmem:$0x460] =	vst v1;
	v1 =	vand.u32 $0x7FFE0, v4  }
0x3d: {  	[tilespmem:$0x860] =	vst v1;
	v1 =	vand.u32 $0x3FFFF, v2;
	v2 =	vshrl.u32 v2, $0xD  }
0x3e: {  	[tilespmem:$0x660] =	vst v1;
	v1 =	vand.u32 $0x7FFE0, v2;
	v2 =	vld [tilespmem:$0x80]  }
0x3f: {  	[tilespmem:$0xA60] =	vst v1;
	v1 =	vand.u32 $0x3FFFF, v3;
	v3 =	vshrl.u32 v3, $0xD  }
0x40: {  	[tilespmem:$0x470] =	vst v1;
	v1 =	vand.u32 $0x7FFE0, v3;
	v3 =	vld [tilespmem:$0x280]  }
0x41: {  	v4 =	vshrl.u32 v46, $0xD;
	[tilespmem:$0x870] =	vst v1;
	v1 =	vand.u32 $0x3FFFF, v46  }
0x42: {  	v47 =	vld [tilespmem:$0x90];
	[tilespmem:$0x670] =	vst v1;
	v1 =	vand.u32 $0x7FFE0, v4  }
0x43: {  	[tilespmem:$0xA70] =	vst v1;
	v1 =	vand.u32 $0x3FFFF, v2;
	v2 =	vshrl.u32 v2, $0xD  }
0x44: {  	[tilespmem:$0x480] =	vst v1;
	v1 =	vand.u32 $0x7FFE0, v2;
	v2 =	vld [tilespmem:$0x290]  }
0x45: {  	[tilespmem:$0x880] =	vst v1;
	v1 =	vand.u32 $0x3FFFF, v3;
	v3 =	vshrl.u32 v3, $0xD  }
0x46: {  	[tilespmem:$0x680] =	vst v1;
	v1 =	vand.u32 $0x7FFE0, v3;
	v3 =	vld [tilespmem:$0xA0]  }
0x47: {  	v4 =	vshrl.u32 v47, $0xD;
	[tilespmem:$0xA80] =	vst v1;
	v1 =	vand.u32 $0x3FFFF, v47  }
0x48: {  	v48 =	vld [tilespmem:$0x2A0];
	[tilespmem:$0x490] =	vst v1;
	v1 =	vand.u32 $0x7FFE0, v4  }
0x49: {  	[tilespmem:$0x890] =	vst v1;
	v1 =	vand.u32 $0x3FFFF, v2;
	v2 =	vshrl.u32 v2, $0xD  }
0x4a: {  	[tilespmem:$0x690] =	vst v1;
	v1 =	vand.u32 $0x7FFE0, v2;
	v2 =	vld [tilespmem:$0xB0]  }
0x4b: {  	[tilespmem:$0xA90] =	vst v1;
	v1 =	vand.u32 $0x3FFFF, v3;
	v3 =	vshrl.u32 v3, $0xD  }
0x4c: {  	[tilespmem:$0x4A0] =	vst v1;
	v1 =	vand.u32 $0x7FFE0, v3;
	v3 =	vld [tilespmem:$0x2B0]  }
0x4d: {  	v4 =	vshrl.u32 v48, $0xD;
	[tilespmem:$0x8A0] =	vst v1;
	v1 =	vand.u32 $0x3FFFF, v48  }
0x4e: {  	v49 =	vld [tilespmem:$0xC0];
	[tilespmem:$0x6A0] =	vst v1;
	v1 =	vand.u32 $0x7FFE0, v4  }
0x4f: {  	[tilespmem:$0xAA0] =	vst v1;
	v1 =	vand.u32 $0x3FFFF, v2;
	v2 =	vshrl.u32 v2, $0xD  }
0x50: {  	[tilespmem:$0x4B0] =	vst v1;
	v1 =	vand.u32 $0x7FFE0, v2;
	v2 =	vld [tilespmem:$0x2C0]  }
0x51: {  	[tilespmem:$0x8B0] =	vst v1;
	v1 =	vand.u32 $0x3FFFF, v3;
	v3 =	vshrl.u32 v3, $0xD  }
0x52: {  	[tilespmem:$0x6B0] =	vst v1;
	v1 =	vand.u32 $0x7FFE0, v3;
	v3 =	vld [tilespmem:$0xD0]  }
0x53: {  	v4 =	vshrl.u32 v49, $0xD;
	[tilespmem:$0xAB0] =	vst v1;
	v1 =	vand.u32 $0x3FFFF, v49  }
0x54: {  	v50 =	vld [tilespmem:$0x2D0];
	[tilespmem:$0x4C0] =	vst v1;
	v1 =	vand.u32 $0x7FFE0, v4  }
0x55: {  	[tilespmem:$0x8C0] =	vst v1;
	v1 =	vand.u32 $0x3FFFF, v2;
	v2 =	vshrl.u32 v2, $0xD  }
0x56: {  	[tilespmem:$0x6C0] =	vst v1;
	v1 =	vand.u32 $0x7FFE0, v2;
	v2 =	vld [tilespmem:$0xE0]  }
0x57: {  	[tilespmem:$0xAC0] =	vst v1;
	v1 =	vand.u32 $0x3FFFF, v3;
	v3 =	vshrl.u32 v3, $0xD  }
0x58: {  	[tilespmem:$0x4D0] =	vst v1;
	v1 =	vand.u32 $0x7FFE0, v3;
	v3 =	vld [tilespmem:$0x2E0]  }
0x59: {  	v4 =	vshrl.u32 v50, $0xD;
	[tilespmem:$0x8D0] =	vst v1;
	v1 =	vand.u32 $0x3FFFF, v50  }
0x5a: {  	v51 =	vld [tilespmem:$0xF0];
	[tilespmem:$0x6D0] =	vst v1;
	v1 =	vand.u32 $0x7FFE0, v4  }
0x5b: {  	[tilespmem:$0xAD0] =	vst v1;
	v1 =	vand.u32 $0x3FFFF, v2;
	v2 =	vshrl.u32 v2, $0xD  }
0x5c: {  	[tilespmem:$0x4E0] =	vst v1;
	v1 =	vand.u32 $0x7FFE0, v2;
	v2 =	vld [tilespmem:$0x2F0]  }
0x5d: {  	[tilespmem:$0x8E0] =	vst v1;
	v1 =	vand.u32 $0x3FFFF, v3;
	v3 =	vshrl.u32 v3, $0xD  }
0x5e: {  	[tilespmem:$0x6E0] =	vst v1;
	v1 =	vand.u32 $0x7FFE0, v3;
	v3 =	vld [tilespmem:$0x100]  }
0x5f: {  	v4 =	vshrl.u32 v51, $0xD;
	[tilespmem:$0xAE0] =	vst v1;
	v1 =	vand.u32 $0x3FFFF, v51  }
0x60: {  	v52 =	vld [tilespmem:$0x300];
	[tilespmem:$0x4F0] =	vst v1;
	v1 =	vand.u32 $0x7FFE0, v4  }
0x61: {  	[tilespmem:$0x8F0] =	vst v1;
	v1 =	vand.u32 $0x3FFFF, v2;
	v2 =	vshrl.u32 v2, $0xD  }
0x62: {  	[tilespmem:$0x6F0] =	vst v1;
	v1 =	vand.u32 $0x7FFE0, v2;
	v2 =	vld [tilespmem:$0x110]  }
0x63: {  	[tilespmem:$0xAF0] =	vst v1;
	v1 =	vand.u32 $0x3FFFF, v3;
	v3 =	vshrl.u32 v3, $0xD  }
0x64: {  	[tilespmem:$0x500] =	vst v1;
	v1 =	vand.u32 $0x7FFE0, v3;
	v3 =	vld [tilespmem:$0x310]  }
0x65: {  	v4 =	vshrl.u32 v52, $0xD;
	[tilespmem:$0x900] =	vst v1;
	v1 =	vand.u32 $0x3FFFF, v52  }
0x66: {  	v53 =	vld [tilespmem:$0x120];
	[tilespmem:$0x700] =	vst v1;
	v1 =	vand.u32 $0x7FFE0, v4  }
0x67: {  	[tilespmem:$0xB00] =	vst v1;
	v1 =	vand.u32 $0x3FFFF, v2;
	v2 =	vshrl.u32 v2, $0xD  }
0x68: {  	[tilespmem:$0x510] =	vst v1;
	v1 =	vand.u32 $0x7FFE0, v2;
	v2 =	vld [tilespmem:$0x320]  }
0x69: {  	[tilespmem:$0x910] =	vst v1;
	v1 =	vand.u32 $0x3FFFF, v3;
	v3 =	vshrl.u32 v3, $0xD  }
0x6a: {  	[tilespmem:$0x710] =	vst v1;
	v1 =	vand.u32 $0x7FFE0, v3;
	v3 =	vld [tilespmem:$0x130]  }
0x6b: {  	v4 =	vshrl.u32 v53, $0xD;
	[tilespmem:$0xB10] =	vst v1;
	v1 =	vand.u32 $0x3FFFF, v53  }
0x6c: {  	v54 =	vld [tilespmem:$0x330];
	[tilespmem:$0x520] =	vst v1;
	v1 =	vand.u32 $0x7FFE0, v4  }
0x6d: {  	[tilespmem:$0x920] =	vst v1;
	v1 =	vand.u32 $0x3FFFF, v2;
	v2 =	vshrl.u32 v2, $0xD  }
0x6e: {  	[tilespmem:$0x720] =	vst v1;
	v1 =	vand.u32 $0x7FFE0, v2;
	v2 =	vld [tilespmem:$0x140]  }
0x6f: {  	[tilespmem:$0xB20] =	vst v1;
	v1 =	vand.u32 $0x3FFFF, v3;
	v3 =	vshrl.u32 v3, $0xD  }
0x70: {  	[tilespmem:$0x530] =	vst v1;
	v1 =	vand.u32 $0x7FFE0, v3;
	v3 =	vld [tilespmem:$0x340]  }
0x71: {  	v4 =	vshrl.u32 v54, $0xD;
	[tilespmem:$0x930] =	vst v1;
	v1 =	vand.u32 $0x3FFFF, v54  }
0x72: {  	v55 =	vld [tilespmem:$0x150];
	[tilespmem:$0x730] =	vst v1;
	v1 =	vand.u32 $0x7FFE0, v4  }
0x73: {  	[tilespmem:$0xB30] =	vst v1;
	v1 =	vand.u32 $0x3FFFF, v2;
	v2 =	vshrl.u32 v2, $0xD  }
0x74: {  	[tilespmem:$0x540] =	vst v1;
	v1 =	vand.u32 $0x7FFE0, v2;
	v2 =	vld [tilespmem:$0x350]  }
0x75: {  	[tilespmem:$0x940] =	vst v1;
	v1 =	vand.u32 $0x3FFFF, v3;
	v3 =	vshrl.u32 v3, $0xD  }
0x76: {  	[tilespmem:$0x740] =	vst v1;
	v1 =	vand.u32 $0x7FFE0, v3;
	v3 =	vld [tilespmem:$0x160]  }
0x77: {  	v4 =	vshrl.u32 v55, $0xD;
	[tilespmem:$0xB40] =	vst v1;
	v1 =	vand.u32 $0x3FFFF, v55  }
0x78: {  	v56 =	vld [tilespmem:$0x360];
	[tilespmem:$0x550] =	vst v1;
	v1 =	vand.u32 $0x7FFE0, v4  }
0x79: {  	[tilespmem:$0x950] =	vst v1;
	v1 =	vand.u32 $0x3FFFF, v2;
	v2 =	vshrl.u32 v2, $0xD  }
0x7a: {  	[tilespmem:$0x750] =	vst v1;
	v1 =	vand.u32 $0x7FFE0, v2;
	v2 =	vld [tilespmem:$0x170]  }
0x7b: {  	[tilespmem:$0xB50] =	vst v1;
	v1 =	vand.u32 $0x3FFFF, v3;
	v3 =	vshrl.u32 v3, $0xD  }
0x7c: {  	[tilespmem:$0x560] =	vst v1;
	v1 =	vand.u32 $0x7FFE0, v3;
	v3 =	vld [tilespmem:$0x370]  }
0x7d: {  	v4 =	vshrl.u32 v56, $0xD;
	[tilespmem:$0x960] =	vst v1;
	v1 =	vand.u32 $0x3FFFF, v56  }
0x7e: {  	v57 =	vld [tilespmem:$0x180];
	[tilespmem:$0x760] =	vst v1;
	v1 =	vand.u32 $0x7FFE0, v4  }
0x7f: {  	[tilespmem:$0xB60] =	vst v1;
	v1 =	vand.u32 $0x3FFFF, v2;
	v2 =	vshrl.u32 v2, $0xD  }
0x80: {  	[tilespmem:$0x570] =	vst v1;
	v1 =	vand.u32 $0x7FFE0, v2;
	v2 =	vld [tilespmem:$0x380]  }
0x81: {  	[tilespmem:$0x970] =	vst v1;
	v1 =	vand.u32 $0x3FFFF, v3;
	v3 =	vshrl.u32 v3, $0xD  }
0x82: {  	[tilespmem:$0x770] =	vst v1;
	v1 =	vand.u32 $0x7FFE0, v3;
	v3 =	vld [tilespmem:$0x190]  }
0x83: {  	v4 =	vshrl.u32 v57, $0xD;
	[tilespmem:$0xB70] =	vst v1;
	v1 =	vand.u32 $0x3FFFF, v57  }
0x84: {  	v58 =	vld [tilespmem:$0x390];
	[tilespmem:$0x580] =	vst v1;
	v1 =	vand.u32 $0x7FFE0, v4  }
0x85: {  	[tilespmem:$0x980] =	vst v1;
	v1 =	vand.u32 $0x3FFFF, v2;
	v2 =	vshrl.u32 v2, $0xD  }
0x86: {  	[tilespmem:$0x780] =	vst v1;
	v1 =	vand.u32 $0x7FFE0, v2;
	v2 =	vld [tilespmem:$0x1A0]  }
0x87: {  	[tilespmem:$0xB80] =	vst v1;
	v1 =	vand.u32 $0x3FFFF, v3;
	v3 =	vshrl.u32 v3, $0xD  }
0x88: {  	[tilespmem:$0x590] =	vst v1;
	v1 =	vand.u32 $0x7FFE0, v3;
	v3 =	vld [tilespmem:$0x3A0]  }
0x89: {  	v4 =	vshrl.u32 v58, $0xD;
	[tilespmem:$0x990] =	vst v1;
	v1 =	vand.u32 $0x3FFFF, v58  }
0x8a: {  	v59 =	vld [tilespmem:$0x1B0];
	[tilespmem:$0x790] =	vst v1;
	v1 =	vand.u32 $0x7FFE0, v4  }
0x8b: {  	[tilespmem:$0xB90] =	vst v1;
	v1 =	vand.u32 $0x3FFFF, v2;
	v2 =	vshrl.u32 v2, $0xD  }
0x8c: {  	[tilespmem:$0x5A0] =	vst v1;
	v1 =	vand.u32 $0x7FFE0, v2;
	v2 =	vld [tilespmem:$0x3B0]  }
0x8d: {  	[tilespmem:$0x9A0] =	vst v1;
	v1 =	vand.u32 $0x3FFFF, v3;
	v3 =	vshrl.u32 v3, $0xD  }
0x8e: {  	[tilespmem:$0x7A0] =	vst v1;
	v1 =	vand.u32 $0x7FFE0, v3;
	v3 =	vld [tilespmem:$0x1C0]  }
0x8f: {  	v4 =	vshrl.u32 v59, $0xD;
	[tilespmem:$0xBA0] =	vst v1;
	v1 =	vand.u32 $0x3FFFF, v59  }
0x90: {  	v60 =	vld [tilespmem:$0x3C0];
	[tilespmem:$0x5B0] =	vst v1;
	v1 =	vand.u32 $0x7FFE0, v4  }
0x91: {  	[tilespmem:$0x9B0] =	vst v1;
	v1 =	vand.u32 $0x3FFFF, v2;
	v2 =	vshrl.u32 v2, $0xD  }
0x92: {  	[tilespmem:$0x7B0] =	vst v1;
	v1 =	vand.u32 $0x7FFE0, v2;
	v2 =	vld [tilespmem:$0x1D0]  }
0x93: {  	[tilespmem:$0xBB0] =	vst v1;
	v1 =	vand.u32 $0x3FFFF, v3;
	v3 =	vshrl.u32 v3, $0xD  }
0x94: {  	[tilespmem:$0x5C0] =	vst v1;
	v1 =	vand.u32 $0x7FFE0, v3;
	v3 =	vld [tilespmem:$0x3D0]  }
0x95: {  	v4 =	vshrl.u32 v60, $0xD;
	[tilespmem:$0x9C0] =	vst v1;
	v1 =	vand.u32 $0x3FFFF, v60  }
0x96: {  	v61 =	vld [tilespmem:$0x1E0];
	[tilespmem:$0x7C0] =	vst v1;
	v1 =	vand.u32 $0x7FFE0, v4  }
0x97: {  	[tilespmem:$0xBC0] =	vst v1;
	v1 =	vand.u32 $0x3FFFF, v2;
	v2 =	vshrl.u32 v2, $0xD  }
0x98: {  	[tilespmem:$0x5D0] =	vst v1;
	v1 =	vand.u32 $0x7FFE0, v2;
	v2 =	vld [tilespmem:$0x3E0]  }
0x99: {  	[tilespmem:$0x9D0] =	vst v1;
	v1 =	vand.u32 $0x3FFFF, v3;
	v3 =	vshrl.u32 v3, $0xD  }
0x9a: {  	[tilespmem:$0x7D0] =	vst v1;
	v1 =	vand.u32 $0x7FFE0, v3;
	v3 =	vld [tilespmem:$0x1F0]  }
0x9b: {  	v4 =	vshrl.u32 v61, $0xD;
	[tilespmem:$0xBD0] =	vst v1;
	v1 =	vand.u32 $0x3FFFF, v61  }
0x9c: {  	v62 =	vld [tilespmem:$0x3F0];
	[tilespmem:$0x5E0] =	vst v1;
	v1 =	vand.u32 $0x7FFE0, v4  }
0x9d: {  	[tilespmem:$0x9E0] =	vst v1;
	v1 =	vand.u32 $0x3FFFF, v2;
	v2 =	vshrl.u32 v2, $0xD  }
0x9e: {  	[tilespmem:$0x7E0] =	vst v1;
	v1 =	vand.u32 $0x7FFE0, v2  }
0x9f: {  	[tilespmem:$0xBE0] =	vst v1;
	v1 =	vand.u32 $0x3FFFF, v3;
	v2 =	vshrl.u32 v3, $0xD  }
0xa0: {  	[tilespmem:$0x5F0] =	vst v1;
	v1 =	vand.u32 $0x7FFE0, v2  }
0xa1: {  	v2 =	vshrl.u32 v62, $0xD;
	[tilespmem:$0x9F0] =	vst v1;
	v1 =	vand.u32 $0x3FFFF, v62  }
0xa2: {  	[tilespmem:$0x7F0] =	vst v1;
	v1 =	vand.u32 $0x7FFE0, v2  }
0xa3: {  	s20 =	simm.s32 $0x18C00;
	[tilespmem:$0xBF0] =	vst v1  }
0xa4: {  	[tilespmem:s20], [sflag:$0x1] =	stream.indirect.gather [hbm4b:s1+s14], $0x1, s3, s14, $0xb8;
	[tilespmem:$0x19200] =	vst v63  }
0xa5: {  	s20 =	simm.s32 $0x18C80  }
0xa6: {  	[tilespmem:s20], [sflag:$0x1] =	stream.indirect.gather [hbm4b:s1+s14], $0x1, s14, s14, $0xb8;
	[tilespmem:$0x19200] =	vst v63  }
0xa7: {  	s19 =	simm.s32 $0x100;
	s20 =	simm.s32 $0x18D00  }
0xa8: {  	[tilespmem:s20], [sflag:$0x1] =	stream.indirect.gather [hbm4b:s1+s14], $0x1, s19, s14, $0xb8;
	[tilespmem:$0x19200] =	vst v63  }
0xa9: {  	s19 =	simm.s32 $0x180;
	s20 =	simm.s32 $0x18D80  }
0xaa: {  	[tilespmem:s20], [sflag:$0x1] =	stream.indirect.gather [hbm4b:s1+s14], $0x1, s19, s14, $0xb8;
	[tilespmem:$0x19200] =	vst v63  }
0xab: {  	_ =	swait.ge [sflag:s21], $0x80  }
0xac: {  	[sflag:s21] =	ssyncset.done $0x0  }
0xad: {  	[sflag:s21] =	ssyncadd.s32 $0xFFFFFF80  }
0xae: {  	_ =	swait.ge [sflag:s21], $0x80  }
0xaf: {  	[sflag:s21] =	ssyncset.done $0x0  }
0xb0: {  	[sflag:s21] =	ssyncadd.s32 $0xFFFFFF80  }
0xb1: {  	_ =	swait.ge [sflag:s21], $0x80  }
0xb2: {  	[sflag:s21] =	ssyncset.done $0x0  }
0xb3: {  	[sflag:s21] =	ssyncadd.s32 $0xFFFFFF80  }
0xb4: {  	_ =	swait.ge [sflag:s21], $0x80  }
0xb5: {  	[sflag:s21] =	ssyncset.done $0x0  }
0xb6: {  	[sflag:s21] =	ssyncadd.s32 $0xFFFFFF80  }
0xb7: {  	v1 =	vld [tilespmem:$0x18E00]  }
0xb8: {  	v2 =	vld [tilespmem:$0x18C00]  }
0xb9: {  	v3 =	vld [tilespmem:$0x18E10]  }
0xba: {  	v63 =	vld [tilespmem:$0x18C10]  }
0xbb: {  	v5 =	vld [tilespmem:$0x18E20]  }
0xbc: {  	v6 =	vld [tilespmem:$0x18C20]  }
0xbd: {  	v7 =	vld [tilespmem:$0x18E30]  }
0xbe: {  	v8 =	vld [tilespmem:$0x18C30]  }
0xbf: {  	v9 =	vld [tilespmem:$0x18E40]  }
0xc0: {  	v10 =	vld [tilespmem:$0x18C40]  }
0xc1: {  	v11 =	vld [tilespmem:$0x18E50]  }
0xc2: {  	v12 =	vld [tilespmem:$0x18C50]  }
0xc3: {  	v13 =	vld [tilespmem:$0x18E60]  }
0xc4: {  	v14 =	vld [tilespmem:$0x18C60]  }
0xc5: {  	v15 =	vld [tilespmem:$0x18E70]  }
0xc6: {  	v16 =	vld [tilespmem:$0x18C70]  }
0xc7: {  	v17 =	vld [tilespmem:$0x18E80]  }
0xc8: {  	v18 =	vld [tilespmem:$0x18C80]  }
0xc9: {  	v19 =	vld [tilespmem:$0x18E90]  }
0xca: {  	v20 =	vld [tilespmem:$0x18C90]  }
0xcb: {  	v21 =	vld [tilespmem:$0x18EA0]  }
0xcc: {  	v22 =	vld [tilespmem:$0x18CA0]  }
0xcd: {  	v23 =	vld [tilespmem:$0x18EB0]  }
0xce: {  	v24 =	vld [tilespmem:$0x18CB0]  }
0xcf: {  	v25 =	vld [tilespmem:$0x18EC0]  }
0xd0: {  	v26 =	vld [tilespmem:$0x18CC0]  }
0xd1: {  	v27 =	vld [tilespmem:$0x18ED0]  }
0xd2: {  	v28 =	vld [tilespmem:$0x18CD0]  }
0xd3: {  	v29 =	vld [tilespmem:$0x18EE0]  }
0xd4: {  	v30 =	vld [tilespmem:$0x18CE0]  }
0xd5: {  	v31 =	vld [tilespmem:$0x18EF0]  }
0xd6: {  	v32 =	vld [tilespmem:$0x18CF0]  }
0xd7: {  	v33 =	vld [tilespmem:$0x18F00]  }
0xd8: {  	v34 =	vld [tilespmem:$0x18D00]  }
0xd9: {  	v35 =	vld [tilespmem:$0x18F10]  }
0xda: {  	v36 =	vld [tilespmem:$0x18D10]  }
0xdb: {  	v37 =	vld [tilespmem:$0x18F20]  }
0xdc: {  	v39 =	vld [tilespmem:$0x18F30];
	v1 =	vsub.f32 v1, v2  }
0xdd: {  	v40 =	vld [tilespmem:$0x18D30];
	v3 =	vsub.f32 v3, v63  }
0xde: {  	v41 =	vld [tilespmem:$0x18F40];
	[tilespmem:$0x19000] =	vst v1;
	v1 =	vsub.f32 v5, v6  }
0xdf: {  	v42 =	vld [tilespmem:$0x18D40];
	[tilespmem:$0x19010] =	vst v3;
	v3 =	vsub.f32 v7, v8  }
0xe0: {  	v43 =	vld [tilespmem:$0x18F50];
	[tilespmem:$0x19020] =	vst v1;
	v1 =	vsub.f32 v9, v10  }
0xe1: {  	v44 =	vld [tilespmem:$0x18D50];
	[tilespmem:$0x19030] =	vst v3;
	v3 =	vsub.f32 v11, v12  }
0xe2: {  	v45 =	vld [tilespmem:$0x18F60];
	[tilespmem:$0x19040] =	vst v1;
	v1 =	vsub.f32 v13, v14  }
0xe3: {  	v46 =	vld [tilespmem:$0x18D60];
	[tilespmem:$0x19050] =	vst v3;
	v3 =	vsub.f32 v15, v16  }
0xe4: {  	v47 =	vld [tilespmem:$0x18F70];
	[tilespmem:$0x19060] =	vst v1;
	v1 =	vsub.f32 v17, v18  }
0xe5: {  	v48 =	vld [tilespmem:$0x18D70];
	[tilespmem:$0x19070] =	vst v3;
	v3 =	vsub.f32 v19, v20  }
0xe6: {  	v49 =	vld [tilespmem:$0x18F80];
	[tilespmem:$0x19080] =	vst v1;
	v1 =	vsub.f32 v21, v22  }
0xe7: {  	v50 =	vld [tilespmem:$0x18D80];
	[tilespmem:$0x19090] =	vst v3;
	v3 =	vsub.f32 v23, v24  }
0xe8: {  	v51 =	vld [tilespmem:$0x18F90];
	[tilespmem:$0x190A0] =	vst v1;
	v1 =	vsub.f32 v25, v26  }
0xe9: {  	v2 =	vld [tilespmem:$0x18D20];
	[tilespmem:$0x190B0] =	vst v3;
	v3 =	vsub.f32 v27, v28  }
0xea: {  	v52 =	vld [tilespmem:$0x18D90];
	[tilespmem:$0x190C0] =	vst v1;
	v1 =	vsub.f32 v29, v30  }
0xeb: {  	v53 =	vld [tilespmem:$0x18FA0];
	[tilespmem:$0x190D0] =	vst v3;
	v3 =	vsub.f32 v31, v32  }
0xec: {  	v54 =	vld [tilespmem:$0x18DA0];
	[tilespmem:$0x190E0] =	vst v1;
	v1 =	vsub.f32 v33, v34  }
0xed: {  	v55 =	vld [tilespmem:$0x18FB0];
	[tilespmem:$0x190F0] =	vst v3;
	v3 =	vsub.f32 v35, v36  }
0xee: {  	v56 =	vld [tilespmem:$0x18FC0];
	[tilespmem:$0x19100] =	vst v1;
	v1 =	vsub.f32 v37, v2  }
0xef: {  	v2 =	vld [tilespmem:$0x18DB0];
	[tilespmem:$0x19110] =	vst v3;
	v3 =	vsub.f32 v39, v40  }
0xf0: {  	v57 =	vld [tilespmem:$0x18DC0];
	[tilespmem:$0x19120] =	vst v1;
	v1 =	vsub.f32 v41, v42  }
0xf1: {  	v58 =	vld [tilespmem:$0x18FD0];
	[tilespmem:$0x19130] =	vst v3;
	v3 =	vsub.f32 v43, v44  }
0xf2: {  	v59 =	vld [tilespmem:$0x18DD0];
	[tilespmem:$0x19140] =	vst v1;
	v1 =	vsub.f32 v45, v46  }
0xf3: {  	v60 =	vld [tilespmem:$0x18FE0];
	[tilespmem:$0x19150] =	vst v3;
	v3 =	vsub.f32 v47, v48  }
0xf4: {  	v62 =	vld [tilespmem:$0x18FF0];
	v2 =	vsub.f32 v55, v2;
	[tilespmem:$0x19160] =	vst v1  }
0xf5: {  	v63 =	vld [tilespmem:$0x18DF0];
	v1 =	vsub.f32 v49, v50;
	[tilespmem:$0x19170] =	vst v3  }
0xf6: {  	v61 =	vld [tilespmem:$0x18DE0];
	v3 =	vsub.f32 v51, v52;
	[tilespmem:$0x191B0] =	vst v2  }
0xf7: {  	[tilespmem:$0x19180] =	vst v1;
	v1 =	vsub.f32 v53, v54  }
0xf8: {  	v2 =	vsub.f32 v58, v59;
	[tilespmem:$0x19190] =	vst v3  }
0xf9: {  	[tilespmem:$0x191A0] =	vst v1;
	v1 =	vsub.f32 v56, v57  }
0xfa: {  	[tilespmem:$0x191D0] =	vst v2;
	v2 =	vsub.f32 v62, v63  }
0xfb: {  	[tilespmem:$0x191C0] =	vst v1;
	v1 =	vsub.f32 v60, v61  }
0xfc: {  	[tilespmem:$0x191F0] =	vst v2  }
0xfd: {  	[tilespmem:$0x191E0] =	vst v1  }
0xfe: {  	[tilespmem:s23], [sflag:$0x1] =	stream.indirect.gather [hbm4b:s4+s14], $0x80, s22, s14, $0xb8;
	[tilespmem:$0x19200] =	vst v63  }
0xff: {  	_ = 	snop  }
0x100: {  	[tilespmem:s25], [sflag:$0x1] =	stream.indirect.gather [hbm4b:s4+s14], $0x80, s24, s14, $0xb8;
	[tilespmem:$0x19200] =	vst v63  }
0x101: {  	_ = 	snop  }
0x102: {  	[tilespmem:s28], [sflag:$0x1] =	stream.indirect.gather [hbm4b:s4+s14], $0x80, s26, s14, $0xb8;
	[tilespmem:$0x19200] =	vst v63  }
0x103: {  	_ = 	snop  }
0x104: {  	[tilespmem:s30], [sflag:$0x1] =	stream.indirect.gather [hbm4b:s4+s14], $0x80, s29, s14, $0xb8;
	[tilespmem:$0x19200] =	vst v63  }
0x105: {  	_ =	swait.ge [sflag:s21], $0x4000  }
0x106: {  	[sflag:s21] =	ssyncset.done $0x0  }
0x107: {  	[sflag:s21] =	ssyncadd.s32 $0xFFFFC000  }
0x108: {  	_ =	swait.ge [sflag:s21], $0x4000  }
0x109: {  	[sflag:s21] =	ssyncset.done $0x0  }
0x10a: {  	[sflag:s21] =	ssyncadd.s32 $0xFFFFC000  }
0x10b: {  	_ =	swait.ge [sflag:s21], $0x4000  }
0x10c: {  	[sflag:s21] =	ssyncset.done $0x0  }
0x10d: {  	[sflag:s21] =	ssyncadd.s32 $0xFFFFC000  }
0x10e: {  	_ =	swait.ge [sflag:s21], $0x4000  }
0x10f: {  	[sflag:s21] =	ssyncset.done $0x0  }
0x110: {  	s19 =	simm.s32 $0x0;
	[sflag:s21] =	ssyncadd.s32 $0xFFFFC000  }
.LBB2_2:
0x111: {  	v2 =	vor.u32 s19, v0;
	_ =	sdelay $0x4  }
0x112: {  	v4 =	vld.idx.msk [tilespmem:v2+s31+$0x0], $0xffff;
	_ =	sdelay $0x4  }
0x113: {  	v1 =	vshll.u32 v2, $0x7;
	v5 =	vand.u32 $0xFFFFFF80, v4  }
0x114: {  	v3 =	vld.idx.msk [tilespmem:v2+s0+$0x0], $0xffff;
	v6 =	vand.u32 $0x7F, v4;
	v5 =	vadd.s32 v1, v5  }
0x115: {  	v5 =	vor.u32 v6, v5;
	_ =	sdelay $0x3  }
0x116: {  	v35 =	vand.u32 $0xFFFFFF80, v3  }
0x117: {  	v7 =	vand.u32 $0x7F, v3;
	v6 =	vadd.s32 v1, v35;
	v5 =	vld.idx.msk [tilespmem:v5+s23+$0x0], $0xffff  }
0x118: {  	v6 =	vor.u32 v7, v6;
	_ =	sdelay $0x2  }
0x119: {  	v36 =	vadd.s32 $0x1, v4  }
0x11a: {  	v2 =	vld.idx.msk [tilespmem:v2+s2+$0x0], $0xffff;
	v37 =	vand.u32 $0xFFFFFF80, v36;
	[tilespmem:v1+s12+$0x0] =	vst.idx.msk $0xffff, v5  }
0x11b: {  	v8 =	vor.u32 $0x20, v1;
	v7 =	vand.u32 $0x7F, v36;
	v5 =	vadd.s32 v1, v37;
	v6 =	vld.idx.msk [tilespmem:v6+s25+$0x0], $0xffff  }
0x11c: {  	v5 =	vor.u32 v7, v5;
	_ =	sdelay $0x2  }
0x11d: {  	v38 =	vadd.s32 $0x1, v3  }
0x11e: {  	v39 =	vand.u32 $0xFFFFFF80, v38;
	[tilespmem:v8+s12+$0x0] =	vst.idx.msk $0xffff, v6  }
0x11f: {  	v40 =	vor.u32 $0x1, v1;
	v7 =	vand.u32 $0x7F, v38;
	v6 =	vadd.s32 v1, v39;
	v5 =	vld.idx.msk [tilespmem:v5+s23+$0x0], $0xffff  }
0x120: {  	v6 =	vor.u32 v7, v6;
	_ =	sdelay $0x2  }
0x121: {  	v41 =	vadd.s32 $0x2, v4  }
0x122: {  	v42 =	vand.u32 $0xFFFFFF80, v41;
	[tilespmem:v40+s12+$0x0] =	vst.idx.msk $0xffff, v5  }
0x123: {  	v43 =	vor.u32 $0x21, v1;
	v7 =	vand.u32 $0x7F, v41;
	v5 =	vadd.s32 v1, v42;
	v6 =	vld.idx.msk [tilespmem:v6+s25+$0x0], $0xffff  }
0x124: {  	v5 =	vor.u32 v7, v5;
	_ =	sdelay $0x2  }
0x125: {  	v44 =	vadd.s32 $0x2, v3  }
0x126: {  	v45 =	vand.u32 $0xFFFFFF80, v44;
	[tilespmem:v43+s12+$0x0] =	vst.idx.msk $0xffff, v6  }
0x127: {  	v46 =	vor.u32 $0x2, v1;
	v7 =	vand.u32 $0x7F, v44;
	v6 =	vadd.s32 v1, v45;
	v5 =	vld.idx.msk [tilespmem:v5+s23+$0x0], $0xffff  }
0x128: {  	v6 =	vor.u32 v7, v6;
	_ =	sdelay $0x2  }
0x129: {  	v47 =	vadd.s32 $0x3, v4  }
0x12a: {  	v48 =	vand.u32 $0xFFFFFF80, v47;
	[tilespmem:v46+s12+$0x0] =	vst.idx.msk $0xffff, v5  }
0x12b: {  	v49 =	vor.u32 $0x22, v1;
	v7 =	vand.u32 $0x7F, v47;
	v5 =	vadd.s32 v1, v48;
	v6 =	vld.idx.msk [tilespmem:v6+s25+$0x0], $0xffff  }
0x12c: {  	v5 =	vor.u32 v7, v5;
	_ =	sdelay $0x2  }
0x12d: {  	v50 =	vadd.s32 $0x3, v3  }
0x12e: {  	v51 =	vand.u32 $0xFFFFFF80, v50;
	[tilespmem:v49+s12+$0x0] =	vst.idx.msk $0xffff, v6  }
0x12f: {  	v52 =	vor.u32 $0x3, v1;
	v7 =	vand.u32 $0x7F, v50;
	v6 =	vadd.s32 v1, v51;
	v5 =	vld.idx.msk [tilespmem:v5+s23+$0x0], $0xffff  }
0x130: {  	v6 =	vor.u32 v7, v6;
	_ =	sdelay $0x2  }
0x131: {  	v53 =	vadd.s32 $0x4, v4  }
0x132: {  	v54 =	vand.u32 $0xFFFFFF80, v53;
	[tilespmem:v52+s12+$0x0] =	vst.idx.msk $0xffff, v5  }
0x133: {  	v55 =	vor.u32 $0x23, v1;
	v7 =	vand.u32 $0x7F, v53;
	v5 =	vadd.s32 v1, v54;
	v6 =	vld.idx.msk [tilespmem:v6+s25+$0x0], $0xffff  }
0x134: {  	v5 =	vor.u32 v7, v5;
	_ =	sdelay $0x2  }
0x135: {  	v56 =	vadd.s32 $0x4, v3  }
0x136: {  	v57 =	vand.u32 $0xFFFFFF80, v56;
	[tilespmem:v55+s12+$0x0] =	vst.idx.msk $0xffff, v6  }
0x137: {  	v58 =	vor.u32 $0x4, v1;
	v7 =	vand.u32 $0x7F, v56;
	v6 =	vadd.s32 v1, v57;
	v5 =	vld.idx.msk [tilespmem:v5+s23+$0x0], $0xffff  }
0x138: {  	v6 =	vor.u32 v7, v6;
	_ =	sdelay $0x2  }
0x139: {  	v59 =	vadd.s32 $0x5, v4  }
0x13a: {  	v60 =	vand.u32 $0xFFFFFF80, v59;
	[tilespmem:v58+s12+$0x0] =	vst.idx.msk $0xffff, v5  }
0x13b: {  	v61 =	vor.u32 $0x24, v1;
	v7 =	vand.u32 $0x7F, v59;
	v5 =	vadd.s32 v1, v60;
	v6 =	vld.idx.msk [tilespmem:v6+s25+$0x0], $0xffff  }
0x13c: {  	v5 =	vor.u32 v7, v5;
	_ =	sdelay $0x2  }
0x13d: {  	v62 =	vadd.s32 $0x5, v3  }
0x13e: {  	v63 =	vand.u32 $0xFFFFFF80, v62;
	[tilespmem:v61+s12+$0x0] =	vst.idx.msk $0xffff, v6  }
0x13f: {  	v12 =	vor.u32 $0x5, v1;
	v7 =	vand.u32 $0x7F, v62;
	v6 =	vadd.s32 v1, v63;
	v5 =	vld.idx.msk [tilespmem:v5+s23+$0x0], $0xffff  }
0x140: {  	v6 =	vor.u32 v7, v6;
	_ =	sdelay $0x2  }
0x141: {  	v13 =	vadd.s32 $0x6, v4  }
0x142: {  	v14 =	vand.u32 $0xFFFFFF80, v13;
	[tilespmem:v12+s12+$0x0] =	vst.idx.msk $0xffff, v5  }
0x143: {  	v15 =	vor.u32 $0x25, v1;
	v7 =	vand.u32 $0x7F, v13;
	v5 =	vadd.s32 v1, v14;
	v6 =	vld.idx.msk [tilespmem:v6+s25+$0x0], $0xffff  }
0x144: {  	v5 =	vor.u32 v7, v5;
	_ =	sdelay $0x2  }
0x145: {  	v16 =	vadd.s32 $0x6, v3  }
0x146: {  	v17 =	vand.u32 $0xFFFFFF80, v16;
	[tilespmem:v15+s12+$0x0] =	vst.idx.msk $0xffff, v6  }
0x147: {  	v18 =	vor.u32 $0x6, v1;
	v7 =	vand.u32 $0x7F, v16;
	v6 =	vadd.s32 v1, v17;
	v5 =	vld.idx.msk [tilespmem:v5+s23+$0x0], $0xffff  }
0x148: {  	v6 =	vor.u32 v7, v6;
	_ =	sdelay $0x2  }
0x149: {  	v19 =	vadd.s32 $0x7, v4  }
0x14a: {  	v20 =	vand.u32 $0xFFFFFF80, v19;
	[tilespmem:v18+s12+$0x0] =	vst.idx.msk $0xffff, v5  }
0x14b: {  	v21 =	vor.u32 $0x26, v1;
	v7 =	vand.u32 $0x7F, v19;
	v5 =	vadd.s32 v1, v20;
	v6 =	vld.idx.msk [tilespmem:v6+s25+$0x0], $0xffff  }
0x14c: {  	v5 =	vor.u32 v7, v5;
	_ =	sdelay $0x2  }
0x14d: {  	v22 =	vadd.s32 $0x7, v3  }
0x14e: {  	v23 =	vand.u32 $0xFFFFFF80, v22;
	[tilespmem:v21+s12+$0x0] =	vst.idx.msk $0xffff, v6  }
0x14f: {  	v24 =	vor.u32 $0x7, v1;
	v7 =	vand.u32 $0x7F, v22;
	v6 =	vadd.s32 v1, v23;
	v5 =	vld.idx.msk [tilespmem:v5+s23+$0x0], $0xffff  }
0x150: {  	v6 =	vor.u32 v7, v6;
	_ =	sdelay $0x2  }
0x151: {  	v25 =	vadd.s32 $0x8, v4  }
0x152: {  	v26 =	vand.u32 $0xFFFFFF80, v25;
	[tilespmem:v24+s12+$0x0] =	vst.idx.msk $0xffff, v5  }
0x153: {  	v27 =	vor.u32 $0x27, v1;
	v7 =	vand.u32 $0x7F, v25;
	v5 =	vadd.s32 v1, v26;
	v6 =	vld.idx.msk [tilespmem:v6+s25+$0x0], $0xffff  }
0x154: {  	v5 =	vor.u32 v7, v5;
	_ =	sdelay $0x2  }
0x155: {  	v28 =	vadd.s32 $0x8, v3  }
0x156: {  	v29 =	vand.u32 $0xFFFFFF80, v28;
	[tilespmem:v27+s12+$0x0] =	vst.idx.msk $0xffff, v6  }
0x157: {  	v30 =	vor.u32 $0x8, v1;
	v7 =	vand.u32 $0x7F, v28;
	v6 =	vadd.s32 v1, v29;
	v5 =	vld.idx.msk [tilespmem:v5+s23+$0x0], $0xffff  }
0x158: {  	v6 =	vor.u32 v7, v6;
	_ =	sdelay $0x2  }
0x159: {  	v31 =	vadd.s32 $0x9, v4  }
0x15a: {  	v32 =	vand.u32 $0xFFFFFF80, v31;
	[tilespmem:v30+s12+$0x0] =	vst.idx.msk $0xffff, v5  }
0x15b: {  	v33 =	vor.u32 $0x28, v1;
	v7 =	vand.u32 $0x7F, v31;
	v5 =	vadd.s32 v1, v32;
	v6 =	vld.idx.msk [tilespmem:v6+s25+$0x0], $0xffff  }
0x15c: {  	v5 =	vor.u32 v7, v5;
	_ =	sdelay $0x2  }
0x15d: {  	v34 =	vadd.s32 $0x9, v3  }
0x15e: {  	v35 =	vand.u32 $0xFFFFFF80, v34;
	[tilespmem:v33+s12+$0x0] =	vst.idx.msk $0xffff, v6  }
0x15f: {  	v36 =	vor.u32 $0x9, v1;
	v7 =	vand.u32 $0x7F, v34;
	v6 =	vadd.s32 v1, v35;
	v5 =	vld.idx.msk [tilespmem:v5+s23+$0x0], $0xffff  }
0x160: {  	v6 =	vor.u32 v7, v6;
	_ =	sdelay $0x2  }
0x161: {  	v37 =	vadd.s32 $0xA, v4  }
0x162: {  	v38 =	vand.u32 $0xFFFFFF80, v37;
	[tilespmem:v36+s12+$0x0] =	vst.idx.msk $0xffff, v5  }
0x163: {  	v39 =	vor.u32 $0x29, v1;
	v7 =	vand.u32 $0x7F, v37;
	v5 =	vadd.s32 v1, v38;
	v6 =	vld.idx.msk [tilespmem:v6+s25+$0x0], $0xffff  }
0x164: {  	v5 =	vor.u32 v7, v5;
	_ =	sdelay $0x2  }
0x165: {  	v40 =	vadd.s32 $0xA, v3  }
0x166: {  	v41 =	vand.u32 $0xFFFFFF80, v40;
	[tilespmem:v39+s12+$0x0] =	vst.idx.msk $0xffff, v6  }
0x167: {  	v42 =	vor.u32 $0xA, v1;
	v7 =	vand.u32 $0x7F, v40;
	v6 =	vadd.s32 v1, v41;
	v5 =	vld.idx.msk [tilespmem:v5+s23+$0x0], $0xffff  }
0x168: {  	v6 =	vor.u32 v7, v6;
	_ =	sdelay $0x2  }
0x169: {  	v43 =	vadd.s32 $0xB, v4  }
0x16a: {  	v44 =	vand.u32 $0xFFFFFF80, v43;
	[tilespmem:v42+s12+$0x0] =	vst.idx.msk $0xffff, v5  }
0x16b: {  	v45 =	vor.u32 $0x2A, v1;
	v7 =	vand.u32 $0x7F, v43;
	v5 =	vadd.s32 v1, v44;
	v6 =	vld.idx.msk [tilespmem:v6+s25+$0x0], $0xffff  }
0x16c: {  	v5 =	vor.u32 v7, v5;
	_ =	sdelay $0x2  }
0x16d: {  	v46 =	vadd.s32 $0xB, v3  }
0x16e: {  	v47 =	vand.u32 $0xFFFFFF80, v46;
	[tilespmem:v45+s12+$0x0] =	vst.idx.msk $0xffff, v6  }
0x16f: {  	v48 =	vor.u32 $0xB, v1;
	v7 =	vand.u32 $0x7F, v46;
	v6 =	vadd.s32 v1, v47;
	v5 =	vld.idx.msk [tilespmem:v5+s23+$0x0], $0xffff  }
0x170: {  	v6 =	vor.u32 v7, v6;
	_ =	sdelay $0x2  }
0x171: {  	v49 =	vadd.s32 $0xC, v4  }
0x172: {  	v50 =	vand.u32 $0xFFFFFF80, v49;
	[tilespmem:v48+s12+$0x0] =	vst.idx.msk $0xffff, v5  }
0x173: {  	v51 =	vor.u32 $0x2B, v1;
	v7 =	vand.u32 $0x7F, v49;
	v5 =	vadd.s32 v1, v50;
	v6 =	vld.idx.msk [tilespmem:v6+s25+$0x0], $0xffff  }
0x174: {  	v5 =	vor.u32 v7, v5;
	_ =	sdelay $0x2  }
0x175: {  	v52 =	vadd.s32 $0xC, v3  }
0x176: {  	v53 =	vand.u32 $0xFFFFFF80, v52;
	[tilespmem:v51+s12+$0x0] =	vst.idx.msk $0xffff, v6  }
0x177: {  	v54 =	vor.u32 $0xC, v1;
	v7 =	vand.u32 $0x7F, v52;
	v6 =	vadd.s32 v1, v53;
	v5 =	vld.idx.msk [tilespmem:v5+s23+$0x0], $0xffff  }
0x178: {  	v6 =	vor.u32 v7, v6;
	_ =	sdelay $0x2  }
0x179: {  	v55 =	vadd.s32 $0xD, v4  }
0x17a: {  	v56 =	vand.u32 $0xFFFFFF80, v55;
	[tilespmem:v54+s12+$0x0] =	vst.idx.msk $0xffff, v5  }
0x17b: {  	v57 =	vor.u32 $0x2C, v1;
	v7 =	vand.u32 $0x7F, v55;
	v5 =	vadd.s32 v1, v56;
	v6 =	vld.idx.msk [tilespmem:v6+s25+$0x0], $0xffff  }
0x17c: {  	v5 =	vor.u32 v7, v5;
	_ =	sdelay $0x2  }
0x17d: {  	v58 =	vadd.s32 $0xD, v3  }
0x17e: {  	v59 =	vand.u32 $0xFFFFFF80, v58;
	[tilespmem:v57+s12+$0x0] =	vst.idx.msk $0xffff, v6  }
0x17f: {  	v60 =	vor.u32 $0xD, v1;
	v7 =	vand.u32 $0x7F, v58;
	v6 =	vadd.s32 v1, v59;
	v5 =	vld.idx.msk [tilespmem:v5+s23+$0x0], $0xffff  }
0x180: {  	v6 =	vor.u32 v7, v6;
	_ =	sdelay $0x2  }
0x181: {  	v61 =	vadd.s32 $0xE, v4  }
0x182: {  	v62 =	vand.u32 $0xFFFFFF80, v61;
	[tilespmem:v60+s12+$0x0] =	vst.idx.msk $0xffff, v5  }
0x183: {  	v63 =	vor.u32 $0x2D, v1;
	v7 =	vand.u32 $0x7F, v61;
	v5 =	vadd.s32 v1, v62;
	v6 =	vld.idx.msk [tilespmem:v6+s25+$0x0], $0xffff  }
0x184: {  	v5 =	vor.u32 v7, v5;
	_ =	sdelay $0x2  }
0x185: {  	v12 =	vadd.s32 $0xE, v3  }
0x186: {  	v13 =	vand.u32 $0xFFFFFF80, v12;
	[tilespmem:v63+s12+$0x0] =	vst.idx.msk $0xffff, v6  }
0x187: {  	v14 =	vor.u32 $0xE, v1;
	v7 =	vand.u32 $0x7F, v12;
	v6 =	vadd.s32 v1, v13;
	v5 =	vld.idx.msk [tilespmem:v5+s23+$0x0], $0xffff  }
0x188: {  	v6 =	vor.u32 v7, v6;
	_ =	sdelay $0x2  }
0x189: {  	v15 =	vadd.s32 $0xF, v4  }
0x18a: {  	v16 =	vand.u32 $0xFFFFFF80, v15;
	[tilespmem:v14+s12+$0x0] =	vst.idx.msk $0xffff, v5  }
0x18b: {  	v17 =	vor.u32 $0x2E, v1;
	v7 =	vand.u32 $0x7F, v15;
	v5 =	vadd.s32 v1, v16;
	v6 =	vld.idx.msk [tilespmem:v6+s25+$0x0], $0xffff  }
0x18c: {  	v5 =	vor.u32 v7, v5;
	_ =	sdelay $0x2  }
0x18d: {  	v18 =	vadd.s32 $0xF, v3  }
0x18e: {  	v19 =	vand.u32 $0xFFFFFF80, v18;
	[tilespmem:v17+s12+$0x0] =	vst.idx.msk $0xffff, v6  }
0x18f: {  	v20 =	vor.u32 $0xF, v1;
	v7 =	vand.u32 $0x7F, v18;
	v6 =	vadd.s32 v1, v19;
	v5 =	vld.idx.msk [tilespmem:v5+s23+$0x0], $0xffff  }
0x190: {  	v6 =	vor.u32 v7, v6;
	_ =	sdelay $0x2  }
0x191: {  	v21 =	vadd.s32 $0x10, v4  }
0x192: {  	v22 =	vand.u32 $0xFFFFFF80, v21;
	[tilespmem:v20+s12+$0x0] =	vst.idx.msk $0xffff, v5  }
0x193: {  	v23 =	vor.u32 $0x2F, v1;
	v7 =	vand.u32 $0x7F, v21;
	v5 =	vadd.s32 v1, v22;
	v6 =	vld.idx.msk [tilespmem:v6+s25+$0x0], $0xffff  }
0x194: {  	v5 =	vor.u32 v7, v5;
	_ =	sdelay $0x2  }
0x195: {  	v24 =	vadd.s32 $0x10, v3  }
0x196: {  	v25 =	vand.u32 $0xFFFFFF80, v24;
	[tilespmem:v23+s12+$0x0] =	vst.idx.msk $0xffff, v6  }
0x197: {  	v26 =	vor.u32 $0x10, v1;
	v7 =	vand.u32 $0x7F, v24;
	v6 =	vadd.s32 v1, v25;
	v5 =	vld.idx.msk [tilespmem:v5+s23+$0x0], $0xffff  }
0x198: {  	v6 =	vor.u32 v7, v6;
	_ =	sdelay $0x2  }
0x199: {  	v27 =	vadd.s32 $0x11, v4  }
0x19a: {  	v28 =	vand.u32 $0xFFFFFF80, v27;
	[tilespmem:v26+s12+$0x0] =	vst.idx.msk $0xffff, v5  }
0x19b: {  	v29 =	vor.u32 $0x30, v1;
	v7 =	vand.u32 $0x7F, v27;
	v5 =	vadd.s32 v1, v28;
	v6 =	vld.idx.msk [tilespmem:v6+s25+$0x0], $0xffff  }
0x19c: {  	v5 =	vor.u32 v7, v5;
	_ =	sdelay $0x2  }
0x19d: {  	v30 =	vadd.s32 $0x11, v3  }
0x19e: {  	v31 =	vand.u32 $0xFFFFFF80, v30;
	[tilespmem:v29+s12+$0x0] =	vst.idx.msk $0xffff, v6  }
0x19f: {  	v32 =	vor.u32 $0x11, v1;
	v7 =	vand.u32 $0x7F, v30;
	v6 =	vadd.s32 v1, v31;
	v5 =	vld.idx.msk [tilespmem:v5+s23+$0x0], $0xffff  }
0x1a0: {  	v6 =	vor.u32 v7, v6;
	_ =	sdelay $0x2  }
0x1a1: {  	v33 =	vadd.s32 $0x12, v4  }
0x1a2: {  	v34 =	vand.u32 $0xFFFFFF80, v33;
	[tilespmem:v32+s12+$0x0] =	vst.idx.msk $0xffff, v5  }
0x1a3: {  	v35 =	vor.u32 $0x31, v1;
	v7 =	vand.u32 $0x7F, v33;
	v5 =	vadd.s32 v1, v34;
	v6 =	vld.idx.msk [tilespmem:v6+s25+$0x0], $0xffff  }
0x1a4: {  	v5 =	vor.u32 v7, v5;
	_ =	sdelay $0x2  }
0x1a5: {  	v36 =	vadd.s32 $0x12, v3  }
0x1a6: {  	v37 =	vand.u32 $0xFFFFFF80, v36;
	[tilespmem:v35+s12+$0x0] =	vst.idx.msk $0xffff, v6  }
0x1a7: {  	v38 =	vor.u32 $0x12, v1;
	v7 =	vand.u32 $0x7F, v36;
	v6 =	vadd.s32 v1, v37;
	v5 =	vld.idx.msk [tilespmem:v5+s23+$0x0], $0xffff  }
0x1a8: {  	v6 =	vor.u32 v7, v6;
	_ =	sdelay $0x2  }
0x1a9: {  	v39 =	vadd.s32 $0x13, v4  }
0x1aa: {  	v40 =	vand.u32 $0xFFFFFF80, v39;
	[tilespmem:v38+s12+$0x0] =	vst.idx.msk $0xffff, v5  }
0x1ab: {  	v41 =	vor.u32 $0x32, v1;
	v7 =	vand.u32 $0x7F, v39;
	v5 =	vadd.s32 v1, v40;
	v6 =	vld.idx.msk [tilespmem:v6+s25+$0x0], $0xffff  }
0x1ac: {  	v5 =	vor.u32 v7, v5;
	_ =	sdelay $0x2  }
0x1ad: {  	v42 =	vadd.s32 $0x13, v3  }
0x1ae: {  	v43 =	vand.u32 $0xFFFFFF80, v42;
	[tilespmem:v41+s12+$0x0] =	vst.idx.msk $0xffff, v6  }
0x1af: {  	v44 =	vor.u32 $0x13, v1;
	v7 =	vand.u32 $0x7F, v42;
	v6 =	vadd.s32 v1, v43;
	v5 =	vld.idx.msk [tilespmem:v5+s23+$0x0], $0xffff  }
0x1b0: {  	v6 =	vor.u32 v7, v6;
	_ =	sdelay $0x2  }
0x1b1: {  	v45 =	vadd.s32 $0x14, v4  }
0x1b2: {  	v46 =	vand.u32 $0xFFFFFF80, v45;
	[tilespmem:v44+s12+$0x0] =	vst.idx.msk $0xffff, v5  }
0x1b3: {  	v47 =	vor.u32 $0x33, v1;
	v7 =	vand.u32 $0x7F, v45;
	v5 =	vadd.s32 v1, v46;
	v6 =	vld.idx.msk [tilespmem:v6+s25+$0x0], $0xffff  }
0x1b4: {  	v5 =	vor.u32 v7, v5;
	_ =	sdelay $0x2  }
0x1b5: {  	v48 =	vadd.s32 $0x14, v3  }
0x1b6: {  	v49 =	vand.u32 $0xFFFFFF80, v48;
	[tilespmem:v47+s12+$0x0] =	vst.idx.msk $0xffff, v6  }
0x1b7: {  	v50 =	vor.u32 $0x14, v1;
	v7 =	vand.u32 $0x7F, v48;
	v6 =	vadd.s32 v1, v49;
	v5 =	vld.idx.msk [tilespmem:v5+s23+$0x0], $0xffff  }
0x1b8: {  	v6 =	vor.u32 v7, v6;
	_ =	sdelay $0x2  }
0x1b9: {  	v51 =	vadd.s32 $0x15, v4  }
0x1ba: {  	v52 =	vand.u32 $0xFFFFFF80, v51;
	[tilespmem:v50+s12+$0x0] =	vst.idx.msk $0xffff, v5  }
0x1bb: {  	v53 =	vor.u32 $0x34, v1;
	v7 =	vand.u32 $0x7F, v51;
	v5 =	vadd.s32 v1, v52;
	v6 =	vld.idx.msk [tilespmem:v6+s25+$0x0], $0xffff  }
0x1bc: {  	v5 =	vor.u32 v7, v5;
	_ =	sdelay $0x2  }
0x1bd: {  	v54 =	vadd.s32 $0x15, v3  }
0x1be: {  	v55 =	vand.u32 $0xFFFFFF80, v54;
	[tilespmem:v53+s12+$0x0] =	vst.idx.msk $0xffff, v6  }
0x1bf: {  	v56 =	vor.u32 $0x15, v1;
	v7 =	vand.u32 $0x7F, v54;
	v6 =	vadd.s32 v1, v55;
	v5 =	vld.idx.msk [tilespmem:v5+s23+$0x0], $0xffff  }
0x1c0: {  	v6 =	vor.u32 v7, v6;
	_ =	sdelay $0x2  }
0x1c1: {  	v57 =	vadd.s32 $0x16, v4  }
0x1c2: {  	v58 =	vand.u32 $0xFFFFFF80, v57;
	[tilespmem:v56+s12+$0x0] =	vst.idx.msk $0xffff, v5  }
0x1c3: {  	v59 =	vor.u32 $0x35, v1;
	v7 =	vand.u32 $0x7F, v57;
	v5 =	vadd.s32 v1, v58;
	v6 =	vld.idx.msk [tilespmem:v6+s25+$0x0], $0xffff  }
0x1c4: {  	v5 =	vor.u32 v7, v5;
	_ =	sdelay $0x2  }
0x1c5: {  	v60 =	vadd.s32 $0x16, v3  }
0x1c6: {  	v61 =	vand.u32 $0xFFFFFF80, v60;
	[tilespmem:v59+s12+$0x0] =	vst.idx.msk $0xffff, v6  }
0x1c7: {  	v62 =	vor.u32 $0x16, v1;
	v7 =	vand.u32 $0x7F, v60;
	v6 =	vadd.s32 v1, v61;
	v5 =	vld.idx.msk [tilespmem:v5+s23+$0x0], $0xffff  }
0x1c8: {  	v6 =	vor.u32 v7, v6;
	_ =	sdelay $0x2  }
0x1c9: {  	v63 =	vadd.s32 $0x17, v4  }
0x1ca: {  	v12 =	vand.u32 $0xFFFFFF80, v63;
	[tilespmem:v62+s12+$0x0] =	vst.idx.msk $0xffff, v5  }
0x1cb: {  	v13 =	vor.u32 $0x36, v1;
	v7 =	vand.u32 $0x7F, v63;
	v5 =	vadd.s32 v1, v12;
	v6 =	vld.idx.msk [tilespmem:v6+s25+$0x0], $0xffff  }
0x1cc: {  	v5 =	vor.u32 v7, v5;
	_ =	sdelay $0x2  }
0x1cd: {  	v14 =	vadd.s32 $0x17, v3  }
0x1ce: {  	v15 =	vand.u32 $0xFFFFFF80, v14;
	[tilespmem:v13+s12+$0x0] =	vst.idx.msk $0xffff, v6  }
0x1cf: {  	v16 =	vor.u32 $0x17, v1;
	v7 =	vand.u32 $0x7F, v14;
	v6 =	vadd.s32 v1, v15;
	v5 =	vld.idx.msk [tilespmem:v5+s23+$0x0], $0xffff  }
0x1d0: {  	v6 =	vor.u32 v7, v6;
	_ =	sdelay $0x2  }
0x1d1: {  	v17 =	vadd.s32 $0x18, v4  }
0x1d2: {  	v18 =	vand.u32 $0xFFFFFF80, v17;
	[tilespmem:v16+s12+$0x0] =	vst.idx.msk $0xffff, v5  }
0x1d3: {  	v19 =	vor.u32 $0x37, v1;
	v7 =	vand.u32 $0x7F, v17;
	v5 =	vadd.s32 v1, v18;
	v6 =	vld.idx.msk [tilespmem:v6+s25+$0x0], $0xffff  }
0x1d4: {  	v5 =	vor.u32 v7, v5;
	_ =	sdelay $0x2  }
0x1d5: {  	v20 =	vadd.s32 $0x18, v3  }
0x1d6: {  	v21 =	vand.u32 $0xFFFFFF80, v20;
	[tilespmem:v19+s12+$0x0] =	vst.idx.msk $0xffff, v6  }
0x1d7: {  	v22 =	vor.u32 $0x18, v1;
	v7 =	vand.u32 $0x7F, v20;
	v6 =	vadd.s32 v1, v21;
	v5 =	vld.idx.msk [tilespmem:v5+s23+$0x0], $0xffff  }
0x1d8: {  	v6 =	vor.u32 v7, v6;
	_ =	sdelay $0x2  }
0x1d9: {  	v23 =	vadd.s32 $0x19, v4  }
0x1da: {  	v24 =	vand.u32 $0xFFFFFF80, v23;
	[tilespmem:v22+s12+$0x0] =	vst.idx.msk $0xffff, v5  }
0x1db: {  	v25 =	vor.u32 $0x38, v1;
	v7 =	vand.u32 $0x7F, v23;
	v5 =	vadd.s32 v1, v24;
	v6 =	vld.idx.msk [tilespmem:v6+s25+$0x0], $0xffff  }
0x1dc: {  	v5 =	vor.u32 v7, v5;
	_ =	sdelay $0x2  }
0x1dd: {  	v26 =	vadd.s32 $0x19, v3  }
0x1de: {  	v27 =	vand.u32 $0xFFFFFF80, v26;
	[tilespmem:v25+s12+$0x0] =	vst.idx.msk $0xffff, v6  }
0x1df: {  	v28 =	vor.u32 $0x19, v1;
	v7 =	vand.u32 $0x7F, v26;
	v6 =	vadd.s32 v1, v27;
	v5 =	vld.idx.msk [tilespmem:v5+s23+$0x0], $0xffff  }
0x1e0: {  	v6 =	vor.u32 v7, v6;
	_ =	sdelay $0x2  }
0x1e1: {  	v29 =	vadd.s32 $0x1A, v4  }
0x1e2: {  	v30 =	vand.u32 $0xFFFFFF80, v29;
	[tilespmem:v28+s12+$0x0] =	vst.idx.msk $0xffff, v5  }
0x1e3: {  	v31 =	vor.u32 $0x39, v1;
	v7 =	vand.u32 $0x7F, v29;
	v5 =	vadd.s32 v1, v30;
	v6 =	vld.idx.msk [tilespmem:v6+s25+$0x0], $0xffff  }
0x1e4: {  	v5 =	vor.u32 v7, v5;
	_ =	sdelay $0x2  }
0x1e5: {  	v32 =	vadd.s32 $0x1A, v3  }
0x1e6: {  	v33 =	vand.u32 $0xFFFFFF80, v32;
	[tilespmem:v31+s12+$0x0] =	vst.idx.msk $0xffff, v6  }
0x1e7: {  	v34 =	vor.u32 $0x1A, v1;
	v7 =	vand.u32 $0x7F, v32;
	v6 =	vadd.s32 v1, v33;
	v5 =	vld.idx.msk [tilespmem:v5+s23+$0x0], $0xffff  }
0x1e8: {  	v6 =	vor.u32 v7, v6;
	_ =	sdelay $0x2  }
0x1e9: {  	v35 =	vadd.s32 $0x1B, v4  }
0x1ea: {  	v36 =	vand.u32 $0xFFFFFF80, v35;
	[tilespmem:v34+s12+$0x0] =	vst.idx.msk $0xffff, v5  }
0x1eb: {  	v37 =	vor.u32 $0x3A, v1;
	v7 =	vand.u32 $0x7F, v35;
	v5 =	vadd.s32 v1, v36;
	v6 =	vld.idx.msk [tilespmem:v6+s25+$0x0], $0xffff  }
0x1ec: {  	v5 =	vor.u32 v7, v5;
	_ =	sdelay $0x2  }
0x1ed: {  	v38 =	vadd.s32 $0x1B, v3  }
0x1ee: {  	v39 =	vand.u32 $0xFFFFFF80, v38;
	[tilespmem:v37+s12+$0x0] =	vst.idx.msk $0xffff, v6  }
0x1ef: {  	v40 =	vor.u32 $0x1B, v1;
	v7 =	vand.u32 $0x7F, v38;
	v6 =	vadd.s32 v1, v39;
	v5 =	vld.idx.msk [tilespmem:v5+s23+$0x0], $0xffff  }
0x1f0: {  	v6 =	vor.u32 v7, v6;
	_ =	sdelay $0x2  }
0x1f1: {  	v41 =	vadd.s32 $0x1C, v4  }
0x1f2: {  	v42 =	vand.u32 $0xFFFFFF80, v41;
	[tilespmem:v40+s12+$0x0] =	vst.idx.msk $0xffff, v5  }
0x1f3: {  	v43 =	vor.u32 $0x3B, v1;
	v7 =	vand.u32 $0x7F, v41;
	v5 =	vadd.s32 v1, v42;
	v6 =	vld.idx.msk [tilespmem:v6+s25+$0x0], $0xffff  }
0x1f4: {  	v5 =	vor.u32 v7, v5;
	_ =	sdelay $0x2  }
0x1f5: {  	v44 =	vadd.s32 $0x1C, v3  }
0x1f6: {  	v45 =	vand.u32 $0xFFFFFF80, v44;
	[tilespmem:v43+s12+$0x0] =	vst.idx.msk $0xffff, v6  }
0x1f7: {  	v46 =	vor.u32 $0x1C, v1;
	v7 =	vand.u32 $0x7F, v44;
	v6 =	vadd.s32 v1, v45;
	v5 =	vld.idx.msk [tilespmem:v5+s23+$0x0], $0xffff  }
0x1f8: {  	v6 =	vor.u32 v7, v6;
	_ =	sdelay $0x2  }
0x1f9: {  	v47 =	vadd.s32 $0x1D, v4  }
0x1fa: {  	v48 =	vand.u32 $0xFFFFFF80, v47;
	[tilespmem:v46+s12+$0x0] =	vst.idx.msk $0xffff, v5  }
0x1fb: {  	v49 =	vor.u32 $0x3C, v1;
	v7 =	vand.u32 $0x7F, v47;
	v5 =	vadd.s32 v1, v48;
	v6 =	vld.idx.msk [tilespmem:v6+s25+$0x0], $0xffff  }
0x1fc: {  	v5 =	vor.u32 v7, v5;
	_ =	sdelay $0x2  }
0x1fd: {  	v50 =	vadd.s32 $0x1D, v3  }
0x1fe: {  	v51 =	vand.u32 $0xFFFFFF80, v50;
	[tilespmem:v49+s12+$0x0] =	vst.idx.msk $0xffff, v6  }
0x1ff: {  	v52 =	vor.u32 $0x1D, v1;
	v7 =	vand.u32 $0x7F, v50;
	v6 =	vadd.s32 v1, v51;
	v5 =	vld.idx.msk [tilespmem:v5+s23+$0x0], $0xffff  }
0x200: {  	v6 =	vor.u32 v7, v6;
	_ =	sdelay $0x2  }
0x201: {  	v53 =	vadd.s32 $0x1E, v4  }
0x202: {  	v54 =	vand.u32 $0xFFFFFF80, v53;
	[tilespmem:v52+s12+$0x0] =	vst.idx.msk $0xffff, v5  }
0x203: {  	v55 =	vor.u32 $0x3D, v1;
	v7 =	vand.u32 $0x7F, v53;
	v5 =	vadd.s32 v1, v54;
	v6 =	vld.idx.msk [tilespmem:v6+s25+$0x0], $0xffff  }
0x204: {  	v5 =	vor.u32 v7, v5;
	_ =	sdelay $0x2  }
0x205: {  	v56 =	vadd.s32 $0x1E, v3  }
0x206: {  	v57 =	vand.u32 $0xFFFFFF80, v56;
	[tilespmem:v55+s12+$0x0] =	vst.idx.msk $0xffff, v6  }
0x207: {  	v58 =	vor.u32 $0x1E, v1;
	v7 =	vand.u32 $0x7F, v56;
	v6 =	vadd.s32 v1, v57;
	v5 =	vld.idx.msk [tilespmem:v5+s23+$0x0], $0xffff  }
0x208: {  	v6 =	vor.u32 v7, v6;
	_ =	sdelay $0x2  }
0x209: {  	v4 =	vadd.s32 $0x1F, v4  }
0x20a: {  	v59 =	vand.u32 $0xFFFFFF80, v4;
	[tilespmem:v58+s12+$0x0] =	vst.idx.msk $0xffff, v5  }
0x20b: {  	v60 =	vor.u32 $0x3E, v1;
	v4 =	vand.u32 $0x7F, v4;
	v5 =	vadd.s32 v1, v59;
	v6 =	vld.idx.msk [tilespmem:v6+s25+$0x0], $0xffff  }
0x20c: {  	v4 =	vor.u32 v4, v5;
	_ =	sdelay $0x2  }
0x20d: {  	v3 =	vadd.s32 $0x1F, v3  }
0x20e: {  	v61 =	vand.u32 $0xFFFFFF80, v3;
	[tilespmem:v60+s12+$0x0] =	vst.idx.msk $0xffff, v6  }
0x20f: {  	v3 =	vand.u32 $0x7F, v3;
	v62 =	vor.u32 $0x1F, v1;
	v5 =	vadd.s32 v1, v61;
	v4 =	vld.idx.msk [tilespmem:v4+s23+$0x0], $0xffff  }
0x210: {  	v3 =	vor.u32 v3, v5;
	_ =	sdelay $0x3  }
0x211: {  	[tilespmem:v62+s12+$0x0] =	vst.idx.msk $0xffff, v4  }
0x212: {  	v63 =	vor.u32 $0x3F, v1;
	v3 =	vld.idx.msk [tilespmem:v3+s25+$0x0], $0xffff  }
0x213: {  	p0 =	sne.s32 s19, $0xF0;
	v1 =	vor.u32 $0x40, v1  }
.Ltmp0:
0x214: {  	_ = 	snop;
	(pc) =	sbr.rel @p0 .LBB2_2-.Ltmp0, $3  }
0x215: {  	_ =	sdelay $0x1  }
0x216: {  	[tilespmem:v63+s12+$0x0] =	vst.idx.msk $0xffff, v3  }
0x217: {  	s19 =	sadd.s32 $0x10, s19;
	[tilespmem:v1+s12+$0x0] =	vst.idx.msk $0xffff, v2  }
0x218: {  	s19 =	simm.s32 $0x0  }
0x219: {  	[hbm4b:s8+s19] =	stream.linear.scatter [tilespmem:s12], [sflag:$0x2], $0x8000, $0x38;
	[tilespmem:$0x19200] =	vst v63  }
0x21a: {  	_ =	swait.ge [sflag:s11], $0x8000  }
0x21b: {  	[sflag:s11] =	ssyncset.done $0x0  }
0x21c: {  	[sflag:s11] =	ssyncadd.s32 $0xFFFF8000  }
0x21d: {  	[tilespmem:s23], [sflag:$0x1] =	stream.indirect.gather [hbm4b:s4+s14], $0x80, s13, s14, $0xb8;
	[tilespmem:$0x19200] =	vst v63  }
0x21e: {  	_ = 	snop  }
0x21f: {  	[tilespmem:s25], [sflag:$0x1] =	stream.indirect.gather [hbm4b:s4+s14], $0x80, s15, s14, $0xb8;
	[tilespmem:$0x19200] =	vst v63  }
0x220: {  	_ = 	snop  }
0x221: {  	[tilespmem:s28], [sflag:$0x1] =	stream.indirect.gather [hbm4b:s4+s14], $0x80, s16, s14, $0xb8;
	[tilespmem:$0x19200] =	vst v63  }
0x222: {  	_ = 	snop  }
0x223: {  	[tilespmem:s30], [sflag:$0x1] =	stream.indirect.gather [hbm4b:s4+s14], $0x80, s17, s14, $0xb8;
	[tilespmem:$0x19200] =	vst v63  }
0x224: {  	_ =	swait.ge [sflag:s21], $0x4000  }
0x225: {  	[sflag:s21] =	ssyncset.done $0x0  }
0x226: {  	[sflag:s21] =	ssyncadd.s32 $0xFFFFC000  }
0x227: {  	_ =	swait.ge [sflag:s21], $0x4000  }
0x228: {  	[sflag:s21] =	ssyncset.done $0x0  }
0x229: {  	[sflag:s21] =	ssyncadd.s32 $0xFFFFC000  }
0x22a: {  	_ =	swait.ge [sflag:s21], $0x4000  }
0x22b: {  	[sflag:s21] =	ssyncset.done $0x0  }
0x22c: {  	[sflag:s21] =	ssyncadd.s32 $0xFFFFC000  }
0x22d: {  	_ =	swait.ge [sflag:s21], $0x4000  }
0x22e: {  	[sflag:s21] =	ssyncset.done $0x0  }
0x22f: {  	[sflag:s21] =	ssyncadd.s32 $0xFFFFC000  }
.LBB2_4:
0x230: {  	v1 =	vor.u32 $0x100, v0  }
0x231: {  	v2 =	vor.u32 s19, v1;
	_ =	sdelay $0x4  }
0x232: {  	v4 =	vld.idx.msk [tilespmem:v2+s31+$0x0], $0xffff;
	_ =	sdelay $0x2  }
0x233: {  	v3 =	vmul.u32 $0x80, v0;
	v1 =	vmov s19  }
0x234: {  	v1 =	vshll.u32 v1, $0x7  }
0x235: {  	v1 =	vor.u32 v3, v1;
	v5 =	vand.u32 $0xFFFFFF80, v4  }
0x236: {  	v3 =	vld.idx.msk [tilespmem:v2+s0+$0x0], $0xffff;
	v6 =	vand.u32 $0x7F, v4;
	v5 =	vadd.s32 v1, v5  }
0x237: {  	v5 =	vor.u32 v6, v5;
	_ =	sdelay $0x3  }
0x238: {  	v35 =	vand.u32 $0xFFFFFF80, v3  }
0x239: {  	v7 =	vand.u32 $0x7F, v3;
	v6 =	vadd.s32 v1, v35;
	v5 =	vld.idx.msk [tilespmem:v5+s23+$0x0], $0xffff  }
0x23a: {  	v6 =	vor.u32 v7, v6;
	_ =	sdelay $0x2  }
0x23b: {  	v36 =	vadd.s32 $0x1, v4  }
0x23c: {  	v2 =	vld.idx.msk [tilespmem:v2+s2+$0x0], $0xffff;
	v37 =	vand.u32 $0xFFFFFF80, v36;
	[tilespmem:v1+s12+$0x0] =	vst.idx.msk $0xffff, v5  }
0x23d: {  	v8 =	vor.u32 $0x20, v1;
	v7 =	vand.u32 $0x7F, v36;
	v5 =	vadd.s32 v1, v37;
	v6 =	vld.idx.msk [tilespmem:v6+s25+$0x0], $0xffff  }
0x23e: {  	v5 =	vor.u32 v7, v5;
	_ =	sdelay $0x2  }
0x23f: {  	v38 =	vadd.s32 $0x1, v3  }
0x240: {  	v39 =	vand.u32 $0xFFFFFF80, v38;
	[tilespmem:v8+s12+$0x0] =	vst.idx.msk $0xffff, v6  }
0x241: {  	v40 =	vor.u32 $0x1, v1;
	v7 =	vand.u32 $0x7F, v38;
	v6 =	vadd.s32 v1, v39;
	v5 =	vld.idx.msk [tilespmem:v5+s23+$0x0], $0xffff  }
0x242: {  	v6 =	vor.u32 v7, v6;
	_ =	sdelay $0x2  }
0x243: {  	v41 =	vadd.s32 $0x2, v4  }
0x244: {  	v42 =	vand.u32 $0xFFFFFF80, v41;
	[tilespmem:v40+s12+$0x0] =	vst.idx.msk $0xffff, v5  }
0x245: {  	v43 =	vor.u32 $0x21, v1;
	v7 =	vand.u32 $0x7F, v41;
	v5 =	vadd.s32 v1, v42;
	v6 =	vld.idx.msk [tilespmem:v6+s25+$0x0], $0xffff  }
0x246: {  	v5 =	vor.u32 v7, v5;
	_ =	sdelay $0x2  }
0x247: {  	v44 =	vadd.s32 $0x2, v3  }
0x248: {  	v45 =	vand.u32 $0xFFFFFF80, v44;
	[tilespmem:v43+s12+$0x0] =	vst.idx.msk $0xffff, v6  }
0x249: {  	v46 =	vor.u32 $0x2, v1;
	v7 =	vand.u32 $0x7F, v44;
	v6 =	vadd.s32 v1, v45;
	v5 =	vld.idx.msk [tilespmem:v5+s23+$0x0], $0xffff  }
0x24a: {  	v6 =	vor.u32 v7, v6;
	_ =	sdelay $0x2  }
0x24b: {  	v47 =	vadd.s32 $0x3, v4  }
0x24c: {  	v48 =	vand.u32 $0xFFFFFF80, v47;
	[tilespmem:v46+s12+$0x0] =	vst.idx.msk $0xffff, v5  }
0x24d: {  	v49 =	vor.u32 $0x22, v1;
	v7 =	vand.u32 $0x7F, v47;
	v5 =	vadd.s32 v1, v48;
	v6 =	vld.idx.msk [tilespmem:v6+s25+$0x0], $0xffff  }
0x24e: {  	v5 =	vor.u32 v7, v5;
	_ =	sdelay $0x2  }
0x24f: {  	v50 =	vadd.s32 $0x3, v3  }
0x250: {  	v51 =	vand.u32 $0xFFFFFF80, v50;
	[tilespmem:v49+s12+$0x0] =	vst.idx.msk $0xffff, v6  }
0x251: {  	v52 =	vor.u32 $0x3, v1;
	v7 =	vand.u32 $0x7F, v50;
	v6 =	vadd.s32 v1, v51;
	v5 =	vld.idx.msk [tilespmem:v5+s23+$0x0], $0xffff  }
0x252: {  	v6 =	vor.u32 v7, v6;
	_ =	sdelay $0x2  }
0x253: {  	v53 =	vadd.s32 $0x4, v4  }
0x254: {  	v54 =	vand.u32 $0xFFFFFF80, v53;
	[tilespmem:v52+s12+$0x0] =	vst.idx.msk $0xffff, v5  }
0x255: {  	v55 =	vor.u32 $0x23, v1;
	v7 =	vand.u32 $0x7F, v53;
	v5 =	vadd.s32 v1, v54;
	v6 =	vld.idx.msk [tilespmem:v6+s25+$0x0], $0xffff  }
0x256: {  	v5 =	vor.u32 v7, v5;
	_ =	sdelay $0x2  }
0x257: {  	v56 =	vadd.s32 $0x4, v3  }
0x258: {  	v57 =	vand.u32 $0xFFFFFF80, v56;
	[tilespmem:v55+s12+$0x0] =	vst.idx.msk $0xffff, v6  }
0x259: {  	v58 =	vor.u32 $0x4, v1;
	v7 =	vand.u32 $0x7F, v56;
	v6 =	vadd.s32 v1, v57;
	v5 =	vld.idx.msk [tilespmem:v5+s23+$0x0], $0xffff  }
0x25a: {  	v6 =	vor.u32 v7, v6;
	_ =	sdelay $0x2  }
0x25b: {  	v59 =	vadd.s32 $0x5, v4  }
0x25c: {  	v60 =	vand.u32 $0xFFFFFF80, v59;
	[tilespmem:v58+s12+$0x0] =	vst.idx.msk $0xffff, v5  }
0x25d: {  	v61 =	vor.u32 $0x24, v1;
	v7 =	vand.u32 $0x7F, v59;
	v5 =	vadd.s32 v1, v60;
	v6 =	vld.idx.msk [tilespmem:v6+s25+$0x0], $0xffff  }
0x25e: {  	v5 =	vor.u32 v7, v5;
	_ =	sdelay $0x2  }
0x25f: {  	v62 =	vadd.s32 $0x5, v3  }
0x260: {  	v63 =	vand.u32 $0xFFFFFF80, v62;
	[tilespmem:v61+s12+$0x0] =	vst.idx.msk $0xffff, v6  }
0x261: {  	v12 =	vor.u32 $0x5, v1;
	v7 =	vand.u32 $0x7F, v62;
	v6 =	vadd.s32 v1, v63;
	v5 =	vld.idx.msk [tilespmem:v5+s23+$0x0], $0xffff  }
0x262: {  	v6 =	vor.u32 v7, v6;
	_ =	sdelay $0x2  }
0x263: {  	v13 =	vadd.s32 $0x6, v4  }
0x264: {  	v14 =	vand.u32 $0xFFFFFF80, v13;
	[tilespmem:v12+s12+$0x0] =	vst.idx.msk $0xffff, v5  }
0x265: {  	v15 =	vor.u32 $0x25, v1;
	v7 =	vand.u32 $0x7F, v13;
	v5 =	vadd.s32 v1, v14;
	v6 =	vld.idx.msk [tilespmem:v6+s25+$0x0], $0xffff  }
0x266: {  	v5 =	vor.u32 v7, v5;
	_ =	sdelay $0x2  }
0x267: {  	v16 =	vadd.s32 $0x6, v3  }
0x268: {  	v17 =	vand.u32 $0xFFFFFF80, v16;
	[tilespmem:v15+s12+$0x0] =	vst.idx.msk $0xffff, v6  }
0x269: {  	v18 =	vor.u32 $0x6, v1;
	v7 =	vand.u32 $0x7F, v16;
	v6 =	vadd.s32 v1, v17;
	v5 =	vld.idx.msk [tilespmem:v5+s23+$0x0], $0xffff  }
0x26a: {  	v6 =	vor.u32 v7, v6;
	_ =	sdelay $0x2  }
0x26b: {  	v19 =	vadd.s32 $0x7, v4  }
0x26c: {  	v20 =	vand.u32 $0xFFFFFF80, v19;
	[tilespmem:v18+s12+$0x0] =	vst.idx.msk $0xffff, v5  }
0x26d: {  	v21 =	vor.u32 $0x26, v1;
	v7 =	vand.u32 $0x7F, v19;
	v5 =	vadd.s32 v1, v20;
	v6 =	vld.idx.msk [tilespmem:v6+s25+$0x0], $0xffff  }
0x26e: {  	v5 =	vor.u32 v7, v5;
	_ =	sdelay $0x2  }
0x26f: {  	v22 =	vadd.s32 $0x7, v3  }
0x270: {  	v23 =	vand.u32 $0xFFFFFF80, v22;
	[tilespmem:v21+s12+$0x0] =	vst.idx.msk $0xffff, v6  }
0x271: {  	v24 =	vor.u32 $0x7, v1;
	v7 =	vand.u32 $0x7F, v22;
	v6 =	vadd.s32 v1, v23;
	v5 =	vld.idx.msk [tilespmem:v5+s23+$0x0], $0xffff  }
0x272: {  	v6 =	vor.u32 v7, v6;
	_ =	sdelay $0x2  }
0x273: {  	v25 =	vadd.s32 $0x8, v4  }
0x274: {  	v26 =	vand.u32 $0xFFFFFF80, v25;
	[tilespmem:v24+s12+$0x0] =	vst.idx.msk $0xffff, v5  }
0x275: {  	v27 =	vor.u32 $0x27, v1;
	v7 =	vand.u32 $0x7F, v25;
	v5 =	vadd.s32 v1, v26;
	v6 =	vld.idx.msk [tilespmem:v6+s25+$0x0], $0xffff  }
0x276: {  	v5 =	vor.u32 v7, v5;
	_ =	sdelay $0x2  }
0x277: {  	v28 =	vadd.s32 $0x8, v3  }
0x278: {  	v29 =	vand.u32 $0xFFFFFF80, v28;
	[tilespmem:v27+s12+$0x0] =	vst.idx.msk $0xffff, v6  }
0x279: {  	v30 =	vor.u32 $0x8, v1;
	v7 =	vand.u32 $0x7F, v28;
	v6 =	vadd.s32 v1, v29;
	v5 =	vld.idx.msk [tilespmem:v5+s23+$0x0], $0xffff  }
0x27a: {  	v6 =	vor.u32 v7, v6;
	_ =	sdelay $0x2  }
0x27b: {  	v31 =	vadd.s32 $0x9, v4  }
0x27c: {  	v32 =	vand.u32 $0xFFFFFF80, v31;
	[tilespmem:v30+s12+$0x0] =	vst.idx.msk $0xffff, v5  }
0x27d: {  	v33 =	vor.u32 $0x28, v1;
	v7 =	vand.u32 $0x7F, v31;
	v5 =	vadd.s32 v1, v32;
	v6 =	vld.idx.msk [tilespmem:v6+s25+$0x0], $0xffff  }
0x27e: {  	v5 =	vor.u32 v7, v5;
	_ =	sdelay $0x2  }
0x27f: {  	v34 =	vadd.s32 $0x9, v3  }
0x280: {  	v35 =	vand.u32 $0xFFFFFF80, v34;
	[tilespmem:v33+s12+$0x0] =	vst.idx.msk $0xffff, v6  }
0x281: {  	v36 =	vor.u32 $0x9, v1;
	v7 =	vand.u32 $0x7F, v34;
	v6 =	vadd.s32 v1, v35;
	v5 =	vld.idx.msk [tilespmem:v5+s23+$0x0], $0xffff  }
0x282: {  	v6 =	vor.u32 v7, v6;
	_ =	sdelay $0x2  }
0x283: {  	v37 =	vadd.s32 $0xA, v4  }
0x284: {  	v38 =	vand.u32 $0xFFFFFF80, v37;
	[tilespmem:v36+s12+$0x0] =	vst.idx.msk $0xffff, v5  }
0x285: {  	v39 =	vor.u32 $0x29, v1;
	v7 =	vand.u32 $0x7F, v37;
	v5 =	vadd.s32 v1, v38;
	v6 =	vld.idx.msk [tilespmem:v6+s25+$0x0], $0xffff  }
0x286: {  	v5 =	vor.u32 v7, v5;
	_ =	sdelay $0x2  }
0x287: {  	v40 =	vadd.s32 $0xA, v3  }
0x288: {  	v41 =	vand.u32 $0xFFFFFF80, v40;
	[tilespmem:v39+s12+$0x0] =	vst.idx.msk $0xffff, v6  }
0x289: {  	v42 =	vor.u32 $0xA, v1;
	v7 =	vand.u32 $0x7F, v40;
	v6 =	vadd.s32 v1, v41;
	v5 =	vld.idx.msk [tilespmem:v5+s23+$0x0], $0xffff  }
0x28a: {  	v6 =	vor.u32 v7, v6;
	_ =	sdelay $0x2  }
0x28b: {  	v43 =	vadd.s32 $0xB, v4  }
0x28c: {  	v44 =	vand.u32 $0xFFFFFF80, v43;
	[tilespmem:v42+s12+$0x0] =	vst.idx.msk $0xffff, v5  }
0x28d: {  	v45 =	vor.u32 $0x2A, v1;
	v7 =	vand.u32 $0x7F, v43;
	v5 =	vadd.s32 v1, v44;
	v6 =	vld.idx.msk [tilespmem:v6+s25+$0x0], $0xffff  }
0x28e: {  	v5 =	vor.u32 v7, v5;
	_ =	sdelay $0x2  }
0x28f: {  	v46 =	vadd.s32 $0xB, v3  }
0x290: {  	v47 =	vand.u32 $0xFFFFFF80, v46;
	[tilespmem:v45+s12+$0x0] =	vst.idx.msk $0xffff, v6  }
0x291: {  	v48 =	vor.u32 $0xB, v1;
	v7 =	vand.u32 $0x7F, v46;
	v6 =	vadd.s32 v1, v47;
	v5 =	vld.idx.msk [tilespmem:v5+s23+$0x0], $0xffff  }
0x292: {  	v6 =	vor.u32 v7, v6;
	_ =	sdelay $0x2  }
0x293: {  	v49 =	vadd.s32 $0xC, v4  }
0x294: {  	v50 =	vand.u32 $0xFFFFFF80, v49;
	[tilespmem:v48+s12+$0x0] =	vst.idx.msk $0xffff, v5  }
0x295: {  	v51 =	vor.u32 $0x2B, v1;
	v7 =	vand.u32 $0x7F, v49;
	v5 =	vadd.s32 v1, v50;
	v6 =	vld.idx.msk [tilespmem:v6+s25+$0x0], $0xffff  }
0x296: {  	v5 =	vor.u32 v7, v5;
	_ =	sdelay $0x2  }
0x297: {  	v52 =	vadd.s32 $0xC, v3  }
0x298: {  	v53 =	vand.u32 $0xFFFFFF80, v52;
	[tilespmem:v51+s12+$0x0] =	vst.idx.msk $0xffff, v6  }
0x299: {  	v54 =	vor.u32 $0xC, v1;
	v7 =	vand.u32 $0x7F, v52;
	v6 =	vadd.s32 v1, v53;
	v5 =	vld.idx.msk [tilespmem:v5+s23+$0x0], $0xffff  }
0x29a: {  	v6 =	vor.u32 v7, v6;
	_ =	sdelay $0x2  }
0x29b: {  	v55 =	vadd.s32 $0xD, v4  }
0x29c: {  	v56 =	vand.u32 $0xFFFFFF80, v55;
	[tilespmem:v54+s12+$0x0] =	vst.idx.msk $0xffff, v5  }
0x29d: {  	v57 =	vor.u32 $0x2C, v1;
	v7 =	vand.u32 $0x7F, v55;
	v5 =	vadd.s32 v1, v56;
	v6 =	vld.idx.msk [tilespmem:v6+s25+$0x0], $0xffff  }
0x29e: {  	v5 =	vor.u32 v7, v5;
	_ =	sdelay $0x2  }
0x29f: {  	v58 =	vadd.s32 $0xD, v3  }
0x2a0: {  	v59 =	vand.u32 $0xFFFFFF80, v58;
	[tilespmem:v57+s12+$0x0] =	vst.idx.msk $0xffff, v6  }
0x2a1: {  	v60 =	vor.u32 $0xD, v1;
	v7 =	vand.u32 $0x7F, v58;
	v6 =	vadd.s32 v1, v59;
	v5 =	vld.idx.msk [tilespmem:v5+s23+$0x0], $0xffff  }
0x2a2: {  	v6 =	vor.u32 v7, v6;
	_ =	sdelay $0x2  }
0x2a3: {  	v61 =	vadd.s32 $0xE, v4  }
0x2a4: {  	v62 =	vand.u32 $0xFFFFFF80, v61;
	[tilespmem:v60+s12+$0x0] =	vst.idx.msk $0xffff, v5  }
0x2a5: {  	v63 =	vor.u32 $0x2D, v1;
	v7 =	vand.u32 $0x7F, v61;
	v5 =	vadd.s32 v1, v62;
	v6 =	vld.idx.msk [tilespmem:v6+s25+$0x0], $0xffff  }
0x2a6: {  	v5 =	vor.u32 v7, v5;
	_ =	sdelay $0x2  }
0x2a7: {  	v12 =	vadd.s32 $0xE, v3  }
0x2a8: {  	v13 =	vand.u32 $0xFFFFFF80, v12;
	[tilespmem:v63+s12+$0x0] =	vst.idx.msk $0xffff, v6  }
0x2a9: {  	v14 =	vor.u32 $0xE, v1;
	v7 =	vand.u32 $0x7F, v12;
	v6 =	vadd.s32 v1, v13;
	v5 =	vld.idx.msk [tilespmem:v5+s23+$0x0], $0xffff  }
0x2aa: {  	v6 =	vor.u32 v7, v6;
	_ =	sdelay $0x2  }
0x2ab: {  	v15 =	vadd.s32 $0xF, v4  }
0x2ac: {  	v16 =	vand.u32 $0xFFFFFF80, v15;
	[tilespmem:v14+s12+$0x0] =	vst.idx.msk $0xffff, v5  }
0x2ad: {  	v17 =	vor.u32 $0x2E, v1;
	v7 =	vand.u32 $0x7F, v15;
	v5 =	vadd.s32 v1, v16;
	v6 =	vld.idx.msk [tilespmem:v6+s25+$0x0], $0xffff  }
0x2ae: {  	v5 =	vor.u32 v7, v5;
	_ =	sdelay $0x2  }
0x2af: {  	v18 =	vadd.s32 $0xF, v3  }
0x2b0: {  	v19 =	vand.u32 $0xFFFFFF80, v18;
	[tilespmem:v17+s12+$0x0] =	vst.idx.msk $0xffff, v6  }
0x2b1: {  	v20 =	vor.u32 $0xF, v1;
	v7 =	vand.u32 $0x7F, v18;
	v6 =	vadd.s32 v1, v19;
	v5 =	vld.idx.msk [tilespmem:v5+s23+$0x0], $0xffff  }
0x2b2: {  	v6 =	vor.u32 v7, v6;
	_ =	sdelay $0x2  }
0x2b3: {  	v21 =	vadd.s32 $0x10, v4  }
0x2b4: {  	v22 =	vand.u32 $0xFFFFFF80, v21;
	[tilespmem:v20+s12+$0x0] =	vst.idx.msk $0xffff, v5  }
0x2b5: {  	v23 =	vor.u32 $0x2F, v1;
	v7 =	vand.u32 $0x7F, v21;
	v5 =	vadd.s32 v1, v22;
	v6 =	vld.idx.msk [tilespmem:v6+s25+$0x0], $0xffff  }
0x2b6: {  	v5 =	vor.u32 v7, v5;
	_ =	sdelay $0x2  }
0x2b7: {  	v24 =	vadd.s32 $0x10, v3  }
0x2b8: {  	v25 =	vand.u32 $0xFFFFFF80, v24;
	[tilespmem:v23+s12+$0x0] =	vst.idx.msk $0xffff, v6  }
0x2b9: {  	v26 =	vor.u32 $0x10, v1;
	v7 =	vand.u32 $0x7F, v24;
	v6 =	vadd.s32 v1, v25;
	v5 =	vld.idx.msk [tilespmem:v5+s23+$0x0], $0xffff  }
0x2ba: {  	v6 =	vor.u32 v7, v6;
	_ =	sdelay $0x2  }
0x2bb: {  	v27 =	vadd.s32 $0x11, v4  }
0x2bc: {  	v28 =	vand.u32 $0xFFFFFF80, v27;
	[tilespmem:v26+s12+$0x0] =	vst.idx.msk $0xffff, v5  }
0x2bd: {  	v29 =	vor.u32 $0x30, v1;
	v7 =	vand.u32 $0x7F, v27;
	v5 =	vadd.s32 v1, v28;
	v6 =	vld.idx.msk [tilespmem:v6+s25+$0x0], $0xffff  }
0x2be: {  	v5 =	vor.u32 v7, v5;
	_ =	sdelay $0x2  }
0x2bf: {  	v30 =	vadd.s32 $0x11, v3  }
0x2c0: {  	v31 =	vand.u32 $0xFFFFFF80, v30;
	[tilespmem:v29+s12+$0x0] =	vst.idx.msk $0xffff, v6  }
0x2c1: {  	v32 =	vor.u32 $0x11, v1;
	v7 =	vand.u32 $0x7F, v30;
	v6 =	vadd.s32 v1, v31;
	v5 =	vld.idx.msk [tilespmem:v5+s23+$0x0], $0xffff  }
0x2c2: {  	v6 =	vor.u32 v7, v6;
	_ =	sdelay $0x2  }
0x2c3: {  	v33 =	vadd.s32 $0x12, v4  }
0x2c4: {  	v34 =	vand.u32 $0xFFFFFF80, v33;
	[tilespmem:v32+s12+$0x0] =	vst.idx.msk $0xffff, v5  }
0x2c5: {  	v35 =	vor.u32 $0x31, v1;
	v7 =	vand.u32 $0x7F, v33;
	v5 =	vadd.s32 v1, v34;
	v6 =	vld.idx.msk [tilespmem:v6+s25+$0x0], $0xffff  }
0x2c6: {  	v5 =	vor.u32 v7, v5;
	_ =	sdelay $0x2  }
0x2c7: {  	v36 =	vadd.s32 $0x12, v3  }
0x2c8: {  	v37 =	vand.u32 $0xFFFFFF80, v36;
	[tilespmem:v35+s12+$0x0] =	vst.idx.msk $0xffff, v6  }
0x2c9: {  	v38 =	vor.u32 $0x12, v1;
	v7 =	vand.u32 $0x7F, v36;
	v6 =	vadd.s32 v1, v37;
	v5 =	vld.idx.msk [tilespmem:v5+s23+$0x0], $0xffff  }
0x2ca: {  	v6 =	vor.u32 v7, v6;
	_ =	sdelay $0x2  }
0x2cb: {  	v39 =	vadd.s32 $0x13, v4  }
0x2cc: {  	v40 =	vand.u32 $0xFFFFFF80, v39;
	[tilespmem:v38+s12+$0x0] =	vst.idx.msk $0xffff, v5  }
0x2cd: {  	v41 =	vor.u32 $0x32, v1;
	v7 =	vand.u32 $0x7F, v39;
	v5 =	vadd.s32 v1, v40;
	v6 =	vld.idx.msk [tilespmem:v6+s25+$0x0], $0xffff  }
0x2ce: {  	v5 =	vor.u32 v7, v5;
	_ =	sdelay $0x2  }
0x2cf: {  	v42 =	vadd.s32 $0x13, v3  }
0x2d0: {  	v43 =	vand.u32 $0xFFFFFF80, v42;
	[tilespmem:v41+s12+$0x0] =	vst.idx.msk $0xffff, v6  }
0x2d1: {  	v44 =	vor.u32 $0x13, v1;
	v7 =	vand.u32 $0x7F, v42;
	v6 =	vadd.s32 v1, v43;
	v5 =	vld.idx.msk [tilespmem:v5+s23+$0x0], $0xffff  }
0x2d2: {  	v6 =	vor.u32 v7, v6;
	_ =	sdelay $0x2  }
0x2d3: {  	v45 =	vadd.s32 $0x14, v4  }
0x2d4: {  	v46 =	vand.u32 $0xFFFFFF80, v45;
	[tilespmem:v44+s12+$0x0] =	vst.idx.msk $0xffff, v5  }
0x2d5: {  	v47 =	vor.u32 $0x33, v1;
	v7 =	vand.u32 $0x7F, v45;
	v5 =	vadd.s32 v1, v46;
	v6 =	vld.idx.msk [tilespmem:v6+s25+$0x0], $0xffff  }
0x2d6: {  	v5 =	vor.u32 v7, v5;
	_ =	sdelay $0x2  }
0x2d7: {  	v48 =	vadd.s32 $0x14, v3  }
0x2d8: {  	v49 =	vand.u32 $0xFFFFFF80, v48;
	[tilespmem:v47+s12+$0x0] =	vst.idx.msk $0xffff, v6  }
0x2d9: {  	v50 =	vor.u32 $0x14, v1;
	v7 =	vand.u32 $0x7F, v48;
	v6 =	vadd.s32 v1, v49;
	v5 =	vld.idx.msk [tilespmem:v5+s23+$0x0], $0xffff  }
0x2da: {  	v6 =	vor.u32 v7, v6;
	_ =	sdelay $0x2  }
0x2db: {  	v51 =	vadd.s32 $0x15, v4  }
0x2dc: {  	v52 =	vand.u32 $0xFFFFFF80, v51;
	[tilespmem:v50+s12+$0x0] =	vst.idx.msk $0xffff, v5  }
0x2dd: {  	v53 =	vor.u32 $0x34, v1;
	v7 =	vand.u32 $0x7F, v51;
	v5 =	vadd.s32 v1, v52;
	v6 =	vld.idx.msk [tilespmem:v6+s25+$0x0], $0xffff  }
0x2de: {  	v5 =	vor.u32 v7, v5;
	_ =	sdelay $0x2  }
0x2df: {  	v54 =	vadd.s32 $0x15, v3  }
0x2e0: {  	v55 =	vand.u32 $0xFFFFFF80, v54;
	[tilespmem:v53+s12+$0x0] =	vst.idx.msk $0xffff, v6  }
0x2e1: {  	v56 =	vor.u32 $0x15, v1;
	v7 =	vand.u32 $0x7F, v54;
	v6 =	vadd.s32 v1, v55;
	v5 =	vld.idx.msk [tilespmem:v5+s23+$0x0], $0xffff  }
0x2e2: {  	v6 =	vor.u32 v7, v6;
	_ =	sdelay $0x2  }
0x2e3: {  	v57 =	vadd.s32 $0x16, v4  }
0x2e4: {  	v58 =	vand.u32 $0xFFFFFF80, v57;
	[tilespmem:v56+s12+$0x0] =	vst.idx.msk $0xffff, v5  }
0x2e5: {  	v59 =	vor.u32 $0x35, v1;
	v7 =	vand.u32 $0x7F, v57;
	v5 =	vadd.s32 v1, v58;
	v6 =	vld.idx.msk [tilespmem:v6+s25+$0x0], $0xffff  }
0x2e6: {  	v5 =	vor.u32 v7, v5;
	_ =	sdelay $0x2  }
0x2e7: {  	v60 =	vadd.s32 $0x16, v3  }
0x2e8: {  	v61 =	vand.u32 $0xFFFFFF80, v60;
	[tilespmem:v59+s12+$0x0] =	vst.idx.msk $0xffff, v6  }
0x2e9: {  	v62 =	vor.u32 $0x16, v1;
	v7 =	vand.u32 $0x7F, v60;
	v6 =	vadd.s32 v1, v61;
	v5 =	vld.idx.msk [tilespmem:v5+s23+$0x0], $0xffff  }
0x2ea: {  	v6 =	vor.u32 v7, v6;
	_ =	sdelay $0x2  }
0x2eb: {  	v63 =	vadd.s32 $0x17, v4  }
0x2ec: {  	v12 =	vand.u32 $0xFFFFFF80, v63;
	[tilespmem:v62+s12+$0x0] =	vst.idx.msk $0xffff, v5  }
0x2ed: {  	v13 =	vor.u32 $0x36, v1;
	v7 =	vand.u32 $0x7F, v63;
	v5 =	vadd.s32 v1, v12;
	v6 =	vld.idx.msk [tilespmem:v6+s25+$0x0], $0xffff  }
0x2ee: {  	v5 =	vor.u32 v7, v5;
	_ =	sdelay $0x2  }
0x2ef: {  	v14 =	vadd.s32 $0x17, v3  }
0x2f0: {  	v15 =	vand.u32 $0xFFFFFF80, v14;
	[tilespmem:v13+s12+$0x0] =	vst.idx.msk $0xffff, v6  }
0x2f1: {  	v16 =	vor.u32 $0x17, v1;
	v7 =	vand.u32 $0x7F, v14;
	v6 =	vadd.s32 v1, v15;
	v5 =	vld.idx.msk [tilespmem:v5+s23+$0x0], $0xffff  }
0x2f2: {  	v6 =	vor.u32 v7, v6;
	_ =	sdelay $0x2  }
0x2f3: {  	v17 =	vadd.s32 $0x18, v4  }
0x2f4: {  	v18 =	vand.u32 $0xFFFFFF80, v17;
	[tilespmem:v16+s12+$0x0] =	vst.idx.msk $0xffff, v5  }
0x2f5: {  	v19 =	vor.u32 $0x37, v1;
	v7 =	vand.u32 $0x7F, v17;
	v5 =	vadd.s32 v1, v18;
	v6 =	vld.idx.msk [tilespmem:v6+s25+$0x0], $0xffff  }
0x2f6: {  	v5 =	vor.u32 v7, v5;
	_ =	sdelay $0x2  }
0x2f7: {  	v20 =	vadd.s32 $0x18, v3  }
0x2f8: {  	v21 =	vand.u32 $0xFFFFFF80, v20;
	[tilespmem:v19+s12+$0x0] =	vst.idx.msk $0xffff, v6  }
0x2f9: {  	v22 =	vor.u32 $0x18, v1;
	v7 =	vand.u32 $0x7F, v20;
	v6 =	vadd.s32 v1, v21;
	v5 =	vld.idx.msk [tilespmem:v5+s23+$0x0], $0xffff  }
0x2fa: {  	v6 =	vor.u32 v7, v6;
	_ =	sdelay $0x2  }
0x2fb: {  	v23 =	vadd.s32 $0x19, v4  }
0x2fc: {  	v24 =	vand.u32 $0xFFFFFF80, v23;
	[tilespmem:v22+s12+$0x0] =	vst.idx.msk $0xffff, v5  }
0x2fd: {  	v25 =	vor.u32 $0x38, v1;
	v7 =	vand.u32 $0x7F, v23;
	v5 =	vadd.s32 v1, v24;
	v6 =	vld.idx.msk [tilespmem:v6+s25+$0x0], $0xffff  }
0x2fe: {  	v5 =	vor.u32 v7, v5;
	_ =	sdelay $0x2  }
0x2ff: {  	v26 =	vadd.s32 $0x19, v3  }
0x300: {  	v27 =	vand.u32 $0xFFFFFF80, v26;
	[tilespmem:v25+s12+$0x0] =	vst.idx.msk $0xffff, v6  }
0x301: {  	v28 =	vor.u32 $0x19, v1;
	v7 =	vand.u32 $0x7F, v26;
	v6 =	vadd.s32 v1, v27;
	v5 =	vld.idx.msk [tilespmem:v5+s23+$0x0], $0xffff  }
0x302: {  	v6 =	vor.u32 v7, v6;
	_ =	sdelay $0x2  }
0x303: {  	v29 =	vadd.s32 $0x1A, v4  }
0x304: {  	v30 =	vand.u32 $0xFFFFFF80, v29;
	[tilespmem:v28+s12+$0x0] =	vst.idx.msk $0xffff, v5  }
0x305: {  	v31 =	vor.u32 $0x39, v1;
	v7 =	vand.u32 $0x7F, v29;
	v5 =	vadd.s32 v1, v30;
	v6 =	vld.idx.msk [tilespmem:v6+s25+$0x0], $0xffff  }
0x306: {  	v5 =	vor.u32 v7, v5;
	_ =	sdelay $0x2  }
0x307: {  	v32 =	vadd.s32 $0x1A, v3  }
0x308: {  	v33 =	vand.u32 $0xFFFFFF80, v32;
	[tilespmem:v31+s12+$0x0] =	vst.idx.msk $0xffff, v6  }
0x309: {  	v34 =	vor.u32 $0x1A, v1;
	v7 =	vand.u32 $0x7F, v32;
	v6 =	vadd.s32 v1, v33;
	v5 =	vld.idx.msk [tilespmem:v5+s23+$0x0], $0xffff  }
0x30a: {  	v6 =	vor.u32 v7, v6;
	_ =	sdelay $0x2  }
0x30b: {  	v35 =	vadd.s32 $0x1B, v4  }
0x30c: {  	v36 =	vand.u32 $0xFFFFFF80, v35;
	[tilespmem:v34+s12+$0x0] =	vst.idx.msk $0xffff, v5  }
0x30d: {  	v37 =	vor.u32 $0x3A, v1;
	v7 =	vand.u32 $0x7F, v35;
	v5 =	vadd.s32 v1, v36;
	v6 =	vld.idx.msk [tilespmem:v6+s25+$0x0], $0xffff  }
0x30e: {  	v5 =	vor.u32 v7, v5;
	_ =	sdelay $0x2  }
0x30f: {  	v38 =	vadd.s32 $0x1B, v3  }
0x310: {  	v39 =	vand.u32 $0xFFFFFF80, v38;
	[tilespmem:v37+s12+$0x0] =	vst.idx.msk $0xffff, v6  }
0x311: {  	v40 =	vor.u32 $0x1B, v1;
	v7 =	vand.u32 $0x7F, v38;
	v6 =	vadd.s32 v1, v39;
	v5 =	vld.idx.msk [tilespmem:v5+s23+$0x0], $0xffff  }
0x312: {  	v6 =	vor.u32 v7, v6;
	_ =	sdelay $0x2  }
0x313: {  	v41 =	vadd.s32 $0x1C, v4  }
0x314: {  	v42 =	vand.u32 $0xFFFFFF80, v41;
	[tilespmem:v40+s12+$0x0] =	vst.idx.msk $0xffff, v5  }
0x315: {  	v43 =	vor.u32 $0x3B, v1;
	v7 =	vand.u32 $0x7F, v41;
	v5 =	vadd.s32 v1, v42;
	v6 =	vld.idx.msk [tilespmem:v6+s25+$0x0], $0xffff  }
0x316: {  	v5 =	vor.u32 v7, v5;
	_ =	sdelay $0x2  }
0x317: {  	v44 =	vadd.s32 $0x1C, v3  }
0x318: {  	v45 =	vand.u32 $0xFFFFFF80, v44;
	[tilespmem:v43+s12+$0x0] =	vst.idx.msk $0xffff, v6  }
0x319: {  	v46 =	vor.u32 $0x1C, v1;
	v7 =	vand.u32 $0x7F, v44;
	v6 =	vadd.s32 v1, v45;
	v5 =	vld.idx.msk [tilespmem:v5+s23+$0x0], $0xffff  }
0x31a: {  	v6 =	vor.u32 v7, v6;
	_ =	sdelay $0x2  }
0x31b: {  	v47 =	vadd.s32 $0x1D, v4  }
0x31c: {  	v48 =	vand.u32 $0xFFFFFF80, v47;
	[tilespmem:v46+s12+$0x0] =	vst.idx.msk $0xffff, v5  }
0x31d: {  	v49 =	vor.u32 $0x3C, v1;
	v7 =	vand.u32 $0x7F, v47;
	v5 =	vadd.s32 v1, v48;
	v6 =	vld.idx.msk [tilespmem:v6+s25+$0x0], $0xffff  }
0x31e: {  	v5 =	vor.u32 v7, v5;
	_ =	sdelay $0x2  }
0x31f: {  	v50 =	vadd.s32 $0x1D, v3  }
0x320: {  	v51 =	vand.u32 $0xFFFFFF80, v50;
	[tilespmem:v49+s12+$0x0] =	vst.idx.msk $0xffff, v6  }
0x321: {  	v52 =	vor.u32 $0x1D, v1;
	v7 =	vand.u32 $0x7F, v50;
	v6 =	vadd.s32 v1, v51;
	v5 =	vld.idx.msk [tilespmem:v5+s23+$0x0], $0xffff  }
0x322: {  	v6 =	vor.u32 v7, v6;
	_ =	sdelay $0x2  }
0x323: {  	v53 =	vadd.s32 $0x1E, v4  }
0x324: {  	v54 =	vand.u32 $0xFFFFFF80, v53;
	[tilespmem:v52+s12+$0x0] =	vst.idx.msk $0xffff, v5  }
0x325: {  	v55 =	vor.u32 $0x3D, v1;
	v7 =	vand.u32 $0x7F, v53;
	v5 =	vadd.s32 v1, v54;
	v6 =	vld.idx.msk [tilespmem:v6+s25+$0x0], $0xffff  }
0x326: {  	v5 =	vor.u32 v7, v5;
	_ =	sdelay $0x2  }
0x327: {  	v56 =	vadd.s32 $0x1E, v3  }
0x328: {  	v57 =	vand.u32 $0xFFFFFF80, v56;
	[tilespmem:v55+s12+$0x0] =	vst.idx.msk $0xffff, v6  }
0x329: {  	v58 =	vor.u32 $0x1E, v1;
	v7 =	vand.u32 $0x7F, v56;
	v6 =	vadd.s32 v1, v57;
	v5 =	vld.idx.msk [tilespmem:v5+s23+$0x0], $0xffff  }
0x32a: {  	v6 =	vor.u32 v7, v6;
	_ =	sdelay $0x2  }
0x32b: {  	v4 =	vadd.s32 $0x1F, v4  }
0x32c: {  	v59 =	vand.u32 $0xFFFFFF80, v4;
	[tilespmem:v58+s12+$0x0] =	vst.idx.msk $0xffff, v5  }
0x32d: {  	v60 =	vor.u32 $0x3E, v1;
	v4 =	vand.u32 $0x7F, v4;
	v5 =	vadd.s32 v1, v59;
	v6 =	vld.idx.msk [tilespmem:v6+s25+$0x0], $0xffff  }
0x32e: {  	v4 =	vor.u32 v4, v5;
	_ =	sdelay $0x2  }
0x32f: {  	v3 =	vadd.s32 $0x1F, v3  }
0x330: {  	v61 =	vand.u32 $0xFFFFFF80, v3;
	[tilespmem:v60+s12+$0x0] =	vst.idx.msk $0xffff, v6  }
0x331: {  	v3 =	vand.u32 $0x7F, v3;
	v62 =	vor.u32 $0x1F, v1;
	v5 =	vadd.s32 v1, v61;
	v4 =	vld.idx.msk [tilespmem:v4+s23+$0x0], $0xffff  }
0x332: {  	v3 =	vor.u32 v3, v5;
	_ =	sdelay $0x3  }
0x333: {  	[tilespmem:v62+s12+$0x0] =	vst.idx.msk $0xffff, v4  }
0x334: {  	v63 =	vor.u32 $0x3F, v1;
	v3 =	vld.idx.msk [tilespmem:v3+s25+$0x0], $0xffff  }
0x335: {  	p0 =	sne.s32 s19, $0xF0;
	v1 =	vor.u32 $0x40, v1  }
.Ltmp1:
0x336: {  	_ = 	snop;
	(pc) =	sbr.rel @p0 .LBB2_4-.Ltmp1, $3  }
0x337: {  	_ =	sdelay $0x1  }
0x338: {  	[tilespmem:v63+s12+$0x0] =	vst.idx.msk $0xffff, v3  }
0x339: {  	s19 =	sadd.s32 $0x10, s19;
	[tilespmem:v1+s12+$0x0] =	vst.idx.msk $0xffff, v2  }
0x33a: {  	s18 =	sadd.s32 $0x1, s18  }
0x33b: {  	p0 =	sne.s32 s18, s10  }
.Ltmp2:
0x33c: {  	_ = 	snop;
	(pc) =	sbr.rel @p0 .LBB2_1-.Ltmp2, $4  }
0x33d: {  	[hbm4b:s9+s3] =	stream.linear.scatter [tilespmem:s12], [sflag:$0x2], $0x8000, $0x38;
	[tilespmem:$0x19200] =	vst v63  }
0x33e: {  	_ =	swait.ge [sflag:s11], $0x8000  }
0x33f: {  	[sflag:s11] =	ssyncset.done $0x0  }
0x340: {  	[sflag:s11] =	ssyncadd.s32 $0xFFFF8000  }
0x341: {  	_ =	sfence.sel $0x180000  }
0x342: {  	[bflag:$0x0] =	sbarrier.arrive $0xFFFF  }
0x343: {  	_ =	strace $0x90000047  }
0x344: {  	s0 =	stileid.u32;
	[bflag:$0x2] =	sbarrier.arrive $0xFFFF  }
0x345: {  	p0 =	sne.s32 s0, $0x0;
	s0 =	rddreg [dreg:$0x5]  }
0x346: {  	s0 =	sadd.s32 @!p0 $0x100000, s0  }
0x347: {  	[sflag:s0] =	ssyncadd.tile.s32 @!p0 $0x1;
	_ =	shalt  }
.Lfunc_end2:
_tile_overlayer_lowered:
.L_overlay_start_2:
0x348: {  	(tag) =	ssettag $0x2  }
0x349: {  	s0 =	rddreg [dreg:$0x0];
	s2 =	stileid.u32  }
0x34a: {  	s1 =	rddreg [dreg:$0x1];
	p0 =	sne.s32 s2, $0x0  }
0x34b: {  	s3 =	rddreg [dreg:$0x2];
	[bflag:$0x3] =	sbarrier.arrive $0xFFFF;
	s2 =	simm.s32 @!p0 $0x1C02  }
0x34c: {  	[timem:s3], [sflag:s2] =	dma.local @!p0 [hbm:s0], s1  }
0x34d: {  	s0 =	simm.s32 @!p0 $0x2  }
0x34e: {  	_ =	swait.ge @!p0 [sflag:s0], s1  }
0x34f: {  	s1 =	ssub.s32 @!p0 $0x0, s1;
	[sflag:s0] =	ssyncset.done @!p0 $0x0  }
0x350: {  	[sflag:s0] =	ssyncadd.s32 @!p0 s1  }
0x351: {  	[bflag:$0x3] =	sbarrier.arrive $0xFFFF  }
0x352: {  	_ =	shalt  }

</sc_bundles>
